<compile_context>
chip_gen: v7x
topology: tpu7x:2x2x1
jax: 0.10.2.dev20260603
libtpu: 0.0.44.dev20260713+nightly
codegen_flags: <defaults>
</compile_context>

<pallas_src>
import jax
import jax.numpy as jnp
from jax import lax
from jax.experimental import pallas as pl
from jax.experimental.pallas import tpu as pltpu
from jax.experimental.pallas import tpu_sc as plsc

N = 10000
E = 320000
G = 64
NPAD = 10240
EPA_ROWS = 2560
EPA = EPA_ROWS * 128
BW = 112
EPB_BLKS = 960
NB0 = 37
NB1 = 23
EPB = EPB_BLKS * 3 * BW
BLK = 512
NSTEPS = NPAD // BLK
SRC_PAD = 10000
DST_PAD = 10001

_mesh = plsc.VectorSubcoreMesh(core_axis_name="c", subcore_axis_name="s")
_sc_params = pltpu.CompilerParams(needs_layout_passes=False)


def _sc_a_body(src2d, dst2d, batchp, xp,
               dinv_out, xt_out, u_out, cnt_out,
               deg_s, dinv_s, u_s, cnt_s,
               srcring, dstring, flatring, valring,
               dinvbuf, batchbuf, xtbuf, degbuf, dvbuf, cntbuf,
               sa0, sa1):
    cid = lax.axis_index("c")
    sid = lax.axis_index("s")
    wid = cid * 16 + sid
    nb = wid * 320
    ones16 = jnp.ones((16,), jnp.float32)
    zeros16 = jnp.zeros((16,), jnp.float32)
    iota16 = lax.iota(jnp.int32, 16)

    def f0(i, c):
        degbuf[pl.ds(i * 16, 16)] = ones16
        return c
    lax.fori_loop(0, 40, f0, 0)

    def f1(i, c):
        dinvbuf[pl.ds(i * 16, 16)] = zeros16
        return c
    lax.fori_loop(0, 320, f1, 0)

    pltpu.sync_copy(degbuf, deg_s.at[pl.ds(sid * 640, 640)])

    zsrc = dinvbuf.at[pl.ds(0, 5120)]

    def f1b(m, c):
        pltpu.sync_copy(zsrc, u_s.at[pl.ds(sid * 40960 + m * 5120, 5120)])
        return c
    lax.fori_loop(0, 8, f1b, 0)

    @pl.when(sid == 0)
    def _():
        def fz(i, c):
            cntbuf[pl.ds(i * 16, 16)] = zeros16
            return c
        lax.fori_loop(0, 4, fz, 0)
        pltpu.sync_copy(cntbuf, cnt_s)

    def f2(k, c):
        valring[0, pl.ds(k * 16, 16)] = ones16
        return c
    lax.fori_loop(0, 8, f2, 0)

    plsc.subcore_barrier()

    asems = (sa0, sa1)

    def fg(g, c):
        row0 = sid * 160 + g * 8
        h8 = 8 * (g % 2)
        pltpu.sync_copy(dst2d.at[pl.ds(row0, 8)],
                        dstring.at[pl.ds(h8, 8)])
        for b in range(8):
            p = b % 2

            def _wait():
                pltpu.make_async_copy(
                    valring.at[0], deg_s.at[dstring.at[h8 + b]],
                    asems[p]).wait()
            if b < 2:
                pl.when(g > 0)(_wait)
            else:
                _wait()
            pltpu.async_copy(valring.at[0], deg_s.at[dstring.at[h8 + b]],
                             asems[p], add=True)
        return c
    lax.fori_loop(0, 20, fg, 0)
    for p in range(2):
        pltpu.make_async_copy(valring.at[0], deg_s.at[dstring.at[p]],
                              asems[p]).wait()
    plsc.subcore_barrier()

    pltpu.sync_copy(deg_s.at[pl.ds(sid * 640, 640)], degbuf)

    def fr(i, c):
        d = degbuf[pl.ds(i * 16, 16)]
        y = jnp.ones((16,), jnp.float32)
        for _ in range(10):
            y = jnp.where(d * y * y > 1.0, y * 0.5, y)
        for _ in range(5):
            y = y * (1.5 - 0.5 * d * y * y)
        dvbuf[pl.ds(i * 16, 16)] = y
        return c
    lax.fori_loop(0, 40, fr, 0)

    pltpu.sync_copy(dvbuf, dinv_s.at[pl.ds(sid * 640, 640)])

    @pl.when(cid == 0)
    def _():
        pltpu.sync_copy(dvbuf, dinv_out.at[pl.ds(sid * 640, 640)])

    plsc.subcore_barrier()

    pltpu.sync_copy(dinv_s, dinvbuf)
    pltpu.sync_copy(batchp, batchbuf)

    def fm(i, c):
        dinvbuf[pl.ds(N + i * 16, 16)] = zeros16
        return c
    lax.fori_loop(0, (NPAD - N) // 16, fm, 0)

    pltpu.sync_copy(xp.at[pl.ds(nb, 320)], xtbuf)

    def fx(r, c):
        idx = jnp.zeros((16,), jnp.int32) + (nb + r)
        dv = plsc.load_gather(dinvbuf, [idx])

        def fk(k, c2):
            xtbuf[r, pl.ds(k * 16, 16)] = xtbuf[r, pl.ds(k * 16, 16)] * dv
            return c2
        lax.fori_loop(0, 8, fk, 0)
        return c
    lax.fori_loop(0, 320, fx, 0)

    pltpu.sync_copy(xtbuf, xt_out.at[pl.ds(nb, 320)])

    def ug(g, c):
        row0 = wid * 80 + g * 16
        pltpu.sync_copy(src2d.at[pl.ds(row0, 16)], srcring)
        pltpu.sync_copy(dst2d.at[pl.ds(row0, 16)], dstring)
        for j in range(16):
            def uk(k, c3):
                sv = srcring[j, pl.ds(k * 16, 16)]
                dvec = dstring[j, pl.ds(k * 16, 16)]
                dd = plsc.load_gather(dinvbuf, [dvec])
                bd = plsc.load_gather(batchbuf, [dvec])
                flatring[j, pl.ds(k * 16, 16)] = sv * G + bd
                valring[j, pl.ds(k * 16, 16)] = dd
                return c3
            lax.fori_loop(0, 8, uk, 0)
            p = j % 2

            def _wait():
                pltpu.make_async_copy(valring.at[j],
                                      u_s.at[flatring.at[j]],
                                      asems[p]).wait()
            if j < 2:
                pl.when(g > 0)(_wait)
            else:
                _wait()
            pltpu.async_copy(valring.at[j], u_s.at[flatring.at[j]],
                             asems[p], add=True)
        return c
    lax.fori_loop(0, 5, ug, 0)
    for p in range(2):
        pltpu.make_async_copy(valring.at[p], u_s.at[flatring.at[p]],
                              asems[p]).wait()

    def sg(m, c):
        off = m * 16 + iota16
        n16 = jnp.minimum(nb + off, NPAD - 1)
        inb = off < 320
        val = plsc.load_gather(dinvbuf, [n16])
        b16 = plsc.load_gather(batchbuf, [n16])
        row = m // 8
        col = (m % 8) * 16
        flatring[row, pl.ds(col, 16)] = n16 * G + b16
        valring[row, pl.ds(col, 16)] = jnp.where(inb, val, 0.0)
        return c
    lax.fori_loop(0, 24, sg, 0)

    def sd(row, c):
        pltpu.sync_copy(valring.at[row], u_s.at[flatring.at[row]], add=True)
        return c
    lax.fori_loop(0, 3, sd, 0)

    def cg(m, c):
        off = m * 16 + iota16
        raw = nb + off
        n16 = jnp.minimum(raw, NPAD - 1)
        b16 = plsc.load_gather(batchbuf, [n16])
        ok = jnp.logical_and(off < 320, raw < N)
        valring[m // 8, pl.ds((m % 8) * 16, 16)] = jnp.where(ok, 1.0, 0.0)
        flatring[m // 8, pl.ds((m % 8) * 16, 16)] = b16
        return c
    lax.fori_loop(0, 24, cg, 0)

    def cd(row, c):
        pltpu.sync_copy(valring.at[row], cnt_s.at[flatring.at[row]], add=True)
        return c
    lax.fori_loop(0, 3, cd, 0)

    plsc.subcore_barrier()

    pltpu.sync_copy(u_s.at[pl.ds(sid * 40960, 40960)],
                    u_out.at[cid, pl.ds(sid * 40960, 40960)])

    @pl.when(sid == 0)
    def _():
        pltpu.sync_copy(cnt_s, cnt_out.at[cid])


_sc_a = pl.kernel(
    _sc_a_body,
    out_type=[
        jax.ShapeDtypeStruct((NPAD,), jnp.float32),
        jax.ShapeDtypeStruct((NPAD, 128), jnp.float32),
        jax.ShapeDtypeStruct((2, NPAD * G), jnp.float32),
        jax.ShapeDtypeStruct((2, G), jnp.float32),
    ],
    mesh=_mesh,
    compiler_params=_sc_params,
    scratch_types=[
        pltpu.VMEM_SHARED((NPAD,), jnp.float32),
        pltpu.VMEM_SHARED((NPAD,), jnp.float32),
        pltpu.VMEM_SHARED((NPAD * G,), jnp.float32),
        pltpu.VMEM_SHARED((G,), jnp.float32),
        pltpu.VMEM((16, 128), jnp.int32),
        pltpu.VMEM((16, 128), jnp.int32),
        pltpu.VMEM((16, 128), jnp.int32),
        pltpu.VMEM((16, 128), jnp.float32),
        pltpu.VMEM((NPAD,), jnp.float32),
        pltpu.VMEM((NPAD,), jnp.int32),
        pltpu.VMEM((320, 128), jnp.float32),
        pltpu.VMEM((640,), jnp.float32),
        pltpu.VMEM((640,), jnp.float32),
        pltpu.VMEM((64,), jnp.float32),
        pltpu.SemaphoreType.DMA,
        pltpu.SemaphoreType.DMA,
    ],
)


def _sc_b_body(src3d, dst3d, xt, aggp,
               agg_s, ring_s, ring_d, g0, g1, g2,
               sg0, sg1, sg2, ss0, ss1, ss2):
    cid = lax.axis_index("c")
    sid = lax.axis_index("s")
    wid = cid * 16 + sid
    nblk = jnp.where(cid == 0, NB0, NB1)
    base = jnp.where(cid == 0, sid * NB0, 16 * NB0 + sid * NB1)
    zeros16 = jnp.zeros((16,), jnp.float32)
    bufs = (g0, g1, g2)
    gsems = (sg0, sg1, sg2)
    ssems = (ss0, ss1, ss2)

    @pl.when(cid == 0)
    def _():
        pltpu.sync_copy(xt.at[pl.ds(sid * 640, 640)],
                        agg_s.at[pl.ds(sid * 640, 640)])

    @pl.when(cid == 1)
    def _():
        def fz(r, c):
            def fk(k, c2):
                g0[r, pl.ds(k * 16, 16)] = zeros16
                return c2
            lax.fori_loop(0, 8, fk, 0)
            return c
        lax.fori_loop(0, BW, fz, 0)

        def fcp(m, c):
            pltpu.sync_copy(g0, agg_s.at[pl.ds(sid * 640 + m * BW, BW)])
            return c
        lax.fori_loop(0, 5, fcp, 0)
        pltpu.sync_copy(g0.at[pl.ds(0, 80)],
                        agg_s.at[pl.ds(sid * 640 + 560, 80)])

    plsc.subcore_barrier()

    def grp(g, c):
        blk = base + g
        h = g % 2
        pltpu.sync_copy(src3d.at[blk], ring_s.at[h])
        pltpu.sync_copy(dst3d.at[blk], ring_d.at[h])
        for b in range(3):
            pltpu.async_copy(xt.at[ring_s.at[h, b]], bufs[b], gsems[b])
        for b in range(3):
            pltpu.make_async_copy(xt.at[ring_s.at[h, b]], bufs[b],
                                  gsems[b]).wait()
            pltpu.sync_copy(bufs[b], agg_s.at[ring_d.at[h, b]], add=True)
        return c
    lax.fori_loop(0, nblk, grp, 0)

    plsc.subcore_barrier()
    pltpu.sync_copy(agg_s.at[pl.ds(sid * 640, 640)],
                    aggp.at[cid, pl.ds(sid * 640, 640)])


_sc_b = pl.kernel(
    _sc_b_body,
    out_type=[jax.ShapeDtypeStruct((2, NPAD, 128), jnp.float32)],
    mesh=_mesh,
    compiler_params=_sc_params,
    scratch_types=[
        pltpu.VMEM_SHARED((NPAD, 128), jnp.float32),
        pltpu.VMEM((2, 3, BW), jnp.int32),
        pltpu.VMEM((2, 3, BW), jnp.int32),
        pltpu.VMEM((BW, 128), jnp.float32),
        pltpu.VMEM((BW, 128), jnp.float32),
        pltpu.VMEM((BW, 128), jnp.float32),
        pltpu.SemaphoreType.DMA,
        pltpu.SemaphoreType.DMA,
        pltpu.SemaphoreType.DMA,
        pltpu.SemaphoreType.DMA,
        pltpu.SemaphoreType.DMA,
        pltpu.SemaphoreType.DMA,
    ],
)


def _tc_body(agg_ref, dinv_ref, u_ref, cnt_ref, w1_ref, b1_ref, w2_ref,
             b2_ref, wc_ref, bc_ref, out_ref, s_acc):
    k = pl.program_id(0)

    @pl.when(k == 0)
    def _():
        s_acc[...] = jnp.zeros_like(s_acc)

    dv = dinv_ref[...]
    agg = dv * (agg_ref[0] + agg_ref[1])
    h1 = jnp.maximum(jnp.dot(agg, w1_ref[...],
                             preferred_element_type=jnp.float32)
                     + b1_ref[...], 0.0)
    uw = dv * (u_ref[0] + u_ref[1])
    s_acc[...] += jax.lax.dot_general(
        uw, h1, (((0,), (0,)), ((), ())),
        preferred_element_type=jnp.float32)

    @pl.when(k == NSTEPS - 1)
    def _():
        cnt = cnt_ref[0] + cnt_ref[1]
        pooled = (s_acc[...] / cnt) @ w2_ref[...] + b2_ref[...]
        out_ref[...] = pooled @ wc_ref[...] + bc_ref[...]


def _tc_finish(aggp, dinv_p, u_p, counts, W1, b1, W2, b2, Wc, bc):
    hid = W1.shape[1]
    c = Wc.shape[1]
    return pl.pallas_call(
        _tc_body,
        grid=(NSTEPS,),
        in_specs=[
            pl.BlockSpec((2, BLK, 128), lambda k: (0, k, 0)),
            pl.BlockSpec((BLK, 1), lambda k: (k, 0)),
            pl.BlockSpec((2, BLK, G), lambda k: (0, k, 0)),
            pl.BlockSpec((2, G, 1), lambda k: (0, 0, 0)),
            pl.BlockSpec((128, hid), lambda k: (0, 0)),
            pl.BlockSpec((1, hid), lambda k: (0, 0)),
            pl.BlockSpec((hid, hid), lambda k: (0, 0)),
            pl.BlockSpec((1, hid), lambda k: (0, 0)),
            pl.BlockSpec((hid, c), lambda k: (0, 0)),
            pl.BlockSpec((1, c), lambda k: (0, 0)),
        ],
        out_specs=pl.BlockSpec((G, c), lambda k: (0, 0)),
        out_shape=jax.ShapeDtypeStruct((G, c), jnp.float32),
        scratch_shapes=[pltpu.VMEM((G, hid), jnp.float32)],
    )(aggp, dinv_p, u_p, counts, W1, b1, W2, b2, Wc, bc)


@jax.jit
def kernel(x, edge_index, batch, W1, b1, W2, b2, Wc, bc):
    src = edge_index[0]
    dst = edge_index[1]
    srcpa = jnp.concatenate(
        [src, jnp.full((EPA - E,), SRC_PAD, jnp.int32)]).reshape(EPA_ROWS, 128)
    dstpa = jnp.concatenate(
        [dst, jnp.full((EPA - E,), DST_PAD, jnp.int32)]).reshape(EPA_ROWS, 128)
    srcpb = jnp.concatenate(
        [src, jnp.full((EPB - E,), SRC_PAD, jnp.int32)]).reshape(EPB_BLKS, 3,
                                                                 BW)
    dstpb = jnp.concatenate(
        [dst, jnp.full((EPB - E,), DST_PAD, jnp.int32)]).reshape(EPB_BLKS, 3,
                                                                 BW)
    batchp = jnp.concatenate(
        [batch, jnp.full((NPAD - N,), G - 1, jnp.int32)])
    xp = jnp.zeros((NPAD, 128), jnp.float32).at[:N].set(x)

    dinv, xt, u2, cnt2 = _sc_a(srcpa, dstpa, batchp, xp)
    (aggp,) = _sc_b(srcpb, dstpb, xt)

    return _tc_finish(aggp, dinv.reshape(NPAD, 1), u2.reshape(2, NPAD, G),
                      cnt2.reshape(2, G, 1),
                      W1, b1[None, :], W2, b2[None, :], Wc, bc[None, :])

# --- scband reference (transcript-rebuilt; emitter-appended) ---
"""Pipeline reference for scband-validator-gnn-11304353923579 (READ-ONLY COPY).

The authoritative reference and input builder live on the scoring server;
editing this copy changes nothing except your own understanding.
"""

import jax, jax.numpy as jnp
import numpy as np

N = 10000
E = 320000
F_IN = 128
HID = 256
C = 3
G = 64


def setup_inputs(seed: int = 0) -> dict:
    key = jax.random.key(seed)
    ks = jax.random.split(key, 9)
    x = jax.random.normal(ks[0], (N, F_IN), dtype=jnp.float32)
    edge_index = jax.random.randint(ks[1], (2, E), 0, N, dtype=jnp.int32)
    batch = jnp.sort(jax.random.randint(ks[2], (N,), 0, G, dtype=jnp.int32))
    W1 = jax.random.normal(ks[3], (F_IN, HID), dtype=jnp.float32) * (1.0 / np.sqrt(F_IN))
    b1 = jnp.zeros((HID,), dtype=jnp.float32)
    W2 = jax.random.normal(ks[4], (HID, HID), dtype=jnp.float32) * (1.0 / np.sqrt(HID))
    b2 = jnp.zeros((HID,), dtype=jnp.float32)
    Wc = jax.random.normal(ks[5], (HID, C), dtype=jnp.float32) * (1.0 / np.sqrt(HID))
    bc = jnp.zeros((C,), dtype=jnp.float32)
    return {"x": x, "edge_index": edge_index, "batch": batch,
            "W1": W1, "b1": b1, "W2": W2, "b2": b2, "Wc": Wc, "bc": bc}


def _gcn_conv(x, edge_index, W, b):
    n = x.shape[0]
    loop = jnp.arange(n, dtype=edge_index.dtype)
    src = jnp.concatenate([edge_index[0], loop])
    dst = jnp.concatenate([edge_index[1], loop])
    h = x @ W
    ones = jnp.ones(src.shape[0], dtype=jnp.float32)
    deg = jax.ops.segment_sum(ones, dst, num_segments=n)
    dinv = jax.lax.rsqrt(jnp.maximum(deg, 1.0))
    norm = dinv[src] * dinv[dst]
    msg = h[src] * norm[:, None]
    out = jax.ops.segment_sum(msg, dst, num_segments=n)
    return out + b


def reference(x, edge_index, batch, W1, b1, W2, b2, Wc, bc):
    # GCNConv 1 + ReLU (dropout inactive in eval mode)
    h = jax.nn.relu(_gcn_conv(x, edge_index, W1, b1))
    # GCNConv 2
    h = _gcn_conv(h, edge_index, W2, b2)
    # global_mean_pool over graph ids
    sums = jax.ops.segment_sum(h, batch, num_segments=G)
    counts = jax.ops.segment_sum(jnp.ones((h.shape[0],), dtype=jnp.float32), batch, num_segments=G)
    pooled = sums / jnp.maximum(counts, 1.0)[:, None]
    # classifier
    return pooled @ Wc + bc

if __name__ == "__main__":
    import jax
    _d = setup_inputs()
    print(jax.jit(kernel)(*tuple(_d.values())))

</pallas_src>

<mosaic_0001>
#map = affine_map<(d0, d1) -> (0, 0)>
#map1 = affine_map<(d0, d1) -> (0)>
module attributes {stable_mosaic.version = 14 : i64} {
  func.func @_sc_a_body(%arg0: i32, %arg1: i32, %arg2: memref<2560x128xi32, #tpu.memory_space<hbm>>, %arg3: memref<2560x128xi32, #tpu.memory_space<hbm>>, %arg4: memref<10240xi32, #tpu.memory_space<hbm>>, %arg5: memref<10240x128xf32, #tpu.memory_space<hbm>>, %arg6: memref<10240xf32, #tpu.memory_space<hbm>>, %arg7: memref<10240x128xf32, #tpu.memory_space<hbm>>, %arg8: memref<2x655360xf32, #tpu.memory_space<hbm>>, %arg9: memref<2x64xf32, #tpu.memory_space<hbm>>, %arg10: memref<10240xf32, #tpu.memory_space<vmem_shared>>, %arg11: memref<10240xf32, #tpu.memory_space<vmem_shared>>, %arg12: memref<655360xf32, #tpu.memory_space<vmem_shared>>, %arg13: memref<64xf32, #tpu.memory_space<vmem_shared>>, %arg14: memref<16x128xi32, #tpu.memory_space<vmem>>, %arg15: memref<16x128xi32, #tpu.memory_space<vmem>>, %arg16: memref<16x128xi32, #tpu.memory_space<vmem>>, %arg17: memref<16x128xf32, #tpu.memory_space<vmem>>, %arg18: memref<10240xf32, #tpu.memory_space<vmem>>, %arg19: memref<10240xi32, #tpu.memory_space<vmem>>, %arg20: memref<320x128xf32, #tpu.memory_space<vmem>>, %arg21: memref<640xf32, #tpu.memory_space<vmem>>, %arg22: memref<640xf32, #tpu.memory_space<vmem>>, %arg23: memref<64xf32, #tpu.memory_space<vmem>>, %arg24: memref<!tpu.dma_semaphore, #tpu.memory_space<semaphore_mem>>, %arg25: memref<!tpu.dma_semaphore, #tpu.memory_space<semaphore_mem>>) attributes {dimension_semantics = [#tpu.dimension_semantics<core_parallel>, #tpu.dimension_semantics<subcore_parallel>], iteration_bounds = array<i64: 2, 16>, scalar_prefetch = 0 : i64, scratch_operands = 16 : i64, tpu.core_type = #tpu.core_type<sc_vector_subcore>, window_params = [{transform_indices = #map}, {transform_indices = #map}, {transform_indices = #map1}, {transform_indices = #map}, {transform_indices = #map1}, {transform_indices = #map}, {transform_indices = #map}, {transform_indices = #map}]} {
    %mul3A = arith.constant 16 : i32
    %mul3A_0 = arith.muli %arg0, %mul3A : i32
    %add3A = arith.addi %mul3A_0, %arg1 : i32
    %mul3A_1 = arith.constant 320 : i32
    %mul3A_2 = arith.muli %add3A, %mul3A_1 : i32
    %broadcast_in_dim3A = arith.constant 1.000000e+00 : f32
    %broadcast_in_dim3A_3 = vector.broadcast %broadcast_in_dim3A : f32 to vector<16xf32>
    %broadcast_in_dim3A_4 = arith.constant 0.000000e+00 : f32
    %broadcast_in_dim3A_5 = vector.broadcast %broadcast_in_dim3A_4 : f32 to vector<16xf32>
    %iota3A = tpu.iota {dimensions = array<i32: 0>} : vector<16xi32>
    %scan3A = arith.constant 0 : i32
    %scan3A_6 = arith.constant 0 : i32
    %scan3A_7 = arith.constant 40 : i32
    %scan3A_8 = arith.addi %scan3A_6, %scan3A_7 : i32
    %scan3A_9 = arith.constant 1 : i32
    scf.for %scan3A_147 = %scan3A_6 to %scan3A_8 step %scan3A_9  : i32 {
      %mul3A_148 = arith.constant 16 : i32
      %mul3A_149 = arith.muli %scan3A_147, %mul3A_148 : i32
      %swap3A = arith.index_cast %mul3A_149 : i32 to index
      %swap3A_150 = tpu.vector_load %arg21[%swap3A] {strides = array<i32>} : memref<640xf32, #tpu.memory_space<vmem>>, vector<16xf32>,
      tpu.vector_store %arg21[%swap3A], %broadcast_in_dim3A_3 {strides = array<i32>} : memref<640xf32, #tpu.memory_space<vmem>>, vector<16xf32>,
    }
    %scan3A_10 = arith.constant 40 : i32
    %scan3A_11 = arith.constant 0 : i32
    %scan3A_12 = arith.constant 0 : i32
    %scan3A_13 = arith.constant 320 : i32
    %scan3A_14 = arith.addi %scan3A_12, %scan3A_13 : i32
    %scan3A_15 = arith.constant 1 : i32
    scf.for %scan3A_147 = %scan3A_12 to %scan3A_14 step %scan3A_15  : i32 {
      %mul3A_148 = arith.constant 16 : i32
      %mul3A_149 = arith.muli %scan3A_147, %mul3A_148 : i32
      %swap3A = arith.index_cast %mul3A_149 : i32 to index
      %swap3A_150 = tpu.vector_load %arg18[%swap3A] {strides = array<i32>} : memref<10240xf32, #tpu.memory_space<vmem>>, vector<16xf32>,
      tpu.vector_store %arg18[%swap3A], %broadcast_in_dim3A_5 {strides = array<i32>} : memref<10240xf32, #tpu.memory_space<vmem>>, vector<16xf32>,
    }
    %scan3A_16 = arith.constant 320 : i32
    %mul3A_17 = arith.constant 640 : i32
    %mul3A_18 = arith.muli %arg1, %mul3A_17 : i32
    "tpu.region"() ({
      %run_scoped3A = tpu.sem_alloc : memref<!tpu.dma_semaphore, #tpu.memory_space<semaphore_mem>>
      %dma_start3A = tpu.memref_slice %arg10[%mul3A_18] : memref<10240xf32, #tpu.memory_space<vmem_shared>> -> memref<640xf32, #tpu.memory_space<vmem_shared>>
      %dma_start3A_147 = tpu.memref_slice %arg10[%mul3A_18] : memref<10240xf32, #tpu.memory_space<vmem_shared>> -> memref<640xf32, #tpu.memory_space<vmem_shared>>
      tpu.enqueue_dma source(%arg21 : memref<640xf32, #tpu.memory_space<vmem>>) target(%dma_start3A_147 : memref<640xf32, #tpu.memory_space<vmem_shared>>) target_semaphore(%run_scoped3A : memref<!tpu.dma_semaphore, #tpu.memory_space<semaphore_mem>>)
      %dma_wait3A_148 = tpu.memref_slice %arg10[%mul3A_18] : memref<10240xf32, #tpu.memory_space<vmem_shared>> -> memref<640xf32, #tpu.memory_space<vmem_shared>>
      %dma_wait3A_149 = tpu.memref_slice %arg10[%mul3A_18] : memref<10240xf32, #tpu.memory_space<vmem_shared>> -> memref<640xf32, #tpu.memory_space<vmem_shared>>
      tpu.wait_dma2 semaphore(%run_scoped3A : memref<!tpu.dma_semaphore, #tpu.memory_space<semaphore_mem>>) src(%arg21 : memref<640xf32, #tpu.memory_space<vmem>>) dst(%dma_wait3A_149 : memref<640xf32, #tpu.memory_space<vmem_shared>>)
      tpu.yield
    }) : () -> ()
    %scan3A_19 = arith.constant 0 : i32
    %scan3A_20 = arith.constant 0 : i32
    %scan3A_21 = arith.constant 8 : i32
    %scan3A_22 = arith.addi %scan3A_20, %scan3A_21 : i32
    %scan3A_23 = arith.constant 1 : i32
    scf.for %scan3A_147 = %scan3A_20 to %scan3A_22 step %scan3A_23  : i32 {
      %mul3A_148 = arith.constant 40960 : i32
      %mul3A_149 = arith.muli %arg1, %mul3A_148 : i32
      %mul3A_150 = arith.constant 5120 : i32
      %mul3A_151 = arith.muli %scan3A_147, %mul3A_150 : i32
      %add3A_152 = arith.addi %mul3A_149, %mul3A_151 : i32
      "tpu.region"() ({
        %run_scoped3A = tpu.sem_alloc : memref<!tpu.dma_semaphore, #tpu.memory_space<semaphore_mem>>
        %dma_start3A = arith.constant 0 : i32
        %dma_start3A_153 = tpu.memref_slice %arg18[%dma_start3A] : memref<10240xf32, #tpu.memory_space<vmem>> -> memref<5120xf32, #tpu.memory_space<vmem>>
        %dma_start3A_154 = tpu.memref_slice %arg12[%add3A_152] : memref<655360xf32, #tpu.memory_space<vmem_shared>> -> memref<5120xf32, #tpu.memory_space<vmem_shared>>
        %dma_start3A_155 = tpu.memref_slice %arg12[%add3A_152] : memref<655360xf32, #tpu.memory_space<vmem_shared>> -> memref<5120xf32, #tpu.memory_space<vmem_shared>>
        %dma_start3A_156 = arith.constant 0 : i32
        %dma_start3A_157 = tpu.memref_slice %arg18[%dma_start3A_156] : memref<10240xf32, #tpu.memory_space<vmem>> -> memref<5120xf32, #tpu.memory_space<vmem>>
        tpu.enqueue_dma source(%dma_start3A_157 : memref<5120xf32, #tpu.memory_space<vmem>>) target(%dma_start3A_155 : memref<5120xf32, #tpu.memory_space<vmem_shared>>) target_semaphore(%run_scoped3A : memref<!tpu.dma_semaphore, #tpu.memory_space<semaphore_mem>>)
        %dma_wait3A_158 = arith.constant 0 : i32
        %dma_wait3A_159 = tpu.memref_slice %arg18[%dma_wait3A_158] : memref<10240xf32, #tpu.memory_space<vmem>> -> memref<5120xf32, #tpu.memory_space<vmem>>
        %dma_wait3A_160 = tpu.memref_slice %arg12[%add3A_152] : memref<655360xf32, #tpu.memory_space<vmem_shared>> -> memref<5120xf32, #tpu.memory_space<vmem_shared>>
        %dma_wait3A_161 = tpu.memref_slice %arg12[%add3A_152] : memref<655360xf32, #tpu.memory_space<vmem_shared>> -> memref<5120xf32, #tpu.memory_space<vmem_shared>>
        %dma_wait3A_162 = arith.constant 0 : i32
        %dma_wait3A_163 = tpu.memref_slice %arg18[%dma_wait3A_162] : memref<10240xf32, #tpu.memory_space<vmem>> -> memref<5120xf32, #tpu.memory_space<vmem>>
        tpu.wait_dma2 semaphore(%run_scoped3A : memref<!tpu.dma_semaphore, #tpu.memory_space<semaphore_mem>>) src(%dma_wait3A_163 : memref<5120xf32, #tpu.memory_space<vmem>>) dst(%dma_wait3A_161 : memref<5120xf32, #tpu.memory_space<vmem_shared>>)
        tpu.yield
      }) : () -> ()
    }
    %scan3A_24 = arith.constant 8 : i32
    %eq3A = arith.constant 0 : i32
    %eq3A_25 = arith.cmpi eq, %arg1, %eq3A : i32
    %convert_element_type3A = arith.extui %eq3A_25 : i1 to i32
    %cond3A = arith.constant 0 : i32
    %cond3A_26 = arith.cmpi ne, %convert_element_type3A, %cond3A : i32
    scf.if %cond3A_26 {
      %scan3A_147 = arith.constant 0 : i32
      %scan3A_148 = arith.constant 0 : i32
      %scan3A_149 = arith.constant 4 : i32
      %scan3A_150 = arith.addi %scan3A_148, %scan3A_149 : i32
      %scan3A_151 = arith.constant 1 : i32
      scf.for %scan3A_153 = %scan3A_148 to %scan3A_150 step %scan3A_151  : i32 {
        %mul3A_154 = arith.constant 16 : i32
        %mul3A_155 = arith.muli %scan3A_153, %mul3A_154 : i32
        %swap3A = arith.index_cast %mul3A_155 : i32 to index
        %swap3A_156 = tpu.vector_load %arg23[%swap3A] {strides = array<i32>} : memref<64xf32, #tpu.memory_space<vmem>>, vector<16xf32>,
        tpu.vector_store %arg23[%swap3A], %broadcast_in_dim3A_5 {strides = array<i32>} : memref<64xf32, #tpu.memory_space<vmem>>, vector<16xf32>,
      }
      %scan3A_152 = arith.constant 4 : i32
      "tpu.region"() ({
        %run_scoped3A = tpu.sem_alloc : memref<!tpu.dma_semaphore, #tpu.memory_space<semaphore_mem>>
        tpu.enqueue_dma source(%arg23 : memref<64xf32, #tpu.memory_space<vmem>>) target(%arg13 : memref<64xf32, #tpu.memory_space<vmem_shared>>) target_semaphore(%run_scoped3A : memref<!tpu.dma_semaphore, #tpu.memory_space<semaphore_mem>>)
        tpu.wait_dma2 semaphore(%run_scoped3A : memref<!tpu.dma_semaphore, #tpu.memory_space<semaphore_mem>>) src(%arg23 : memref<64xf32, #tpu.memory_space<vmem>>) dst(%arg13 : memref<64xf32, #tpu.memory_space<vmem_shared>>)
        tpu.yield
      }) : () -> ()
    } else {
    }
    %scan3A_27 = arith.constant 0 : i32
    %scan3A_28 = arith.constant 0 : i32
    %scan3A_29 = arith.constant 8 : i32
    %scan3A_30 = arith.addi %scan3A_28, %scan3A_29 : i32
    %scan3A_31 = arith.constant 1 : i32
    scf.for %scan3A_147 = %scan3A_28 to %scan3A_30 step %scan3A_31  : i32 {
      %mul3A_148 = arith.constant 16 : i32
      %mul3A_149 = arith.muli %scan3A_147, %mul3A_148 : i32
      %swap3A = arith.constant 0 : i32
      %swap3A_150 = arith.index_cast %swap3A : i32 to index
      %swap3A_151 = arith.index_cast %mul3A_149 : i32 to index
      %swap3A_152 = tpu.vector_load %arg17[%swap3A_150, %swap3A_151] {strides = array<i32>} : memref<16x128xf32, #tpu.memory_space<vmem>>, vector<16xf32>,
      tpu.vector_store %arg17[%swap3A_150, %swap3A_151], %broadcast_in_dim3A_3 {strides = array<i32>} : memref<16x128xf32, #tpu.memory_space<vmem>>, vector<16xf32>,
    }
    %scan3A_32 = arith.constant 8 : i32
    %barrier3A = arith.constant 0 : index
    tpu.barrier barrier_id(%barrier3A)
    %scan3A_33 = arith.constant 0 : i32
    %scan3A_34 = arith.constant 0 : i32
    %scan3A_35 = arith.constant 20 : i32
    %scan3A_36 = arith.addi %scan3A_34, %scan3A_35 : i32
    %scan3A_37 = arith.constant 1 : i32
    scf.for %scan3A_147 = %scan3A_34 to %scan3A_36 step %scan3A_37  : i32 {
      %mul3A_148 = arith.constant 160 : i32
      %mul3A_149 = arith.muli %arg1, %mul3A_148 : i32
      %mul3A_150 = arith.constant 8 : i32
      %mul3A_151 = arith.muli %scan3A_147, %mul3A_150 : i32
      %add3A_152 = arith.addi %mul3A_149, %mul3A_151 : i32
      %jit3A = arith.constant 2 : i32
      %eq3A_153 = arith.constant 0 : i32
      %eq3A_154 = arith.cmpi eq, %jit3A, %eq3A_153 : i32
      %jit3A_155 = arith.constant 1 : i32
      %select_n3A = arith.select %eq3A_154, %jit3A_155, %jit3A : i32
      %rem3A = arith.remsi %scan3A_147, %select_n3A : i32
      %ne3A = arith.constant 0 : i32
      %ne3A_156 = arith.cmpi ne, %rem3A, %ne3A : i32
      %lt3A = arith.constant 0 : i32
      %lt3A_157 = arith.cmpi slt, %rem3A, %lt3A : i32
      %lt3A_158 = arith.constant 0 : i32
      %lt3A_159 = arith.cmpi slt, %select_n3A, %lt3A_158 : i32
      %ne3A_160 = arith.xori %lt3A_157, %lt3A_159 : i1
      %and3A = arith.andi %ne3A_160, %ne3A_156 : i1
      %add3A_161 = arith.addi %rem3A, %select_n3A : i32
      %select_n3A_162 = arith.select %and3A, %add3A_161, %rem3A : i32
      %mul3A_163 = arith.constant 8 : i32
      %mul3A_164 = arith.muli %mul3A_163, %select_n3A_162 : i32
      "tpu.region"() ({
        %run_scoped3A = tpu.sem_alloc : memref<!tpu.dma_semaphore, #tpu.memory_space<semaphore_mem>>
        %dma_start3A_327 = arith.constant 0 : i32
        %dma_start3A_328 = tpu.memref_slice %arg15[%mul3A_164, %dma_start3A_327] : memref<16x128xi32, #tpu.memory_space<vmem>> -> memref<8x128xi32, #tpu.memory_space<vmem>>
        %dma_start3A_329 = arith.constant 0 : i32
        %dma_start3A_330 = tpu.memref_slice %arg3[%add3A_152, %dma_start3A_329] : memref<2560x128xi32, #tpu.memory_space<hbm>> -> memref<8x128xi32, #tpu.memory_space<hbm>>
        %dma_start3A_331 = arith.constant 0 : i32
        %dma_start3A_332 = tpu.memref_slice %arg15[%mul3A_164, %dma_start3A_331] : memref<16x128xi32, #tpu.memory_space<vmem>> -> memref<8x128xi32, #tpu.memory_space<vmem>>
        %dma_start3A_333 = arith.constant 0 : i32
        %dma_start3A_334 = tpu.memref_slice %arg3[%add3A_152, %dma_start3A_333] : memref<2560x128xi32, #tpu.memory_space<hbm>> -> memref<8x128xi32, #tpu.memory_space<hbm>>
        tpu.enqueue_dma source(%dma_start3A_334 : memref<8x128xi32, #tpu.memory_space<hbm>>) target(%dma_start3A_332 : memref<8x128xi32, #tpu.memory_space<vmem>>) target_semaphore(%run_scoped3A : memref<!tpu.dma_semaphore, #tpu.memory_space<semaphore_mem>>)
        %dma_wait3A_335 = arith.constant 0 : i32
        %dma_wait3A_336 = tpu.memref_slice %arg15[%mul3A_164, %dma_wait3A_335] : memref<16x128xi32, #tpu.memory_space<vmem>> -> memref<8x128xi32, #tpu.memory_space<vmem>>
        %dma_wait3A_337 = arith.constant 0 : i32
        %dma_wait3A_338 = tpu.memref_slice %arg3[%add3A_152, %dma_wait3A_337] : memref<2560x128xi32, #tpu.memory_space<hbm>> -> memref<8x128xi32, #tpu.memory_space<hbm>>
        %dma_wait3A_339 = arith.constant 0 : i32
        %dma_wait3A_340 = tpu.memref_slice %arg15[%mul3A_164, %dma_wait3A_339] : memref<16x128xi32, #tpu.memory_space<vmem>> -> memref<8x128xi32, #tpu.memory_space<vmem>>
        %dma_wait3A_341 = arith.constant 0 : i32
        %dma_wait3A_342 = tpu.memref_slice %arg3[%add3A_152, %dma_wait3A_341] : memref<2560x128xi32, #tpu.memory_space<hbm>> -> memref<8x128xi32, #tpu.memory_space<hbm>>
        tpu.wait_dma2 semaphore(%run_scoped3A : memref<!tpu.dma_semaphore, #tpu.memory_space<semaphore_mem>>) src(%dma_wait3A_342 : memref<8x128xi32, #tpu.memory_space<hbm>>) dst(%dma_wait3A_340 : memref<8x128xi32, #tpu.memory_space<vmem>>)
        tpu.yield
      }) : () -> ()
      %gt3A = arith.constant 0 : i32
      %gt3A_165 = arith.cmpi sgt, %scan3A_147, %gt3A : i32
      %convert_element_type3A_166 = arith.extui %gt3A_165 : i1 to i32
      %cond3A_167 = arith.constant 0 : i32
      %cond3A_168 = arith.cmpi ne, %convert_element_type3A_166, %cond3A_167 : i32
      scf.if %cond3A_168 {
        %add3A_327 = arith.constant 0 : i32
        %add3A_328 = arith.addi %mul3A_164, %add3A_327 : i32
        %dma_wait3A_329 = arith.constant 0 : i32
        %dma_wait3A_330 = arith.constant 0 : i32
        %dma_wait3A_331 = tpu.memref_slice %arg17[%dma_wait3A_329, %dma_wait3A_330] : memref<16x128xf32, #tpu.memory_space<vmem>> -> memref<1x128xf32, #tpu.memory_space<vmem>>
        %dma_wait3A_332 = tpu.memref_squeeze %dma_wait3A_331 : memref<1x128xf32, #tpu.memory_space<vmem>> -> memref<128xf32, #tpu.memory_space<vmem>>
        %dma_wait3A_333 = arith.constant 0 : i32
        %dma_wait3A_334 = tpu.memref_slice %arg15[%add3A_328, %dma_wait3A_333] : memref<16x128xi32, #tpu.memory_space<vmem>> -> memref<1x128xi32, #tpu.memory_space<vmem>>
        %dma_wait3A_335 = tpu.memref_squeeze %dma_wait3A_334 : memref<1x128xi32, #tpu.memory_space<vmem>> -> memref<128xi32, #tpu.memory_space<vmem>>
        %dma_wait3A_336 = arith.constant 0 : i32
        %dma_wait3A_337 = tpu.memref_slice %arg10[%dma_wait3A_336] : memref<10240xf32, #tpu.memory_space<vmem_shared>> -> memref<10240xf32, #tpu.memory_space<vmem_shared>>
        tpu.wait_indirect_dma semaphore(%arg24 : memref<!tpu.dma_semaphore, #tpu.memory_space<semaphore_mem>>) src(%dma_wait3A_332 : memref<128xf32, #tpu.memory_space<vmem>>) dst(%dma_wait3A_337 : memref<10240xf32, #tpu.memory_space<vmem_shared>>)
      } else {
      }
      %add3A_169 = arith.constant 0 : i32
      %add3A_170 = arith.addi %mul3A_164, %add3A_169 : i32
      %dma_start3A = arith.constant 0 : i32
      %dma_start3A_171 = arith.constant 0 : i32
      %dma_start3A_172 = tpu.memref_slice %arg17[%dma_start3A, %dma_start3A_171] : memref<16x128xf32, #tpu.memory_space<vmem>> -> memref<1x128xf32, #tpu.memory_space<vmem>>
      %dma_start3A_173 = tpu.memref_squeeze %dma_start3A_172 : memref<1x128xf32, #tpu.memory_space<vmem>> -> memref<128xf32, #tpu.memory_space<vmem>>
      %dma_start3A_174 = arith.constant 0 : i32
      %dma_start3A_175 = tpu.memref_slice %arg15[%add3A_170, %dma_start3A_174] : memref<16x128xi32, #tpu.memory_space<vmem>> -> memref<1x128xi32, #tpu.memory_space<vmem>>
      %dma_start3A_176 = tpu.memref_squeeze %dma_start3A_175 : memref<1x128xi32, #tpu.memory_space<vmem>> -> memref<128xi32, #tpu.memory_space<vmem>>
      %dma_start3A_177 = arith.constant 0 : i32
      %dma_start3A_178 = tpu.memref_slice %arg10[%dma_start3A_177] : memref<10240xf32, #tpu.memory_space<vmem_shared>> -> memref<10240xf32, #tpu.memory_space<vmem_shared>>
      tpu.enqueue_indirect_dma source(%dma_start3A_173 : memref<128xf32, #tpu.memory_space<vmem>>) target(%dma_start3A_178 : memref<10240xf32, #tpu.memory_space<vmem_shared>>) offsets(%dma_start3A_176 : memref<128xi32, #tpu.memory_space<vmem>>) semaphore(%arg24 : memref<!tpu.dma_semaphore, #tpu.memory_space<semaphore_mem>>) {add = true}
      %gt3A_179 = arith.constant 0 : i32
      %gt3A_180 = arith.cmpi sgt, %scan3A_147, %gt3A_179 : i32
      %convert_element_type3A_181 = arith.extui %gt3A_180 : i1 to i32
      %cond3A_182 = arith.constant 0 : i32
      %cond3A_183 = arith.cmpi ne, %convert_element_type3A_181, %cond3A_182 : i32
      scf.if %cond3A_183 {
        %add3A_327 = arith.constant 1 : i32
        %add3A_328 = arith.addi %mul3A_164, %add3A_327 : i32
        %dma_wait3A_329 = arith.constant 0 : i32
        %dma_wait3A_330 = arith.constant 0 : i32
        %dma_wait3A_331 = tpu.memref_slice %arg17[%dma_wait3A_329, %dma_wait3A_330] : memref<16x128xf32, #tpu.memory_space<vmem>> -> memref<1x128xf32, #tpu.memory_space<vmem>>
        %dma_wait3A_332 = tpu.memref_squeeze %dma_wait3A_331 : memref<1x128xf32, #tpu.memory_space<vmem>> -> memref<128xf32, #tpu.memory_space<vmem>>
        %dma_wait3A_333 = arith.constant 0 : i32
        %dma_wait3A_334 = tpu.memref_slice %arg15[%add3A_328, %dma_wait3A_333] : memref<16x128xi32, #tpu.memory_space<vmem>> -> memref<1x128xi32, #tpu.memory_space<vmem>>
        %dma_wait3A_335 = tpu.memref_squeeze %dma_wait3A_334 : memref<1x128xi32, #tpu.memory_space<vmem>> -> memref<128xi32, #tpu.memory_space<vmem>>
        %dma_wait3A_336 = arith.constant 0 : i32
        %dma_wait3A_337 = tpu.memref_slice %arg10[%dma_wait3A_336] : memref<10240xf32, #tpu.memory_space<vmem_shared>> -> memref<10240xf32, #tpu.memory_space<vmem_shared>>
        tpu.wait_indirect_dma semaphore(%arg25 : memref<!tpu.dma_semaphore, #tpu.memory_space<semaphore_mem>>) src(%dma_wait3A_332 : memref<128xf32, #tpu.memory_space<vmem>>) dst(%dma_wait3A_337 : memref<10240xf32, #tpu.memory_space<vmem_shared>>)
      } else {
      }
      %add3A_184 = arith.constant 1 : i32
      %add3A_185 = arith.addi %mul3A_164, %add3A_184 : i32
      %dma_start3A_186 = arith.constant 0 : i32
      %dma_start3A_187 = arith.constant 0 : i32
      %dma_start3A_188 = tpu.memref_slice %arg17[%dma_start3A_186, %dma_start3A_187] : memref<16x128xf32, #tpu.memory_space<vmem>> -> memref<1x128xf32, #tpu.memory_space<vmem>>
      %dma_start3A_189 = tpu.memref_squeeze %dma_start3A_188 : memref<1x128xf32, #tpu.memory_space<vmem>> -> memref<128xf32, #tpu.memory_space<vmem>>
      %dma_start3A_190 = arith.constant 0 : i32
      %dma_start3A_191 = tpu.memref_slice %arg15[%add3A_185, %dma_start3A_190] : memref<16x128xi32, #tpu.memory_space<vmem>> -> memref<1x128xi32, #tpu.memory_space<vmem>>
      %dma_start3A_192 = tpu.memref_squeeze %dma_start3A_191 : memref<1x128xi32, #tpu.memory_space<vmem>> -> memref<128xi32, #tpu.memory_space<vmem>>
      %dma_start3A_193 = arith.constant 0 : i32
      %dma_start3A_194 = tpu.memref_slice %arg10[%dma_start3A_193] : memref<10240xf32, #tpu.memory_space<vmem_shared>> -> memref<10240xf32, #tpu.memory_space<vmem_shared>>
      tpu.enqueue_indirect_dma source(%dma_start3A_189 : memref<128xf32, #tpu.memory_space<vmem>>) target(%dma_start3A_194 : memref<10240xf32, #tpu.memory_space<vmem_shared>>) offsets(%dma_start3A_192 : memref<128xi32, #tpu.memory_space<vmem>>) semaphore(%arg25 : memref<!tpu.dma_semaphore, #tpu.memory_space<semaphore_mem>>) {add = true}
      %add3A_195 = arith.constant 2 : i32
      %add3A_196 = arith.addi %mul3A_164, %add3A_195 : i32
      %dma_wait3A_197 = arith.constant 0 : i32
      %dma_wait3A_198 = arith.constant 0 : i32
      %dma_wait3A_199 = tpu.memref_slice %arg17[%dma_wait3A_197, %dma_wait3A_198] : memref<16x128xf32, #tpu.memory_space<vmem>> -> memref<1x128xf32, #tpu.memory_space<vmem>>
      %dma_wait3A_200 = tpu.memref_squeeze %dma_wait3A_199 : memref<1x128xf32, #tpu.memory_space<vmem>> -> memref<128xf32, #tpu.memory_space<vmem>>
      %dma_wait3A_201 = arith.constant 0 : i32
      %dma_wait3A_202 = tpu.memref_slice %arg15[%add3A_196, %dma_wait3A_201] : memref<16x128xi32, #tpu.memory_space<vmem>> -> memref<1x128xi32, #tpu.memory_space<vmem>>
      %dma_wait3A_203 = tpu.memref_squeeze %dma_wait3A_202 : memref<1x128xi32, #tpu.memory_space<vmem>> -> memref<128xi32, #tpu.memory_space<vmem>>
      %dma_wait3A_204 = arith.constant 0 : i32
      %dma_wait3A_205 = tpu.memref_slice %arg10[%dma_wait3A_204] : memref<10240xf32, #tpu.memory_space<vmem_shared>> -> memref<10240xf32, #tpu.memory_space<vmem_shared>>
      tpu.wait_indirect_dma semaphore(%arg24 : memref<!tpu.dma_semaphore, #tpu.memory_space<semaphore_mem>>) src(%dma_wait3A_200 : memref<128xf32, #tpu.memory_space<vmem>>) dst(%dma_wait3A_205 : memref<10240xf32, #tpu.memory_space<vmem_shared>>)
      %add3A_206 = arith.constant 2 : i32
      %add3A_207 = arith.addi %mul3A_164, %add3A_206 : i32
      %dma_start3A_208 = arith.constant 0 : i32
      %dma_start3A_209 = arith.constant 0 : i32
      %dma_start3A_210 = tpu.memref_slice %arg17[%dma_start3A_208, %dma_start3A_209] : memref<16x128xf32, #tpu.memory_space<vmem>> -> memref<1x128xf32, #tpu.memory_space<vmem>>
      %dma_start3A_211 = tpu.memref_squeeze %dma_start3A_210 : memref<1x128xf32, #tpu.memory_space<vmem>> -> memref<128xf32, #tpu.memory_space<vmem>>
      %dma_start3A_212 = arith.constant 0 : i32
      %dma_start3A_213 = tpu.memref_slice %arg15[%add3A_207, %dma_start3A_212] : memref<16x128xi32, #tpu.memory_space<vmem>> -> memref<1x128xi32, #tpu.memory_space<vmem>>
      %dma_start3A_214 = tpu.memref_squeeze %dma_start3A_213 : memref<1x128xi32, #tpu.memory_space<vmem>> -> memref<128xi32, #tpu.memory_space<vmem>>
      %dma_start3A_215 = arith.constant 0 : i32
      %dma_start3A_216 = tpu.memref_slice %arg10[%dma_start3A_215] : memref<10240xf32, #tpu.memory_space<vmem_shared>> -> memref<10240xf32, #tpu.memory_space<vmem_shared>>
      tpu.enqueue_indirect_dma source(%dma_start3A_211 : memref<128xf32, #tpu.memory_space<vmem>>) target(%dma_start3A_216 : memref<10240xf32, #tpu.memory_space<vmem_shared>>) offsets(%dma_start3A_214 : memref<128xi32, #tpu.memory_space<vmem>>) semaphore(%arg24 : memref<!tpu.dma_semaphore, #tpu.memory_space<semaphore_mem>>) {add = true}
      %add3A_217 = arith.constant 3 : i32
      %add3A_218 = arith.addi %mul3A_164, %add3A_217 : i32
      %dma_wait3A_219 = arith.constant 0 : i32
      %dma_wait3A_220 = arith.constant 0 : i32
      %dma_wait3A_221 = tpu.memref_slice %arg17[%dma_wait3A_219, %dma_wait3A_220] : memref<16x128xf32, #tpu.memory_space<vmem>> -> memref<1x128xf32, #tpu.memory_space<vmem>>
      %dma_wait3A_222 = tpu.memref_squeeze %dma_wait3A_221 : memref<1x128xf32, #tpu.memory_space<vmem>> -> memref<128xf32, #tpu.memory_space<vmem>>
      %dma_wait3A_223 = arith.constant 0 : i32
      %dma_wait3A_224 = tpu.memref_slice %arg15[%add3A_218, %dma_wait3A_223] : memref<16x128xi32, #tpu.memory_space<vmem>> -> memref<1x128xi32, #tpu.memory_space<vmem>>
      %dma_wait3A_225 = tpu.memref_squeeze %dma_wait3A_224 : memref<1x128xi32, #tpu.memory_space<vmem>> -> memref<128xi32, #tpu.memory_space<vmem>>
      %dma_wait3A_226 = arith.constant 0 : i32
      %dma_wait3A_227 = tpu.memref_slice %arg10[%dma_wait3A_226] : memref<10240xf32, #tpu.memory_space<vmem_shared>> -> memref<10240xf32, #tpu.memory_space<vmem_shared>>
      tpu.wait_indirect_dma semaphore(%arg25 : memref<!tpu.dma_semaphore, #tpu.memory_space<semaphore_mem>>) src(%dma_wait3A_222 : memref<128xf32, #tpu.memory_space<vmem>>) dst(%dma_wait3A_227 : memref<10240xf32, #tpu.memory_space<vmem_shared>>)
      %add3A_228 = arith.constant 3 : i32
      %add3A_229 = arith.addi %mul3A_164, %add3A_228 : i32
      %dma_start3A_230 = arith.constant 0 : i32
      %dma_start3A_231 = arith.constant 0 : i32
      %dma_start3A_232 = tpu.memref_slice %arg17[%dma_start3A_230, %dma_start3A_231] : memref<16x128xf32, #tpu.memory_space<vmem>> -> memref<1x128xf32, #tpu.memory_space<vmem>>
      %dma_start3A_233 = tpu.memref_squeeze %dma_start3A_232 : memref<1x128xf32, #tpu.memory_space<vmem>> -> memref<128xf32, #tpu.memory_space<vmem>>
      %dma_start3A_234 = arith.constant 0 : i32
      %dma_start3A_235 = tpu.memref_slice %arg15[%add3A_229, %dma_start3A_234] : memref<16x128xi32, #tpu.memory_space<vmem>> -> memref<1x128xi32, #tpu.memory_space<vmem>>
      %dma_start3A_236 = tpu.memref_squeeze %dma_start3A_235 : memref<1x128xi32, #tpu.memory_space<vmem>> -> memref<128xi32, #tpu.memory_space<vmem>>
      %dma_start3A_237 = arith.constant 0 : i32
      %dma_start3A_238 = tpu.memref_slice %arg10[%dma_start3A_237] : memref<10240xf32, #tpu.memory_space<vmem_shared>> -> memref<10240xf32, #tpu.memory_space<vmem_shared>>
      tpu.enqueue_indirect_dma source(%dma_start3A_233 : memref<128xf32, #tpu.memory_space<vmem>>) target(%dma_start3A_238 : memref<10240xf32, #tpu.memory_space<vmem_shared>>) offsets(%dma_start3A_236 : memref<128xi32, #tpu.memory_space<vmem>>) semaphore(%arg25 : memref<!tpu.dma_semaphore, #tpu.memory_space<semaphore_mem>>) {add = true}
      %add3A_239 = arith.constant 4 : i32
      %add3A_240 = arith.addi %mul3A_164, %add3A_239 : i32
      %dma_wait3A_241 = arith.constant 0 : i32
      %dma_wait3A_242 = arith.constant 0 : i32
      %dma_wait3A_243 = tpu.memref_slice %arg17[%dma_wait3A_241, %dma_wait3A_242] : memref<16x128xf32, #tpu.memory_space<vmem>> -> memref<1x128xf32, #tpu.memory_space<vmem>>
      %dma_wait3A_244 = tpu.memref_squeeze %dma_wait3A_243 : memref<1x128xf32, #tpu.memory_space<vmem>> -> memref<128xf32, #tpu.memory_space<vmem>>
      %dma_wait3A_245 = arith.constant 0 : i32
      %dma_wait3A_246 = tpu.memref_slice %arg15[%add3A_240, %dma_wait3A_245] : memref<16x128xi32, #tpu.memory_space<vmem>> -> memref<1x128xi32, #tpu.memory_space<vmem>>
      %dma_wait3A_247 = tpu.memref_squeeze %dma_wait3A_246 : memref<1x128xi32, #tpu.memory_space<vmem>> -> memref<128xi32, #tpu.memory_space<vmem>>
      %dma_wait3A_248 = arith.constant 0 : i32
      %dma_wait3A_249 = tpu.memref_slice %arg10[%dma_wait3A_248] : memref<10240xf32, #tpu.memory_space<vmem_shared>> -> memref<10240xf32, #tpu.memory_space<vmem_shared>>
      tpu.wait_indirect_dma semaphore(%arg24 : memref<!tpu.dma_semaphore, #tpu.memory_space<semaphore_mem>>) src(%dma_wait3A_244 : memref<128xf32, #tpu.memory_space<vmem>>) dst(%dma_wait3A_249 : memref<10240xf32, #tpu.memory_space<vmem_shared>>)
      %add3A_250 = arith.constant 4 : i32
      %add3A_251 = arith.addi %mul3A_164, %add3A_250 : i32
      %dma_start3A_252 = arith.constant 0 : i32
      %dma_start3A_253 = arith.constant 0 : i32
      %dma_start3A_254 = tpu.memref_slice %arg17[%dma_start3A_252, %dma_start3A_253] : memref<16x128xf32, #tpu.memory_space<vmem>> -> memref<1x128xf32, #tpu.memory_space<vmem>>
      %dma_start3A_255 = tpu.memref_squeeze %dma_start3A_254 : memref<1x128xf32, #tpu.memory_space<vmem>> -> memref<128xf32, #tpu.memory_space<vmem>>
      %dma_start3A_256 = arith.constant 0 : i32
      %dma_start3A_257 = tpu.memref_slice %arg15[%add3A_251, %dma_start3A_256] : memref<16x128xi32, #tpu.memory_space<vmem>> -> memref<1x128xi32, #tpu.memory_space<vmem>>
      %dma_start3A_258 = tpu.memref_squeeze %dma_start3A_257 : memref<1x128xi32, #tpu.memory_space<vmem>> -> memref<128xi32, #tpu.memory_space<vmem>>
      %dma_start3A_259 = arith.constant 0 : i32
      %dma_start3A_260 = tpu.memref_slice %arg10[%dma_start3A_259] : memref<10240xf32, #tpu.memory_space<vmem_shared>> -> memref<10240xf32, #tpu.memory_space<vmem_shared>>
      tpu.enqueue_indirect_dma source(%dma_start3A_255 : memref<128xf32, #tpu.memory_space<vmem>>) target(%dma_start3A_260 : memref<10240xf32, #tpu.memory_space<vmem_shared>>) offsets(%dma_start3A_258 : memref<128xi32, #tpu.memory_space<vmem>>) semaphore(%arg24 : memref<!tpu.dma_semaphore, #tpu.memory_space<semaphore_mem>>) {add = true}
      %add3A_261 = arith.constant 5 : i32
      %add3A_262 = arith.addi %mul3A_164, %add3A_261 : i32
      %dma_wait3A_263 = arith.constant 0 : i32
      %dma_wait3A_264 = arith.constant 0 : i32
      %dma_wait3A_265 = tpu.memref_slice %arg17[%dma_wait3A_263, %dma_wait3A_264] : memref<16x128xf32, #tpu.memory_space<vmem>> -> memref<1x128xf32, #tpu.memory_space<vmem>>
      %dma_wait3A_266 = tpu.memref_squeeze %dma_wait3A_265 : memref<1x128xf32, #tpu.memory_space<vmem>> -> memref<128xf32, #tpu.memory_space<vmem>>
      %dma_wait3A_267 = arith.constant 0 : i32
      %dma_wait3A_268 = tpu.memref_slice %arg15[%add3A_262, %dma_wait3A_267] : memref<16x128xi32, #tpu.memory_space<vmem>> -> memref<1x128xi32, #tpu.memory_space<vmem>>
      %dma_wait3A_269 = tpu.memref_squeeze %dma_wait3A_268 : memref<1x128xi32, #tpu.memory_space<vmem>> -> memref<128xi32, #tpu.memory_space<vmem>>
      %dma_wait3A_270 = arith.constant 0 : i32
      %dma_wait3A_271 = tpu.memref_slice %arg10[%dma_wait3A_270] : memref<10240xf32, #tpu.memory_space<vmem_shared>> -> memref<10240xf32, #tpu.memory_space<vmem_shared>>
      tpu.wait_indirect_dma semaphore(%arg25 : memref<!tpu.dma_semaphore, #tpu.memory_space<semaphore_mem>>) src(%dma_wait3A_266 : memref<128xf32, #tpu.memory_space<vmem>>) dst(%dma_wait3A_271 : memref<10240xf32, #tpu.memory_space<vmem_shared>>)
      %add3A_272 = arith.constant 5 : i32
      %add3A_273 = arith.addi %mul3A_164, %add3A_272 : i32
      %dma_start3A_274 = arith.constant 0 : i32
      %dma_start3A_275 = arith.constant 0 : i32
      %dma_start3A_276 = tpu.memref_slice %arg17[%dma_start3A_274, %dma_start3A_275] : memref<16x128xf32, #tpu.memory_space<vmem>> -> memref<1x128xf32, #tpu.memory_space<vmem>>
      %dma_start3A_277 = tpu.memref_squeeze %dma_start3A_276 : memref<1x128xf32, #tpu.memory_space<vmem>> -> memref<128xf32, #tpu.memory_space<vmem>>
      %dma_start3A_278 = arith.constant 0 : i32
      %dma_start3A_279 = tpu.memref_slice %arg15[%add3A_273, %dma_start3A_278] : memref<16x128xi32, #tpu.memory_space<vmem>> -> memref<1x128xi32, #tpu.memory_space<vmem>>
      %dma_start3A_280 = tpu.memref_squeeze %dma_start3A_279 : memref<1x128xi32, #tpu.memory_space<vmem>> -> memref<128xi32, #tpu.memory_space<vmem>>
      %dma_start3A_281 = arith.constant 0 : i32
      %dma_start3A_282 = tpu.memref_slice %arg10[%dma_start3A_281] : memref<10240xf32, #tpu.memory_space<vmem_shared>> -> memref<10240xf32, #tpu.memory_space<vmem_shared>>
      tpu.enqueue_indirect_dma source(%dma_start3A_277 : memref<128xf32, #tpu.memory_space<vmem>>) target(%dma_start3A_282 : memref<10240xf32, #tpu.memory_space<vmem_shared>>) offsets(%dma_start3A_280 : memref<128xi32, #tpu.memory_space<vmem>>) semaphore(%arg25 : memref<!tpu.dma_semaphore, #tpu.memory_space<semaphore_mem>>) {add = true}
      %add3A_283 = arith.constant 6 : i32
      %add3A_284 = arith.addi %mul3A_164, %add3A_283 : i32
      %dma_wait3A_285 = arith.constant 0 : i32
      %dma_wait3A_286 = arith.constant 0 : i32
      %dma_wait3A_287 = tpu.memref_slice %arg17[%dma_wait3A_285, %dma_wait3A_286] : memref<16x128xf32, #tpu.memory_space<vmem>> -> memref<1x128xf32, #tpu.memory_space<vmem>>
      %dma_wait3A_288 = tpu.memref_squeeze %dma_wait3A_287 : memref<1x128xf32, #tpu.memory_space<vmem>> -> memref<128xf32, #tpu.memory_space<vmem>>
      %dma_wait3A_289 = arith.constant 0 : i32
      %dma_wait3A_290 = tpu.memref_slice %arg15[%add3A_284, %dma_wait3A_289] : memref<16x128xi32, #tpu.memory_space<vmem>> -> memref<1x128xi32, #tpu.memory_space<vmem>>
      %dma_wait3A_291 = tpu.memref_squeeze %dma_wait3A_290 : memref<1x128xi32, #tpu.memory_space<vmem>> -> memref<128xi32, #tpu.memory_space<vmem>>
      %dma_wait3A_292 = arith.constant 0 : i32
      %dma_wait3A_293 = tpu.memref_slice %arg10[%dma_wait3A_292] : memref<10240xf32, #tpu.memory_space<vmem_shared>> -> memref<10240xf32, #tpu.memory_space<vmem_shared>>
      tpu.wait_indirect_dma semaphore(%arg24 : memref<!tpu.dma_semaphore, #tpu.memory_space<semaphore_mem>>) src(%dma_wait3A_288 : memref<128xf32, #tpu.memory_space<vmem>>) dst(%dma_wait3A_293 : memref<10240xf32, #tpu.memory_space<vmem_shared>>)
      %add3A_294 = arith.constant 6 : i32
      %add3A_295 = arith.addi %mul3A_164, %add3A_294 : i32
      %dma_start3A_296 = arith.constant 0 : i32
      %dma_start3A_297 = arith.constant 0 : i32
      %dma_start3A_298 = tpu.memref_slice %arg17[%dma_start3A_296, %dma_start3A_297] : memref<16x128xf32, #tpu.memory_space<vmem>> -> memref<1x128xf32, #tpu.memory_space<vmem>>
      %dma_start3A_299 = tpu.memref_squeeze %dma_start3A_298 : memref<1x128xf32, #tpu.memory_space<vmem>> -> memref<128xf32, #tpu.memory_space<vmem>>
      %dma_start3A_300 = arith.constant 0 : i32
      %dma_start3A_301 = tpu.memref_slice %arg15[%add3A_295, %dma_start3A_300] : memref<16x128xi32, #tpu.memory_space<vmem>> -> memref<1x128xi32, #tpu.memory_space<vmem>>
      %dma_start3A_302 = tpu.memref_squeeze %dma_start3A_301 : memref<1x128xi32, #tpu.memory_space<vmem>> -> memref<128xi32, #tpu.memory_space<vmem>>
      %dma_start3A_303 = arith.constant 0 : i32
      %dma_start3A_304 = tpu.memref_slice %arg10[%dma_start3A_303] : memref<10240xf32, #tpu.memory_space<vmem_shared>> -> memref<10240xf32, #tpu.memory_space<vmem_shared>>
      tpu.enqueue_indirect_dma source(%dma_start3A_299 : memref<128xf32, #tpu.memory_space<vmem>>) target(%dma_start3A_304 : memref<10240xf32, #tpu.memory_space<vmem_shared>>) offsets(%dma_start3A_302 : memref<128xi32, #tpu.memory_space<vmem>>) semaphore(%arg24 : memref<!tpu.dma_semaphore, #tpu.memory_space<semaphore_mem>>) {add = true}
      %add3A_305 = arith.constant 7 : i32
      %add3A_306 = arith.addi %mul3A_164, %add3A_305 : i32
      %dma_wait3A_307 = arith.constant 0 : i32
      %dma_wait3A_308 = arith.constant 0 : i32
      %dma_wait3A_309 = tpu.memref_slice %arg17[%dma_wait3A_307, %dma_wait3A_308] : memref<16x128xf32, #tpu.memory_space<vmem>> -> memref<1x128xf32, #tpu.memory_space<vmem>>
      %dma_wait3A_310 = tpu.memref_squeeze %dma_wait3A_309 : memref<1x128xf32, #tpu.memory_space<vmem>> -> memref<128xf32, #tpu.memory_space<vmem>>
      %dma_wait3A_311 = arith.constant 0 : i32
      %dma_wait3A_312 = tpu.memref_slice %arg15[%add3A_306, %dma_wait3A_311] : memref<16x128xi32, #tpu.memory_space<vmem>> -> memref<1x128xi32, #tpu.memory_space<vmem>>
      %dma_wait3A_313 = tpu.memref_squeeze %dma_wait3A_312 : memref<1x128xi32, #tpu.memory_space<vmem>> -> memref<128xi32, #tpu.memory_space<vmem>>
      %dma_wait3A_314 = arith.constant 0 : i32
      %dma_wait3A_315 = tpu.memref_slice %arg10[%dma_wait3A_314] : memref<10240xf32, #tpu.memory_space<vmem_shared>> -> memref<10240xf32, #tpu.memory_space<vmem_shared>>
      tpu.wait_indirect_dma semaphore(%arg25 : memref<!tpu.dma_semaphore, #tpu.memory_space<semaphore_mem>>) src(%dma_wait3A_310 : memref<128xf32, #tpu.memory_space<vmem>>) dst(%dma_wait3A_315 : memref<10240xf32, #tpu.memory_space<vmem_shared>>)
      %add3A_316 = arith.constant 7 : i32
      %add3A_317 = arith.addi %mul3A_164, %add3A_316 : i32
      %dma_start3A_318 = arith.constant 0 : i32
      %dma_start3A_319 = arith.constant 0 : i32
      %dma_start3A_320 = tpu.memref_slice %arg17[%dma_start3A_318, %dma_start3A_319] : memref<16x128xf32, #tpu.memory_space<vmem>> -> memref<1x128xf32, #tpu.memory_space<vmem>>
      %dma_start3A_321 = tpu.memref_squeeze %dma_start3A_320 : memref<1x128xf32, #tpu.memory_space<vmem>> -> memref<128xf32, #tpu.memory_space<vmem>>
      %dma_start3A_322 = arith.constant 0 : i32
      %dma_start3A_323 = tpu.memref_slice %arg15[%add3A_317, %dma_start3A_322] : memref<16x128xi32, #tpu.memory_space<vmem>> -> memref<1x128xi32, #tpu.memory_space<vmem>>
      %dma_start3A_324 = tpu.memref_squeeze %dma_start3A_323 : memref<1x128xi32, #tpu.memory_space<vmem>> -> memref<128xi32, #tpu.memory_space<vmem>>
      %dma_start3A_325 = arith.constant 0 : i32
      %dma_start3A_326 = tpu.memref_slice %arg10[%dma_start3A_325] : memref<10240xf32, #tpu.memory_space<vmem_shared>> -> memref<10240xf32, #tpu.memory_space<vmem_shared>>
      tpu.enqueue_indirect_dma source(%dma_start3A_321 : memref<128xf32, #tpu.memory_space<vmem>>) target(%dma_start3A_326 : memref<10240xf32, #tpu.memory_space<vmem_shared>>) offsets(%dma_start3A_324 : memref<128xi32, #tpu.memory_space<vmem>>) semaphore(%arg25 : memref<!tpu.dma_semaphore, #tpu.memory_space<semaphore_mem>>) {add = true}
    }
    %scan3A_38 = arith.constant 20 : i32
    %dma_wait3A = arith.constant 0 : i32
    %dma_wait3A_39 = arith.constant 0 : i32
    %dma_wait3A_40 = arith.constant 0 : i32
    %dma_wait3A_41 = tpu.memref_slice %arg17[%dma_wait3A, %dma_wait3A_40] : memref<16x128xf32, #tpu.memory_space<vmem>> -> memref<1x128xf32, #tpu.memory_space<vmem>>
    %dma_wait3A_42 = tpu.memref_squeeze %dma_wait3A_41 : memref<1x128xf32, #tpu.memory_space<vmem>> -> memref<128xf32, #tpu.memory_space<vmem>>
    %dma_wait3A_43 = arith.constant 0 : i32
    %dma_wait3A_44 = tpu.memref_slice %arg15[%dma_wait3A_39, %dma_wait3A_43] : memref<16x128xi32, #tpu.memory_space<vmem>> -> memref<1x128xi32, #tpu.memory_space<vmem>>
    %dma_wait3A_45 = tpu.memref_squeeze %dma_wait3A_44 : memref<1x128xi32, #tpu.memory_space<vmem>> -> memref<128xi32, #tpu.memory_space<vmem>>
    %dma_wait3A_46 = arith.constant 0 : i32
    %dma_wait3A_47 = tpu.memref_slice %arg10[%dma_wait3A_46] : memref<10240xf32, #tpu.memory_space<vmem_shared>> -> memref<10240xf32, #tpu.memory_space<vmem_shared>>
    tpu.wait_indirect_dma semaphore(%arg24 : memref<!tpu.dma_semaphore, #tpu.memory_space<semaphore_mem>>) src(%dma_wait3A_42 : memref<128xf32, #tpu.memory_space<vmem>>) dst(%dma_wait3A_47 : memref<10240xf32, #tpu.memory_space<vmem_shared>>)
    %dma_wait3A_48 = arith.constant 0 : i32
    %dma_wait3A_49 = arith.constant 1 : i32
    %dma_wait3A_50 = arith.constant 0 : i32
    %dma_wait3A_51 = tpu.memref_slice %arg17[%dma_wait3A_48, %dma_wait3A_50] : memref<16x128xf32, #tpu.memory_space<vmem>> -> memref<1x128xf32, #tpu.memory_space<vmem>>
    %dma_wait3A_52 = tpu.memref_squeeze %dma_wait3A_51 : memref<1x128xf32, #tpu.memory_space<vmem>> -> memref<128xf32, #tpu.memory_space<vmem>>
    %dma_wait3A_53 = arith.constant 0 : i32
    %dma_wait3A_54 = tpu.memref_slice %arg15[%dma_wait3A_49, %dma_wait3A_53] : memref<16x128xi32, #tpu.memory_space<vmem>> -> memref<1x128xi32, #tpu.memory_space<vmem>>
    %dma_wait3A_55 = tpu.memref_squeeze %dma_wait3A_54 : memref<1x128xi32, #tpu.memory_space<vmem>> -> memref<128xi32, #tpu.memory_space<vmem>>
    %dma_wait3A_56 = arith.constant 0 : i32
    %dma_wait3A_57 = tpu.memref_slice %arg10[%dma_wait3A_56] : memref<10240xf32, #tpu.memory_space<vmem_shared>> -> memref<10240xf32, #tpu.memory_space<vmem_shared>>
    tpu.wait_indirect_dma semaphore(%arg25 : memref<!tpu.dma_semaphore, #tpu.memory_space<semaphore_mem>>) src(%dma_wait3A_52 : memref<128xf32, #tpu.memory_space<vmem>>) dst(%dma_wait3A_57 : memref<10240xf32, #tpu.memory_space<vmem_shared>>)
    %barrier3A_58 = arith.constant 0 : index
    tpu.barrier barrier_id(%barrier3A_58)
    %mul3A_59 = arith.constant 640 : i32
    %mul3A_60 = arith.muli %arg1, %mul3A_59 : i32
    "tpu.region"() ({
      %run_scoped3A = tpu.sem_alloc : memref<!tpu.dma_semaphore, #tpu.memory_space<semaphore_mem>>
      %dma_start3A = tpu.memref_slice %arg10[%mul3A_60] : memref<10240xf32, #tpu.memory_space<vmem_shared>> -> memref<640xf32, #tpu.memory_space<vmem_shared>>
      %dma_start3A_147 = tpu.memref_slice %arg10[%mul3A_60] : memref<10240xf32, #tpu.memory_space<vmem_shared>> -> memref<640xf32, #tpu.memory_space<vmem_shared>>
      tpu.enqueue_dma source(%dma_start3A_147 : memref<640xf32, #tpu.memory_space<vmem_shared>>) target(%arg21 : memref<640xf32, #tpu.memory_space<vmem>>) target_semaphore(%run_scoped3A : memref<!tpu.dma_semaphore, #tpu.memory_space<semaphore_mem>>)
      %dma_wait3A_148 = tpu.memref_slice %arg10[%mul3A_60] : memref<10240xf32, #tpu.memory_space<vmem_shared>> -> memref<640xf32, #tpu.memory_space<vmem_shared>>
      %dma_wait3A_149 = tpu.memref_slice %arg10[%mul3A_60] : memref<10240xf32, #tpu.memory_space<vmem_shared>> -> memref<640xf32, #tpu.memory_space<vmem_shared>>
      tpu.wait_dma2 semaphore(%run_scoped3A : memref<!tpu.dma_semaphore, #tpu.memory_space<semaphore_mem>>) src(%dma_wait3A_149 : memref<640xf32, #tpu.memory_space<vmem_shared>>) dst(%arg21 : memref<640xf32, #tpu.memory_space<vmem>>)
      tpu.yield
    }) : () -> ()
    %scan3A_61 = arith.constant 0 : i32
    %scan3A_62 = arith.constant 0 : i32
    %scan3A_63 = arith.constant 40 : i32
    %scan3A_64 = arith.addi %scan3A_62, %scan3A_63 : i32
    %scan3A_65 = arith.constant 1 : i32
    scf.for %scan3A_147 = %scan3A_62 to %scan3A_64 step %scan3A_65  : i32 {
      %mul3A_148 = arith.constant 16 : i32
      %mul3A_149 = arith.muli %scan3A_147, %mul3A_148 : i32
      %get3A = arith.index_cast %mul3A_149 : i32 to index
      %get3A_150 = tpu.vector_load %arg21[%get3A] {strides = array<i32>} : memref<640xf32, #tpu.memory_space<vmem>>, vector<16xf32>,
      %broadcast_in_dim3A_151 = arith.constant 1.000000e+00 : f32
      %broadcast_in_dim3A_152 = vector.broadcast %broadcast_in_dim3A_151 : f32 to vector<16xf32>
      %mul3A_153 = arith.mulf %get3A_150, %broadcast_in_dim3A_152 : vector<16xf32>
      %mul3A_154 = arith.mulf %mul3A_153, %broadcast_in_dim3A_152 : vector<16xf32>
      %gt3A = arith.constant 1.000000e+00 : f32
      %gt3A_155 = vector.broadcast %gt3A : f32 to vector<16xf32>
      %gt3A_156 = arith.cmpf ogt, %mul3A_154, %gt3A_155 : vector<16xf32>
      %mul3A_157 = arith.constant 5.000000e-01 : f32
      %mul3A_158 = vector.broadcast %mul3A_157 : f32 to vector<16xf32>
      %mul3A_159 = arith.mulf %broadcast_in_dim3A_152, %mul3A_158 : vector<16xf32>
      %select_n3A = arith.select %gt3A_156, %mul3A_159, %broadcast_in_dim3A_152 : vector<16xi1>, vector<16xf32>
      %mul3A_160 = arith.mulf %get3A_150, %select_n3A : vector<16xf32>
      %mul3A_161 = arith.mulf %mul3A_160, %select_n3A : vector<16xf32>
      %gt3A_162 = arith.constant 1.000000e+00 : f32
      %gt3A_163 = vector.broadcast %gt3A_162 : f32 to vector<16xf32>
      %gt3A_164 = arith.cmpf ogt, %mul3A_161, %gt3A_163 : vector<16xf32>
      %mul3A_165 = arith.constant 5.000000e-01 : f32
      %mul3A_166 = vector.broadcast %mul3A_165 : f32 to vector<16xf32>
      %mul3A_167 = arith.mulf %select_n3A, %mul3A_166 : vector<16xf32>
      %select_n3A_168 = arith.select %gt3A_164, %mul3A_167, %select_n3A : vector<16xi1>, vector<16xf32>
      %mul3A_169 = arith.mulf %get3A_150, %select_n3A_168 : vector<16xf32>
      %mul3A_170 = arith.mulf %mul3A_169, %select_n3A_168 : vector<16xf32>
      %gt3A_171 = arith.constant 1.000000e+00 : f32
      %gt3A_172 = vector.broadcast %gt3A_171 : f32 to vector<16xf32>
      %gt3A_173 = arith.cmpf ogt, %mul3A_170, %gt3A_172 : vector<16xf32>
      %mul3A_174 = arith.constant 5.000000e-01 : f32
      %mul3A_175 = vector.broadcast %mul3A_174 : f32 to vector<16xf32>
      %mul3A_176 = arith.mulf %select_n3A_168, %mul3A_175 : vector<16xf32>
      %select_n3A_177 = arith.select %gt3A_173, %mul3A_176, %select_n3A_168 : vector<16xi1>, vector<16xf32>
      %mul3A_178 = arith.mulf %get3A_150, %select_n3A_177 : vector<16xf32>
      %mul3A_179 = arith.mulf %mul3A_178, %select_n3A_177 : vector<16xf32>
      %gt3A_180 = arith.constant 1.000000e+00 : f32
      %gt3A_181 = vector.broadcast %gt3A_180 : f32 to vector<16xf32>
      %gt3A_182 = arith.cmpf ogt, %mul3A_179, %gt3A_181 : vector<16xf32>
      %mul3A_183 = arith.constant 5.000000e-01 : f32
      %mul3A_184 = vector.broadcast %mul3A_183 : f32 to vector<16xf32>
      %mul3A_185 = arith.mulf %select_n3A_177, %mul3A_184 : vector<16xf32>
      %select_n3A_186 = arith.select %gt3A_182, %mul3A_185, %select_n3A_177 : vector<16xi1>, vector<16xf32>
      %mul3A_187 = arith.mulf %get3A_150, %select_n3A_186 : vector<16xf32>
      %mul3A_188 = arith.mulf %mul3A_187, %select_n3A_186 : vector<16xf32>
      %gt3A_189 = arith.constant 1.000000e+00 : f32
      %gt3A_190 = vector.broadcast %gt3A_189 : f32 to vector<16xf32>
      %gt3A_191 = arith.cmpf ogt, %mul3A_188, %gt3A_190 : vector<16xf32>
      %mul3A_192 = arith.constant 5.000000e-01 : f32
      %mul3A_193 = vector.broadcast %mul3A_192 : f32 to vector<16xf32>
      %mul3A_194 = arith.mulf %select_n3A_186, %mul3A_193 : vector<16xf32>
      %select_n3A_195 = arith.select %gt3A_191, %mul3A_194, %select_n3A_186 : vector<16xi1>, vector<16xf32>
      %mul3A_196 = arith.mulf %get3A_150, %select_n3A_195 : vector<16xf32>
      %mul3A_197 = arith.mulf %mul3A_196, %select_n3A_195 : vector<16xf32>
      %gt3A_198 = arith.constant 1.000000e+00 : f32
      %gt3A_199 = vector.broadcast %gt3A_198 : f32 to vector<16xf32>
      %gt3A_200 = arith.cmpf ogt, %mul3A_197, %gt3A_199 : vector<16xf32>
      %mul3A_201 = arith.constant 5.000000e-01 : f32
      %mul3A_202 = vector.broadcast %mul3A_201 : f32 to vector<16xf32>
      %mul3A_203 = arith.mulf %select_n3A_195, %mul3A_202 : vector<16xf32>
      %select_n3A_204 = arith.select %gt3A_200, %mul3A_203, %select_n3A_195 : vector<16xi1>, vector<16xf32>
      %mul3A_205 = arith.mulf %get3A_150, %select_n3A_204 : vector<16xf32>
      %mul3A_206 = arith.mulf %mul3A_205, %select_n3A_204 : vector<16xf32>
      %gt3A_207 = arith.constant 1.000000e+00 : f32
      %gt3A_208 = vector.broadcast %gt3A_207 : f32 to vector<16xf32>
      %gt3A_209 = arith.cmpf ogt, %mul3A_206, %gt3A_208 : vector<16xf32>
      %mul3A_210 = arith.constant 5.000000e-01 : f32
      %mul3A_211 = vector.broadcast %mul3A_210 : f32 to vector<16xf32>
      %mul3A_212 = arith.mulf %select_n3A_204, %mul3A_211 : vector<16xf32>
      %select_n3A_213 = arith.select %gt3A_209, %mul3A_212, %select_n3A_204 : vector<16xi1>, vector<16xf32>
      %mul3A_214 = arith.mulf %get3A_150, %select_n3A_213 : vector<16xf32>
      %mul3A_215 = arith.mulf %mul3A_214, %select_n3A_213 : vector<16xf32>
      %gt3A_216 = arith.constant 1.000000e+00 : f32
      %gt3A_217 = vector.broadcast %gt3A_216 : f32 to vector<16xf32>
      %gt3A_218 = arith.cmpf ogt, %mul3A_215, %gt3A_217 : vector<16xf32>
      %mul3A_219 = arith.constant 5.000000e-01 : f32
      %mul3A_220 = vector.broadcast %mul3A_219 : f32 to vector<16xf32>
      %mul3A_221 = arith.mulf %select_n3A_213, %mul3A_220 : vector<16xf32>
      %select_n3A_222 = arith.select %gt3A_218, %mul3A_221, %select_n3A_213 : vector<16xi1>, vector<16xf32>
      %mul3A_223 = arith.mulf %get3A_150, %select_n3A_222 : vector<16xf32>
      %mul3A_224 = arith.mulf %mul3A_223, %select_n3A_222 : vector<16xf32>
      %gt3A_225 = arith.constant 1.000000e+00 : f32
      %gt3A_226 = vector.broadcast %gt3A_225 : f32 to vector<16xf32>
      %gt3A_227 = arith.cmpf ogt, %mul3A_224, %gt3A_226 : vector<16xf32>
      %mul3A_228 = arith.constant 5.000000e-01 : f32
      %mul3A_229 = vector.broadcast %mul3A_228 : f32 to vector<16xf32>
      %mul3A_230 = arith.mulf %select_n3A_222, %mul3A_229 : vector<16xf32>
      %select_n3A_231 = arith.select %gt3A_227, %mul3A_230, %select_n3A_222 : vector<16xi1>, vector<16xf32>
      %mul3A_232 = arith.mulf %get3A_150, %select_n3A_231 : vector<16xf32>
      %mul3A_233 = arith.mulf %mul3A_232, %select_n3A_231 : vector<16xf32>
      %gt3A_234 = arith.constant 1.000000e+00 : f32
      %gt3A_235 = vector.broadcast %gt3A_234 : f32 to vector<16xf32>
      %gt3A_236 = arith.cmpf ogt, %mul3A_233, %gt3A_235 : vector<16xf32>
      %mul3A_237 = arith.constant 5.000000e-01 : f32
      %mul3A_238 = vector.broadcast %mul3A_237 : f32 to vector<16xf32>
      %mul3A_239 = arith.mulf %select_n3A_231, %mul3A_238 : vector<16xf32>
      %select_n3A_240 = arith.select %gt3A_236, %mul3A_239, %select_n3A_231 : vector<16xi1>, vector<16xf32>
      %mul3A_241 = arith.constant 5.000000e-01 : f32
      %mul3A_242 = vector.broadcast %mul3A_241 : f32 to vector<16xf32>
      %mul3A_243 = arith.mulf %mul3A_242, %get3A_150 : vector<16xf32>
      %mul3A_244 = arith.mulf %mul3A_243, %select_n3A_240 : vector<16xf32>
      %mul3A_245 = arith.mulf %mul3A_244, %select_n3A_240 : vector<16xf32>
      %sub3A = arith.constant 1.500000e+00 : f32
      %sub3A_246 = vector.broadcast %sub3A : f32 to vector<16xf32>
      %sub3A_247 = arith.subf %sub3A_246, %mul3A_245 : vector<16xf32>
      %mul3A_248 = arith.mulf %select_n3A_240, %sub3A_247 : vector<16xf32>
      %mul3A_249 = arith.constant 5.000000e-01 : f32
      %mul3A_250 = vector.broadcast %mul3A_249 : f32 to vector<16xf32>
      %mul3A_251 = arith.mulf %mul3A_250, %get3A_150 : vector<16xf32>
      %mul3A_252 = arith.mulf %mul3A_251, %mul3A_248 : vector<16xf32>
      %mul3A_253 = arith.mulf %mul3A_252, %mul3A_248 : vector<16xf32>
      %sub3A_254 = arith.constant 1.500000e+00 : f32
      %sub3A_255 = vector.broadcast %sub3A_254 : f32 to vector<16xf32>
      %sub3A_256 = arith.subf %sub3A_255, %mul3A_253 : vector<16xf32>
      %mul3A_257 = arith.mulf %mul3A_248, %sub3A_256 : vector<16xf32>
      %mul3A_258 = arith.constant 5.000000e-01 : f32
      %mul3A_259 = vector.broadcast %mul3A_258 : f32 to vector<16xf32>
      %mul3A_260 = arith.mulf %mul3A_259, %get3A_150 : vector<16xf32>
      %mul3A_261 = arith.mulf %mul3A_260, %mul3A_257 : vector<16xf32>
      %mul3A_262 = arith.mulf %mul3A_261, %mul3A_257 : vector<16xf32>
      %sub3A_263 = arith.constant 1.500000e+00 : f32
      %sub3A_264 = vector.broadcast %sub3A_263 : f32 to vector<16xf32>
      %sub3A_265 = arith.subf %sub3A_264, %mul3A_262 : vector<16xf32>
      %mul3A_266 = arith.mulf %mul3A_257, %sub3A_265 : vector<16xf32>
      %mul3A_267 = arith.constant 5.000000e-01 : f32
      %mul3A_268 = vector.broadcast %mul3A_267 : f32 to vector<16xf32>
      %mul3A_269 = arith.mulf %mul3A_268, %get3A_150 : vector<16xf32>
      %mul3A_270 = arith.mulf %mul3A_269, %mul3A_266 : vector<16xf32>
      %mul3A_271 = arith.mulf %mul3A_270, %mul3A_266 : vector<16xf32>
      %sub3A_272 = arith.constant 1.500000e+00 : f32
      %sub3A_273 = vector.broadcast %sub3A_272 : f32 to vector<16xf32>
      %sub3A_274 = arith.subf %sub3A_273, %mul3A_271 : vector<16xf32>
      %mul3A_275 = arith.mulf %mul3A_266, %sub3A_274 : vector<16xf32>
      %mul3A_276 = arith.constant 5.000000e-01 : f32
      %mul3A_277 = vector.broadcast %mul3A_276 : f32 to vector<16xf32>
      %mul3A_278 = arith.mulf %mul3A_277, %get3A_150 : vector<16xf32>
      %mul3A_279 = arith.mulf %mul3A_278, %mul3A_275 : vector<16xf32>
      %mul3A_280 = arith.mulf %mul3A_279, %mul3A_275 : vector<16xf32>
      %sub3A_281 = arith.constant 1.500000e+00 : f32
      %sub3A_282 = vector.broadcast %sub3A_281 : f32 to vector<16xf32>
      %sub3A_283 = arith.subf %sub3A_282, %mul3A_280 : vector<16xf32>
      %mul3A_284 = arith.mulf %mul3A_275, %sub3A_283 : vector<16xf32>
      %mul3A_285 = arith.constant 16 : i32
      %mul3A_286 = arith.muli %scan3A_147, %mul3A_285 : i32
      %swap3A = arith.index_cast %mul3A_286 : i32 to index
      %swap3A_287 = tpu.vector_load %arg22[%swap3A] {strides = array<i32>} : memref<640xf32, #tpu.memory_space<vmem>>, vector<16xf32>,
      tpu.vector_store %arg22[%swap3A], %mul3A_284 {strides = array<i32>} : memref<640xf32, #tpu.memory_space<vmem>>, vector<16xf32>,
    }
    %scan3A_66 = arith.constant 40 : i32
    %mul3A_67 = arith.constant 640 : i32
    %mul3A_68 = arith.muli %arg1, %mul3A_67 : i32
    "tpu.region"() ({
      %run_scoped3A = tpu.sem_alloc : memref<!tpu.dma_semaphore, #tpu.memory_space<semaphore_mem>>
      %dma_start3A = tpu.memref_slice %arg11[%mul3A_68] : memref<10240xf32, #tpu.memory_space<vmem_shared>> -> memref<640xf32, #tpu.memory_space<vmem_shared>>
      %dma_start3A_147 = tpu.memref_slice %arg11[%mul3A_68] : memref<10240xf32, #tpu.memory_space<vmem_shared>> -> memref<640xf32, #tpu.memory_space<vmem_shared>>
      tpu.enqueue_dma source(%arg22 : memref<640xf32, #tpu.memory_space<vmem>>) target(%dma_start3A_147 : memref<640xf32, #tpu.memory_space<vmem_shared>>) target_semaphore(%run_scoped3A : memref<!tpu.dma_semaphore, #tpu.memory_space<semaphore_mem>>)
      %dma_wait3A_148 = tpu.memref_slice %arg11[%mul3A_68] : memref<10240xf32, #tpu.memory_space<vmem_shared>> -> memref<640xf32, #tpu.memory_space<vmem_shared>>
      %dma_wait3A_149 = tpu.memref_slice %arg11[%mul3A_68] : memref<10240xf32, #tpu.memory_space<vmem_shared>> -> memref<640xf32, #tpu.memory_space<vmem_shared>>
      tpu.wait_dma2 semaphore(%run_scoped3A : memref<!tpu.dma_semaphore, #tpu.memory_space<semaphore_mem>>) src(%arg22 : memref<640xf32, #tpu.memory_space<vmem>>) dst(%dma_wait3A_149 : memref<640xf32, #tpu.memory_space<vmem_shared>>)
      tpu.yield
    }) : () -> ()
    %eq3A_69 = arith.constant 0 : i32
    %eq3A_70 = arith.cmpi eq, %arg0, %eq3A_69 : i32
    %convert_element_type3A_71 = arith.extui %eq3A_70 : i1 to i32
    %cond3A_72 = arith.constant 0 : i32
    %cond3A_73 = arith.cmpi ne, %convert_element_type3A_71, %cond3A_72 : i32
    scf.if %cond3A_73 {
      %mul3A_147 = arith.constant 640 : i32
      %mul3A_148 = arith.muli %arg1, %mul3A_147 : i32
      "tpu.region"() ({
        %run_scoped3A = tpu.sem_alloc : memref<!tpu.dma_semaphore, #tpu.memory_space<semaphore_mem>>
        %dma_start3A = tpu.memref_slice %arg6[%mul3A_148] : memref<10240xf32, #tpu.memory_space<hbm>> -> memref<640xf32, #tpu.memory_space<hbm>>
        %dma_start3A_149 = tpu.memref_slice %arg6[%mul3A_148] : memref<10240xf32, #tpu.memory_space<hbm>> -> memref<640xf32, #tpu.memory_space<hbm>>
        tpu.enqueue_dma source(%arg22 : memref<640xf32, #tpu.memory_space<vmem>>) target(%dma_start3A_149 : memref<640xf32, #tpu.memory_space<hbm>>) target_semaphore(%run_scoped3A : memref<!tpu.dma_semaphore, #tpu.memory_space<semaphore_mem>>)
        %dma_wait3A_150 = tpu.memref_slice %arg6[%mul3A_148] : memref<10240xf32, #tpu.memory_space<hbm>> -> memref<640xf32, #tpu.memory_space<hbm>>
        %dma_wait3A_151 = tpu.memref_slice %arg6[%mul3A_148] : memref<10240xf32, #tpu.memory_space<hbm>> -> memref<640xf32, #tpu.memory_space<hbm>>
        tpu.wait_dma2 semaphore(%run_scoped3A : memref<!tpu.dma_semaphore, #tpu.memory_space<semaphore_mem>>) src(%arg22 : memref<640xf32, #tpu.memory_space<vmem>>) dst(%dma_wait3A_151 : memref<640xf32, #tpu.memory_space<hbm>>)
        tpu.yield
      }) : () -> ()
    } else {
    }
    %barrier3A_74 = arith.constant 0 : index
    tpu.barrier barrier_id(%barrier3A_74)
    "tpu.region"() ({
      %run_scoped3A = tpu.sem_alloc : memref<!tpu.dma_semaphore, #tpu.memory_space<semaphore_mem>>
      tpu.enqueue_dma source(%arg11 : memref<10240xf32, #tpu.memory_space<vmem_shared>>) target(%arg18 : memref<10240xf32, #tpu.memory_space<vmem>>) target_semaphore(%run_scoped3A : memref<!tpu.dma_semaphore, #tpu.memory_space<semaphore_mem>>)
      tpu.wait_dma2 semaphore(%run_scoped3A : memref<!tpu.dma_semaphore, #tpu.memory_space<semaphore_mem>>) src(%arg11 : memref<10240xf32, #tpu.memory_space<vmem_shared>>) dst(%arg18 : memref<10240xf32, #tpu.memory_space<vmem>>)
      tpu.yield
    }) : () -> ()
    "tpu.region"() ({
      %run_scoped3A = tpu.sem_alloc : memref<!tpu.dma_semaphore, #tpu.memory_space<semaphore_mem>>
      tpu.enqueue_dma source(%arg4 : memref<10240xi32, #tpu.memory_space<hbm>>) target(%arg19 : memref<10240xi32, #tpu.memory_space<vmem>>) target_semaphore(%run_scoped3A : memref<!tpu.dma_semaphore, #tpu.memory_space<semaphore_mem>>)
      tpu.wait_dma2 semaphore(%run_scoped3A : memref<!tpu.dma_semaphore, #tpu.memory_space<semaphore_mem>>) src(%arg4 : memref<10240xi32, #tpu.memory_space<hbm>>) dst(%arg19 : memref<10240xi32, #tpu.memory_space<vmem>>)
      tpu.yield
    }) : () -> ()
    %scan3A_75 = arith.constant 0 : i32
    %scan3A_76 = arith.constant 0 : i32
    %scan3A_77 = arith.constant 15 : i32
    %scan3A_78 = arith.addi %scan3A_76, %scan3A_77 : i32
    %scan3A_79 = arith.constant 1 : i32
    scf.for %scan3A_147 = %scan3A_76 to %scan3A_78 step %scan3A_79  : i32 {
      %mul3A_148 = arith.constant 16 : i32
      %mul3A_149 = arith.muli %scan3A_147, %mul3A_148 : i32
      %add3A_150 = arith.constant 10000 : i32
      %add3A_151 = arith.addi %add3A_150, %mul3A_149 : i32
      %swap3A = arith.index_cast %add3A_151 : i32 to index
      %swap3A_152 = tpu.vector_load %arg18[%swap3A] {strides = array<i32>} : memref<10240xf32, #tpu.memory_space<vmem>>, vector<16xf32>,
      tpu.vector_store %arg18[%swap3A], %broadcast_in_dim3A_5 {strides = array<i32>} : memref<10240xf32, #tpu.memory_space<vmem>>, vector<16xf32>,
    }
    %scan3A_80 = arith.constant 15 : i32
    "tpu.region"() ({
      %run_scoped3A = tpu.sem_alloc : memref<!tpu.dma_semaphore, #tpu.memory_space<semaphore_mem>>
      %dma_start3A = arith.constant 0 : i32
      %dma_start3A_147 = tpu.memref_slice %arg5[%mul3A_2, %dma_start3A] : memref<10240x128xf32, #tpu.memory_space<hbm>> -> memref<320x128xf32, #tpu.memory_space<hbm>>
      %dma_start3A_148 = arith.constant 0 : i32
      %dma_start3A_149 = tpu.memref_slice %arg5[%mul3A_2, %dma_start3A_148] : memref<10240x128xf32, #tpu.memory_space<hbm>> -> memref<320x128xf32, #tpu.memory_space<hbm>>
      tpu.enqueue_dma source(%dma_start3A_149 : memref<320x128xf32, #tpu.memory_space<hbm>>) target(%arg20 : memref<320x128xf32, #tpu.memory_space<vmem>>) target_semaphore(%run_scoped3A : memref<!tpu.dma_semaphore, #tpu.memory_space<semaphore_mem>>)
      %dma_wait3A_150 = arith.constant 0 : i32
      %dma_wait3A_151 = tpu.memref_slice %arg5[%mul3A_2, %dma_wait3A_150] : memref<10240x128xf32, #tpu.memory_space<hbm>> -> memref<320x128xf32, #tpu.memory_space<hbm>>
      %dma_wait3A_152 = arith.constant 0 : i32
      %dma_wait3A_153 = tpu.memref_slice %arg5[%mul3A_2, %dma_wait3A_152] : memref<10240x128xf32, #tpu.memory_space<hbm>> -> memref<320x128xf32, #tpu.memory_space<hbm>>
      tpu.wait_dma2 semaphore(%run_scoped3A : memref<!tpu.dma_semaphore, #tpu.memory_space<semaphore_mem>>) src(%dma_wait3A_153 : memref<320x128xf32, #tpu.memory_space<hbm>>) dst(%arg20 : memref<320x128xf32, #tpu.memory_space<vmem>>)
      tpu.yield
    }) : () -> ()
    %scan3A_81 = arith.constant 0 : i32
    %scan3A_82 = arith.constant 0 : i32
    %scan3A_83 = arith.constant 320 : i32
    %scan3A_84 = arith.addi %scan3A_82, %scan3A_83 : i32
    %scan3A_85 = arith.constant 1 : i32
    scf.for %scan3A_147 = %scan3A_82 to %scan3A_84 step %scan3A_85  : i32 {
      %broadcast_in_dim3A_148 = arith.constant 0 : i32
      %broadcast_in_dim3A_149 = vector.broadcast %broadcast_in_dim3A_148 : i32 to vector<16xi32>
      %add3A_150 = arith.addi %mul3A_2, %scan3A_147 : i32
      %add3A_151 = vector.broadcast %add3A_150 : i32 to vector<16xi32>
      %add3A_152 = arith.addi %broadcast_in_dim3A_149, %add3A_151 : vector<16xi32>
      %gather3A = tpu.vector_load_idx %arg18[%add3A_152] : memref<10240xf32, #tpu.memory_space<vmem>>[vector<16xi32>], vector<16xf32>,
      %scan3A_153 = arith.constant 0 : i32
      %scan3A_154 = arith.constant 0 : i32
      %scan3A_155 = arith.constant 8 : i32
      %scan3A_156 = arith.addi %scan3A_154, %scan3A_155 : i32
      %scan3A_157 = arith.constant 1 : i32
      scf.for %scan3A_159 = %scan3A_154 to %scan3A_156 step %scan3A_157  : i32 {
        %mul3A_160 = arith.constant 16 : i32
        %mul3A_161 = arith.muli %scan3A_159, %mul3A_160 : i32
        %get3A = arith.index_cast %scan3A_147 : i32 to index
        %get3A_162 = arith.index_cast %mul3A_161 : i32 to index
        %get3A_163 = tpu.vector_load %arg20[%get3A, %get3A_162] {strides = array<i32>} : memref<320x128xf32, #tpu.memory_space<vmem>>, vector<16xf32>,
        %mul3A_164 = arith.mulf %get3A_163, %gather3A : vector<16xf32>
        %mul3A_165 = arith.constant 16 : i32
        %mul3A_166 = arith.muli %scan3A_159, %mul3A_165 : i32
        %swap3A = arith.index_cast %scan3A_147 : i32 to index
        %swap3A_167 = arith.index_cast %mul3A_166 : i32 to index
        %swap3A_168 = tpu.vector_load %arg20[%swap3A, %swap3A_167] {strides = array<i32>} : memref<320x128xf32, #tpu.memory_space<vmem>>, vector<16xf32>,
        tpu.vector_store %arg20[%swap3A, %swap3A_167], %mul3A_164 {strides = array<i32>} : memref<320x128xf32, #tpu.memory_space<vmem>>, vector<16xf32>,
      }
      %scan3A_158 = arith.constant 8 : i32
    }
    %scan3A_86 = arith.constant 320 : i32
    "tpu.region"() ({
      %run_scoped3A = tpu.sem_alloc : memref<!tpu.dma_semaphore, #tpu.memory_space<semaphore_mem>>
      %dma_start3A = arith.constant 0 : i32
      %dma_start3A_147 = tpu.memref_slice %arg7[%mul3A_2, %dma_start3A] : memref<10240x128xf32, #tpu.memory_space<hbm>> -> memref<320x128xf32, #tpu.memory_space<hbm>>
      %dma_start3A_148 = arith.constant 0 : i32
      %dma_start3A_149 = tpu.memref_slice %arg7[%mul3A_2, %dma_start3A_148] : memref<10240x128xf32, #tpu.memory_space<hbm>> -> memref<320x128xf32, #tpu.memory_space<hbm>>
      tpu.enqueue_dma source(%arg20 : memref<320x128xf32, #tpu.memory_space<vmem>>) target(%dma_start3A_149 : memref<320x128xf32, #tpu.memory_space<hbm>>) target_semaphore(%run_scoped3A : memref<!tpu.dma_semaphore, #tpu.memory_space<semaphore_mem>>)
      %dma_wait3A_150 = arith.constant 0 : i32
      %dma_wait3A_151 = tpu.memref_slice %arg7[%mul3A_2, %dma_wait3A_150] : memref<10240x128xf32, #tpu.memory_space<hbm>> -> memref<320x128xf32, #tpu.memory_space<hbm>>
      %dma_wait3A_152 = arith.constant 0 : i32
      %dma_wait3A_153 = tpu.memref_slice %arg7[%mul3A_2, %dma_wait3A_152] : memref<10240x128xf32, #tpu.memory_space<hbm>> -> memref<320x128xf32, #tpu.memory_space<hbm>>
      tpu.wait_dma2 semaphore(%run_scoped3A : memref<!tpu.dma_semaphore, #tpu.memory_space<semaphore_mem>>) src(%arg20 : memref<320x128xf32, #tpu.memory_space<vmem>>) dst(%dma_wait3A_153 : memref<320x128xf32, #tpu.memory_space<hbm>>)
      tpu.yield
    }) : () -> ()
    %scan3A_87 = arith.constant 0 : i32
    %scan3A_88 = arith.constant 0 : i32
    %scan3A_89 = arith.constant 5 : i32
    %scan3A_90 = arith.addi %scan3A_88, %scan3A_89 : i32
    %scan3A_91 = arith.constant 1 : i32
    scf.for %scan3A_147 = %scan3A_88 to %scan3A_90 step %scan3A_91  : i32 {
      %mul3A_148 = arith.constant 80 : i32
      %mul3A_149 = arith.muli %add3A, %mul3A_148 : i32
      %mul3A_150 = arith.constant 16 : i32
      %mul3A_151 = arith.muli %scan3A_147, %mul3A_150 : i32
      %add3A_152 = arith.addi %mul3A_149, %mul3A_151 : i32
      "tpu.region"() ({
        %run_scoped3A = tpu.sem_alloc : memref<!tpu.dma_semaphore, #tpu.memory_space<semaphore_mem>>
        %dma_start3A_557 = arith.constant 0 : i32
        %dma_start3A_558 = tpu.memref_slice %arg2[%add3A_152, %dma_start3A_557] : memref<2560x128xi32, #tpu.memory_space<hbm>> -> memref<16x128xi32, #tpu.memory_space<hbm>>
        %dma_start3A_559 = arith.constant 0 : i32
        %dma_start3A_560 = tpu.memref_slice %arg2[%add3A_152, %dma_start3A_559] : memref<2560x128xi32, #tpu.memory_space<hbm>> -> memref<16x128xi32, #tpu.memory_space<hbm>>
        tpu.enqueue_dma source(%dma_start3A_560 : memref<16x128xi32, #tpu.memory_space<hbm>>) target(%arg14 : memref<16x128xi32, #tpu.memory_space<vmem>>) target_semaphore(%run_scoped3A : memref<!tpu.dma_semaphore, #tpu.memory_space<semaphore_mem>>)
        %dma_wait3A_561 = arith.constant 0 : i32
        %dma_wait3A_562 = tpu.memref_slice %arg2[%add3A_152, %dma_wait3A_561] : memref<2560x128xi32, #tpu.memory_space<hbm>> -> memref<16x128xi32, #tpu.memory_space<hbm>>
        %dma_wait3A_563 = arith.constant 0 : i32
        %dma_wait3A_564 = tpu.memref_slice %arg2[%add3A_152, %dma_wait3A_563] : memref<2560x128xi32, #tpu.memory_space<hbm>> -> memref<16x128xi32, #tpu.memory_space<hbm>>
        tpu.wait_dma2 semaphore(%run_scoped3A : memref<!tpu.dma_semaphore, #tpu.memory_space<semaphore_mem>>) src(%dma_wait3A_564 : memref<16x128xi32, #tpu.memory_space<hbm>>) dst(%arg14 : memref<16x128xi32, #tpu.memory_space<vmem>>)
        tpu.yield
      }) : () -> ()
      "tpu.region"() ({
        %run_scoped3A = tpu.sem_alloc : memref<!tpu.dma_semaphore, #tpu.memory_space<semaphore_mem>>
        %dma_start3A_557 = arith.constant 0 : i32
        %dma_start3A_558 = tpu.memref_slice %arg3[%add3A_152, %dma_start3A_557] : memref<2560x128xi32, #tpu.memory_space<hbm>> -> memref<16x128xi32, #tpu.memory_space<hbm>>
        %dma_start3A_559 = arith.constant 0 : i32
        %dma_start3A_560 = tpu.memref_slice %arg3[%add3A_152, %dma_start3A_559] : memref<2560x128xi32, #tpu.memory_space<hbm>> -> memref<16x128xi32, #tpu.memory_space<hbm>>
        tpu.enqueue_dma source(%dma_start3A_560 : memref<16x128xi32, #tpu.memory_space<hbm>>) target(%arg15 : memref<16x128xi32, #tpu.memory_space<vmem>>) target_semaphore(%run_scoped3A : memref<!tpu.dma_semaphore, #tpu.memory_space<semaphore_mem>>)
        %dma_wait3A_561 = arith.constant 0 : i32
        %dma_wait3A_562 = tpu.memref_slice %arg3[%add3A_152, %dma_wait3A_561] : memref<2560x128xi32, #tpu.memory_space<hbm>> -> memref<16x128xi32, #tpu.memory_space<hbm>>
        %dma_wait3A_563 = arith.constant 0 : i32
        %dma_wait3A_564 = tpu.memref_slice %arg3[%add3A_152, %dma_wait3A_563] : memref<2560x128xi32, #tpu.memory_space<hbm>> -> memref<16x128xi32, #tpu.memory_space<hbm>>
        tpu.wait_dma2 semaphore(%run_scoped3A : memref<!tpu.dma_semaphore, #tpu.memory_space<semaphore_mem>>) src(%dma_wait3A_564 : memref<16x128xi32, #tpu.memory_space<hbm>>) dst(%arg15 : memref<16x128xi32, #tpu.memory_space<vmem>>)
        tpu.yield
      }) : () -> ()
      %scan3A_153 = arith.constant 0 : i32
      %scan3A_154 = arith.constant 0 : i32
      %scan3A_155 = arith.constant 8 : i32
      %scan3A_156 = arith.addi %scan3A_154, %scan3A_155 : i32
      %scan3A_157 = arith.constant 1 : i32
      scf.for %scan3A_557 = %scan3A_154 to %scan3A_156 step %scan3A_157  : i32 {
        %mul3A_558 = arith.constant 16 : i32
        %mul3A_559 = arith.muli %scan3A_557, %mul3A_558 : i32
        %get3A = arith.constant 0 : i32
        %get3A_560 = arith.index_cast %get3A : i32 to index
        %get3A_561 = arith.index_cast %mul3A_559 : i32 to index
        %get3A_562 = tpu.vector_load %arg14[%get3A_560, %get3A_561] {strides = array<i32>} : memref<16x128xi32, #tpu.memory_space<vmem>>, vector<16xi32>,
        %mul3A_563 = arith.constant 16 : i32
        %mul3A_564 = arith.muli %scan3A_557, %mul3A_563 : i32
        %get3A_565 = arith.constant 0 : i32
        %get3A_566 = arith.index_cast %get3A_565 : i32 to index
        %get3A_567 = arith.index_cast %mul3A_564 : i32 to index
        %get3A_568 = tpu.vector_load %arg15[%get3A_566, %get3A_567] {strides = array<i32>} : memref<16x128xi32, #tpu.memory_space<vmem>>, vector<16xi32>,
        %gather3A = tpu.vector_load_idx %arg18[%get3A_568] : memref<10240xf32, #tpu.memory_space<vmem>>[vector<16xi32>], vector<16xf32>,
        %gather3A_569 = tpu.vector_load_idx %arg19[%get3A_568] : memref<10240xi32, #tpu.memory_space<vmem>>[vector<16xi32>], vector<16xi32>,
        %mul3A_570 = arith.constant 64 : i32
        %mul3A_571 = vector.broadcast %mul3A_570 : i32 to vector<16xi32>
        %mul3A_572 = arith.muli %get3A_562, %mul3A_571 : vector<16xi32>
        %add3A_573 = arith.addi %mul3A_572, %gather3A_569 : vector<16xi32>
        %mul3A_574 = arith.constant 16 : i32
        %mul3A_575 = arith.muli %scan3A_557, %mul3A_574 : i32
        %swap3A = arith.constant 0 : i32
        %swap3A_576 = arith.index_cast %swap3A : i32 to index
        %swap3A_577 = arith.index_cast %mul3A_575 : i32 to index
        %swap3A_578 = tpu.vector_load %arg16[%swap3A_576, %swap3A_577] {strides = array<i32>} : memref<16x128xi32, #tpu.memory_space<vmem>>, vector<16xi32>,
        tpu.vector_store %arg16[%swap3A_576, %swap3A_577], %add3A_573 {strides = array<i32>} : memref<16x128xi32, #tpu.memory_space<vmem>>, vector<16xi32>,
        %mul3A_579 = arith.constant 16 : i32
        %mul3A_580 = arith.muli %scan3A_557, %mul3A_579 : i32
        %swap3A_581 = arith.constant 0 : i32
        %swap3A_582 = arith.index_cast %swap3A_581 : i32 to index
        %swap3A_583 = arith.index_cast %mul3A_580 : i32 to index
        %swap3A_584 = tpu.vector_load %arg17[%swap3A_582, %swap3A_583] {strides = array<i32>} : memref<16x128xf32, #tpu.memory_space<vmem>>, vector<16xf32>,
        tpu.vector_store %arg17[%swap3A_582, %swap3A_583], %gather3A {strides = array<i32>} : memref<16x128xf32, #tpu.memory_space<vmem>>, vector<16xf32>,
      }
      %scan3A_158 = arith.constant 8 : i32
      %gt3A = arith.constant 0 : i32
      %gt3A_159 = arith.cmpi sgt, %scan3A_147, %gt3A : i32
      %convert_element_type3A_160 = arith.extui %gt3A_159 : i1 to i32
      %cond3A_161 = arith.constant 0 : i32
      %cond3A_162 = arith.cmpi ne, %convert_element_type3A_160, %cond3A_161 : i32
      scf.if %cond3A_162 {
        %dma_wait3A_557 = arith.constant 0 : i32
        %dma_wait3A_558 = arith.constant 0 : i32
        %dma_wait3A_559 = arith.constant 0 : i32
        %dma_wait3A_560 = tpu.memref_slice %arg17[%dma_wait3A_557, %dma_wait3A_559] : memref<16x128xf32, #tpu.memory_space<vmem>> -> memref<1x128xf32, #tpu.memory_space<vmem>>
        %dma_wait3A_561 = tpu.memref_squeeze %dma_wait3A_560 : memref<1x128xf32, #tpu.memory_space<vmem>> -> memref<128xf32, #tpu.memory_space<vmem>>
        %dma_wait3A_562 = arith.constant 0 : i32
        %dma_wait3A_563 = tpu.memref_slice %arg16[%dma_wait3A_558, %dma_wait3A_562] : memref<16x128xi32, #tpu.memory_space<vmem>> -> memref<1x128xi32, #tpu.memory_space<vmem>>
        %dma_wait3A_564 = tpu.memref_squeeze %dma_wait3A_563 : memref<1x128xi32, #tpu.memory_space<vmem>> -> memref<128xi32, #tpu.memory_space<vmem>>
        %dma_wait3A_565 = arith.constant 0 : i32
        %dma_wait3A_566 = tpu.memref_slice %arg12[%dma_wait3A_565] : memref<655360xf32, #tpu.memory_space<vmem_shared>> -> memref<655360xf32, #tpu.memory_space<vmem_shared>>
        tpu.wait_indirect_dma semaphore(%arg24 : memref<!tpu.dma_semaphore, #tpu.memory_space<semaphore_mem>>) src(%dma_wait3A_561 : memref<128xf32, #tpu.memory_space<vmem>>) dst(%dma_wait3A_566 : memref<655360xf32, #tpu.memory_space<vmem_shared>>)
      } else {
      }
      %dma_start3A = arith.constant 0 : i32
      %dma_start3A_163 = arith.constant 0 : i32
      %dma_start3A_164 = arith.constant 0 : i32
      %dma_start3A_165 = tpu.memref_slice %arg17[%dma_start3A, %dma_start3A_164] : memref<16x128xf32, #tpu.memory_space<vmem>> -> memref<1x128xf32, #tpu.memory_space<vmem>>
      %dma_start3A_166 = tpu.memref_squeeze %dma_start3A_165 : memref<1x128xf32, #tpu.memory_space<vmem>> -> memref<128xf32, #tpu.memory_space<vmem>>
      %dma_start3A_167 = arith.constant 0 : i32
      %dma_start3A_168 = tpu.memref_slice %arg16[%dma_start3A_163, %dma_start3A_167] : memref<16x128xi32, #tpu.memory_space<vmem>> -> memref<1x128xi32, #tpu.memory_space<vmem>>
      %dma_start3A_169 = tpu.memref_squeeze %dma_start3A_168 : memref<1x128xi32, #tpu.memory_space<vmem>> -> memref<128xi32, #tpu.memory_space<vmem>>
      %dma_start3A_170 = arith.constant 0 : i32
      %dma_start3A_171 = tpu.memref_slice %arg12[%dma_start3A_170] : memref<655360xf32, #tpu.memory_space<vmem_shared>> -> memref<655360xf32, #tpu.memory_space<vmem_shared>>
      tpu.enqueue_indirect_dma source(%dma_start3A_166 : memref<128xf32, #tpu.memory_space<vmem>>) target(%dma_start3A_171 : memref<655360xf32, #tpu.memory_space<vmem_shared>>) offsets(%dma_start3A_169 : memref<128xi32, #tpu.memory_space<vmem>>) semaphore(%arg24 : memref<!tpu.dma_semaphore, #tpu.memory_space<semaphore_mem>>) {add = true}
      %scan3A_172 = arith.constant 0 : i32
      %scan3A_173 = arith.constant 0 : i32
      %scan3A_174 = arith.constant 8 : i32
      %scan3A_175 = arith.addi %scan3A_173, %scan3A_174 : i32
      %scan3A_176 = arith.constant 1 : i32
      scf.for %scan3A_557 = %scan3A_173 to %scan3A_175 step %scan3A_176  : i32 {
        %mul3A_558 = arith.constant 16 : i32
        %mul3A_559 = arith.muli %scan3A_557, %mul3A_558 : i32
        %get3A = arith.constant 1 : i32
        %get3A_560 = arith.index_cast %get3A : i32 to index
        %get3A_561 = arith.index_cast %mul3A_559 : i32 to index
        %get3A_562 = tpu.vector_load %arg14[%get3A_560, %get3A_561] {strides = array<i32>} : memref<16x128xi32, #tpu.memory_space<vmem>>, vector<16xi32>,
        %mul3A_563 = arith.constant 16 : i32
        %mul3A_564 = arith.muli %scan3A_557, %mul3A_563 : i32
        %get3A_565 = arith.constant 1 : i32
        %get3A_566 = arith.index_cast %get3A_565 : i32 to index
        %get3A_567 = arith.index_cast %mul3A_564 : i32 to index
        %get3A_568 = tpu.vector_load %arg15[%get3A_566, %get3A_567] {strides = array<i32>} : memref<16x128xi32, #tpu.memory_space<vmem>>, vector<16xi32>,
        %gather3A = tpu.vector_load_idx %arg18[%get3A_568] : memref<10240xf32, #tpu.memory_space<vmem>>[vector<16xi32>], vector<16xf32>,
        %gather3A_569 = tpu.vector_load_idx %arg19[%get3A_568] : memref<10240xi32, #tpu.memory_space<vmem>>[vector<16xi32>], vector<16xi32>,
        %mul3A_570 = arith.constant 64 : i32
        %mul3A_571 = vector.broadcast %mul3A_570 : i32 to vector<16xi32>
        %mul3A_572 = arith.muli %get3A_562, %mul3A_571 : vector<16xi32>
        %add3A_573 = arith.addi %mul3A_572, %gather3A_569 : vector<16xi32>
        %mul3A_574 = arith.constant 16 : i32
        %mul3A_575 = arith.muli %scan3A_557, %mul3A_574 : i32
        %swap3A = arith.constant 1 : i32
        %swap3A_576 = arith.index_cast %swap3A : i32 to index
        %swap3A_577 = arith.index_cast %mul3A_575 : i32 to index
        %swap3A_578 = tpu.vector_load %arg16[%swap3A_576, %swap3A_577] {strides = array<i32>} : memref<16x128xi32, #tpu.memory_space<vmem>>, vector<16xi32>,
        tpu.vector_store %arg16[%swap3A_576, %swap3A_577], %add3A_573 {strides = array<i32>} : memref<16x128xi32, #tpu.memory_space<vmem>>, vector<16xi32>,
        %mul3A_579 = arith.constant 16 : i32
        %mul3A_580 = arith.muli %scan3A_557, %mul3A_579 : i32
        %swap3A_581 = arith.constant 1 : i32
        %swap3A_582 = arith.index_cast %swap3A_581 : i32 to index
        %swap3A_583 = arith.index_cast %mul3A_580 : i32 to index
        %swap3A_584 = tpu.vector_load %arg17[%swap3A_582, %swap3A_583] {strides = array<i32>} : memref<16x128xf32, #tpu.memory_space<vmem>>, vector<16xf32>,
        tpu.vector_store %arg17[%swap3A_582, %swap3A_583], %gather3A {strides = array<i32>} : memref<16x128xf32, #tpu.memory_space<vmem>>, vector<16xf32>,
      }
      %scan3A_177 = arith.constant 8 : i32
      %gt3A_178 = arith.constant 0 : i32
      %gt3A_179 = arith.cmpi sgt, %scan3A_147, %gt3A_178 : i32
      %convert_element_type3A_180 = arith.extui %gt3A_179 : i1 to i32
      %cond3A_181 = arith.constant 0 : i32
      %cond3A_182 = arith.cmpi ne, %convert_element_type3A_180, %cond3A_181 : i32
      scf.if %cond3A_182 {
        %dma_wait3A_557 = arith.constant 1 : i32
        %dma_wait3A_558 = arith.constant 1 : i32
        %dma_wait3A_559 = arith.constant 0 : i32
        %dma_wait3A_560 = tpu.memref_slice %arg17[%dma_wait3A_557, %dma_wait3A_559] : memref<16x128xf32, #tpu.memory_space<vmem>> -> memref<1x128xf32, #tpu.memory_space<vmem>>
        %dma_wait3A_561 = tpu.memref_squeeze %dma_wait3A_560 : memref<1x128xf32, #tpu.memory_space<vmem>> -> memref<128xf32, #tpu.memory_space<vmem>>
        %dma_wait3A_562 = arith.constant 0 : i32
        %dma_wait3A_563 = tpu.memref_slice %arg16[%dma_wait3A_558, %dma_wait3A_562] : memref<16x128xi32, #tpu.memory_space<vmem>> -> memref<1x128xi32, #tpu.memory_space<vmem>>
        %dma_wait3A_564 = tpu.memref_squeeze %dma_wait3A_563 : memref<1x128xi32, #tpu.memory_space<vmem>> -> memref<128xi32, #tpu.memory_space<vmem>>
        %dma_wait3A_565 = arith.constant 0 : i32
        %dma_wait3A_566 = tpu.memref_slice %arg12[%dma_wait3A_565] : memref<655360xf32, #tpu.memory_space<vmem_shared>> -> memref<655360xf32, #tpu.memory_space<vmem_shared>>
        tpu.wait_indirect_dma semaphore(%arg25 : memref<!tpu.dma_semaphore, #tpu.memory_space<semaphore_mem>>) src(%dma_wait3A_561 : memref<128xf32, #tpu.memory_space<vmem>>) dst(%dma_wait3A_566 : memref<655360xf32, #tpu.memory_space<vmem_shared>>)
      } else {
      }
      %dma_start3A_183 = arith.constant 1 : i32
      %dma_start3A_184 = arith.constant 1 : i32
      %dma_start3A_185 = arith.constant 0 : i32
      %dma_start3A_186 = tpu.memref_slice %arg17[%dma_start3A_183, %dma_start3A_185] : memref<16x128xf32, #tpu.memory_space<vmem>> -> memref<1x128xf32, #tpu.memory_space<vmem>>
      %dma_start3A_187 = tpu.memref_squeeze %dma_start3A_186 : memref<1x128xf32, #tpu.memory_space<vmem>> -> memref<128xf32, #tpu.memory_space<vmem>>
      %dma_start3A_188 = arith.constant 0 : i32
      %dma_start3A_189 = tpu.memref_slice %arg16[%dma_start3A_184, %dma_start3A_188] : memref<16x128xi32, #tpu.memory_space<vmem>> -> memref<1x128xi32, #tpu.memory_space<vmem>>
      %dma_start3A_190 = tpu.memref_squeeze %dma_start3A_189 : memref<1x128xi32, #tpu.memory_space<vmem>> -> memref<128xi32, #tpu.memory_space<vmem>>
      %dma_start3A_191 = arith.constant 0 : i32
      %dma_start3A_192 = tpu.memref_slice %arg12[%dma_start3A_191] : memref<655360xf32, #tpu.memory_space<vmem_shared>> -> memref<655360xf32, #tpu.memory_space<vmem_shared>>
      tpu.enqueue_indirect_dma source(%dma_start3A_187 : memref<128xf32, #tpu.memory_space<vmem>>) target(%dma_start3A_192 : memref<655360xf32, #tpu.memory_space<vmem_shared>>) offsets(%dma_start3A_190 : memref<128xi32, #tpu.memory_space<vmem>>) semaphore(%arg25 : memref<!tpu.dma_semaphore, #tpu.memory_space<semaphore_mem>>) {add = true}
      %scan3A_193 = arith.constant 0 : i32
      %scan3A_194 = arith.constant 0 : i32
      %scan3A_195 = arith.constant 8 : i32
      %scan3A_196 = arith.addi %scan3A_194, %scan3A_195 : i32
      %scan3A_197 = arith.constant 1 : i32
      scf.for %scan3A_557 = %scan3A_194 to %scan3A_196 step %scan3A_197  : i32 {
        %mul3A_558 = arith.constant 16 : i32
        %mul3A_559 = arith.muli %scan3A_557, %mul3A_558 : i32
        %get3A = arith.constant 2 : i32
        %get3A_560 = arith.index_cast %get3A : i32 to index
        %get3A_561 = arith.index_cast %mul3A_559 : i32 to index
        %get3A_562 = tpu.vector_load %arg14[%get3A_560, %get3A_561] {strides = array<i32>} : memref<16x128xi32, #tpu.memory_space<vmem>>, vector<16xi32>,
        %mul3A_563 = arith.constant 16 : i32
        %mul3A_564 = arith.muli %scan3A_557, %mul3A_563 : i32
        %get3A_565 = arith.constant 2 : i32
        %get3A_566 = arith.index_cast %get3A_565 : i32 to index
        %get3A_567 = arith.index_cast %mul3A_564 : i32 to index
        %get3A_568 = tpu.vector_load %arg15[%get3A_566, %get3A_567] {strides = array<i32>} : memref<16x128xi32, #tpu.memory_space<vmem>>, vector<16xi32>,
        %gather3A = tpu.vector_load_idx %arg18[%get3A_568] : memref<10240xf32, #tpu.memory_space<vmem>>[vector<16xi32>], vector<16xf32>,
        %gather3A_569 = tpu.vector_load_idx %arg19[%get3A_568] : memref<10240xi32, #tpu.memory_space<vmem>>[vector<16xi32>], vector<16xi32>,
        %mul3A_570 = arith.constant 64 : i32
        %mul3A_571 = vector.broadcast %mul3A_570 : i32 to vector<16xi32>
        %mul3A_572 = arith.muli %get3A_562, %mul3A_571 : vector<16xi32>
        %add3A_573 = arith.addi %mul3A_572, %gather3A_569 : vector<16xi32>
        %mul3A_574 = arith.constant 16 : i32
        %mul3A_575 = arith.muli %scan3A_557, %mul3A_574 : i32
        %swap3A = arith.constant 2 : i32
        %swap3A_576 = arith.index_cast %swap3A : i32 to index
        %swap3A_577 = arith.index_cast %mul3A_575 : i32 to index
        %swap3A_578 = tpu.vector_load %arg16[%swap3A_576, %swap3A_577] {strides = array<i32>} : memref<16x128xi32, #tpu.memory_space<vmem>>, vector<16xi32>,
        tpu.vector_store %arg16[%swap3A_576, %swap3A_577], %add3A_573 {strides = array<i32>} : memref<16x128xi32, #tpu.memory_space<vmem>>, vector<16xi32>,
        %mul3A_579 = arith.constant 16 : i32
        %mul3A_580 = arith.muli %scan3A_557, %mul3A_579 : i32
        %swap3A_581 = arith.constant 2 : i32
        %swap3A_582 = arith.index_cast %swap3A_581 : i32 to index
        %swap3A_583 = arith.index_cast %mul3A_580 : i32 to index
        %swap3A_584 = tpu.vector_load %arg17[%swap3A_582, %swap3A_583] {strides = array<i32>} : memref<16x128xf32, #tpu.memory_space<vmem>>, vector<16xf32>,
        tpu.vector_store %arg17[%swap3A_582, %swap3A_583], %gather3A {strides = array<i32>} : memref<16x128xf32, #tpu.memory_space<vmem>>, vector<16xf32>,
      }
      %scan3A_198 = arith.constant 8 : i32
      %dma_wait3A_199 = arith.constant 2 : i32
      %dma_wait3A_200 = arith.constant 2 : i32
      %dma_wait3A_201 = arith.constant 0 : i32
      %dma_wait3A_202 = tpu.memref_slice %arg17[%dma_wait3A_199, %dma_wait3A_201] : memref<16x128xf32, #tpu.memory_space<vmem>> -> memref<1x128xf32, #tpu.memory_space<vmem>>
      %dma_wait3A_203 = tpu.memref_squeeze %dma_wait3A_202 : memref<1x128xf32, #tpu.memory_space<vmem>> -> memref<128xf32, #tpu.memory_space<vmem>>
      %dma_wait3A_204 = arith.constant 0 : i32
      %dma_wait3A_205 = tpu.memref_slice %arg16[%dma_wait3A_200, %dma_wait3A_204] : memref<16x128xi32, #tpu.memory_space<vmem>> -> memref<1x128xi32, #tpu.memory_space<vmem>>
      %dma_wait3A_206 = tpu.memref_squeeze %dma_wait3A_205 : memref<1x128xi32, #tpu.memory_space<vmem>> -> memref<128xi32, #tpu.memory_space<vmem>>
      %dma_wait3A_207 = arith.constant 0 : i32
      %dma_wait3A_208 = tpu.memref_slice %arg12[%dma_wait3A_207] : memref<655360xf32, #tpu.memory_space<vmem_shared>> -> memref<655360xf32, #tpu.memory_space<vmem_shared>>
      tpu.wait_indirect_dma semaphore(%arg24 : memref<!tpu.dma_semaphore, #tpu.memory_space<semaphore_mem>>) src(%dma_wait3A_203 : memref<128xf32, #tpu.memory_space<vmem>>) dst(%dma_wait3A_208 : memref<655360xf32, #tpu.memory_space<vmem_shared>>)
      %dma_start3A_209 = arith.constant 2 : i32
      %dma_start3A_210 = arith.constant 2 : i32
      %dma_start3A_211 = arith.constant 0 : i32
      %dma_start3A_212 = tpu.memref_slice %arg17[%dma_start3A_209, %dma_start3A_211] : memref<16x128xf32, #tpu.memory_space<vmem>> -> memref<1x128xf32, #tpu.memory_space<vmem>>
      %dma_start3A_213 = tpu.memref_squeeze %dma_start3A_212 : memref<1x128xf32, #tpu.memory_space<vmem>> -> memref<128xf32, #tpu.memory_space<vmem>>
      %dma_start3A_214 = arith.constant 0 : i32
      %dma_start3A_215 = tpu.memref_slice %arg16[%dma_start3A_210, %dma_start3A_214] : memref<16x128xi32, #tpu.memory_space<vmem>> -> memref<1x128xi32, #tpu.memory_space<vmem>>
      %dma_start3A_216 = tpu.memref_squeeze %dma_start3A_215 : memref<1x128xi32, #tpu.memory_space<vmem>> -> memref<128xi32, #tpu.memory_space<vmem>>
      %dma_start3A_217 = arith.constant 0 : i32
      %dma_start3A_218 = tpu.memref_slice %arg12[%dma_start3A_217] : memref<655360xf32, #tpu.memory_space<vmem_shared>> -> memref<655360xf32, #tpu.memory_space<vmem_shared>>
      tpu.enqueue_indirect_dma source(%dma_start3A_213 : memref<128xf32, #tpu.memory_space<vmem>>) target(%dma_start3A_218 : memref<655360xf32, #tpu.memory_space<vmem_shared>>) offsets(%dma_start3A_216 : memref<128xi32, #tpu.memory_space<vmem>>) semaphore(%arg24 : memref<!tpu.dma_semaphore, #tpu.memory_space<semaphore_mem>>) {add = true}
      %scan3A_219 = arith.constant 0 : i32
      %scan3A_220 = arith.constant 0 : i32
      %scan3A_221 = arith.constant 8 : i32
      %scan3A_222 = arith.addi %scan3A_220, %scan3A_221 : i32
      %scan3A_223 = arith.constant 1 : i32
      scf.for %scan3A_557 = %scan3A_220 to %scan3A_222 step %scan3A_223  : i32 {
        %mul3A_558 = arith.constant 16 : i32
        %mul3A_559 = arith.muli %scan3A_557, %mul3A_558 : i32
        %get3A = arith.constant 3 : i32
        %get3A_560 = arith.index_cast %get3A : i32 to index
        %get3A_561 = arith.index_cast %mul3A_559 : i32 to index
        %get3A_562 = tpu.vector_load %arg14[%get3A_560, %get3A_561] {strides = array<i32>} : memref<16x128xi32, #tpu.memory_space<vmem>>, vector<16xi32>,
        %mul3A_563 = arith.constant 16 : i32
        %mul3A_564 = arith.muli %scan3A_557, %mul3A_563 : i32
        %get3A_565 = arith.constant 3 : i32
        %get3A_566 = arith.index_cast %get3A_565 : i32 to index
        %get3A_567 = arith.index_cast %mul3A_564 : i32 to index
        %get3A_568 = tpu.vector_load %arg15[%get3A_566, %get3A_567] {strides = array<i32>} : memref<16x128xi32, #tpu.memory_space<vmem>>, vector<16xi32>,
        %gather3A = tpu.vector_load_idx %arg18[%get3A_568] : memref<10240xf32, #tpu.memory_space<vmem>>[vector<16xi32>], vector<16xf32>,
        %gather3A_569 = tpu.vector_load_idx %arg19[%get3A_568] : memref<10240xi32, #tpu.memory_space<vmem>>[vector<16xi32>], vector<16xi32>,
        %mul3A_570 = arith.constant 64 : i32
        %mul3A_571 = vector.broadcast %mul3A_570 : i32 to vector<16xi32>
        %mul3A_572 = arith.muli %get3A_562, %mul3A_571 : vector<16xi32>
        %add3A_573 = arith.addi %mul3A_572, %gather3A_569 : vector<16xi32>
        %mul3A_574 = arith.constant 16 : i32
        %mul3A_575 = arith.muli %scan3A_557, %mul3A_574 : i32
        %swap3A = arith.constant 3 : i32
        %swap3A_576 = arith.index_cast %swap3A : i32 to index
        %swap3A_577 = arith.index_cast %mul3A_575 : i32 to index
        %swap3A_578 = tpu.vector_load %arg16[%swap3A_576, %swap3A_577] {strides = array<i32>} : memref<16x128xi32, #tpu.memory_space<vmem>>, vector<16xi32>,
        tpu.vector_store %arg16[%swap3A_576, %swap3A_577], %add3A_573 {strides = array<i32>} : memref<16x128xi32, #tpu.memory_space<vmem>>, vector<16xi32>,
        %mul3A_579 = arith.constant 16 : i32
        %mul3A_580 = arith.muli %scan3A_557, %mul3A_579 : i32
        %swap3A_581 = arith.constant 3 : i32
        %swap3A_582 = arith.index_cast %swap3A_581 : i32 to index
        %swap3A_583 = arith.index_cast %mul3A_580 : i32 to index
        %swap3A_584 = tpu.vector_load %arg17[%swap3A_582, %swap3A_583] {strides = array<i32>} : memref<16x128xf32, #tpu.memory_space<vmem>>, vector<16xf32>,
        tpu.vector_store %arg17[%swap3A_582, %swap3A_583], %gather3A {strides = array<i32>} : memref<16x128xf32, #tpu.memory_space<vmem>>, vector<16xf32>,
      }
      %scan3A_224 = arith.constant 8 : i32
      %dma_wait3A_225 = arith.constant 3 : i32
      %dma_wait3A_226 = arith.constant 3 : i32
      %dma_wait3A_227 = arith.constant 0 : i32
      %dma_wait3A_228 = tpu.memref_slice %arg17[%dma_wait3A_225, %dma_wait3A_227] : memref<16x128xf32, #tpu.memory_space<vmem>> -> memref<1x128xf32, #tpu.memory_space<vmem>>
      %dma_wait3A_229 = tpu.memref_squeeze %dma_wait3A_228 : memref<1x128xf32, #tpu.memory_space<vmem>> -> memref<128xf32, #tpu.memory_space<vmem>>
      %dma_wait3A_230 = arith.constant 0 : i32
      %dma_wait3A_231 = tpu.memref_slice %arg16[%dma_wait3A_226, %dma_wait3A_230] : memref<16x128xi32, #tpu.memory_space<vmem>> -> memref<1x128xi32, #tpu.memory_space<vmem>>
      %dma_wait3A_232 = tpu.memref_squeeze %dma_wait3A_231 : memref<1x128xi32, #tpu.memory_space<vmem>> -> memref<128xi32, #tpu.memory_space<vmem>>
      %dma_wait3A_233 = arith.constant 0 : i32
      %dma_wait3A_234 = tpu.memref_slice %arg12[%dma_wait3A_233] : memref<655360xf32, #tpu.memory_space<vmem_shared>> -> memref<655360xf32, #tpu.memory_space<vmem_shared>>
      tpu.wait_indirect_dma semaphore(%arg25 : memref<!tpu.dma_semaphore, #tpu.memory_space<semaphore_mem>>) src(%dma_wait3A_229 : memref<128xf32, #tpu.memory_space<vmem>>) dst(%dma_wait3A_234 : memref<655360xf32, #tpu.memory_space<vmem_shared>>)
      %dma_start3A_235 = arith.constant 3 : i32
      %dma_start3A_236 = arith.constant 3 : i32
      %dma_start3A_237 = arith.constant 0 : i32
      %dma_start3A_238 = tpu.memref_slice %arg17[%dma_start3A_235, %dma_start3A_237] : memref<16x128xf32, #tpu.memory_space<vmem>> -> memref<1x128xf32, #tpu.memory_space<vmem>>
      %dma_start3A_239 = tpu.memref_squeeze %dma_start3A_238 : memref<1x128xf32, #tpu.memory_space<vmem>> -> memref<128xf32, #tpu.memory_space<vmem>>
      %dma_start3A_240 = arith.constant 0 : i32
      %dma_start3A_241 = tpu.memref_slice %arg16[%dma_start3A_236, %dma_start3A_240] : memref<16x128xi32, #tpu.memory_space<vmem>> -> memref<1x128xi32, #tpu.memory_space<vmem>>
      %dma_start3A_242 = tpu.memref_squeeze %dma_start3A_241 : memref<1x128xi32, #tpu.memory_space<vmem>> -> memref<128xi32, #tpu.memory_space<vmem>>
      %dma_start3A_243 = arith.constant 0 : i32
      %dma_start3A_244 = tpu.memref_slice %arg12[%dma_start3A_243] : memref<655360xf32, #tpu.memory_space<vmem_shared>> -> memref<655360xf32, #tpu.memory_space<vmem_shared>>
      tpu.enqueue_indirect_dma source(%dma_start3A_239 : memref<128xf32, #tpu.memory_space<vmem>>) target(%dma_start3A_244 : memref<655360xf32, #tpu.memory_space<vmem_shared>>) offsets(%dma_start3A_242 : memref<128xi32, #tpu.memory_space<vmem>>) semaphore(%arg25 : memref<!tpu.dma_semaphore, #tpu.memory_space<semaphore_mem>>) {add = true}
      %scan3A_245 = arith.constant 0 : i32
      %scan3A_246 = arith.constant 0 : i32
      %scan3A_247 = arith.constant 8 : i32
      %scan3A_248 = arith.addi %scan3A_246, %scan3A_247 : i32
      %scan3A_249 = arith.constant 1 : i32
      scf.for %scan3A_557 = %scan3A_246 to %scan3A_248 step %scan3A_249  : i32 {
        %mul3A_558 = arith.constant 16 : i32
        %mul3A_559 = arith.muli %scan3A_557, %mul3A_558 : i32
        %get3A = arith.constant 4 : i32
        %get3A_560 = arith.index_cast %get3A : i32 to index
        %get3A_561 = arith.index_cast %mul3A_559 : i32 to index
        %get3A_562 = tpu.vector_load %arg14[%get3A_560, %get3A_561] {strides = array<i32>} : memref<16x128xi32, #tpu.memory_space<vmem>>, vector<16xi32>,
        %mul3A_563 = arith.constant 16 : i32
        %mul3A_564 = arith.muli %scan3A_557, %mul3A_563 : i32
        %get3A_565 = arith.constant 4 : i32
        %get3A_566 = arith.index_cast %get3A_565 : i32 to index
        %get3A_567 = arith.index_cast %mul3A_564 : i32 to index
        %get3A_568 = tpu.vector_load %arg15[%get3A_566, %get3A_567] {strides = array<i32>} : memref<16x128xi32, #tpu.memory_space<vmem>>, vector<16xi32>,
        %gather3A = tpu.vector_load_idx %arg18[%get3A_568] : memref<10240xf32, #tpu.memory_space<vmem>>[vector<16xi32>], vector<16xf32>,
        %gather3A_569 = tpu.vector_load_idx %arg19[%get3A_568] : memref<10240xi32, #tpu.memory_space<vmem>>[vector<16xi32>], vector<16xi32>,
        %mul3A_570 = arith.constant 64 : i32
        %mul3A_571 = vector.broadcast %mul3A_570 : i32 to vector<16xi32>
        %mul3A_572 = arith.muli %get3A_562, %mul3A_571 : vector<16xi32>
        %add3A_573 = arith.addi %mul3A_572, %gather3A_569 : vector<16xi32>
        %mul3A_574 = arith.constant 16 : i32
        %mul3A_575 = arith.muli %scan3A_557, %mul3A_574 : i32
        %swap3A = arith.constant 4 : i32
        %swap3A_576 = arith.index_cast %swap3A : i32 to index
        %swap3A_577 = arith.index_cast %mul3A_575 : i32 to index
        %swap3A_578 = tpu.vector_load %arg16[%swap3A_576, %swap3A_577] {strides = array<i32>} : memref<16x128xi32, #tpu.memory_space<vmem>>, vector<16xi32>,
        tpu.vector_store %arg16[%swap3A_576, %swap3A_577], %add3A_573 {strides = array<i32>} : memref<16x128xi32, #tpu.memory_space<vmem>>, vector<16xi32>,
        %mul3A_579 = arith.constant 16 : i32
        %mul3A_580 = arith.muli %scan3A_557, %mul3A_579 : i32
        %swap3A_581 = arith.constant 4 : i32
        %swap3A_582 = arith.index_cast %swap3A_581 : i32 to index
        %swap3A_583 = arith.index_cast %mul3A_580 : i32 to index
        %swap3A_584 = tpu.vector_load %arg17[%swap3A_582, %swap3A_583] {strides = array<i32>} : memref<16x128xf32, #tpu.memory_space<vmem>>, vector<16xf32>,
        tpu.vector_store %arg17[%swap3A_582, %swap3A_583], %gather3A {strides = array<i32>} : memref<16x128xf32, #tpu.memory_space<vmem>>, vector<16xf32>,
      }
      %scan3A_250 = arith.constant 8 : i32
      %dma_wait3A_251 = arith.constant 4 : i32
      %dma_wait3A_252 = arith.constant 4 : i32
      %dma_wait3A_253 = arith.constant 0 : i32
      %dma_wait3A_254 = tpu.memref_slice %arg17[%dma_wait3A_251, %dma_wait3A_253] : memref<16x128xf32, #tpu.memory_space<vmem>> -> memref<1x128xf32, #tpu.memory_space<vmem>>
      %dma_wait3A_255 = tpu.memref_squeeze %dma_wait3A_254 : memref<1x128xf32, #tpu.memory_space<vmem>> -> memref<128xf32, #tpu.memory_space<vmem>>
      %dma_wait3A_256 = arith.constant 0 : i32
      %dma_wait3A_257 = tpu.memref_slice %arg16[%dma_wait3A_252, %dma_wait3A_256] : memref<16x128xi32, #tpu.memory_space<vmem>> -> memref<1x128xi32, #tpu.memory_space<vmem>>
      %dma_wait3A_258 = tpu.memref_squeeze %dma_wait3A_257 : memref<1x128xi32, #tpu.memory_space<vmem>> -> memref<128xi32, #tpu.memory_space<vmem>>
      %dma_wait3A_259 = arith.constant 0 : i32
      %dma_wait3A_260 = tpu.memref_slice %arg12[%dma_wait3A_259] : memref<655360xf32, #tpu.memory_space<vmem_shared>> -> memref<655360xf32, #tpu.memory_space<vmem_shared>>
      tpu.wait_indirect_dma semaphore(%arg24 : memref<!tpu.dma_semaphore, #tpu.memory_space<semaphore_mem>>) src(%dma_wait3A_255 : memref<128xf32, #tpu.memory_space<vmem>>) dst(%dma_wait3A_260 : memref<655360xf32, #tpu.memory_space<vmem_shared>>)
      %dma_start3A_261 = arith.constant 4 : i32
      %dma_start3A_262 = arith.constant 4 : i32
      %dma_start3A_263 = arith.constant 0 : i32
      %dma_start3A_264 = tpu.memref_slice %arg17[%dma_start3A_261, %dma_start3A_263] : memref<16x128xf32, #tpu.memory_space<vmem>> -> memref<1x128xf32, #tpu.memory_space<vmem>>
      %dma_start3A_265 = tpu.memref_squeeze %dma_start3A_264 : memref<1x128xf32, #tpu.memory_space<vmem>> -> memref<128xf32, #tpu.memory_space<vmem>>
      %dma_start3A_266 = arith.constant 0 : i32
      %dma_start3A_267 = tpu.memref_slice %arg16[%dma_start3A_262, %dma_start3A_266] : memref<16x128xi32, #tpu.memory_space<vmem>> -> memref<1x128xi32, #tpu.memory_space<vmem>>
      %dma_start3A_268 = tpu.memref_squeeze %dma_start3A_267 : memref<1x128xi32, #tpu.memory_space<vmem>> -> memref<128xi32, #tpu.memory_space<vmem>>
      %dma_start3A_269 = arith.constant 0 : i32
      %dma_start3A_270 = tpu.memref_slice %arg12[%dma_start3A_269] : memref<655360xf32, #tpu.memory_space<vmem_shared>> -> memref<655360xf32, #tpu.memory_space<vmem_shared>>
      tpu.enqueue_indirect_dma source(%dma_start3A_265 : memref<128xf32, #tpu.memory_space<vmem>>) target(%dma_start3A_270 : memref<655360xf32, #tpu.memory_space<vmem_shared>>) offsets(%dma_start3A_268 : memref<128xi32, #tpu.memory_space<vmem>>) semaphore(%arg24 : memref<!tpu.dma_semaphore, #tpu.memory_space<semaphore_mem>>) {add = true}
      %scan3A_271 = arith.constant 0 : i32
      %scan3A_272 = arith.constant 0 : i32
      %scan3A_273 = arith.constant 8 : i32
      %scan3A_274 = arith.addi %scan3A_272, %scan3A_273 : i32
      %scan3A_275 = arith.constant 1 : i32
      scf.for %scan3A_557 = %scan3A_272 to %scan3A_274 step %scan3A_275  : i32 {
        %mul3A_558 = arith.constant 16 : i32
        %mul3A_559 = arith.muli %scan3A_557, %mul3A_558 : i32
        %get3A = arith.constant 5 : i32
        %get3A_560 = arith.index_cast %get3A : i32 to index
        %get3A_561 = arith.index_cast %mul3A_559 : i32 to index
        %get3A_562 = tpu.vector_load %arg14[%get3A_560, %get3A_561] {strides = array<i32>} : memref<16x128xi32, #tpu.memory_space<vmem>>, vector<16xi32>,
        %mul3A_563 = arith.constant 16 : i32
        %mul3A_564 = arith.muli %scan3A_557, %mul3A_563 : i32
        %get3A_565 = arith.constant 5 : i32
        %get3A_566 = arith.index_cast %get3A_565 : i32 to index
        %get3A_567 = arith.index_cast %mul3A_564 : i32 to index
        %get3A_568 = tpu.vector_load %arg15[%get3A_566, %get3A_567] {strides = array<i32>} : memref<16x128xi32, #tpu.memory_space<vmem>>, vector<16xi32>,
        %gather3A = tpu.vector_load_idx %arg18[%get3A_568] : memref<10240xf32, #tpu.memory_space<vmem>>[vector<16xi32>], vector<16xf32>,
        %gather3A_569 = tpu.vector_load_idx %arg19[%get3A_568] : memref<10240xi32, #tpu.memory_space<vmem>>[vector<16xi32>], vector<16xi32>,
        %mul3A_570 = arith.constant 64 : i32
        %mul3A_571 = vector.broadcast %mul3A_570 : i32 to vector<16xi32>
        %mul3A_572 = arith.muli %get3A_562, %mul3A_571 : vector<16xi32>
        %add3A_573 = arith.addi %mul3A_572, %gather3A_569 : vector<16xi32>
        %mul3A_574 = arith.constant 16 : i32
        %mul3A_575 = arith.muli %scan3A_557, %mul3A_574 : i32
        %swap3A = arith.constant 5 : i32
        %swap3A_576 = arith.index_cast %swap3A : i32 to index
        %swap3A_577 = arith.index_cast %mul3A_575 : i32 to index
        %swap3A_578 = tpu.vector_load %arg16[%swap3A_576, %swap3A_577] {strides = array<i32>} : memref<16x128xi32, #tpu.memory_space<vmem>>, vector<16xi32>,
        tpu.vector_store %arg16[%swap3A_576, %swap3A_577], %add3A_573 {strides = array<i32>} : memref<16x128xi32, #tpu.memory_space<vmem>>, vector<16xi32>,
        %mul3A_579 = arith.constant 16 : i32
        %mul3A_580 = arith.muli %scan3A_557, %mul3A_579 : i32
        %swap3A_581 = arith.constant 5 : i32
        %swap3A_582 = arith.index_cast %swap3A_581 : i32 to index
        %swap3A_583 = arith.index_cast %mul3A_580 : i32 to index
        %swap3A_584 = tpu.vector_load %arg17[%swap3A_582, %swap3A_583] {strides = array<i32>} : memref<16x128xf32, #tpu.memory_space<vmem>>, vector<16xf32>,
        tpu.vector_store %arg17[%swap3A_582, %swap3A_583], %gather3A {strides = array<i32>} : memref<16x128xf32, #tpu.memory_space<vmem>>, vector<16xf32>,
      }
      %scan3A_276 = arith.constant 8 : i32
      %dma_wait3A_277 = arith.constant 5 : i32
      %dma_wait3A_278 = arith.constant 5 : i32
      %dma_wait3A_279 = arith.constant 0 : i32
      %dma_wait3A_280 = tpu.memref_slice %arg17[%dma_wait3A_277, %dma_wait3A_279] : memref<16x128xf32, #tpu.memory_space<vmem>> -> memref<1x128xf32, #tpu.memory_space<vmem>>
      %dma_wait3A_281 = tpu.memref_squeeze %dma_wait3A_280 : memref<1x128xf32, #tpu.memory_space<vmem>> -> memref<128xf32, #tpu.memory_space<vmem>>
      %dma_wait3A_282 = arith.constant 0 : i32
      %dma_wait3A_283 = tpu.memref_slice %arg16[%dma_wait3A_278, %dma_wait3A_282] : memref<16x128xi32, #tpu.memory_space<vmem>> -> memref<1x128xi32, #tpu.memory_space<vmem>>
      %dma_wait3A_284 = tpu.memref_squeeze %dma_wait3A_283 : memref<1x128xi32, #tpu.memory_space<vmem>> -> memref<128xi32, #tpu.memory_space<vmem>>
      %dma_wait3A_285 = arith.constant 0 : i32
      %dma_wait3A_286 = tpu.memref_slice %arg12[%dma_wait3A_285] : memref<655360xf32, #tpu.memory_space<vmem_shared>> -> memref<655360xf32, #tpu.memory_space<vmem_shared>>
      tpu.wait_indirect_dma semaphore(%arg25 : memref<!tpu.dma_semaphore, #tpu.memory_space<semaphore_mem>>) src(%dma_wait3A_281 : memref<128xf32, #tpu.memory_space<vmem>>) dst(%dma_wait3A_286 : memref<655360xf32, #tpu.memory_space<vmem_shared>>)
      %dma_start3A_287 = arith.constant 5 : i32
      %dma_start3A_288 = arith.constant 5 : i32
      %dma_start3A_289 = arith.constant 0 : i32
      %dma_start3A_290 = tpu.memref_slice %arg17[%dma_start3A_287, %dma_start3A_289] : memref<16x128xf32, #tpu.memory_space<vmem>> -> memref<1x128xf32, #tpu.memory_space<vmem>>
      %dma_start3A_291 = tpu.memref_squeeze %dma_start3A_290 : memref<1x128xf32, #tpu.memory_space<vmem>> -> memref<128xf32, #tpu.memory_space<vmem>>
      %dma_start3A_292 = arith.constant 0 : i32
      %dma_start3A_293 = tpu.memref_slice %arg16[%dma_start3A_288, %dma_start3A_292] : memref<16x128xi32, #tpu.memory_space<vmem>> -> memref<1x128xi32, #tpu.memory_space<vmem>>
      %dma_start3A_294 = tpu.memref_squeeze %dma_start3A_293 : memref<1x128xi32, #tpu.memory_space<vmem>> -> memref<128xi32, #tpu.memory_space<vmem>>
      %dma_start3A_295 = arith.constant 0 : i32
      %dma_start3A_296 = tpu.memref_slice %arg12[%dma_start3A_295] : memref<655360xf32, #tpu.memory_space<vmem_shared>> -> memref<655360xf32, #tpu.memory_space<vmem_shared>>
      tpu.enqueue_indirect_dma source(%dma_start3A_291 : memref<128xf32, #tpu.memory_space<vmem>>) target(%dma_start3A_296 : memref<655360xf32, #tpu.memory_space<vmem_shared>>) offsets(%dma_start3A_294 : memref<128xi32, #tpu.memory_space<vmem>>) semaphore(%arg25 : memref<!tpu.dma_semaphore, #tpu.memory_space<semaphore_mem>>) {add = true}
      %scan3A_297 = arith.constant 0 : i32
      %scan3A_298 = arith.constant 0 : i32
      %scan3A_299 = arith.constant 8 : i32
      %scan3A_300 = arith.addi %scan3A_298, %scan3A_299 : i32
      %scan3A_301 = arith.constant 1 : i32
      scf.for %scan3A_557 = %scan3A_298 to %scan3A_300 step %scan3A_301  : i32 {
        %mul3A_558 = arith.constant 16 : i32
        %mul3A_559 = arith.muli %scan3A_557, %mul3A_558 : i32
        %get3A = arith.constant 6 : i32
        %get3A_560 = arith.index_cast %get3A : i32 to index
        %get3A_561 = arith.index_cast %mul3A_559 : i32 to index
        %get3A_562 = tpu.vector_load %arg14[%get3A_560, %get3A_561] {strides = array<i32>} : memref<16x128xi32, #tpu.memory_space<vmem>>, vector<16xi32>,
        %mul3A_563 = arith.constant 16 : i32
        %mul3A_564 = arith.muli %scan3A_557, %mul3A_563 : i32
        %get3A_565 = arith.constant 6 : i32
        %get3A_566 = arith.index_cast %get3A_565 : i32 to index
        %get3A_567 = arith.index_cast %mul3A_564 : i32 to index
        %get3A_568 = tpu.vector_load %arg15[%get3A_566, %get3A_567] {strides = array<i32>} : memref<16x128xi32, #tpu.memory_space<vmem>>, vector<16xi32>,
        %gather3A = tpu.vector_load_idx %arg18[%get3A_568] : memref<10240xf32, #tpu.memory_space<vmem>>[vector<16xi32>], vector<16xf32>,
        %gather3A_569 = tpu.vector_load_idx %arg19[%get3A_568] : memref<10240xi32, #tpu.memory_space<vmem>>[vector<16xi32>], vector<16xi32>,
        %mul3A_570 = arith.constant 64 : i32
        %mul3A_571 = vector.broadcast %mul3A_570 : i32 to vector<16xi32>
        %mul3A_572 = arith.muli %get3A_562, %mul3A_571 : vector<16xi32>
        %add3A_573 = arith.addi %mul3A_572, %gather3A_569 : vector<16xi32>
        %mul3A_574 = arith.constant 16 : i32
        %mul3A_575 = arith.muli %scan3A_557, %mul3A_574 : i32
        %swap3A = arith.constant 6 : i32
        %swap3A_576 = arith.index_cast %swap3A : i32 to index
        %swap3A_577 = arith.index_cast %mul3A_575 : i32 to index
        %swap3A_578 = tpu.vector_load %arg16[%swap3A_576, %swap3A_577] {strides = array<i32>} : memref<16x128xi32, #tpu.memory_space<vmem>>, vector<16xi32>,
        tpu.vector_store %arg16[%swap3A_576, %swap3A_577], %add3A_573 {strides = array<i32>} : memref<16x128xi32, #tpu.memory_space<vmem>>, vector<16xi32>,
        %mul3A_579 = arith.constant 16 : i32
        %mul3A_580 = arith.muli %scan3A_557, %mul3A_579 : i32
        %swap3A_581 = arith.constant 6 : i32
        %swap3A_582 = arith.index_cast %swap3A_581 : i32 to index
        %swap3A_583 = arith.index_cast %mul3A_580 : i32 to index
        %swap3A_584 = tpu.vector_load %arg17[%swap3A_582, %swap3A_583] {strides = array<i32>} : memref<16x128xf32, #tpu.memory_space<vmem>>, vector<16xf32>,
        tpu.vector_store %arg17[%swap3A_582, %swap3A_583], %gather3A {strides = array<i32>} : memref<16x128xf32, #tpu.memory_space<vmem>>, vector<16xf32>,
      }
      %scan3A_302 = arith.constant 8 : i32
      %dma_wait3A_303 = arith.constant 6 : i32
      %dma_wait3A_304 = arith.constant 6 : i32
      %dma_wait3A_305 = arith.constant 0 : i32
      %dma_wait3A_306 = tpu.memref_slice %arg17[%dma_wait3A_303, %dma_wait3A_305] : memref<16x128xf32, #tpu.memory_space<vmem>> -> memref<1x128xf32, #tpu.memory_space<vmem>>
      %dma_wait3A_307 = tpu.memref_squeeze %dma_wait3A_306 : memref<1x128xf32, #tpu.memory_space<vmem>> -> memref<128xf32, #tpu.memory_space<vmem>>
      %dma_wait3A_308 = arith.constant 0 : i32
      %dma_wait3A_309 = tpu.memref_slice %arg16[%dma_wait3A_304, %dma_wait3A_308] : memref<16x128xi32, #tpu.memory_space<vmem>> -> memref<1x128xi32, #tpu.memory_space<vmem>>
      %dma_wait3A_310 = tpu.memref_squeeze %dma_wait3A_309 : memref<1x128xi32, #tpu.memory_space<vmem>> -> memref<128xi32, #tpu.memory_space<vmem>>
      %dma_wait3A_311 = arith.constant 0 : i32
      %dma_wait3A_312 = tpu.memref_slice %arg12[%dma_wait3A_311] : memref<655360xf32, #tpu.memory_space<vmem_shared>> -> memref<655360xf32, #tpu.memory_space<vmem_shared>>
      tpu.wait_indirect_dma semaphore(%arg24 : memref<!tpu.dma_semaphore, #tpu.memory_space<semaphore_mem>>) src(%dma_wait3A_307 : memref<128xf32, #tpu.memory_space<vmem>>) dst(%dma_wait3A_312 : memref<655360xf32, #tpu.memory_space<vmem_shared>>)
      %dma_start3A_313 = arith.constant 6 : i32
      %dma_start3A_314 = arith.constant 6 : i32
      %dma_start3A_315 = arith.constant 0 : i32
      %dma_start3A_316 = tpu.memref_slice %arg17[%dma_start3A_313, %dma_start3A_315] : memref<16x128xf32, #tpu.memory_space<vmem>> -> memref<1x128xf32, #tpu.memory_space<vmem>>
      %dma_start3A_317 = tpu.memref_squeeze %dma_start3A_316 : memref<1x128xf32, #tpu.memory_space<vmem>> -> memref<128xf32, #tpu.memory_space<vmem>>
      %dma_start3A_318 = arith.constant 0 : i32
      %dma_start3A_319 = tpu.memref_slice %arg16[%dma_start3A_314, %dma_start3A_318] : memref<16x128xi32, #tpu.memory_space<vmem>> -> memref<1x128xi32, #tpu.memory_space<vmem>>
      %dma_start3A_320 = tpu.memref_squeeze %dma_start3A_319 : memref<1x128xi32, #tpu.memory_space<vmem>> -> memref<128xi32, #tpu.memory_space<vmem>>
      %dma_start3A_321 = arith.constant 0 : i32
      %dma_start3A_322 = tpu.memref_slice %arg12[%dma_start3A_321] : memref<655360xf32, #tpu.memory_space<vmem_shared>> -> memref<655360xf32, #tpu.memory_space<vmem_shared>>
      tpu.enqueue_indirect_dma source(%dma_start3A_317 : memref<128xf32, #tpu.memory_space<vmem>>) target(%dma_start3A_322 : memref<655360xf32, #tpu.memory_space<vmem_shared>>) offsets(%dma_start3A_320 : memref<128xi32, #tpu.memory_space<vmem>>) semaphore(%arg24 : memref<!tpu.dma_semaphore, #tpu.memory_space<semaphore_mem>>) {add = true}
      %scan3A_323 = arith.constant 0 : i32
      %scan3A_324 = arith.constant 0 : i32
      %scan3A_325 = arith.constant 8 : i32
      %scan3A_326 = arith.addi %scan3A_324, %scan3A_325 : i32
      %scan3A_327 = arith.constant 1 : i32
      scf.for %scan3A_557 = %scan3A_324 to %scan3A_326 step %scan3A_327  : i32 {
        %mul3A_558 = arith.constant 16 : i32
        %mul3A_559 = arith.muli %scan3A_557, %mul3A_558 : i32
        %get3A = arith.constant 7 : i32
        %get3A_560 = arith.index_cast %get3A : i32 to index
        %get3A_561 = arith.index_cast %mul3A_559 : i32 to index
        %get3A_562 = tpu.vector_load %arg14[%get3A_560, %get3A_561] {strides = array<i32>} : memref<16x128xi32, #tpu.memory_space<vmem>>, vector<16xi32>,
        %mul3A_563 = arith.constant 16 : i32
        %mul3A_564 = arith.muli %scan3A_557, %mul3A_563 : i32
        %get3A_565 = arith.constant 7 : i32
        %get3A_566 = arith.index_cast %get3A_565 : i32 to index
        %get3A_567 = arith.index_cast %mul3A_564 : i32 to index
        %get3A_568 = tpu.vector_load %arg15[%get3A_566, %get3A_567] {strides = array<i32>} : memref<16x128xi32, #tpu.memory_space<vmem>>, vector<16xi32>,
        %gather3A = tpu.vector_load_idx %arg18[%get3A_568] : memref<10240xf32, #tpu.memory_space<vmem>>[vector<16xi32>], vector<16xf32>,
        %gather3A_569 = tpu.vector_load_idx %arg19[%get3A_568] : memref<10240xi32, #tpu.memory_space<vmem>>[vector<16xi32>], vector<16xi32>,
        %mul3A_570 = arith.constant 64 : i32
        %mul3A_571 = vector.broadcast %mul3A_570 : i32 to vector<16xi32>
        %mul3A_572 = arith.muli %get3A_562, %mul3A_571 : vector<16xi32>
        %add3A_573 = arith.addi %mul3A_572, %gather3A_569 : vector<16xi32>
        %mul3A_574 = arith.constant 16 : i32
        %mul3A_575 = arith.muli %scan3A_557, %mul3A_574 : i32
        %swap3A = arith.constant 7 : i32
        %swap3A_576 = arith.index_cast %swap3A : i32 to index
        %swap3A_577 = arith.index_cast %mul3A_575 : i32 to index
        %swap3A_578 = tpu.vector_load %arg16[%swap3A_576, %swap3A_577] {strides = array<i32>} : memref<16x128xi32, #tpu.memory_space<vmem>>, vector<16xi32>,
        tpu.vector_store %arg16[%swap3A_576, %swap3A_577], %add3A_573 {strides = array<i32>} : memref<16x128xi32, #tpu.memory_space<vmem>>, vector<16xi32>,
        %mul3A_579 = arith.constant 16 : i32
        %mul3A_580 = arith.muli %scan3A_557, %mul3A_579 : i32
        %swap3A_581 = arith.constant 7 : i32
        %swap3A_582 = arith.index_cast %swap3A_581 : i32 to index
        %swap3A_583 = arith.index_cast %mul3A_580 : i32 to index
        %swap3A_584 = tpu.vector_load %arg17[%swap3A_582, %swap3A_583] {strides = array<i32>} : memref<16x128xf32, #tpu.memory_space<vmem>>, vector<16xf32>,
        tpu.vector_store %arg17[%swap3A_582, %swap3A_583], %gather3A {strides = array<i32>} : memref<16x128xf32, #tpu.memory_space<vmem>>, vector<16xf32>,
      }
      %scan3A_328 = arith.constant 8 : i32
      %dma_wait3A_329 = arith.constant 7 : i32
      %dma_wait3A_330 = arith.constant 7 : i32
      %dma_wait3A_331 = arith.constant 0 : i32
      %dma_wait3A_332 = tpu.memref_slice %arg17[%dma_wait3A_329, %dma_wait3A_331] : memref<16x128xf32, #tpu.memory_space<vmem>> -> memref<1x128xf32, #tpu.memory_space<vmem>>
      %dma_wait3A_333 = tpu.memref_squeeze %dma_wait3A_332 : memref<1x128xf32, #tpu.memory_space<vmem>> -> memref<128xf32, #tpu.memory_space<vmem>>
      %dma_wait3A_334 = arith.constant 0 : i32
      %dma_wait3A_335 = tpu.memref_slice %arg16[%dma_wait3A_330, %dma_wait3A_334] : memref<16x128xi32, #tpu.memory_space<vmem>> -> memref<1x128xi32, #tpu.memory_space<vmem>>
      %dma_wait3A_336 = tpu.memref_squeeze %dma_wait3A_335 : memref<1x128xi32, #tpu.memory_space<vmem>> -> memref<128xi32, #tpu.memory_space<vmem>>
      %dma_wait3A_337 = arith.constant 0 : i32
      %dma_wait3A_338 = tpu.memref_slice %arg12[%dma_wait3A_337] : memref<655360xf32, #tpu.memory_space<vmem_shared>> -> memref<655360xf32, #tpu.memory_space<vmem_shared>>
      tpu.wait_indirect_dma semaphore(%arg25 : memref<!tpu.dma_semaphore, #tpu.memory_space<semaphore_mem>>) src(%dma_wait3A_333 : memref<128xf32, #tpu.memory_space<vmem>>) dst(%dma_wait3A_338 : memref<655360xf32, #tpu.memory_space<vmem_shared>>)
      %dma_start3A_339 = arith.constant 7 : i32
      %dma_start3A_340 = arith.constant 7 : i32
      %dma_start3A_341 = arith.constant 0 : i32
      %dma_start3A_342 = tpu.memref_slice %arg17[%dma_start3A_339, %dma_start3A_341] : memref<16x128xf32, #tpu.memory_space<vmem>> -> memref<1x128xf32, #tpu.memory_space<vmem>>
      %dma_start3A_343 = tpu.memref_squeeze %dma_start3A_342 : memref<1x128xf32, #tpu.memory_space<vmem>> -> memref<128xf32, #tpu.memory_space<vmem>>
      %dma_start3A_344 = arith.constant 0 : i32
      %dma_start3A_345 = tpu.memref_slice %arg16[%dma_start3A_340, %dma_start3A_344] : memref<16x128xi32, #tpu.memory_space<vmem>> -> memref<1x128xi32, #tpu.memory_space<vmem>>
      %dma_start3A_346 = tpu.memref_squeeze %dma_start3A_345 : memref<1x128xi32, #tpu.memory_space<vmem>> -> memref<128xi32, #tpu.memory_space<vmem>>
      %dma_start3A_347 = arith.constant 0 : i32
      %dma_start3A_348 = tpu.memref_slice %arg12[%dma_start3A_347] : memref<655360xf32, #tpu.memory_space<vmem_shared>> -> memref<655360xf32, #tpu.memory_space<vmem_shared>>
      tpu.enqueue_indirect_dma source(%dma_start3A_343 : memref<128xf32, #tpu.memory_space<vmem>>) target(%dma_start3A_348 : memref<655360xf32, #tpu.memory_space<vmem_shared>>) offsets(%dma_start3A_346 : memref<128xi32, #tpu.memory_space<vmem>>) semaphore(%arg25 : memref<!tpu.dma_semaphore, #tpu.memory_space<semaphore_mem>>) {add = true}
      %scan3A_349 = arith.constant 0 : i32
      %scan3A_350 = arith.constant 0 : i32
      %scan3A_351 = arith.constant 8 : i32
      %scan3A_352 = arith.addi %scan3A_350, %scan3A_351 : i32
      %scan3A_353 = arith.constant 1 : i32
      scf.for %scan3A_557 = %scan3A_350 to %scan3A_352 step %scan3A_353  : i32 {
        %mul3A_558 = arith.constant 16 : i32
        %mul3A_559 = arith.muli %scan3A_557, %mul3A_558 : i32
        %get3A = arith.constant 8 : i32
        %get3A_560 = arith.index_cast %get3A : i32 to index
        %get3A_561 = arith.index_cast %mul3A_559 : i32 to index
        %get3A_562 = tpu.vector_load %arg14[%get3A_560, %get3A_561] {strides = array<i32>} : memref<16x128xi32, #tpu.memory_space<vmem>>, vector<16xi32>,
        %mul3A_563 = arith.constant 16 : i32
        %mul3A_564 = arith.muli %scan3A_557, %mul3A_563 : i32
        %get3A_565 = arith.constant 8 : i32
        %get3A_566 = arith.index_cast %get3A_565 : i32 to index
        %get3A_567 = arith.index_cast %mul3A_564 : i32 to index
        %get3A_568 = tpu.vector_load %arg15[%get3A_566, %get3A_567] {strides = array<i32>} : memref<16x128xi32, #tpu.memory_space<vmem>>, vector<16xi32>,
        %gather3A = tpu.vector_load_idx %arg18[%get3A_568] : memref<10240xf32, #tpu.memory_space<vmem>>[vector<16xi32>], vector<16xf32>,
        %gather3A_569 = tpu.vector_load_idx %arg19[%get3A_568] : memref<10240xi32, #tpu.memory_space<vmem>>[vector<16xi32>], vector<16xi32>,
        %mul3A_570 = arith.constant 64 : i32
        %mul3A_571 = vector.broadcast %mul3A_570 : i32 to vector<16xi32>
        %mul3A_572 = arith.muli %get3A_562, %mul3A_571 : vector<16xi32>
        %add3A_573 = arith.addi %mul3A_572, %gather3A_569 : vector<16xi32>
        %mul3A_574 = arith.constant 16 : i32
        %mul3A_575 = arith.muli %scan3A_557, %mul3A_574 : i32
        %swap3A = arith.constant 8 : i32
        %swap3A_576 = arith.index_cast %swap3A : i32 to index
        %swap3A_577 = arith.index_cast %mul3A_575 : i32 to index
        %swap3A_578 = tpu.vector_load %arg16[%swap3A_576, %swap3A_577] {strides = array<i32>} : memref<16x128xi32, #tpu.memory_space<vmem>>, vector<16xi32>,
        tpu.vector_store %arg16[%swap3A_576, %swap3A_577], %add3A_573 {strides = array<i32>} : memref<16x128xi32, #tpu.memory_space<vmem>>, vector<16xi32>,
        %mul3A_579 = arith.constant 16 : i32
        %mul3A_580 = arith.muli %scan3A_557, %mul3A_579 : i32
        %swap3A_581 = arith.constant 8 : i32
        %swap3A_582 = arith.index_cast %swap3A_581 : i32 to index
        %swap3A_583 = arith.index_cast %mul3A_580 : i32 to index
        %swap3A_584 = tpu.vector_load %arg17[%swap3A_582, %swap3A_583] {strides = array<i32>} : memref<16x128xf32, #tpu.memory_space<vmem>>, vector<16xf32>,
        tpu.vector_store %arg17[%swap3A_582, %swap3A_583], %gather3A {strides = array<i32>} : memref<16x128xf32, #tpu.memory_space<vmem>>, vector<16xf32>,
      }
      %scan3A_354 = arith.constant 8 : i32
      %dma_wait3A_355 = arith.constant 8 : i32
      %dma_wait3A_356 = arith.constant 8 : i32
      %dma_wait3A_357 = arith.constant 0 : i32
      %dma_wait3A_358 = tpu.memref_slice %arg17[%dma_wait3A_355, %dma_wait3A_357] : memref<16x128xf32, #tpu.memory_space<vmem>> -> memref<1x128xf32, #tpu.memory_space<vmem>>
      %dma_wait3A_359 = tpu.memref_squeeze %dma_wait3A_358 : memref<1x128xf32, #tpu.memory_space<vmem>> -> memref<128xf32, #tpu.memory_space<vmem>>
      %dma_wait3A_360 = arith.constant 0 : i32
      %dma_wait3A_361 = tpu.memref_slice %arg16[%dma_wait3A_356, %dma_wait3A_360] : memref<16x128xi32, #tpu.memory_space<vmem>> -> memref<1x128xi32, #tpu.memory_space<vmem>>
      %dma_wait3A_362 = tpu.memref_squeeze %dma_wait3A_361 : memref<1x128xi32, #tpu.memory_space<vmem>> -> memref<128xi32, #tpu.memory_space<vmem>>
      %dma_wait3A_363 = arith.constant 0 : i32
      %dma_wait3A_364 = tpu.memref_slice %arg12[%dma_wait3A_363] : memref<655360xf32, #tpu.memory_space<vmem_shared>> -> memref<655360xf32, #tpu.memory_space<vmem_shared>>
      tpu.wait_indirect_dma semaphore(%arg24 : memref<!tpu.dma_semaphore, #tpu.memory_space<semaphore_mem>>) src(%dma_wait3A_359 : memref<128xf32, #tpu.memory_space<vmem>>) dst(%dma_wait3A_364 : memref<655360xf32, #tpu.memory_space<vmem_shared>>)
      %dma_start3A_365 = arith.constant 8 : i32
      %dma_start3A_366 = arith.constant 8 : i32
      %dma_start3A_367 = arith.constant 0 : i32
      %dma_start3A_368 = tpu.memref_slice %arg17[%dma_start3A_365, %dma_start3A_367] : memref<16x128xf32, #tpu.memory_space<vmem>> -> memref<1x128xf32, #tpu.memory_space<vmem>>
      %dma_start3A_369 = tpu.memref_squeeze %dma_start3A_368 : memref<1x128xf32, #tpu.memory_space<vmem>> -> memref<128xf32, #tpu.memory_space<vmem>>
      %dma_start3A_370 = arith.constant 0 : i32
      %dma_start3A_371 = tpu.memref_slice %arg16[%dma_start3A_366, %dma_start3A_370] : memref<16x128xi32, #tpu.memory_space<vmem>> -> memref<1x128xi32, #tpu.memory_space<vmem>>
      %dma_start3A_372 = tpu.memref_squeeze %dma_start3A_371 : memref<1x128xi32, #tpu.memory_space<vmem>> -> memref<128xi32, #tpu.memory_space<vmem>>
      %dma_start3A_373 = arith.constant 0 : i32
      %dma_start3A_374 = tpu.memref_slice %arg12[%dma_start3A_373] : memref<655360xf32, #tpu.memory_space<vmem_shared>> -> memref<655360xf32, #tpu.memory_space<vmem_shared>>
      tpu.enqueue_indirect_dma source(%dma_start3A_369 : memref<128xf32, #tpu.memory_space<vmem>>) target(%dma_start3A_374 : memref<655360xf32, #tpu.memory_space<vmem_shared>>) offsets(%dma_start3A_372 : memref<128xi32, #tpu.memory_space<vmem>>) semaphore(%arg24 : memref<!tpu.dma_semaphore, #tpu.memory_space<semaphore_mem>>) {add = true}
      %scan3A_375 = arith.constant 0 : i32
      %scan3A_376 = arith.constant 0 : i32
      %scan3A_377 = arith.constant 8 : i32
      %scan3A_378 = arith.addi %scan3A_376, %scan3A_377 : i32
      %scan3A_379 = arith.constant 1 : i32
      scf.for %scan3A_557 = %scan3A_376 to %scan3A_378 step %scan3A_379  : i32 {
        %mul3A_558 = arith.constant 16 : i32
        %mul3A_559 = arith.muli %scan3A_557, %mul3A_558 : i32
        %get3A = arith.constant 9 : i32
        %get3A_560 = arith.index_cast %get3A : i32 to index
        %get3A_561 = arith.index_cast %mul3A_559 : i32 to index
        %get3A_562 = tpu.vector_load %arg14[%get3A_560, %get3A_561] {strides = array<i32>} : memref<16x128xi32, #tpu.memory_space<vmem>>, vector<16xi32>,
        %mul3A_563 = arith.constant 16 : i32
        %mul3A_564 = arith.muli %scan3A_557, %mul3A_563 : i32
        %get3A_565 = arith.constant 9 : i32
        %get3A_566 = arith.index_cast %get3A_565 : i32 to index
        %get3A_567 = arith.index_cast %mul3A_564 : i32 to index
        %get3A_568 = tpu.vector_load %arg15[%get3A_566, %get3A_567] {strides = array<i32>} : memref<16x128xi32, #tpu.memory_space<vmem>>, vector<16xi32>,
        %gather3A = tpu.vector_load_idx %arg18[%get3A_568] : memref<10240xf32, #tpu.memory_space<vmem>>[vector<16xi32>], vector<16xf32>,
        %gather3A_569 = tpu.vector_load_idx %arg19[%get3A_568] : memref<10240xi32, #tpu.memory_space<vmem>>[vector<16xi32>], vector<16xi32>,
        %mul3A_570 = arith.constant 64 : i32
        %mul3A_571 = vector.broadcast %mul3A_570 : i32 to vector<16xi32>
        %mul3A_572 = arith.muli %get3A_562, %mul3A_571 : vector<16xi32>
        %add3A_573 = arith.addi %mul3A_572, %gather3A_569 : vector<16xi32>
        %mul3A_574 = arith.constant 16 : i32
        %mul3A_575 = arith.muli %scan3A_557, %mul3A_574 : i32
        %swap3A = arith.constant 9 : i32
        %swap3A_576 = arith.index_cast %swap3A : i32 to index
        %swap3A_577 = arith.index_cast %mul3A_575 : i32 to index
        %swap3A_578 = tpu.vector_load %arg16[%swap3A_576, %swap3A_577] {strides = array<i32>} : memref<16x128xi32, #tpu.memory_space<vmem>>, vector<16xi32>,
        tpu.vector_store %arg16[%swap3A_576, %swap3A_577], %add3A_573 {strides = array<i32>} : memref<16x128xi32, #tpu.memory_space<vmem>>, vector<16xi32>,
        %mul3A_579 = arith.constant 16 : i32
        %mul3A_580 = arith.muli %scan3A_557, %mul3A_579 : i32
        %swap3A_581 = arith.constant 9 : i32
        %swap3A_582 = arith.index_cast %swap3A_581 : i32 to index
        %swap3A_583 = arith.index_cast %mul3A_580 : i32 to index
        %swap3A_584 = tpu.vector_load %arg17[%swap3A_582, %swap3A_583] {strides = array<i32>} : memref<16x128xf32, #tpu.memory_space<vmem>>, vector<16xf32>,
        tpu.vector_store %arg17[%swap3A_582, %swap3A_583], %gather3A {strides = array<i32>} : memref<16x128xf32, #tpu.memory_space<vmem>>, vector<16xf32>,
      }
      %scan3A_380 = arith.constant 8 : i32
      %dma_wait3A_381 = arith.constant 9 : i32
      %dma_wait3A_382 = arith.constant 9 : i32
      %dma_wait3A_383 = arith.constant 0 : i32
      %dma_wait3A_384 = tpu.memref_slice %arg17[%dma_wait3A_381, %dma_wait3A_383] : memref<16x128xf32, #tpu.memory_space<vmem>> -> memref<1x128xf32, #tpu.memory_space<vmem>>
      %dma_wait3A_385 = tpu.memref_squeeze %dma_wait3A_384 : memref<1x128xf32, #tpu.memory_space<vmem>> -> memref<128xf32, #tpu.memory_space<vmem>>
      %dma_wait3A_386 = arith.constant 0 : i32
      %dma_wait3A_387 = tpu.memref_slice %arg16[%dma_wait3A_382, %dma_wait3A_386] : memref<16x128xi32, #tpu.memory_space<vmem>> -> memref<1x128xi32, #tpu.memory_space<vmem>>
      %dma_wait3A_388 = tpu.memref_squeeze %dma_wait3A_387 : memref<1x128xi32, #tpu.memory_space<vmem>> -> memref<128xi32, #tpu.memory_space<vmem>>
      %dma_wait3A_389 = arith.constant 0 : i32
      %dma_wait3A_390 = tpu.memref_slice %arg12[%dma_wait3A_389] : memref<655360xf32, #tpu.memory_space<vmem_shared>> -> memref<655360xf32, #tpu.memory_space<vmem_shared>>
      tpu.wait_indirect_dma semaphore(%arg25 : memref<!tpu.dma_semaphore, #tpu.memory_space<semaphore_mem>>) src(%dma_wait3A_385 : memref<128xf32, #tpu.memory_space<vmem>>) dst(%dma_wait3A_390 : memref<655360xf32, #tpu.memory_space<vmem_shared>>)
      %dma_start3A_391 = arith.constant 9 : i32
      %dma_start3A_392 = arith.constant 9 : i32
      %dma_start3A_393 = arith.constant 0 : i32
      %dma_start3A_394 = tpu.memref_slice %arg17[%dma_start3A_391, %dma_start3A_393] : memref<16x128xf32, #tpu.memory_space<vmem>> -> memref<1x128xf32, #tpu.memory_space<vmem>>
      %dma_start3A_395 = tpu.memref_squeeze %dma_start3A_394 : memref<1x128xf32, #tpu.memory_space<vmem>> -> memref<128xf32, #tpu.memory_space<vmem>>
      %dma_start3A_396 = arith.constant 0 : i32
      %dma_start3A_397 = tpu.memref_slice %arg16[%dma_start3A_392, %dma_start3A_396] : memref<16x128xi32, #tpu.memory_space<vmem>> -> memref<1x128xi32, #tpu.memory_space<vmem>>
      %dma_start3A_398 = tpu.memref_squeeze %dma_start3A_397 : memref<1x128xi32, #tpu.memory_space<vmem>> -> memref<128xi32, #tpu.memory_space<vmem>>
      %dma_start3A_399 = arith.constant 0 : i32
      %dma_start3A_400 = tpu.memref_slice %arg12[%dma_start3A_399] : memref<655360xf32, #tpu.memory_space<vmem_shared>> -> memref<655360xf32, #tpu.memory_space<vmem_shared>>
      tpu.enqueue_indirect_dma source(%dma_start3A_395 : memref<128xf32, #tpu.memory_space<vmem>>) target(%dma_start3A_400 : memref<655360xf32, #tpu.memory_space<vmem_shared>>) offsets(%dma_start3A_398 : memref<128xi32, #tpu.memory_space<vmem>>) semaphore(%arg25 : memref<!tpu.dma_semaphore, #tpu.memory_space<semaphore_mem>>) {add = true}
      %scan3A_401 = arith.constant 0 : i32
      %scan3A_402 = arith.constant 0 : i32
      %scan3A_403 = arith.constant 8 : i32
      %scan3A_404 = arith.addi %scan3A_402, %scan3A_403 : i32
      %scan3A_405 = arith.constant 1 : i32
      scf.for %scan3A_557 = %scan3A_402 to %scan3A_404 step %scan3A_405  : i32 {
        %mul3A_558 = arith.constant 16 : i32
        %mul3A_559 = arith.muli %scan3A_557, %mul3A_558 : i32
        %get3A = arith.constant 10 : i32
        %get3A_560 = arith.index_cast %get3A : i32 to index
        %get3A_561 = arith.index_cast %mul3A_559 : i32 to index
        %get3A_562 = tpu.vector_load %arg14[%get3A_560, %get3A_561] {strides = array<i32>} : memref<16x128xi32, #tpu.memory_space<vmem>>, vector<16xi32>,
        %mul3A_563 = arith.constant 16 : i32
        %mul3A_564 = arith.muli %scan3A_557, %mul3A_563 : i32
        %get3A_565 = arith.constant 10 : i32
        %get3A_566 = arith.index_cast %get3A_565 : i32 to index
        %get3A_567 = arith.index_cast %mul3A_564 : i32 to index
        %get3A_568 = tpu.vector_load %arg15[%get3A_566, %get3A_567] {strides = array<i32>} : memref<16x128xi32, #tpu.memory_space<vmem>>, vector<16xi32>,
        %gather3A = tpu.vector_load_idx %arg18[%get3A_568] : memref<10240xf32, #tpu.memory_space<vmem>>[vector<16xi32>], vector<16xf32>,
        %gather3A_569 = tpu.vector_load_idx %arg19[%get3A_568] : memref<10240xi32, #tpu.memory_space<vmem>>[vector<16xi32>], vector<16xi32>,
        %mul3A_570 = arith.constant 64 : i32
        %mul3A_571 = vector.broadcast %mul3A_570 : i32 to vector<16xi32>
        %mul3A_572 = arith.muli %get3A_562, %mul3A_571 : vector<16xi32>
        %add3A_573 = arith.addi %mul3A_572, %gather3A_569 : vector<16xi32>
        %mul3A_574 = arith.constant 16 : i32
        %mul3A_575 = arith.muli %scan3A_557, %mul3A_574 : i32
        %swap3A = arith.constant 10 : i32
        %swap3A_576 = arith.index_cast %swap3A : i32 to index
        %swap3A_577 = arith.index_cast %mul3A_575 : i32 to index
        %swap3A_578 = tpu.vector_load %arg16[%swap3A_576, %swap3A_577] {strides = array<i32>} : memref<16x128xi32, #tpu.memory_space<vmem>>, vector<16xi32>,
        tpu.vector_store %arg16[%swap3A_576, %swap3A_577], %add3A_573 {strides = array<i32>} : memref<16x128xi32, #tpu.memory_space<vmem>>, vector<16xi32>,
        %mul3A_579 = arith.constant 16 : i32
        %mul3A_580 = arith.muli %scan3A_557, %mul3A_579 : i32
        %swap3A_581 = arith.constant 10 : i32
        %swap3A_582 = arith.index_cast %swap3A_581 : i32 to index
        %swap3A_583 = arith.index_cast %mul3A_580 : i32 to index
        %swap3A_584 = tpu.vector_load %arg17[%swap3A_582, %swap3A_583] {strides = array<i32>} : memref<16x128xf32, #tpu.memory_space<vmem>>, vector<16xf32>,
        tpu.vector_store %arg17[%swap3A_582, %swap3A_583], %gather3A {strides = array<i32>} : memref<16x128xf32, #tpu.memory_space<vmem>>, vector<16xf32>,
      }
      %scan3A_406 = arith.constant 8 : i32
      %dma_wait3A_407 = arith.constant 10 : i32
      %dma_wait3A_408 = arith.constant 10 : i32
      %dma_wait3A_409 = arith.constant 0 : i32
      %dma_wait3A_410 = tpu.memref_slice %arg17[%dma_wait3A_407, %dma_wait3A_409] : memref<16x128xf32, #tpu.memory_space<vmem>> -> memref<1x128xf32, #tpu.memory_space<vmem>>
      %dma_wait3A_411 = tpu.memref_squeeze %dma_wait3A_410 : memref<1x128xf32, #tpu.memory_space<vmem>> -> memref<128xf32, #tpu.memory_space<vmem>>
      %dma_wait3A_412 = arith.constant 0 : i32
      %dma_wait3A_413 = tpu.memref_slice %arg16[%dma_wait3A_408, %dma_wait3A_412] : memref<16x128xi32, #tpu.memory_space<vmem>> -> memref<1x128xi32, #tpu.memory_space<vmem>>
      %dma_wait3A_414 = tpu.memref_squeeze %dma_wait3A_413 : memref<1x128xi32, #tpu.memory_space<vmem>> -> memref<128xi32, #tpu.memory_space<vmem>>
      %dma_wait3A_415 = arith.constant 0 : i32
      %dma_wait3A_416 = tpu.memref_slice %arg12[%dma_wait3A_415] : memref<655360xf32, #tpu.memory_space<vmem_shared>> -> memref<655360xf32, #tpu.memory_space<vmem_shared>>
      tpu.wait_indirect_dma semaphore(%arg24 : memref<!tpu.dma_semaphore, #tpu.memory_space<semaphore_mem>>) src(%dma_wait3A_411 : memref<128xf32, #tpu.memory_space<vmem>>) dst(%dma_wait3A_416 : memref<655360xf32, #tpu.memory_space<vmem_shared>>)
      %dma_start3A_417 = arith.constant 10 : i32
      %dma_start3A_418 = arith.constant 10 : i32
      %dma_start3A_419 = arith.constant 0 : i32
      %dma_start3A_420 = tpu.memref_slice %arg17[%dma_start3A_417, %dma_start3A_419] : memref<16x128xf32, #tpu.memory_space<vmem>> -> memref<1x128xf32, #tpu.memory_space<vmem>>
      %dma_start3A_421 = tpu.memref_squeeze %dma_start3A_420 : memref<1x128xf32, #tpu.memory_space<vmem>> -> memref<128xf32, #tpu.memory_space<vmem>>
      %dma_start3A_422 = arith.constant 0 : i32
      %dma_start3A_423 = tpu.memref_slice %arg16[%dma_start3A_418, %dma_start3A_422] : memref<16x128xi32, #tpu.memory_space<vmem>> -> memref<1x128xi32, #tpu.memory_space<vmem>>
      %dma_start3A_424 = tpu.memref_squeeze %dma_start3A_423 : memref<1x128xi32, #tpu.memory_space<vmem>> -> memref<128xi32, #tpu.memory_space<vmem>>
      %dma_start3A_425 = arith.constant 0 : i32
      %dma_start3A_426 = tpu.memref_slice %arg12[%dma_start3A_425] : memref<655360xf32, #tpu.memory_space<vmem_shared>> -> memref<655360xf32, #tpu.memory_space<vmem_shared>>
      tpu.enqueue_indirect_dma source(%dma_start3A_421 : memref<128xf32, #tpu.memory_space<vmem>>) target(%dma_start3A_426 : memref<655360xf32, #tpu.memory_space<vmem_shared>>) offsets(%dma_start3A_424 : memref<128xi32, #tpu.memory_space<vmem>>) semaphore(%arg24 : memref<!tpu.dma_semaphore, #tpu.memory_space<semaphore_mem>>) {add = true}
      %scan3A_427 = arith.constant 0 : i32
      %scan3A_428 = arith.constant 0 : i32
      %scan3A_429 = arith.constant 8 : i32
      %scan3A_430 = arith.addi %scan3A_428, %scan3A_429 : i32
      %scan3A_431 = arith.constant 1 : i32
      scf.for %scan3A_557 = %scan3A_428 to %scan3A_430 step %scan3A_431  : i32 {
        %mul3A_558 = arith.constant 16 : i32
        %mul3A_559 = arith.muli %scan3A_557, %mul3A_558 : i32
        %get3A = arith.constant 11 : i32
        %get3A_560 = arith.index_cast %get3A : i32 to index
        %get3A_561 = arith.index_cast %mul3A_559 : i32 to index
        %get3A_562 = tpu.vector_load %arg14[%get3A_560, %get3A_561] {strides = array<i32>} : memref<16x128xi32, #tpu.memory_space<vmem>>, vector<16xi32>,
        %mul3A_563 = arith.constant 16 : i32
        %mul3A_564 = arith.muli %scan3A_557, %mul3A_563 : i32
        %get3A_565 = arith.constant 11 : i32
        %get3A_566 = arith.index_cast %get3A_565 : i32 to index
        %get3A_567 = arith.index_cast %mul3A_564 : i32 to index
        %get3A_568 = tpu.vector_load %arg15[%get3A_566, %get3A_567] {strides = array<i32>} : memref<16x128xi32, #tpu.memory_space<vmem>>, vector<16xi32>,
        %gather3A = tpu.vector_load_idx %arg18[%get3A_568] : memref<10240xf32, #tpu.memory_space<vmem>>[vector<16xi32>], vector<16xf32>,
        %gather3A_569 = tpu.vector_load_idx %arg19[%get3A_568] : memref<10240xi32, #tpu.memory_space<vmem>>[vector<16xi32>], vector<16xi32>,
        %mul3A_570 = arith.constant 64 : i32
        %mul3A_571 = vector.broadcast %mul3A_570 : i32 to vector<16xi32>
        %mul3A_572 = arith.muli %get3A_562, %mul3A_571 : vector<16xi32>
        %add3A_573 = arith.addi %mul3A_572, %gather3A_569 : vector<16xi32>
        %mul3A_574 = arith.constant 16 : i32
        %mul3A_575 = arith.muli %scan3A_557, %mul3A_574 : i32
        %swap3A = arith.constant 11 : i32
        %swap3A_576 = arith.index_cast %swap3A : i32 to index
        %swap3A_577 = arith.index_cast %mul3A_575 : i32 to index
        %swap3A_578 = tpu.vector_load %arg16[%swap3A_576, %swap3A_577] {strides = array<i32>} : memref<16x128xi32, #tpu.memory_space<vmem>>, vector<16xi32>,
        tpu.vector_store %arg16[%swap3A_576, %swap3A_577], %add3A_573 {strides = array<i32>} : memref<16x128xi32, #tpu.memory_space<vmem>>, vector<16xi32>,
        %mul3A_579 = arith.constant 16 : i32
        %mul3A_580 = arith.muli %scan3A_557, %mul3A_579 : i32
        %swap3A_581 = arith.constant 11 : i32
        %swap3A_582 = arith.index_cast %swap3A_581 : i32 to index
        %swap3A_583 = arith.index_cast %mul3A_580 : i32 to index
        %swap3A_584 = tpu.vector_load %arg17[%swap3A_582, %swap3A_583] {strides = array<i32>} : memref<16x128xf32, #tpu.memory_space<vmem>>, vector<16xf32>,
        tpu.vector_store %arg17[%swap3A_582, %swap3A_583], %gather3A {strides = array<i32>} : memref<16x128xf32, #tpu.memory_space<vmem>>, vector<16xf32>,
      }
      %scan3A_432 = arith.constant 8 : i32
      %dma_wait3A_433 = arith.constant 11 : i32
      %dma_wait3A_434 = arith.constant 11 : i32
      %dma_wait3A_435 = arith.constant 0 : i32
      %dma_wait3A_436 = tpu.memref_slice %arg17[%dma_wait3A_433, %dma_wait3A_435] : memref<16x128xf32, #tpu.memory_space<vmem>> -> memref<1x128xf32, #tpu.memory_space<vmem>>
      %dma_wait3A_437 = tpu.memref_squeeze %dma_wait3A_436 : memref<1x128xf32, #tpu.memory_space<vmem>> -> memref<128xf32, #tpu.memory_space<vmem>>
      %dma_wait3A_438 = arith.constant 0 : i32
      %dma_wait3A_439 = tpu.memref_slice %arg16[%dma_wait3A_434, %dma_wait3A_438] : memref<16x128xi32, #tpu.memory_space<vmem>> -> memref<1x128xi32, #tpu.memory_space<vmem>>
      %dma_wait3A_440 = tpu.memref_squeeze %dma_wait3A_439 : memref<1x128xi32, #tpu.memory_space<vmem>> -> memref<128xi32, #tpu.memory_space<vmem>>
      %dma_wait3A_441 = arith.constant 0 : i32
      %dma_wait3A_442 = tpu.memref_slice %arg12[%dma_wait3A_441] : memref<655360xf32, #tpu.memory_space<vmem_shared>> -> memref<655360xf32, #tpu.memory_space<vmem_shared>>
      tpu.wait_indirect_dma semaphore(%arg25 : memref<!tpu.dma_semaphore, #tpu.memory_space<semaphore_mem>>) src(%dma_wait3A_437 : memref<128xf32, #tpu.memory_space<vmem>>) dst(%dma_wait3A_442 : memref<655360xf32, #tpu.memory_space<vmem_shared>>)
      %dma_start3A_443 = arith.constant 11 : i32
      %dma_start3A_444 = arith.constant 11 : i32
      %dma_start3A_445 = arith.constant 0 : i32
      %dma_start3A_446 = tpu.memref_slice %arg17[%dma_start3A_443, %dma_start3A_445] : memref<16x128xf32, #tpu.memory_space<vmem>> -> memref<1x128xf32, #tpu.memory_space<vmem>>
      %dma_start3A_447 = tpu.memref_squeeze %dma_start3A_446 : memref<1x128xf32, #tpu.memory_space<vmem>> -> memref<128xf32, #tpu.memory_space<vmem>>
      %dma_start3A_448 = arith.constant 0 : i32
      %dma_start3A_449 = tpu.memref_slice %arg16[%dma_start3A_444, %dma_start3A_448] : memref<16x128xi32, #tpu.memory_space<vmem>> -> memref<1x128xi32, #tpu.memory_space<vmem>>
      %dma_start3A_450 = tpu.memref_squeeze %dma_start3A_449 : memref<1x128xi32, #tpu.memory_space<vmem>> -> memref<128xi32, #tpu.memory_space<vmem>>
      %dma_start3A_451 = arith.constant 0 : i32
      %dma_start3A_452 = tpu.memref_slice %arg12[%dma_start3A_451] : memref<655360xf32, #tpu.memory_space<vmem_shared>> -> memref<655360xf32, #tpu.memory_space<vmem_shared>>
      tpu.enqueue_indirect_dma source(%dma_start3A_447 : memref<128xf32, #tpu.memory_space<vmem>>) target(%dma_start3A_452 : memref<655360xf32, #tpu.memory_space<vmem_shared>>) offsets(%dma_start3A_450 : memref<128xi32, #tpu.memory_space<vmem>>) semaphore(%arg25 : memref<!tpu.dma_semaphore, #tpu.memory_space<semaphore_mem>>) {add = true}
      %scan3A_453 = arith.constant 0 : i32
      %scan3A_454 = arith.constant 0 : i32
      %scan3A_455 = arith.constant 8 : i32
      %scan3A_456 = arith.addi %scan3A_454, %scan3A_455 : i32
      %scan3A_457 = arith.constant 1 : i32
      scf.for %scan3A_557 = %scan3A_454 to %scan3A_456 step %scan3A_457  : i32 {
        %mul3A_558 = arith.constant 16 : i32
        %mul3A_559 = arith.muli %scan3A_557, %mul3A_558 : i32
        %get3A = arith.constant 12 : i32
        %get3A_560 = arith.index_cast %get3A : i32 to index
        %get3A_561 = arith.index_cast %mul3A_559 : i32 to index
        %get3A_562 = tpu.vector_load %arg14[%get3A_560, %get3A_561] {strides = array<i32>} : memref<16x128xi32, #tpu.memory_space<vmem>>, vector<16xi32>,
        %mul3A_563 = arith.constant 16 : i32
        %mul3A_564 = arith.muli %scan3A_557, %mul3A_563 : i32
        %get3A_565 = arith.constant 12 : i32
        %get3A_566 = arith.index_cast %get3A_565 : i32 to index
        %get3A_567 = arith.index_cast %mul3A_564 : i32 to index
        %get3A_568 = tpu.vector_load %arg15[%get3A_566, %get3A_567] {strides = array<i32>} : memref<16x128xi32, #tpu.memory_space<vmem>>, vector<16xi32>,
        %gather3A = tpu.vector_load_idx %arg18[%get3A_568] : memref<10240xf32, #tpu.memory_space<vmem>>[vector<16xi32>], vector<16xf32>,
        %gather3A_569 = tpu.vector_load_idx %arg19[%get3A_568] : memref<10240xi32, #tpu.memory_space<vmem>>[vector<16xi32>], vector<16xi32>,
        %mul3A_570 = arith.constant 64 : i32
        %mul3A_571 = vector.broadcast %mul3A_570 : i32 to vector<16xi32>
        %mul3A_572 = arith.muli %get3A_562, %mul3A_571 : vector<16xi32>
        %add3A_573 = arith.addi %mul3A_572, %gather3A_569 : vector<16xi32>
        %mul3A_574 = arith.constant 16 : i32
        %mul3A_575 = arith.muli %scan3A_557, %mul3A_574 : i32
        %swap3A = arith.constant 12 : i32
        %swap3A_576 = arith.index_cast %swap3A : i32 to index
        %swap3A_577 = arith.index_cast %mul3A_575 : i32 to index
        %swap3A_578 = tpu.vector_load %arg16[%swap3A_576, %swap3A_577] {strides = array<i32>} : memref<16x128xi32, #tpu.memory_space<vmem>>, vector<16xi32>,
        tpu.vector_store %arg16[%swap3A_576, %swap3A_577], %add3A_573 {strides = array<i32>} : memref<16x128xi32, #tpu.memory_space<vmem>>, vector<16xi32>,
        %mul3A_579 = arith.constant 16 : i32
        %mul3A_580 = arith.muli %scan3A_557, %mul3A_579 : i32
        %swap3A_581 = arith.constant 12 : i32
        %swap3A_582 = arith.index_cast %swap3A_581 : i32 to index
        %swap3A_583 = arith.index_cast %mul3A_580 : i32 to index
        %swap3A_584 = tpu.vector_load %arg17[%swap3A_582, %swap3A_583] {strides = array<i32>} : memref<16x128xf32, #tpu.memory_space<vmem>>, vector<16xf32>,
        tpu.vector_store %arg17[%swap3A_582, %swap3A_583], %gather3A {strides = array<i32>} : memref<16x128xf32, #tpu.memory_space<vmem>>, vector<16xf32>,
      }
      %scan3A_458 = arith.constant 8 : i32
      %dma_wait3A_459 = arith.constant 12 : i32
      %dma_wait3A_460 = arith.constant 12 : i32
      %dma_wait3A_461 = arith.constant 0 : i32
      %dma_wait3A_462 = tpu.memref_slice %arg17[%dma_wait3A_459, %dma_wait3A_461] : memref<16x128xf32, #tpu.memory_space<vmem>> -> memref<1x128xf32, #tpu.memory_space<vmem>>
      %dma_wait3A_463 = tpu.memref_squeeze %dma_wait3A_462 : memref<1x128xf32, #tpu.memory_space<vmem>> -> memref<128xf32, #tpu.memory_space<vmem>>
      %dma_wait3A_464 = arith.constant 0 : i32
      %dma_wait3A_465 = tpu.memref_slice %arg16[%dma_wait3A_460, %dma_wait3A_464] : memref<16x128xi32, #tpu.memory_space<vmem>> -> memref<1x128xi32, #tpu.memory_space<vmem>>
      %dma_wait3A_466 = tpu.memref_squeeze %dma_wait3A_465 : memref<1x128xi32, #tpu.memory_space<vmem>> -> memref<128xi32, #tpu.memory_space<vmem>>
      %dma_wait3A_467 = arith.constant 0 : i32
      %dma_wait3A_468 = tpu.memref_slice %arg12[%dma_wait3A_467] : memref<655360xf32, #tpu.memory_space<vmem_shared>> -> memref<655360xf32, #tpu.memory_space<vmem_shared>>
      tpu.wait_indirect_dma semaphore(%arg24 : memref<!tpu.dma_semaphore, #tpu.memory_space<semaphore_mem>>) src(%dma_wait3A_463 : memref<128xf32, #tpu.memory_space<vmem>>) dst(%dma_wait3A_468 : memref<655360xf32, #tpu.memory_space<vmem_shared>>)
      %dma_start3A_469 = arith.constant 12 : i32
      %dma_start3A_470 = arith.constant 12 : i32
      %dma_start3A_471 = arith.constant 0 : i32
      %dma_start3A_472 = tpu.memref_slice %arg17[%dma_start3A_469, %dma_start3A_471] : memref<16x128xf32, #tpu.memory_space<vmem>> -> memref<1x128xf32, #tpu.memory_space<vmem>>
      %dma_start3A_473 = tpu.memref_squeeze %dma_start3A_472 : memref<1x128xf32, #tpu.memory_space<vmem>> -> memref<128xf32, #tpu.memory_space<vmem>>
      %dma_start3A_474 = arith.constant 0 : i32
      %dma_start3A_475 = tpu.memref_slice %arg16[%dma_start3A_470, %dma_start3A_474] : memref<16x128xi32, #tpu.memory_space<vmem>> -> memref<1x128xi32, #tpu.memory_space<vmem>>
      %dma_start3A_476 = tpu.memref_squeeze %dma_start3A_475 : memref<1x128xi32, #tpu.memory_space<vmem>> -> memref<128xi32, #tpu.memory_space<vmem>>
      %dma_start3A_477 = arith.constant 0 : i32
      %dma_start3A_478 = tpu.memref_slice %arg12[%dma_start3A_477] : memref<655360xf32, #tpu.memory_space<vmem_shared>> -> memref<655360xf32, #tpu.memory_space<vmem_shared>>
      tpu.enqueue_indirect_dma source(%dma_start3A_473 : memref<128xf32, #tpu.memory_space<vmem>>) target(%dma_start3A_478 : memref<655360xf32, #tpu.memory_space<vmem_shared>>) offsets(%dma_start3A_476 : memref<128xi32, #tpu.memory_space<vmem>>) semaphore(%arg24 : memref<!tpu.dma_semaphore, #tpu.memory_space<semaphore_mem>>) {add = true}
      %scan3A_479 = arith.constant 0 : i32
      %scan3A_480 = arith.constant 0 : i32
      %scan3A_481 = arith.constant 8 : i32
      %scan3A_482 = arith.addi %scan3A_480, %scan3A_481 : i32
      %scan3A_483 = arith.constant 1 : i32
      scf.for %scan3A_557 = %scan3A_480 to %scan3A_482 step %scan3A_483  : i32 {
        %mul3A_558 = arith.constant 16 : i32
        %mul3A_559 = arith.muli %scan3A_557, %mul3A_558 : i32
        %get3A = arith.constant 13 : i32
        %get3A_560 = arith.index_cast %get3A : i32 to index
        %get3A_561 = arith.index_cast %mul3A_559 : i32 to index
        %get3A_562 = tpu.vector_load %arg14[%get3A_560, %get3A_561] {strides = array<i32>} : memref<16x128xi32, #tpu.memory_space<vmem>>, vector<16xi32>,
        %mul3A_563 = arith.constant 16 : i32
        %mul3A_564 = arith.muli %scan3A_557, %mul3A_563 : i32
        %get3A_565 = arith.constant 13 : i32
        %get3A_566 = arith.index_cast %get3A_565 : i32 to index
        %get3A_567 = arith.index_cast %mul3A_564 : i32 to index
        %get3A_568 = tpu.vector_load %arg15[%get3A_566, %get3A_567] {strides = array<i32>} : memref<16x128xi32, #tpu.memory_space<vmem>>, vector<16xi32>,
        %gather3A = tpu.vector_load_idx %arg18[%get3A_568] : memref<10240xf32, #tpu.memory_space<vmem>>[vector<16xi32>], vector<16xf32>,
        %gather3A_569 = tpu.vector_load_idx %arg19[%get3A_568] : memref<10240xi32, #tpu.memory_space<vmem>>[vector<16xi32>], vector<16xi32>,
        %mul3A_570 = arith.constant 64 : i32
        %mul3A_571 = vector.broadcast %mul3A_570 : i32 to vector<16xi32>
        %mul3A_572 = arith.muli %get3A_562, %mul3A_571 : vector<16xi32>
        %add3A_573 = arith.addi %mul3A_572, %gather3A_569 : vector<16xi32>
        %mul3A_574 = arith.constant 16 : i32
        %mul3A_575 = arith.muli %scan3A_557, %mul3A_574 : i32
        %swap3A = arith.constant 13 : i32
        %swap3A_576 = arith.index_cast %swap3A : i32 to index
        %swap3A_577 = arith.index_cast %mul3A_575 : i32 to index
        %swap3A_578 = tpu.vector_load %arg16[%swap3A_576, %swap3A_577] {strides = array<i32>} : memref<16x128xi32, #tpu.memory_space<vmem>>, vector<16xi32>,
        tpu.vector_store %arg16[%swap3A_576, %swap3A_577], %add3A_573 {strides = array<i32>} : memref<16x128xi32, #tpu.memory_space<vmem>>, vector<16xi32>,
        %mul3A_579 = arith.constant 16 : i32
        %mul3A_580 = arith.muli %scan3A_557, %mul3A_579 : i32
        %swap3A_581 = arith.constant 13 : i32
        %swap3A_582 = arith.index_cast %swap3A_581 : i32 to index
        %swap3A_583 = arith.index_cast %mul3A_580 : i32 to index
        %swap3A_584 = tpu.vector_load %arg17[%swap3A_582, %swap3A_583] {strides = array<i32>} : memref<16x128xf32, #tpu.memory_space<vmem>>, vector<16xf32>,
        tpu.vector_store %arg17[%swap3A_582, %swap3A_583], %gather3A {strides = array<i32>} : memref<16x128xf32, #tpu.memory_space<vmem>>, vector<16xf32>,
      }
      %scan3A_484 = arith.constant 8 : i32
      %dma_wait3A_485 = arith.constant 13 : i32
      %dma_wait3A_486 = arith.constant 13 : i32
      %dma_wait3A_487 = arith.constant 0 : i32
      %dma_wait3A_488 = tpu.memref_slice %arg17[%dma_wait3A_485, %dma_wait3A_487] : memref<16x128xf32, #tpu.memory_space<vmem>> -> memref<1x128xf32, #tpu.memory_space<vmem>>
      %dma_wait3A_489 = tpu.memref_squeeze %dma_wait3A_488 : memref<1x128xf32, #tpu.memory_space<vmem>> -> memref<128xf32, #tpu.memory_space<vmem>>
      %dma_wait3A_490 = arith.constant 0 : i32
      %dma_wait3A_491 = tpu.memref_slice %arg16[%dma_wait3A_486, %dma_wait3A_490] : memref<16x128xi32, #tpu.memory_space<vmem>> -> memref<1x128xi32, #tpu.memory_space<vmem>>
      %dma_wait3A_492 = tpu.memref_squeeze %dma_wait3A_491 : memref<1x128xi32, #tpu.memory_space<vmem>> -> memref<128xi32, #tpu.memory_space<vmem>>
      %dma_wait3A_493 = arith.constant 0 : i32
      %dma_wait3A_494 = tpu.memref_slice %arg12[%dma_wait3A_493] : memref<655360xf32, #tpu.memory_space<vmem_shared>> -> memref<655360xf32, #tpu.memory_space<vmem_shared>>
      tpu.wait_indirect_dma semaphore(%arg25 : memref<!tpu.dma_semaphore, #tpu.memory_space<semaphore_mem>>) src(%dma_wait3A_489 : memref<128xf32, #tpu.memory_space<vmem>>) dst(%dma_wait3A_494 : memref<655360xf32, #tpu.memory_space<vmem_shared>>)
      %dma_start3A_495 = arith.constant 13 : i32
      %dma_start3A_496 = arith.constant 13 : i32
      %dma_start3A_497 = arith.constant 0 : i32
      %dma_start3A_498 = tpu.memref_slice %arg17[%dma_start3A_495, %dma_start3A_497] : memref<16x128xf32, #tpu.memory_space<vmem>> -> memref<1x128xf32, #tpu.memory_space<vmem>>
      %dma_start3A_499 = tpu.memref_squeeze %dma_start3A_498 : memref<1x128xf32, #tpu.memory_space<vmem>> -> memref<128xf32, #tpu.memory_space<vmem>>
      %dma_start3A_500 = arith.constant 0 : i32
      %dma_start3A_501 = tpu.memref_slice %arg16[%dma_start3A_496, %dma_start3A_500] : memref<16x128xi32, #tpu.memory_space<vmem>> -> memref<1x128xi32, #tpu.memory_space<vmem>>
      %dma_start3A_502 = tpu.memref_squeeze %dma_start3A_501 : memref<1x128xi32, #tpu.memory_space<vmem>> -> memref<128xi32, #tpu.memory_space<vmem>>
      %dma_start3A_503 = arith.constant 0 : i32
      %dma_start3A_504 = tpu.memref_slice %arg12[%dma_start3A_503] : memref<655360xf32, #tpu.memory_space<vmem_shared>> -> memref<655360xf32, #tpu.memory_space<vmem_shared>>
      tpu.enqueue_indirect_dma source(%dma_start3A_499 : memref<128xf32, #tpu.memory_space<vmem>>) target(%dma_start3A_504 : memref<655360xf32, #tpu.memory_space<vmem_shared>>) offsets(%dma_start3A_502 : memref<128xi32, #tpu.memory_space<vmem>>) semaphore(%arg25 : memref<!tpu.dma_semaphore, #tpu.memory_space<semaphore_mem>>) {add = true}
      %scan3A_505 = arith.constant 0 : i32
      %scan3A_506 = arith.constant 0 : i32
      %scan3A_507 = arith.constant 8 : i32
      %scan3A_508 = arith.addi %scan3A_506, %scan3A_507 : i32
      %scan3A_509 = arith.constant 1 : i32
      scf.for %scan3A_557 = %scan3A_506 to %scan3A_508 step %scan3A_509  : i32 {
        %mul3A_558 = arith.constant 16 : i32
        %mul3A_559 = arith.muli %scan3A_557, %mul3A_558 : i32
        %get3A = arith.constant 14 : i32
        %get3A_560 = arith.index_cast %get3A : i32 to index
        %get3A_561 = arith.index_cast %mul3A_559 : i32 to index
        %get3A_562 = tpu.vector_load %arg14[%get3A_560, %get3A_561] {strides = array<i32>} : memref<16x128xi32, #tpu.memory_space<vmem>>, vector<16xi32>,
        %mul3A_563 = arith.constant 16 : i32
        %mul3A_564 = arith.muli %scan3A_557, %mul3A_563 : i32
        %get3A_565 = arith.constant 14 : i32
        %get3A_566 = arith.index_cast %get3A_565 : i32 to index
        %get3A_567 = arith.index_cast %mul3A_564 : i32 to index
        %get3A_568 = tpu.vector_load %arg15[%get3A_566, %get3A_567] {strides = array<i32>} : memref<16x128xi32, #tpu.memory_space<vmem>>, vector<16xi32>,
        %gather3A = tpu.vector_load_idx %arg18[%get3A_568] : memref<10240xf32, #tpu.memory_space<vmem>>[vector<16xi32>], vector<16xf32>,
        %gather3A_569 = tpu.vector_load_idx %arg19[%get3A_568] : memref<10240xi32, #tpu.memory_space<vmem>>[vector<16xi32>], vector<16xi32>,
        %mul3A_570 = arith.constant 64 : i32
        %mul3A_571 = vector.broadcast %mul3A_570 : i32 to vector<16xi32>
        %mul3A_572 = arith.muli %get3A_562, %mul3A_571 : vector<16xi32>
        %add3A_573 = arith.addi %mul3A_572, %gather3A_569 : vector<16xi32>
        %mul3A_574 = arith.constant 16 : i32
        %mul3A_575 = arith.muli %scan3A_557, %mul3A_574 : i32
        %swap3A = arith.constant 14 : i32
        %swap3A_576 = arith.index_cast %swap3A : i32 to index
        %swap3A_577 = arith.index_cast %mul3A_575 : i32 to index
        %swap3A_578 = tpu.vector_load %arg16[%swap3A_576, %swap3A_577] {strides = array<i32>} : memref<16x128xi32, #tpu.memory_space<vmem>>, vector<16xi32>,
        tpu.vector_store %arg16[%swap3A_576, %swap3A_577], %add3A_573 {strides = array<i32>} : memref<16x128xi32, #tpu.memory_space<vmem>>, vector<16xi32>,
        %mul3A_579 = arith.constant 16 : i32
        %mul3A_580 = arith.muli %scan3A_557, %mul3A_579 : i32
        %swap3A_581 = arith.constant 14 : i32
        %swap3A_582 = arith.index_cast %swap3A_581 : i32 to index
        %swap3A_583 = arith.index_cast %mul3A_580 : i32 to index
        %swap3A_584 = tpu.vector_load %arg17[%swap3A_582, %swap3A_583] {strides = array<i32>} : memref<16x128xf32, #tpu.memory_space<vmem>>, vector<16xf32>,
        tpu.vector_store %arg17[%swap3A_582, %swap3A_583], %gather3A {strides = array<i32>} : memref<16x128xf32, #tpu.memory_space<vmem>>, vector<16xf32>,
      }
      %scan3A_510 = arith.constant 8 : i32
      %dma_wait3A_511 = arith.constant 14 : i32
      %dma_wait3A_512 = arith.constant 14 : i32
      %dma_wait3A_513 = arith.constant 0 : i32
      %dma_wait3A_514 = tpu.memref_slice %arg17[%dma_wait3A_511, %dma_wait3A_513] : memref<16x128xf32, #tpu.memory_space<vmem>> -> memref<1x128xf32, #tpu.memory_space<vmem>>
      %dma_wait3A_515 = tpu.memref_squeeze %dma_wait3A_514 : memref<1x128xf32, #tpu.memory_space<vmem>> -> memref<128xf32, #tpu.memory_space<vmem>>
      %dma_wait3A_516 = arith.constant 0 : i32
      %dma_wait3A_517 = tpu.memref_slice %arg16[%dma_wait3A_512, %dma_wait3A_516] : memref<16x128xi32, #tpu.memory_space<vmem>> -> memref<1x128xi32, #tpu.memory_space<vmem>>
      %dma_wait3A_518 = tpu.memref_squeeze %dma_wait3A_517 : memref<1x128xi32, #tpu.memory_space<vmem>> -> memref<128xi32, #tpu.memory_space<vmem>>
      %dma_wait3A_519 = arith.constant 0 : i32
      %dma_wait3A_520 = tpu.memref_slice %arg12[%dma_wait3A_519] : memref<655360xf32, #tpu.memory_space<vmem_shared>> -> memref<655360xf32, #tpu.memory_space<vmem_shared>>
      tpu.wait_indirect_dma semaphore(%arg24 : memref<!tpu.dma_semaphore, #tpu.memory_space<semaphore_mem>>) src(%dma_wait3A_515 : memref<128xf32, #tpu.memory_space<vmem>>) dst(%dma_wait3A_520 : memref<655360xf32, #tpu.memory_space<vmem_shared>>)
      %dma_start3A_521 = arith.constant 14 : i32
      %dma_start3A_522 = arith.constant 14 : i32
      %dma_start3A_523 = arith.constant 0 : i32
      %dma_start3A_524 = tpu.memref_slice %arg17[%dma_start3A_521, %dma_start3A_523] : memref<16x128xf32, #tpu.memory_space<vmem>> -> memref<1x128xf32, #tpu.memory_space<vmem>>
      %dma_start3A_525 = tpu.memref_squeeze %dma_start3A_524 : memref<1x128xf32, #tpu.memory_space<vmem>> -> memref<128xf32, #tpu.memory_space<vmem>>
      %dma_start3A_526 = arith.constant 0 : i32
      %dma_start3A_527 = tpu.memref_slice %arg16[%dma_start3A_522, %dma_start3A_526] : memref<16x128xi32, #tpu.memory_space<vmem>> -> memref<1x128xi32, #tpu.memory_space<vmem>>
      %dma_start3A_528 = tpu.memref_squeeze %dma_start3A_527 : memref<1x128xi32, #tpu.memory_space<vmem>> -> memref<128xi32, #tpu.memory_space<vmem>>
      %dma_start3A_529 = arith.constant 0 : i32
      %dma_start3A_530 = tpu.memref_slice %arg12[%dma_start3A_529] : memref<655360xf32, #tpu.memory_space<vmem_shared>> -> memref<655360xf32, #tpu.memory_space<vmem_shared>>
      tpu.enqueue_indirect_dma source(%dma_start3A_525 : memref<128xf32, #tpu.memory_space<vmem>>) target(%dma_start3A_530 : memref<655360xf32, #tpu.memory_space<vmem_shared>>) offsets(%dma_start3A_528 : memref<128xi32, #tpu.memory_space<vmem>>) semaphore(%arg24 : memref<!tpu.dma_semaphore, #tpu.memory_space<semaphore_mem>>) {add = true}
      %scan3A_531 = arith.constant 0 : i32
      %scan3A_532 = arith.constant 0 : i32
      %scan3A_533 = arith.constant 8 : i32
      %scan3A_534 = arith.addi %scan3A_532, %scan3A_533 : i32
      %scan3A_535 = arith.constant 1 : i32
      scf.for %scan3A_557 = %scan3A_532 to %scan3A_534 step %scan3A_535  : i32 {
        %mul3A_558 = arith.constant 16 : i32
        %mul3A_559 = arith.muli %scan3A_557, %mul3A_558 : i32
        %get3A = arith.constant 15 : i32
        %get3A_560 = arith.index_cast %get3A : i32 to index
        %get3A_561 = arith.index_cast %mul3A_559 : i32 to index
        %get3A_562 = tpu.vector_load %arg14[%get3A_560, %get3A_561] {strides = array<i32>} : memref<16x128xi32, #tpu.memory_space<vmem>>, vector<16xi32>,
        %mul3A_563 = arith.constant 16 : i32
        %mul3A_564 = arith.muli %scan3A_557, %mul3A_563 : i32
        %get3A_565 = arith.constant 15 : i32
        %get3A_566 = arith.index_cast %get3A_565 : i32 to index
        %get3A_567 = arith.index_cast %mul3A_564 : i32 to index
        %get3A_568 = tpu.vector_load %arg15[%get3A_566, %get3A_567] {strides = array<i32>} : memref<16x128xi32, #tpu.memory_space<vmem>>, vector<16xi32>,
        %gather3A = tpu.vector_load_idx %arg18[%get3A_568] : memref<10240xf32, #tpu.memory_space<vmem>>[vector<16xi32>], vector<16xf32>,
        %gather3A_569 = tpu.vector_load_idx %arg19[%get3A_568] : memref<10240xi32, #tpu.memory_space<vmem>>[vector<16xi32>], vector<16xi32>,
        %mul3A_570 = arith.constant 64 : i32
        %mul3A_571 = vector.broadcast %mul3A_570 : i32 to vector<16xi32>
        %mul3A_572 = arith.muli %get3A_562, %mul3A_571 : vector<16xi32>
        %add3A_573 = arith.addi %mul3A_572, %gather3A_569 : vector<16xi32>
        %mul3A_574 = arith.constant 16 : i32
        %mul3A_575 = arith.muli %scan3A_557, %mul3A_574 : i32
        %swap3A = arith.constant 15 : i32
        %swap3A_576 = arith.index_cast %swap3A : i32 to index
        %swap3A_577 = arith.index_cast %mul3A_575 : i32 to index
        %swap3A_578 = tpu.vector_load %arg16[%swap3A_576, %swap3A_577] {strides = array<i32>} : memref<16x128xi32, #tpu.memory_space<vmem>>, vector<16xi32>,
        tpu.vector_store %arg16[%swap3A_576, %swap3A_577], %add3A_573 {strides = array<i32>} : memref<16x128xi32, #tpu.memory_space<vmem>>, vector<16xi32>,
        %mul3A_579 = arith.constant 16 : i32
        %mul3A_580 = arith.muli %scan3A_557, %mul3A_579 : i32
        %swap3A_581 = arith.constant 15 : i32
        %swap3A_582 = arith.index_cast %swap3A_581 : i32 to index
        %swap3A_583 = arith.index_cast %mul3A_580 : i32 to index
        %swap3A_584 = tpu.vector_load %arg17[%swap3A_582, %swap3A_583] {strides = array<i32>} : memref<16x128xf32, #tpu.memory_space<vmem>>, vector<16xf32>,
        tpu.vector_store %arg17[%swap3A_582, %swap3A_583], %gather3A {strides = array<i32>} : memref<16x128xf32, #tpu.memory_space<vmem>>, vector<16xf32>,
      }
      %scan3A_536 = arith.constant 8 : i32
      %dma_wait3A_537 = arith.constant 15 : i32
      %dma_wait3A_538 = arith.constant 15 : i32
      %dma_wait3A_539 = arith.constant 0 : i32
      %dma_wait3A_540 = tpu.memref_slice %arg17[%dma_wait3A_537, %dma_wait3A_539] : memref<16x128xf32, #tpu.memory_space<vmem>> -> memref<1x128xf32, #tpu.memory_space<vmem>>
      %dma_wait3A_541 = tpu.memref_squeeze %dma_wait3A_540 : memref<1x128xf32, #tpu.memory_space<vmem>> -> memref<128xf32, #tpu.memory_space<vmem>>
      %dma_wait3A_542 = arith.constant 0 : i32
      %dma_wait3A_543 = tpu.memref_slice %arg16[%dma_wait3A_538, %dma_wait3A_542] : memref<16x128xi32, #tpu.memory_space<vmem>> -> memref<1x128xi32, #tpu.memory_space<vmem>>
      %dma_wait3A_544 = tpu.memref_squeeze %dma_wait3A_543 : memref<1x128xi32, #tpu.memory_space<vmem>> -> memref<128xi32, #tpu.memory_space<vmem>>
      %dma_wait3A_545 = arith.constant 0 : i32
      %dma_wait3A_546 = tpu.memref_slice %arg12[%dma_wait3A_545] : memref<655360xf32, #tpu.memory_space<vmem_shared>> -> memref<655360xf32, #tpu.memory_space<vmem_shared>>
      tpu.wait_indirect_dma semaphore(%arg25 : memref<!tpu.dma_semaphore, #tpu.memory_space<semaphore_mem>>) src(%dma_wait3A_541 : memref<128xf32, #tpu.memory_space<vmem>>) dst(%dma_wait3A_546 : memref<655360xf32, #tpu.memory_space<vmem_shared>>)
      %dma_start3A_547 = arith.constant 15 : i32
      %dma_start3A_548 = arith.constant 15 : i32
      %dma_start3A_549 = arith.constant 0 : i32
      %dma_start3A_550 = tpu.memref_slice %arg17[%dma_start3A_547, %dma_start3A_549] : memref<16x128xf32, #tpu.memory_space<vmem>> -> memref<1x128xf32, #tpu.memory_space<vmem>>
      %dma_start3A_551 = tpu.memref_squeeze %dma_start3A_550 : memref<1x128xf32, #tpu.memory_space<vmem>> -> memref<128xf32, #tpu.memory_space<vmem>>
      %dma_start3A_552 = arith.constant 0 : i32
      %dma_start3A_553 = tpu.memref_slice %arg16[%dma_start3A_548, %dma_start3A_552] : memref<16x128xi32, #tpu.memory_space<vmem>> -> memref<1x128xi32, #tpu.memory_space<vmem>>
      %dma_start3A_554 = tpu.memref_squeeze %dma_start3A_553 : memref<1x128xi32, #tpu.memory_space<vmem>> -> memref<128xi32, #tpu.memory_space<vmem>>
      %dma_start3A_555 = arith.constant 0 : i32
      %dma_start3A_556 = tpu.memref_slice %arg12[%dma_start3A_555] : memref<655360xf32, #tpu.memory_space<vmem_shared>> -> memref<655360xf32, #tpu.memory_space<vmem_shared>>
      tpu.enqueue_indirect_dma source(%dma_start3A_551 : memref<128xf32, #tpu.memory_space<vmem>>) target(%dma_start3A_556 : memref<655360xf32, #tpu.memory_space<vmem_shared>>) offsets(%dma_start3A_554 : memref<128xi32, #tpu.memory_space<vmem>>) semaphore(%arg25 : memref<!tpu.dma_semaphore, #tpu.memory_space<semaphore_mem>>) {add = true}
    }
    %scan3A_92 = arith.constant 5 : i32
    %dma_wait3A_93 = arith.constant 0 : i32
    %dma_wait3A_94 = arith.constant 0 : i32
    %dma_wait3A_95 = arith.constant 0 : i32
    %dma_wait3A_96 = tpu.memref_slice %arg17[%dma_wait3A_93, %dma_wait3A_95] : memref<16x128xf32, #tpu.memory_space<vmem>> -> memref<1x128xf32, #tpu.memory_space<vmem>>
    %dma_wait3A_97 = tpu.memref_squeeze %dma_wait3A_96 : memref<1x128xf32, #tpu.memory_space<vmem>> -> memref<128xf32, #tpu.memory_space<vmem>>
    %dma_wait3A_98 = arith.constant 0 : i32
    %dma_wait3A_99 = tpu.memref_slice %arg16[%dma_wait3A_94, %dma_wait3A_98] : memref<16x128xi32, #tpu.memory_space<vmem>> -> memref<1x128xi32, #tpu.memory_space<vmem>>
    %dma_wait3A_100 = tpu.memref_squeeze %dma_wait3A_99 : memref<1x128xi32, #tpu.memory_space<vmem>> -> memref<128xi32, #tpu.memory_space<vmem>>
    %dma_wait3A_101 = arith.constant 0 : i32
    %dma_wait3A_102 = tpu.memref_slice %arg12[%dma_wait3A_101] : memref<655360xf32, #tpu.memory_space<vmem_shared>> -> memref<655360xf32, #tpu.memory_space<vmem_shared>>
    tpu.wait_indirect_dma semaphore(%arg24 : memref<!tpu.dma_semaphore, #tpu.memory_space<semaphore_mem>>) src(%dma_wait3A_97 : memref<128xf32, #tpu.memory_space<vmem>>) dst(%dma_wait3A_102 : memref<655360xf32, #tpu.memory_space<vmem_shared>>)
    %dma_wait3A_103 = arith.constant 1 : i32
    %dma_wait3A_104 = arith.constant 1 : i32
    %dma_wait3A_105 = arith.constant 0 : i32
    %dma_wait3A_106 = tpu.memref_slice %arg17[%dma_wait3A_103, %dma_wait3A_105] : memref<16x128xf32, #tpu.memory_space<vmem>> -> memref<1x128xf32, #tpu.memory_space<vmem>>
    %dma_wait3A_107 = tpu.memref_squeeze %dma_wait3A_106 : memref<1x128xf32, #tpu.memory_space<vmem>> -> memref<128xf32, #tpu.memory_space<vmem>>
    %dma_wait3A_108 = arith.constant 0 : i32
    %dma_wait3A_109 = tpu.memref_slice %arg16[%dma_wait3A_104, %dma_wait3A_108] : memref<16x128xi32, #tpu.memory_space<vmem>> -> memref<1x128xi32, #tpu.memory_space<vmem>>
    %dma_wait3A_110 = tpu.memref_squeeze %dma_wait3A_109 : memref<1x128xi32, #tpu.memory_space<vmem>> -> memref<128xi32, #tpu.memory_space<vmem>>
    %dma_wait3A_111 = arith.constant 0 : i32
    %dma_wait3A_112 = tpu.memref_slice %arg12[%dma_wait3A_111] : memref<655360xf32, #tpu.memory_space<vmem_shared>> -> memref<655360xf32, #tpu.memory_space<vmem_shared>>
    tpu.wait_indirect_dma semaphore(%arg25 : memref<!tpu.dma_semaphore, #tpu.memory_space<semaphore_mem>>) src(%dma_wait3A_107 : memref<128xf32, #tpu.memory_space<vmem>>) dst(%dma_wait3A_112 : memref<655360xf32, #tpu.memory_space<vmem_shared>>)
    %scan3A_113 = arith.constant 0 : i32
    %scan3A_114 = arith.constant 0 : i32
    %scan3A_115 = arith.constant 24 : i32
    %scan3A_116 = arith.addi %scan3A_114, %scan3A_115 : i32
    %scan3A_117 = arith.constant 1 : i32
    scf.for %scan3A_147 = %scan3A_114 to %scan3A_116 step %scan3A_117  : i32 {
      %mul3A_148 = arith.constant 16 : i32
      %mul3A_149 = arith.muli %scan3A_147, %mul3A_148 : i32
      %add3A_150 = vector.broadcast %mul3A_149 : i32 to vector<16xi32>
      %add3A_151 = arith.addi %add3A_150, %iota3A : vector<16xi32>
      %add3A_152 = vector.broadcast %mul3A_2 : i32 to vector<16xi32>
      %add3A_153 = arith.addi %add3A_152, %add3A_151 : vector<16xi32>
      %min3A = arith.constant 10239 : i32
      %min3A_154 = vector.broadcast %min3A : i32 to vector<16xi32>
      %min3A_155 = arith.minsi %add3A_153, %min3A_154 : vector<16xi32>
      %lt3A = arith.constant 320 : i32
      %lt3A_156 = vector.broadcast %lt3A : i32 to vector<16xi32>
      %lt3A_157 = arith.cmpi slt, %add3A_151, %lt3A_156 : vector<16xi32>
      %gather3A = tpu.vector_load_idx %arg18[%min3A_155] : memref<10240xf32, #tpu.memory_space<vmem>>[vector<16xi32>], vector<16xf32>,
      %gather3A_158 = tpu.vector_load_idx %arg19[%min3A_155] : memref<10240xi32, #tpu.memory_space<vmem>>[vector<16xi32>], vector<16xi32>,
      %jit3A = arith.constant 8 : i32
      %div3A = arith.divsi %scan3A_147, %jit3A : i32
      %sign3A = arith.constant 0 : i32
      %sign3A_159 = arith.cmpi sgt, %scan3A_147, %sign3A : i32
      %sign3A_160 = arith.extui %sign3A_159 : i1 to i32
      %sign3A_161 = arith.constant 0 : i32
      %sign3A_162 = arith.cmpi slt, %scan3A_147, %sign3A_161 : i32
      %sign3A_163 = arith.extui %sign3A_162 : i1 to i32
      %sign3A_164 = arith.subi %sign3A_160, %sign3A_163 : i32
      %sign3A_165 = arith.constant 0 : i32
      %sign3A_166 = arith.cmpi sgt, %jit3A, %sign3A_165 : i32
      %sign3A_167 = arith.extui %sign3A_166 : i1 to i32
      %sign3A_168 = arith.constant 0 : i32
      %sign3A_169 = arith.cmpi slt, %jit3A, %sign3A_168 : i32
      %sign3A_170 = arith.extui %sign3A_169 : i1 to i32
      %sign3A_171 = arith.subi %sign3A_167, %sign3A_170 : i32
      %ne3A = arith.cmpi ne, %sign3A_164, %sign3A_171 : i32
      %rem3A = arith.remsi %scan3A_147, %jit3A : i32
      %ne3A_172 = arith.constant 0 : i32
      %ne3A_173 = arith.cmpi ne, %rem3A, %ne3A_172 : i32
      %and3A = arith.andi %ne3A, %ne3A_173 : i1
      %sub3A = arith.constant 1 : i32
      %sub3A_174 = arith.subi %div3A, %sub3A : i32
      %select_n3A = arith.select %and3A, %sub3A_174, %div3A : i32
      %jit3A_175 = arith.constant 8 : i32
      %eq3A_176 = arith.constant 0 : i32
      %eq3A_177 = arith.cmpi eq, %jit3A_175, %eq3A_176 : i32
      %jit3A_178 = arith.constant 1 : i32
      %select_n3A_179 = arith.select %eq3A_177, %jit3A_178, %jit3A_175 : i32
      %rem3A_180 = arith.remsi %scan3A_147, %select_n3A_179 : i32
      %ne3A_181 = arith.constant 0 : i32
      %ne3A_182 = arith.cmpi ne, %rem3A_180, %ne3A_181 : i32
      %lt3A_183 = arith.constant 0 : i32
      %lt3A_184 = arith.cmpi slt, %rem3A_180, %lt3A_183 : i32
      %lt3A_185 = arith.constant 0 : i32
      %lt3A_186 = arith.cmpi slt, %select_n3A_179, %lt3A_185 : i32
      %ne3A_187 = arith.xori %lt3A_184, %lt3A_186 : i1
      %and3A_188 = arith.andi %ne3A_187, %ne3A_182 : i1
      %add3A_189 = arith.addi %rem3A_180, %select_n3A_179 : i32
      %select_n3A_190 = arith.select %and3A_188, %add3A_189, %rem3A_180 : i32
      %mul3A_191 = arith.constant 16 : i32
      %mul3A_192 = arith.muli %select_n3A_190, %mul3A_191 : i32
      %mul3A_193 = arith.constant 64 : i32
      %mul3A_194 = vector.broadcast %mul3A_193 : i32 to vector<16xi32>
      %mul3A_195 = arith.muli %min3A_155, %mul3A_194 : vector<16xi32>
      %add3A_196 = arith.addi %mul3A_195, %gather3A_158 : vector<16xi32>
      %swap3A = arith.index_cast %select_n3A : i32 to index
      %swap3A_197 = arith.index_cast %mul3A_192 : i32 to index
      %swap3A_198 = tpu.vector_load %arg16[%swap3A, %swap3A_197] {strides = array<i32>} : memref<16x128xi32, #tpu.memory_space<vmem>>, vector<16xi32>,
      tpu.vector_store %arg16[%swap3A, %swap3A_197], %add3A_196 {strides = array<i32>} : memref<16x128xi32, #tpu.memory_space<vmem>>, vector<16xi32>,
      %jit3A_199 = arith.constant 0.000000e+00 : f32
      %broadcast_in_dim3A_200 = vector.broadcast %jit3A_199 : f32 to vector<16xf32>
      %select_n3A_201 = arith.select %lt3A_157, %gather3A, %broadcast_in_dim3A_200 : vector<16xi1>, vector<16xf32>
      %swap3A_202 = arith.index_cast %select_n3A : i32 to index
      %swap3A_203 = arith.index_cast %mul3A_192 : i32 to index
      %swap3A_204 = tpu.vector_load %arg17[%swap3A_202, %swap3A_203] {strides = array<i32>} : memref<16x128xf32, #tpu.memory_space<vmem>>, vector<16xf32>,
      tpu.vector_store %arg17[%swap3A_202, %swap3A_203], %select_n3A_201 {strides = array<i32>} : memref<16x128xf32, #tpu.memory_space<vmem>>, vector<16xf32>,
    }
    %scan3A_118 = arith.constant 24 : i32
    %scan3A_119 = arith.constant 0 : i32
    %scan3A_120 = arith.constant 0 : i32
    %scan3A_121 = arith.constant 3 : i32
    %scan3A_122 = arith.addi %scan3A_120, %scan3A_121 : i32
    %scan3A_123 = arith.constant 1 : i32
    scf.for %scan3A_147 = %scan3A_120 to %scan3A_122 step %scan3A_123  : i32 {
      "tpu.region"() ({
        %run_scoped3A = tpu.sem_alloc : memref<!tpu.dma_semaphore, #tpu.memory_space<semaphore_mem>>
        %dma_start3A = arith.constant 0 : i32
        %dma_start3A_148 = tpu.memref_slice %arg17[%scan3A_147, %dma_start3A] : memref<16x128xf32, #tpu.memory_space<vmem>> -> memref<1x128xf32, #tpu.memory_space<vmem>>
        %dma_start3A_149 = tpu.memref_squeeze %dma_start3A_148 : memref<1x128xf32, #tpu.memory_space<vmem>> -> memref<128xf32, #tpu.memory_space<vmem>>
        %dma_start3A_150 = arith.constant 0 : i32
        %dma_start3A_151 = tpu.memref_slice %arg16[%scan3A_147, %dma_start3A_150] : memref<16x128xi32, #tpu.memory_space<vmem>> -> memref<1x128xi32, #tpu.memory_space<vmem>>
        %dma_start3A_152 = tpu.memref_squeeze %dma_start3A_151 : memref<1x128xi32, #tpu.memory_space<vmem>> -> memref<128xi32, #tpu.memory_space<vmem>>
        %dma_start3A_153 = arith.constant 0 : i32
        %dma_start3A_154 = tpu.memref_slice %arg12[%dma_start3A_153] : memref<655360xf32, #tpu.memory_space<vmem_shared>> -> memref<655360xf32, #tpu.memory_space<vmem_shared>>
        tpu.enqueue_indirect_dma source(%dma_start3A_149 : memref<128xf32, #tpu.memory_space<vmem>>) target(%dma_start3A_154 : memref<655360xf32, #tpu.memory_space<vmem_shared>>) offsets(%dma_start3A_152 : memref<128xi32, #tpu.memory_space<vmem>>) semaphore(%run_scoped3A : memref<!tpu.dma_semaphore, #tpu.memory_space<semaphore_mem>>) {add = true}
        %dma_wait3A_155 = arith.constant 0 : i32
        %dma_wait3A_156 = tpu.memref_slice %arg17[%scan3A_147, %dma_wait3A_155] : memref<16x128xf32, #tpu.memory_space<vmem>> -> memref<1x128xf32, #tpu.memory_space<vmem>>
        %dma_wait3A_157 = tpu.memref_squeeze %dma_wait3A_156 : memref<1x128xf32, #tpu.memory_space<vmem>> -> memref<128xf32, #tpu.memory_space<vmem>>
        %dma_wait3A_158 = arith.constant 0 : i32
        %dma_wait3A_159 = tpu.memref_slice %arg16[%scan3A_147, %dma_wait3A_158] : memref<16x128xi32, #tpu.memory_space<vmem>> -> memref<1x128xi32, #tpu.memory_space<vmem>>
        %dma_wait3A_160 = tpu.memref_squeeze %dma_wait3A_159 : memref<1x128xi32, #tpu.memory_space<vmem>> -> memref<128xi32, #tpu.memory_space<vmem>>
        %dma_wait3A_161 = arith.constant 0 : i32
        %dma_wait3A_162 = tpu.memref_slice %arg12[%dma_wait3A_161] : memref<655360xf32, #tpu.memory_space<vmem_shared>> -> memref<655360xf32, #tpu.memory_space<vmem_shared>>
        tpu.wait_indirect_dma semaphore(%run_scoped3A : memref<!tpu.dma_semaphore, #tpu.memory_space<semaphore_mem>>) src(%dma_wait3A_157 : memref<128xf32, #tpu.memory_space<vmem>>) dst(%dma_wait3A_162 : memref<655360xf32, #tpu.memory_space<vmem_shared>>)
        tpu.yield
      }) : () -> ()
    }
    %scan3A_124 = arith.constant 3 : i32
    %scan3A_125 = arith.constant 0 : i32
    %scan3A_126 = arith.constant 0 : i32
    %scan3A_127 = arith.constant 24 : i32
    %scan3A_128 = arith.addi %scan3A_126, %scan3A_127 : i32
    %scan3A_129 = arith.constant 1 : i32
    scf.for %scan3A_147 = %scan3A_126 to %scan3A_128 step %scan3A_129  : i32 {
      %mul3A_148 = arith.constant 16 : i32
      %mul3A_149 = arith.muli %scan3A_147, %mul3A_148 : i32
      %add3A_150 = vector.broadcast %mul3A_149 : i32 to vector<16xi32>
      %add3A_151 = arith.addi %add3A_150, %iota3A : vector<16xi32>
      %add3A_152 = vector.broadcast %mul3A_2 : i32 to vector<16xi32>
      %add3A_153 = arith.addi %add3A_152, %add3A_151 : vector<16xi32>
      %min3A = arith.constant 10239 : i32
      %min3A_154 = vector.broadcast %min3A : i32 to vector<16xi32>
      %min3A_155 = arith.minsi %add3A_153, %min3A_154 : vector<16xi32>
      %gather3A = tpu.vector_load_idx %arg19[%min3A_155] : memref<10240xi32, #tpu.memory_space<vmem>>[vector<16xi32>], vector<16xi32>,
      %lt3A = arith.constant 320 : i32
      %lt3A_156 = vector.broadcast %lt3A : i32 to vector<16xi32>
      %lt3A_157 = arith.cmpi slt, %add3A_151, %lt3A_156 : vector<16xi32>
      %lt3A_158 = arith.constant 10000 : i32
      %lt3A_159 = vector.broadcast %lt3A_158 : i32 to vector<16xi32>
      %lt3A_160 = arith.cmpi slt, %add3A_153, %lt3A_159 : vector<16xi32>
      %and3A = arith.andi %lt3A_157, %lt3A_160 : vector<16xi1>
      %jit3A = arith.constant 1.000000e+00 : f32
      %jit3A_161 = arith.constant 0.000000e+00 : f32
      %broadcast_in_dim3A_162 = vector.broadcast %jit3A : f32 to vector<16xf32>
      %broadcast_in_dim3A_163 = vector.broadcast %jit3A_161 : f32 to vector<16xf32>
      %select_n3A = arith.select %and3A, %broadcast_in_dim3A_162, %broadcast_in_dim3A_163 : vector<16xi1>, vector<16xf32>
      %jit3A_164 = arith.constant 8 : i32
      %div3A = arith.divsi %scan3A_147, %jit3A_164 : i32
      %sign3A = arith.constant 0 : i32
      %sign3A_165 = arith.cmpi sgt, %scan3A_147, %sign3A : i32
      %sign3A_166 = arith.extui %sign3A_165 : i1 to i32
      %sign3A_167 = arith.constant 0 : i32
      %sign3A_168 = arith.cmpi slt, %scan3A_147, %sign3A_167 : i32
      %sign3A_169 = arith.extui %sign3A_168 : i1 to i32
      %sign3A_170 = arith.subi %sign3A_166, %sign3A_169 : i32
      %sign3A_171 = arith.constant 0 : i32
      %sign3A_172 = arith.cmpi sgt, %jit3A_164, %sign3A_171 : i32
      %sign3A_173 = arith.extui %sign3A_172 : i1 to i32
      %sign3A_174 = arith.constant 0 : i32
      %sign3A_175 = arith.cmpi slt, %jit3A_164, %sign3A_174 : i32
      %sign3A_176 = arith.extui %sign3A_175 : i1 to i32
      %sign3A_177 = arith.subi %sign3A_173, %sign3A_176 : i32
      %ne3A = arith.cmpi ne, %sign3A_170, %sign3A_177 : i32
      %rem3A = arith.remsi %scan3A_147, %jit3A_164 : i32
      %ne3A_178 = arith.constant 0 : i32
      %ne3A_179 = arith.cmpi ne, %rem3A, %ne3A_178 : i32
      %and3A_180 = arith.andi %ne3A, %ne3A_179 : i1
      %sub3A = arith.constant 1 : i32
      %sub3A_181 = arith.subi %div3A, %sub3A : i32
      %select_n3A_182 = arith.select %and3A_180, %sub3A_181, %div3A : i32
      %jit3A_183 = arith.constant 8 : i32
      %eq3A_184 = arith.constant 0 : i32
      %eq3A_185 = arith.cmpi eq, %jit3A_183, %eq3A_184 : i32
      %jit3A_186 = arith.constant 1 : i32
      %select_n3A_187 = arith.select %eq3A_185, %jit3A_186, %jit3A_183 : i32
      %rem3A_188 = arith.remsi %scan3A_147, %select_n3A_187 : i32
      %ne3A_189 = arith.constant 0 : i32
      %ne3A_190 = arith.cmpi ne, %rem3A_188, %ne3A_189 : i32
      %lt3A_191 = arith.constant 0 : i32
      %lt3A_192 = arith.cmpi slt, %rem3A_188, %lt3A_191 : i32
      %lt3A_193 = arith.constant 0 : i32
      %lt3A_194 = arith.cmpi slt, %select_n3A_187, %lt3A_193 : i32
      %ne3A_195 = arith.xori %lt3A_192, %lt3A_194 : i1
      %and3A_196 = arith.andi %ne3A_195, %ne3A_190 : i1
      %add3A_197 = arith.addi %rem3A_188, %select_n3A_187 : i32
      %select_n3A_198 = arith.select %and3A_196, %add3A_197, %rem3A_188 : i32
      %mul3A_199 = arith.constant 16 : i32
      %mul3A_200 = arith.muli %select_n3A_198, %mul3A_199 : i32
      %swap3A = arith.index_cast %select_n3A_182 : i32 to index
      %swap3A_201 = arith.index_cast %mul3A_200 : i32 to index
      %swap3A_202 = tpu.vector_load %arg17[%swap3A, %swap3A_201] {strides = array<i32>} : memref<16x128xf32, #tpu.memory_space<vmem>>, vector<16xf32>,
      tpu.vector_store %arg17[%swap3A, %swap3A_201], %select_n3A {strides = array<i32>} : memref<16x128xf32, #tpu.memory_space<vmem>>, vector<16xf32>,
      %jit3A_203 = arith.constant 8 : i32
      %div3A_204 = arith.divsi %scan3A_147, %jit3A_203 : i32
      %sign3A_205 = arith.constant 0 : i32
      %sign3A_206 = arith.cmpi sgt, %scan3A_147, %sign3A_205 : i32
      %sign3A_207 = arith.extui %sign3A_206 : i1 to i32
      %sign3A_208 = arith.constant 0 : i32
      %sign3A_209 = arith.cmpi slt, %scan3A_147, %sign3A_208 : i32
      %sign3A_210 = arith.extui %sign3A_209 : i1 to i32
      %sign3A_211 = arith.subi %sign3A_207, %sign3A_210 : i32
      %sign3A_212 = arith.constant 0 : i32
      %sign3A_213 = arith.cmpi sgt, %jit3A_203, %sign3A_212 : i32
      %sign3A_214 = arith.extui %sign3A_213 : i1 to i32
      %sign3A_215 = arith.constant 0 : i32
      %sign3A_216 = arith.cmpi slt, %jit3A_203, %sign3A_215 : i32
      %sign3A_217 = arith.extui %sign3A_216 : i1 to i32
      %sign3A_218 = arith.subi %sign3A_214, %sign3A_217 : i32
      %ne3A_219 = arith.cmpi ne, %sign3A_211, %sign3A_218 : i32
      %rem3A_220 = arith.remsi %scan3A_147, %jit3A_203 : i32
      %ne3A_221 = arith.constant 0 : i32
      %ne3A_222 = arith.cmpi ne, %rem3A_220, %ne3A_221 : i32
      %and3A_223 = arith.andi %ne3A_219, %ne3A_222 : i1
      %sub3A_224 = arith.constant 1 : i32
      %sub3A_225 = arith.subi %div3A_204, %sub3A_224 : i32
      %select_n3A_226 = arith.select %and3A_223, %sub3A_225, %div3A_204 : i32
      %jit3A_227 = arith.constant 8 : i32
      %eq3A_228 = arith.constant 0 : i32
      %eq3A_229 = arith.cmpi eq, %jit3A_227, %eq3A_228 : i32
      %jit3A_230 = arith.constant 1 : i32
      %select_n3A_231 = arith.select %eq3A_229, %jit3A_230, %jit3A_227 : i32
      %rem3A_232 = arith.remsi %scan3A_147, %select_n3A_231 : i32
      %ne3A_233 = arith.constant 0 : i32
      %ne3A_234 = arith.cmpi ne, %rem3A_232, %ne3A_233 : i32
      %lt3A_235 = arith.constant 0 : i32
      %lt3A_236 = arith.cmpi slt, %rem3A_232, %lt3A_235 : i32
      %lt3A_237 = arith.constant 0 : i32
      %lt3A_238 = arith.cmpi slt, %select_n3A_231, %lt3A_237 : i32
      %ne3A_239 = arith.xori %lt3A_236, %lt3A_238 : i1
      %and3A_240 = arith.andi %ne3A_239, %ne3A_234 : i1
      %add3A_241 = arith.addi %rem3A_232, %select_n3A_231 : i32
      %select_n3A_242 = arith.select %and3A_240, %add3A_241, %rem3A_232 : i32
      %mul3A_243 = arith.constant 16 : i32
      %mul3A_244 = arith.muli %select_n3A_242, %mul3A_243 : i32
      %swap3A_245 = arith.index_cast %select_n3A_226 : i32 to index
      %swap3A_246 = arith.index_cast %mul3A_244 : i32 to index
      %swap3A_247 = tpu.vector_load %arg16[%swap3A_245, %swap3A_246] {strides = array<i32>} : memref<16x128xi32, #tpu.memory_space<vmem>>, vector<16xi32>,
      tpu.vector_store %arg16[%swap3A_245, %swap3A_246], %gather3A {strides = array<i32>} : memref<16x128xi32, #tpu.memory_space<vmem>>, vector<16xi32>,
    }
    %scan3A_130 = arith.constant 24 : i32
    %scan3A_131 = arith.constant 0 : i32
    %scan3A_132 = arith.constant 0 : i32
    %scan3A_133 = arith.constant 3 : i32
    %scan3A_134 = arith.addi %scan3A_132, %scan3A_133 : i32
    %scan3A_135 = arith.constant 1 : i32
    scf.for %scan3A_147 = %scan3A_132 to %scan3A_134 step %scan3A_135  : i32 {
      "tpu.region"() ({
        %run_scoped3A = tpu.sem_alloc : memref<!tpu.dma_semaphore, #tpu.memory_space<semaphore_mem>>
        %dma_start3A = arith.constant 0 : i32
        %dma_start3A_148 = tpu.memref_slice %arg17[%scan3A_147, %dma_start3A] : memref<16x128xf32, #tpu.memory_space<vmem>> -> memref<1x128xf32, #tpu.memory_space<vmem>>
        %dma_start3A_149 = tpu.memref_squeeze %dma_start3A_148 : memref<1x128xf32, #tpu.memory_space<vmem>> -> memref<128xf32, #tpu.memory_space<vmem>>
        %dma_start3A_150 = arith.constant 0 : i32
        %dma_start3A_151 = tpu.memref_slice %arg16[%scan3A_147, %dma_start3A_150] : memref<16x128xi32, #tpu.memory_space<vmem>> -> memref<1x128xi32, #tpu.memory_space<vmem>>
        %dma_start3A_152 = tpu.memref_squeeze %dma_start3A_151 : memref<1x128xi32, #tpu.memory_space<vmem>> -> memref<128xi32, #tpu.memory_space<vmem>>
        %dma_start3A_153 = arith.constant 0 : i32
        %dma_start3A_154 = tpu.memref_slice %arg13[%dma_start3A_153] : memref<64xf32, #tpu.memory_space<vmem_shared>> -> memref<64xf32, #tpu.memory_space<vmem_shared>>
        tpu.enqueue_indirect_dma source(%dma_start3A_149 : memref<128xf32, #tpu.memory_space<vmem>>) target(%dma_start3A_154 : memref<64xf32, #tpu.memory_space<vmem_shared>>) offsets(%dma_start3A_152 : memref<128xi32, #tpu.memory_space<vmem>>) semaphore(%run_scoped3A : memref<!tpu.dma_semaphore, #tpu.memory_space<semaphore_mem>>) {add = true}
        %dma_wait3A_155 = arith.constant 0 : i32
        %dma_wait3A_156 = tpu.memref_slice %arg17[%scan3A_147, %dma_wait3A_155] : memref<16x128xf32, #tpu.memory_space<vmem>> -> memref<1x128xf32, #tpu.memory_space<vmem>>
        %dma_wait3A_157 = tpu.memref_squeeze %dma_wait3A_156 : memref<1x128xf32, #tpu.memory_space<vmem>> -> memref<128xf32, #tpu.memory_space<vmem>>
        %dma_wait3A_158 = arith.constant 0 : i32
        %dma_wait3A_159 = tpu.memref_slice %arg16[%scan3A_147, %dma_wait3A_158] : memref<16x128xi32, #tpu.memory_space<vmem>> -> memref<1x128xi32, #tpu.memory_space<vmem>>
        %dma_wait3A_160 = tpu.memref_squeeze %dma_wait3A_159 : memref<1x128xi32, #tpu.memory_space<vmem>> -> memref<128xi32, #tpu.memory_space<vmem>>
        %dma_wait3A_161 = arith.constant 0 : i32
        %dma_wait3A_162 = tpu.memref_slice %arg13[%dma_wait3A_161] : memref<64xf32, #tpu.memory_space<vmem_shared>> -> memref<64xf32, #tpu.memory_space<vmem_shared>>
        tpu.wait_indirect_dma semaphore(%run_scoped3A : memref<!tpu.dma_semaphore, #tpu.memory_space<semaphore_mem>>) src(%dma_wait3A_157 : memref<128xf32, #tpu.memory_space<vmem>>) dst(%dma_wait3A_162 : memref<64xf32, #tpu.memory_space<vmem_shared>>)
        tpu.yield
      }) : () -> ()
    }
    %scan3A_136 = arith.constant 3 : i32
    %barrier3A_137 = arith.constant 0 : index
    tpu.barrier barrier_id(%barrier3A_137)
    %mul3A_138 = arith.constant 40960 : i32
    %mul3A_139 = arith.muli %arg1, %mul3A_138 : i32
    %mul3A_140 = arith.constant 40960 : i32
    %mul3A_141 = arith.muli %arg1, %mul3A_140 : i32
    "tpu.region"() ({
      %run_scoped3A = tpu.sem_alloc : memref<!tpu.dma_semaphore, #tpu.memory_space<semaphore_mem>>
      %dma_start3A = tpu.memref_slice %arg8[%arg0, %mul3A_141] : memref<2x655360xf32, #tpu.memory_space<hbm>> -> memref<1x40960xf32, #tpu.memory_space<hbm>>
      %dma_start3A_147 = tpu.memref_squeeze %dma_start3A : memref<1x40960xf32, #tpu.memory_space<hbm>> -> memref<40960xf32, #tpu.memory_space<hbm>>
      %dma_start3A_148 = tpu.memref_slice %arg12[%mul3A_139] : memref<655360xf32, #tpu.memory_space<vmem_shared>> -> memref<40960xf32, #tpu.memory_space<vmem_shared>>
      tpu.enqueue_dma source(%dma_start3A_148 : memref<40960xf32, #tpu.memory_space<vmem_shared>>) target(%dma_start3A_147 : memref<40960xf32, #tpu.memory_space<hbm>>) target_semaphore(%run_scoped3A : memref<!tpu.dma_semaphore, #tpu.memory_space<semaphore_mem>>)
      %dma_wait3A_149 = tpu.memref_slice %arg8[%arg0, %mul3A_141] : memref<2x655360xf32, #tpu.memory_space<hbm>> -> memref<1x40960xf32, #tpu.memory_space<hbm>>
      %dma_wait3A_150 = tpu.memref_squeeze %dma_wait3A_149 : memref<1x40960xf32, #tpu.memory_space<hbm>> -> memref<40960xf32, #tpu.memory_space<hbm>>
      %dma_wait3A_151 = tpu.memref_slice %arg12[%mul3A_139] : memref<655360xf32, #tpu.memory_space<vmem_shared>> -> memref<40960xf32, #tpu.memory_space<vmem_shared>>
      tpu.wait_dma2 semaphore(%run_scoped3A : memref<!tpu.dma_semaphore, #tpu.memory_space<semaphore_mem>>) src(%dma_wait3A_151 : memref<40960xf32, #tpu.memory_space<vmem_shared>>) dst(%dma_wait3A_150 : memref<40960xf32, #tpu.memory_space<hbm>>)
      tpu.yield
    }) : () -> ()
    %eq3A_142 = arith.constant 0 : i32
    %eq3A_143 = arith.cmpi eq, %arg1, %eq3A_142 : i32
    %convert_element_type3A_144 = arith.extui %eq3A_143 : i1 to i32
    %cond3A_145 = arith.constant 0 : i32
    %cond3A_146 = arith.cmpi ne, %convert_element_type3A_144, %cond3A_145 : i32
    scf.if %cond3A_146 {
      "tpu.region"() ({
        %run_scoped3A = tpu.sem_alloc : memref<!tpu.dma_semaphore, #tpu.memory_space<semaphore_mem>>
        %dma_start3A = arith.constant 0 : i32
        %dma_start3A_147 = tpu.memref_slice %arg9[%arg0, %dma_start3A] : memref<2x64xf32, #tpu.memory_space<hbm>> -> memref<1x64xf32, #tpu.memory_space<hbm>>
        %dma_start3A_148 = tpu.memref_squeeze %dma_start3A_147 : memref<1x64xf32, #tpu.memory_space<hbm>> -> memref<64xf32, #tpu.memory_space<hbm>>
        tpu.enqueue_dma source(%arg13 : memref<64xf32, #tpu.memory_space<vmem_shared>>) target(%dma_start3A_148 : memref<64xf32, #tpu.memory_space<hbm>>) target_semaphore(%run_scoped3A : memref<!tpu.dma_semaphore, #tpu.memory_space<semaphore_mem>>)
        %dma_wait3A_149 = arith.constant 0 : i32
        %dma_wait3A_150 = tpu.memref_slice %arg9[%arg0, %dma_wait3A_149] : memref<2x64xf32, #tpu.memory_space<hbm>> -> memref<1x64xf32, #tpu.memory_space<hbm>>
        %dma_wait3A_151 = tpu.memref_squeeze %dma_wait3A_150 : memref<1x64xf32, #tpu.memory_space<hbm>> -> memref<64xf32, #tpu.memory_space<hbm>>
        tpu.wait_dma2 semaphore(%run_scoped3A : memref<!tpu.dma_semaphore, #tpu.memory_space<semaphore_mem>>) src(%arg13 : memref<64xf32, #tpu.memory_space<vmem_shared>>) dst(%dma_wait3A_151 : memref<64xf32, #tpu.memory_space<hbm>>)
        tpu.yield
      }) : () -> ()
    } else {
    }
    return
  }
}

#map = affine_map<(d0, d1) -> (0, 0, 0)>
#map1 = affine_map<(d0, d1) -> (0, 0)>
module attributes {stable_mosaic.version = 14 : i64} {
  func.func @_sc_b_body(%arg0: i32, %arg1: i32, %arg2: memref<960x3x112xi32, #tpu.memory_space<hbm>>, %arg3: memref<960x3x112xi32, #tpu.memory_space<hbm>>, %arg4: memref<10240x128xf32, #tpu.memory_space<hbm>>, %arg5: memref<2x10240x128xf32, #tpu.memory_space<hbm>>, %arg6: memref<10240x128xf32, #tpu.memory_space<vmem_shared>>, %arg7: memref<2x3x112xi32, #tpu.memory_space<vmem>>, %arg8: memref<2x3x112xi32, #tpu.memory_space<vmem>>, %arg9: memref<112x128xf32, #tpu.memory_space<vmem>>, %arg10: memref<112x128xf32, #tpu.memory_space<vmem>>, %arg11: memref<112x128xf32, #tpu.memory_space<vmem>>, %arg12: memref<!tpu.dma_semaphore, #tpu.memory_space<semaphore_mem>>, %arg13: memref<!tpu.dma_semaphore, #tpu.memory_space<semaphore_mem>>, %arg14: memref<!tpu.dma_semaphore, #tpu.memory_space<semaphore_mem>>, %arg15: memref<!tpu.dma_semaphore, #tpu.memory_space<semaphore_mem>>, %arg16: memref<!tpu.dma_semaphore, #tpu.memory_space<semaphore_mem>>, %arg17: memref<!tpu.dma_semaphore, #tpu.memory_space<semaphore_mem>>) attributes {dimension_semantics = [#tpu.dimension_semantics<core_parallel>, #tpu.dimension_semantics<subcore_parallel>], iteration_bounds = array<i64: 2, 16>, scalar_prefetch = 0 : i64, scratch_operands = 12 : i64, tpu.core_type = #tpu.core_type<sc_vector_subcore>, window_params = [{transform_indices = #map}, {transform_indices = #map}, {transform_indices = #map1}, {transform_indices = #map}]} {
    %mul3A = arith.constant 16 : i32
    %mul3A_0 = arith.muli %arg0, %mul3A : i32
    %add3A = arith.addi %mul3A_0, %arg1 : i32
    %eq3A = arith.constant 0 : i32
    %eq3A_1 = arith.cmpi eq, %arg0, %eq3A : i32
    %jit3A = arith.constant 37 : i32
    %jit3A_2 = arith.constant 23 : i32
    %select_n3A = arith.select %eq3A_1, %jit3A, %jit3A_2 : i32
    %eq3A_3 = arith.constant 0 : i32
    %eq3A_4 = arith.cmpi eq, %arg0, %eq3A_3 : i32
    %mul3A_5 = arith.constant 37 : i32
    %mul3A_6 = arith.muli %arg1, %mul3A_5 : i32
    %mul3A_7 = arith.constant 23 : i32
    %mul3A_8 = arith.muli %arg1, %mul3A_7 : i32
    %add3A_9 = arith.constant 592 : i32
    %add3A_10 = arith.addi %add3A_9, %mul3A_8 : i32
    %select_n3A_11 = arith.select %eq3A_4, %mul3A_6, %add3A_10 : i32
    %broadcast_in_dim3A = arith.constant 0.000000e+00 : f32
    %broadcast_in_dim3A_12 = vector.broadcast %broadcast_in_dim3A : f32 to vector<16xf32>
    %eq3A_13 = arith.constant 0 : i32
    %eq3A_14 = arith.cmpi eq, %arg0, %eq3A_13 : i32
    %convert_element_type3A = arith.extui %eq3A_14 : i1 to i32
    %cond3A = arith.constant 0 : i32
    %cond3A_15 = arith.cmpi ne, %convert_element_type3A, %cond3A : i32
    scf.if %cond3A_15 {
      %mul3A_35 = arith.constant 640 : i32
      %mul3A_36 = arith.muli %arg1, %mul3A_35 : i32
      %mul3A_37 = arith.constant 640 : i32
      %mul3A_38 = arith.muli %arg1, %mul3A_37 : i32
      "tpu.region"() ({
        %run_scoped3A = tpu.sem_alloc : memref<!tpu.dma_semaphore, #tpu.memory_space<semaphore_mem>>
        %dma_start3A = arith.constant 0 : i32
        %dma_start3A_39 = tpu.memref_slice %arg6[%mul3A_38, %dma_start3A] : memref<10240x128xf32, #tpu.memory_space<vmem_shared>> -> memref<640x128xf32, #tpu.memory_space<vmem_shared>>
        %dma_start3A_40 = arith.constant 0 : i32
        %dma_start3A_41 = tpu.memref_slice %arg4[%mul3A_36, %dma_start3A_40] : memref<10240x128xf32, #tpu.memory_space<hbm>> -> memref<640x128xf32, #tpu.memory_space<hbm>>
        tpu.enqueue_dma source(%dma_start3A_41 : memref<640x128xf32, #tpu.memory_space<hbm>>) target(%dma_start3A_39 : memref<640x128xf32, #tpu.memory_space<vmem_shared>>) target_semaphore(%run_scoped3A : memref<!tpu.dma_semaphore, #tpu.memory_space<semaphore_mem>>)
        %dma_wait3A = arith.constant 0 : i32
        %dma_wait3A_42 = tpu.memref_slice %arg6[%mul3A_38, %dma_wait3A] : memref<10240x128xf32, #tpu.memory_space<vmem_shared>> -> memref<640x128xf32, #tpu.memory_space<vmem_shared>>
        %dma_wait3A_43 = arith.constant 0 : i32
        %dma_wait3A_44 = tpu.memref_slice %arg4[%mul3A_36, %dma_wait3A_43] : memref<10240x128xf32, #tpu.memory_space<hbm>> -> memref<640x128xf32, #tpu.memory_space<hbm>>
        tpu.wait_dma2 semaphore(%run_scoped3A : memref<!tpu.dma_semaphore, #tpu.memory_space<semaphore_mem>>) src(%dma_wait3A_44 : memref<640x128xf32, #tpu.memory_space<hbm>>) dst(%dma_wait3A_42 : memref<640x128xf32, #tpu.memory_space<vmem_shared>>)
        tpu.yield
      }) : () -> ()
    } else {
    }
    %eq3A_16 = arith.constant 1 : i32
    %eq3A_17 = arith.cmpi eq, %arg0, %eq3A_16 : i32
    %convert_element_type3A_18 = arith.extui %eq3A_17 : i1 to i32
    %cond3A_19 = arith.constant 0 : i32
    %cond3A_20 = arith.cmpi ne, %convert_element_type3A_18, %cond3A_19 : i32
    scf.if %cond3A_20 {
      %scan3A = arith.constant 0 : i32
      %scan3A_35 = arith.constant 0 : i32
      %scan3A_36 = arith.constant 112 : i32
      %scan3A_37 = arith.addi %scan3A_35, %scan3A_36 : i32
      %scan3A_38 = arith.constant 1 : i32
      scf.for %scan3A_50 = %scan3A_35 to %scan3A_37 step %scan3A_38  : i32 {
        %scan3A_51 = arith.constant 0 : i32
        %scan3A_52 = arith.constant 0 : i32
        %scan3A_53 = arith.constant 8 : i32
        %scan3A_54 = arith.addi %scan3A_52, %scan3A_53 : i32
        %scan3A_55 = arith.constant 1 : i32
        scf.for %scan3A_57 = %scan3A_52 to %scan3A_54 step %scan3A_55  : i32 {
          %mul3A_58 = arith.constant 16 : i32
          %mul3A_59 = arith.muli %scan3A_57, %mul3A_58 : i32
          %swap3A = arith.index_cast %scan3A_50 : i32 to index
          %swap3A_60 = arith.index_cast %mul3A_59 : i32 to index
          %swap3A_61 = tpu.vector_load %arg9[%swap3A, %swap3A_60] {strides = array<i32>} : memref<112x128xf32, #tpu.memory_space<vmem>>, vector<16xf32>,
          tpu.vector_store %arg9[%swap3A, %swap3A_60], %broadcast_in_dim3A_12 {strides = array<i32>} : memref<112x128xf32, #tpu.memory_space<vmem>>, vector<16xf32>,
        }
        %scan3A_56 = arith.constant 8 : i32
      }
      %scan3A_39 = arith.constant 112 : i32
      %scan3A_40 = arith.constant 0 : i32
      %scan3A_41 = arith.constant 0 : i32
      %scan3A_42 = arith.constant 5 : i32
      %scan3A_43 = arith.addi %scan3A_41, %scan3A_42 : i32
      %scan3A_44 = arith.constant 1 : i32
      scf.for %scan3A_50 = %scan3A_41 to %scan3A_43 step %scan3A_44  : i32 {
        %mul3A_51 = arith.constant 640 : i32
        %mul3A_52 = arith.muli %arg1, %mul3A_51 : i32
        %mul3A_53 = arith.constant 112 : i32
        %mul3A_54 = arith.muli %scan3A_50, %mul3A_53 : i32
        %add3A_55 = arith.addi %mul3A_52, %mul3A_54 : i32
        "tpu.region"() ({
          %run_scoped3A = tpu.sem_alloc : memref<!tpu.dma_semaphore, #tpu.memory_space<semaphore_mem>>
          %dma_start3A = arith.constant 0 : i32
          %dma_start3A_56 = tpu.memref_slice %arg6[%add3A_55, %dma_start3A] : memref<10240x128xf32, #tpu.memory_space<vmem_shared>> -> memref<112x128xf32, #tpu.memory_space<vmem_shared>>
          %dma_start3A_57 = arith.constant 0 : i32
          %dma_start3A_58 = tpu.memref_slice %arg6[%add3A_55, %dma_start3A_57] : memref<10240x128xf32, #tpu.memory_space<vmem_shared>> -> memref<112x128xf32, #tpu.memory_space<vmem_shared>>
          tpu.enqueue_dma source(%arg9 : memref<112x128xf32, #tpu.memory_space<vmem>>) target(%dma_start3A_58 : memref<112x128xf32, #tpu.memory_space<vmem_shared>>) target_semaphore(%run_scoped3A : memref<!tpu.dma_semaphore, #tpu.memory_space<semaphore_mem>>)
          %dma_wait3A = arith.constant 0 : i32
          %dma_wait3A_59 = tpu.memref_slice %arg6[%add3A_55, %dma_wait3A] : memref<10240x128xf32, #tpu.memory_space<vmem_shared>> -> memref<112x128xf32, #tpu.memory_space<vmem_shared>>
          %dma_wait3A_60 = arith.constant 0 : i32
          %dma_wait3A_61 = tpu.memref_slice %arg6[%add3A_55, %dma_wait3A_60] : memref<10240x128xf32, #tpu.memory_space<vmem_shared>> -> memref<112x128xf32, #tpu.memory_space<vmem_shared>>
          tpu.wait_dma2 semaphore(%run_scoped3A : memref<!tpu.dma_semaphore, #tpu.memory_space<semaphore_mem>>) src(%arg9 : memref<112x128xf32, #tpu.memory_space<vmem>>) dst(%dma_wait3A_61 : memref<112x128xf32, #tpu.memory_space<vmem_shared>>)
          tpu.yield
        }) : () -> ()
      }
      %scan3A_45 = arith.constant 5 : i32
      %mul3A_46 = arith.constant 640 : i32
      %mul3A_47 = arith.muli %arg1, %mul3A_46 : i32
      %add3A_48 = arith.constant 560 : i32
      %add3A_49 = arith.addi %mul3A_47, %add3A_48 : i32
      "tpu.region"() ({
        %run_scoped3A = tpu.sem_alloc : memref<!tpu.dma_semaphore, #tpu.memory_space<semaphore_mem>>
        %dma_start3A = arith.constant 0 : i32
        %dma_start3A_50 = arith.constant 0 : i32
        %dma_start3A_51 = tpu.memref_slice %arg9[%dma_start3A, %dma_start3A_50] : memref<112x128xf32, #tpu.memory_space<vmem>> -> memref<80x128xf32, #tpu.memory_space<vmem>>
        %dma_start3A_52 = arith.constant 0 : i32
        %dma_start3A_53 = tpu.memref_slice %arg6[%add3A_49, %dma_start3A_52] : memref<10240x128xf32, #tpu.memory_space<vmem_shared>> -> memref<80x128xf32, #tpu.memory_space<vmem_shared>>
        %dma_start3A_54 = arith.constant 0 : i32
        %dma_start3A_55 = tpu.memref_slice %arg6[%add3A_49, %dma_start3A_54] : memref<10240x128xf32, #tpu.memory_space<vmem_shared>> -> memref<80x128xf32, #tpu.memory_space<vmem_shared>>
        %dma_start3A_56 = arith.constant 0 : i32
        %dma_start3A_57 = arith.constant 0 : i32
        %dma_start3A_58 = tpu.memref_slice %arg9[%dma_start3A_56, %dma_start3A_57] : memref<112x128xf32, #tpu.memory_space<vmem>> -> memref<80x128xf32, #tpu.memory_space<vmem>>
        tpu.enqueue_dma source(%dma_start3A_58 : memref<80x128xf32, #tpu.memory_space<vmem>>) target(%dma_start3A_55 : memref<80x128xf32, #tpu.memory_space<vmem_shared>>) target_semaphore(%run_scoped3A : memref<!tpu.dma_semaphore, #tpu.memory_space<semaphore_mem>>)
        %dma_wait3A = arith.constant 0 : i32
        %dma_wait3A_59 = arith.constant 0 : i32
        %dma_wait3A_60 = tpu.memref_slice %arg9[%dma_wait3A, %dma_wait3A_59] : memref<112x128xf32, #tpu.memory_space<vmem>> -> memref<80x128xf32, #tpu.memory_space<vmem>>
        %dma_wait3A_61 = arith.constant 0 : i32
        %dma_wait3A_62 = tpu.memref_slice %arg6[%add3A_49, %dma_wait3A_61] : memref<10240x128xf32, #tpu.memory_space<vmem_shared>> -> memref<80x128xf32, #tpu.memory_space<vmem_shared>>
        %dma_wait3A_63 = arith.constant 0 : i32
        %dma_wait3A_64 = tpu.memref_slice %arg6[%add3A_49, %dma_wait3A_63] : memref<10240x128xf32, #tpu.memory_space<vmem_shared>> -> memref<80x128xf32, #tpu.memory_space<vmem_shared>>
        %dma_wait3A_65 = arith.constant 0 : i32
        %dma_wait3A_66 = arith.constant 0 : i32
        %dma_wait3A_67 = tpu.memref_slice %arg9[%dma_wait3A_65, %dma_wait3A_66] : memref<112x128xf32, #tpu.memory_space<vmem>> -> memref<80x128xf32, #tpu.memory_space<vmem>>
        tpu.wait_dma2 semaphore(%run_scoped3A : memref<!tpu.dma_semaphore, #tpu.memory_space<semaphore_mem>>) src(%dma_wait3A_67 : memref<80x128xf32, #tpu.memory_space<vmem>>) dst(%dma_wait3A_64 : memref<80x128xf32, #tpu.memory_space<vmem_shared>>)
        tpu.yield
      }) : () -> ()
    } else {
    }
    %barrier3A = arith.constant 0 : index
    tpu.barrier barrier_id(%barrier3A)
    %while3A = arith.constant 0 : i32
    %while3A_21 = arith.constant 0 : i32
    %while3A_22 = arith.subi %select_n3A, %while3A_21 : i32
    %while3A_23 = arith.addi %while3A_21, %while3A_22 : i32
    %while3A_24 = arith.constant 1 : i32
    %while3A_25 = arith.divsi %while3A_22, %while3A_24 : i32
    %while3A_26 = arith.muli %while3A_25, %while3A_24 : i32
    %while3A_27 = arith.addi %while3A_21, %while3A_26 : i32
    %while3A_28 = arith.constant 1 : i32
    scf.for %while3A_35 = %while3A_21 to %while3A_27 step %while3A_28  : i32 {
      %add3A_36 = arith.addi %select_n3A_11, %while3A_35 : i32
      %jit3A_37 = arith.constant 2 : i32
      %eq3A_38 = arith.constant 0 : i32
      %eq3A_39 = arith.cmpi eq, %jit3A_37, %eq3A_38 : i32
      %jit3A_40 = arith.constant 1 : i32
      %select_n3A_41 = arith.select %eq3A_39, %jit3A_40, %jit3A_37 : i32
      %rem3A = arith.remsi %while3A_35, %select_n3A_41 : i32
      %ne3A = arith.constant 0 : i32
      %ne3A_42 = arith.cmpi ne, %rem3A, %ne3A : i32
      %lt3A = arith.constant 0 : i32
      %lt3A_43 = arith.cmpi slt, %rem3A, %lt3A : i32
      %lt3A_44 = arith.constant 0 : i32
      %lt3A_45 = arith.cmpi slt, %select_n3A_41, %lt3A_44 : i32
      %ne3A_46 = arith.xori %lt3A_43, %lt3A_45 : i1
      %and3A = arith.andi %ne3A_46, %ne3A_42 : i1
      %add3A_47 = arith.addi %rem3A, %select_n3A_41 : i32
      %select_n3A_48 = arith.select %and3A, %add3A_47, %rem3A : i32
      "tpu.region"() ({
        %run_scoped3A_91 = tpu.sem_alloc : memref<!tpu.dma_semaphore, #tpu.memory_space<semaphore_mem>>
        %dma_start3A_92 = arith.constant 0 : i32
        %dma_start3A_93 = arith.constant 0 : i32
        %dma_start3A_94 = tpu.memref_slice %arg7[%select_n3A_48, %dma_start3A_92, %dma_start3A_93] : memref<2x3x112xi32, #tpu.memory_space<vmem>> -> memref<1x3x112xi32, #tpu.memory_space<vmem>>
        %dma_start3A_95 = tpu.memref_squeeze %dma_start3A_94 : memref<1x3x112xi32, #tpu.memory_space<vmem>> -> memref<3x112xi32, #tpu.memory_space<vmem>>
        %dma_start3A_96 = arith.constant 0 : i32
        %dma_start3A_97 = arith.constant 0 : i32
        %dma_start3A_98 = tpu.memref_slice %arg2[%add3A_36, %dma_start3A_96, %dma_start3A_97] : memref<960x3x112xi32, #tpu.memory_space<hbm>> -> memref<1x3x112xi32, #tpu.memory_space<hbm>>
        %dma_start3A_99 = tpu.memref_squeeze %dma_start3A_98 : memref<1x3x112xi32, #tpu.memory_space<hbm>> -> memref<3x112xi32, #tpu.memory_space<hbm>>
        %dma_start3A_100 = arith.constant 0 : i32
        %dma_start3A_101 = arith.constant 0 : i32
        %dma_start3A_102 = tpu.memref_slice %arg7[%select_n3A_48, %dma_start3A_100, %dma_start3A_101] : memref<2x3x112xi32, #tpu.memory_space<vmem>> -> memref<1x3x112xi32, #tpu.memory_space<vmem>>
        %dma_start3A_103 = tpu.memref_squeeze %dma_start3A_102 : memref<1x3x112xi32, #tpu.memory_space<vmem>> -> memref<3x112xi32, #tpu.memory_space<vmem>>
        %dma_start3A_104 = arith.constant 0 : i32
        %dma_start3A_105 = arith.constant 0 : i32
        %dma_start3A_106 = tpu.memref_slice %arg2[%add3A_36, %dma_start3A_104, %dma_start3A_105] : memref<960x3x112xi32, #tpu.memory_space<hbm>> -> memref<1x3x112xi32, #tpu.memory_space<hbm>>
        %dma_start3A_107 = tpu.memref_squeeze %dma_start3A_106 : memref<1x3x112xi32, #tpu.memory_space<hbm>> -> memref<3x112xi32, #tpu.memory_space<hbm>>
        tpu.enqueue_dma source(%dma_start3A_107 : memref<3x112xi32, #tpu.memory_space<hbm>>) target(%dma_start3A_103 : memref<3x112xi32, #tpu.memory_space<vmem>>) target_semaphore(%run_scoped3A_91 : memref<!tpu.dma_semaphore, #tpu.memory_space<semaphore_mem>>)
        %dma_wait3A_108 = arith.constant 0 : i32
        %dma_wait3A_109 = arith.constant 0 : i32
        %dma_wait3A_110 = tpu.memref_slice %arg7[%select_n3A_48, %dma_wait3A_108, %dma_wait3A_109] : memref<2x3x112xi32, #tpu.memory_space<vmem>> -> memref<1x3x112xi32, #tpu.memory_space<vmem>>
        %dma_wait3A_111 = tpu.memref_squeeze %dma_wait3A_110 : memref<1x3x112xi32, #tpu.memory_space<vmem>> -> memref<3x112xi32, #tpu.memory_space<vmem>>
        %dma_wait3A_112 = arith.constant 0 : i32
        %dma_wait3A_113 = arith.constant 0 : i32
        %dma_wait3A_114 = tpu.memref_slice %arg2[%add3A_36, %dma_wait3A_112, %dma_wait3A_113] : memref<960x3x112xi32, #tpu.memory_space<hbm>> -> memref<1x3x112xi32, #tpu.memory_space<hbm>>
        %dma_wait3A_115 = tpu.memref_squeeze %dma_wait3A_114 : memref<1x3x112xi32, #tpu.memory_space<hbm>> -> memref<3x112xi32, #tpu.memory_space<hbm>>
        %dma_wait3A_116 = arith.constant 0 : i32
        %dma_wait3A_117 = arith.constant 0 : i32
        %dma_wait3A_118 = tpu.memref_slice %arg7[%select_n3A_48, %dma_wait3A_116, %dma_wait3A_117] : memref<2x3x112xi32, #tpu.memory_space<vmem>> -> memref<1x3x112xi32, #tpu.memory_space<vmem>>
        %dma_wait3A_119 = tpu.memref_squeeze %dma_wait3A_118 : memref<1x3x112xi32, #tpu.memory_space<vmem>> -> memref<3x112xi32, #tpu.memory_space<vmem>>
        %dma_wait3A_120 = arith.constant 0 : i32
        %dma_wait3A_121 = arith.constant 0 : i32
        %dma_wait3A_122 = tpu.memref_slice %arg2[%add3A_36, %dma_wait3A_120, %dma_wait3A_121] : memref<960x3x112xi32, #tpu.memory_space<hbm>> -> memref<1x3x112xi32, #tpu.memory_space<hbm>>
        %dma_wait3A_123 = tpu.memref_squeeze %dma_wait3A_122 : memref<1x3x112xi32, #tpu.memory_space<hbm>> -> memref<3x112xi32, #tpu.memory_space<hbm>>
        tpu.wait_dma2 semaphore(%run_scoped3A_91 : memref<!tpu.dma_semaphore, #tpu.memory_space<semaphore_mem>>) src(%dma_wait3A_123 : memref<3x112xi32, #tpu.memory_space<hbm>>) dst(%dma_wait3A_119 : memref<3x112xi32, #tpu.memory_space<vmem>>)
        tpu.yield
      }) : () -> ()
      "tpu.region"() ({
        %run_scoped3A_91 = tpu.sem_alloc : memref<!tpu.dma_semaphore, #tpu.memory_space<semaphore_mem>>
        %dma_start3A_92 = arith.constant 0 : i32
        %dma_start3A_93 = arith.constant 0 : i32
        %dma_start3A_94 = tpu.memref_slice %arg8[%select_n3A_48, %dma_start3A_92, %dma_start3A_93] : memref<2x3x112xi32, #tpu.memory_space<vmem>> -> memref<1x3x112xi32, #tpu.memory_space<vmem>>
        %dma_start3A_95 = tpu.memref_squeeze %dma_start3A_94 : memref<1x3x112xi32, #tpu.memory_space<vmem>> -> memref<3x112xi32, #tpu.memory_space<vmem>>
        %dma_start3A_96 = arith.constant 0 : i32
        %dma_start3A_97 = arith.constant 0 : i32
        %dma_start3A_98 = tpu.memref_slice %arg3[%add3A_36, %dma_start3A_96, %dma_start3A_97] : memref<960x3x112xi32, #tpu.memory_space<hbm>> -> memref<1x3x112xi32, #tpu.memory_space<hbm>>
        %dma_start3A_99 = tpu.memref_squeeze %dma_start3A_98 : memref<1x3x112xi32, #tpu.memory_space<hbm>> -> memref<3x112xi32, #tpu.memory_space<hbm>>
        %dma_start3A_100 = arith.constant 0 : i32
        %dma_start3A_101 = arith.constant 0 : i32
        %dma_start3A_102 = tpu.memref_slice %arg8[%select_n3A_48, %dma_start3A_100, %dma_start3A_101] : memref<2x3x112xi32, #tpu.memory_space<vmem>> -> memref<1x3x112xi32, #tpu.memory_space<vmem>>
        %dma_start3A_103 = tpu.memref_squeeze %dma_start3A_102 : memref<1x3x112xi32, #tpu.memory_space<vmem>> -> memref<3x112xi32, #tpu.memory_space<vmem>>
        %dma_start3A_104 = arith.constant 0 : i32
        %dma_start3A_105 = arith.constant 0 : i32
        %dma_start3A_106 = tpu.memref_slice %arg3[%add3A_36, %dma_start3A_104, %dma_start3A_105] : memref<960x3x112xi32, #tpu.memory_space<hbm>> -> memref<1x3x112xi32, #tpu.memory_space<hbm>>
        %dma_start3A_107 = tpu.memref_squeeze %dma_start3A_106 : memref<1x3x112xi32, #tpu.memory_space<hbm>> -> memref<3x112xi32, #tpu.memory_space<hbm>>
        tpu.enqueue_dma source(%dma_start3A_107 : memref<3x112xi32, #tpu.memory_space<hbm>>) target(%dma_start3A_103 : memref<3x112xi32, #tpu.memory_space<vmem>>) target_semaphore(%run_scoped3A_91 : memref<!tpu.dma_semaphore, #tpu.memory_space<semaphore_mem>>)
        %dma_wait3A_108 = arith.constant 0 : i32
        %dma_wait3A_109 = arith.constant 0 : i32
        %dma_wait3A_110 = tpu.memref_slice %arg8[%select_n3A_48, %dma_wait3A_108, %dma_wait3A_109] : memref<2x3x112xi32, #tpu.memory_space<vmem>> -> memref<1x3x112xi32, #tpu.memory_space<vmem>>
        %dma_wait3A_111 = tpu.memref_squeeze %dma_wait3A_110 : memref<1x3x112xi32, #tpu.memory_space<vmem>> -> memref<3x112xi32, #tpu.memory_space<vmem>>
        %dma_wait3A_112 = arith.constant 0 : i32
        %dma_wait3A_113 = arith.constant 0 : i32
        %dma_wait3A_114 = tpu.memref_slice %arg3[%add3A_36, %dma_wait3A_112, %dma_wait3A_113] : memref<960x3x112xi32, #tpu.memory_space<hbm>> -> memref<1x3x112xi32, #tpu.memory_space<hbm>>
        %dma_wait3A_115 = tpu.memref_squeeze %dma_wait3A_114 : memref<1x3x112xi32, #tpu.memory_space<hbm>> -> memref<3x112xi32, #tpu.memory_space<hbm>>
        %dma_wait3A_116 = arith.constant 0 : i32
        %dma_wait3A_117 = arith.constant 0 : i32
        %dma_wait3A_118 = tpu.memref_slice %arg8[%select_n3A_48, %dma_wait3A_116, %dma_wait3A_117] : memref<2x3x112xi32, #tpu.memory_space<vmem>> -> memref<1x3x112xi32, #tpu.memory_space<vmem>>
        %dma_wait3A_119 = tpu.memref_squeeze %dma_wait3A_118 : memref<1x3x112xi32, #tpu.memory_space<vmem>> -> memref<3x112xi32, #tpu.memory_space<vmem>>
        %dma_wait3A_120 = arith.constant 0 : i32
        %dma_wait3A_121 = arith.constant 0 : i32
        %dma_wait3A_122 = tpu.memref_slice %arg3[%add3A_36, %dma_wait3A_120, %dma_wait3A_121] : memref<960x3x112xi32, #tpu.memory_space<hbm>> -> memref<1x3x112xi32, #tpu.memory_space<hbm>>
        %dma_wait3A_123 = tpu.memref_squeeze %dma_wait3A_122 : memref<1x3x112xi32, #tpu.memory_space<hbm>> -> memref<3x112xi32, #tpu.memory_space<hbm>>
        tpu.wait_dma2 semaphore(%run_scoped3A_91 : memref<!tpu.dma_semaphore, #tpu.memory_space<semaphore_mem>>) src(%dma_wait3A_123 : memref<3x112xi32, #tpu.memory_space<hbm>>) dst(%dma_wait3A_119 : memref<3x112xi32, #tpu.memory_space<vmem>>)
        tpu.yield
      }) : () -> ()
      %dma_start3A = arith.constant 0 : i32
      %dma_start3A_49 = arith.constant 0 : i32
      %dma_start3A_50 = tpu.memref_slice %arg7[%select_n3A_48, %dma_start3A, %dma_start3A_49] : memref<2x3x112xi32, #tpu.memory_space<vmem>> -> memref<1x1x112xi32, #tpu.memory_space<vmem>>
      %dma_start3A_51 = tpu.memref_squeeze %dma_start3A_50 : memref<1x1x112xi32, #tpu.memory_space<vmem>> -> memref<112xi32, #tpu.memory_space<vmem>>
      %dma_start3A_52 = arith.constant 0 : i32
      %dma_start3A_53 = arith.constant 0 : i32
      %dma_start3A_54 = tpu.memref_slice %arg4[%dma_start3A_52, %dma_start3A_53] : memref<10240x128xf32, #tpu.memory_space<hbm>> -> memref<10240x128xf32, #tpu.memory_space<hbm>>
      tpu.enqueue_indirect_dma source(%dma_start3A_54 : memref<10240x128xf32, #tpu.memory_space<hbm>>) target(%arg9 : memref<112x128xf32, #tpu.memory_space<vmem>>) offsets(%dma_start3A_51 : memref<112xi32, #tpu.memory_space<vmem>>) semaphore(%arg12 : memref<!tpu.dma_semaphore, #tpu.memory_space<semaphore_mem>>)
      %dma_start3A_55 = arith.constant 1 : i32
      %dma_start3A_56 = arith.constant 0 : i32
      %dma_start3A_57 = tpu.memref_slice %arg7[%select_n3A_48, %dma_start3A_55, %dma_start3A_56] : memref<2x3x112xi32, #tpu.memory_space<vmem>> -> memref<1x1x112xi32, #tpu.memory_space<vmem>>
      %dma_start3A_58 = tpu.memref_squeeze %dma_start3A_57 : memref<1x1x112xi32, #tpu.memory_space<vmem>> -> memref<112xi32, #tpu.memory_space<vmem>>
      %dma_start3A_59 = arith.constant 0 : i32
      %dma_start3A_60 = arith.constant 0 : i32
      %dma_start3A_61 = tpu.memref_slice %arg4[%dma_start3A_59, %dma_start3A_60] : memref<10240x128xf32, #tpu.memory_space<hbm>> -> memref<10240x128xf32, #tpu.memory_space<hbm>>
      tpu.enqueue_indirect_dma source(%dma_start3A_61 : memref<10240x128xf32, #tpu.memory_space<hbm>>) target(%arg10 : memref<112x128xf32, #tpu.memory_space<vmem>>) offsets(%dma_start3A_58 : memref<112xi32, #tpu.memory_space<vmem>>) semaphore(%arg13 : memref<!tpu.dma_semaphore, #tpu.memory_space<semaphore_mem>>)
      %dma_start3A_62 = arith.constant 2 : i32
      %dma_start3A_63 = arith.constant 0 : i32
      %dma_start3A_64 = tpu.memref_slice %arg7[%select_n3A_48, %dma_start3A_62, %dma_start3A_63] : memref<2x3x112xi32, #tpu.memory_space<vmem>> -> memref<1x1x112xi32, #tpu.memory_space<vmem>>
      %dma_start3A_65 = tpu.memref_squeeze %dma_start3A_64 : memref<1x1x112xi32, #tpu.memory_space<vmem>> -> memref<112xi32, #tpu.memory_space<vmem>>
      %dma_start3A_66 = arith.constant 0 : i32
      %dma_start3A_67 = arith.constant 0 : i32
      %dma_start3A_68 = tpu.memref_slice %arg4[%dma_start3A_66, %dma_start3A_67] : memref<10240x128xf32, #tpu.memory_space<hbm>> -> memref<10240x128xf32, #tpu.memory_space<hbm>>
      tpu.enqueue_indirect_dma source(%dma_start3A_68 : memref<10240x128xf32, #tpu.memory_space<hbm>>) target(%arg11 : memref<112x128xf32, #tpu.memory_space<vmem>>) offsets(%dma_start3A_65 : memref<112xi32, #tpu.memory_space<vmem>>) semaphore(%arg14 : memref<!tpu.dma_semaphore, #tpu.memory_space<semaphore_mem>>)
      %dma_wait3A = arith.constant 0 : i32
      %dma_wait3A_69 = arith.constant 0 : i32
      %dma_wait3A_70 = tpu.memref_slice %arg7[%select_n3A_48, %dma_wait3A, %dma_wait3A_69] : memref<2x3x112xi32, #tpu.memory_space<vmem>> -> memref<1x1x112xi32, #tpu.memory_space<vmem>>
      %dma_wait3A_71 = tpu.memref_squeeze %dma_wait3A_70 : memref<1x1x112xi32, #tpu.memory_space<vmem>> -> memref<112xi32, #tpu.memory_space<vmem>>
      %dma_wait3A_72 = arith.constant 0 : i32
      %dma_wait3A_73 = arith.constant 0 : i32
      %dma_wait3A_74 = tpu.memref_slice %arg4[%dma_wait3A_72, %dma_wait3A_73] : memref<10240x128xf32, #tpu.memory_space<hbm>> -> memref<10240x128xf32, #tpu.memory_space<hbm>>
      tpu.wait_indirect_dma semaphore(%arg12 : memref<!tpu.dma_semaphore, #tpu.memory_space<semaphore_mem>>) src(%dma_wait3A_74 : memref<10240x128xf32, #tpu.memory_space<hbm>>) dst(%arg9 : memref<112x128xf32, #tpu.memory_space<vmem>>)
      %run_scoped3A = arith.constant 0 : i32
      "tpu.region"() ({
        %run_scoped3A_91 = tpu.sem_alloc : memref<!tpu.dma_semaphore, #tpu.memory_space<semaphore_mem>>
        %dma_start3A_92 = arith.constant 0 : i32
        %dma_start3A_93 = tpu.memref_slice %arg8[%select_n3A_48, %run_scoped3A, %dma_start3A_92] : memref<2x3x112xi32, #tpu.memory_space<vmem>> -> memref<1x1x112xi32, #tpu.memory_space<vmem>>
        %dma_start3A_94 = tpu.memref_squeeze %dma_start3A_93 : memref<1x1x112xi32, #tpu.memory_space<vmem>> -> memref<112xi32, #tpu.memory_space<vmem>>
        %dma_start3A_95 = arith.constant 0 : i32
        %dma_start3A_96 = arith.constant 0 : i32
        %dma_start3A_97 = tpu.memref_slice %arg6[%dma_start3A_95, %dma_start3A_96] : memref<10240x128xf32, #tpu.memory_space<vmem_shared>> -> memref<10240x128xf32, #tpu.memory_space<vmem_shared>>
        tpu.enqueue_indirect_dma source(%arg9 : memref<112x128xf32, #tpu.memory_space<vmem>>) target(%dma_start3A_97 : memref<10240x128xf32, #tpu.memory_space<vmem_shared>>) offsets(%dma_start3A_94 : memref<112xi32, #tpu.memory_space<vmem>>) semaphore(%run_scoped3A_91 : memref<!tpu.dma_semaphore, #tpu.memory_space<semaphore_mem>>) {add = true}
        %dma_wait3A_98 = arith.constant 0 : i32
        %dma_wait3A_99 = tpu.memref_slice %arg8[%select_n3A_48, %run_scoped3A, %dma_wait3A_98] : memref<2x3x112xi32, #tpu.memory_space<vmem>> -> memref<1x1x112xi32, #tpu.memory_space<vmem>>
        %dma_wait3A_100 = tpu.memref_squeeze %dma_wait3A_99 : memref<1x1x112xi32, #tpu.memory_space<vmem>> -> memref<112xi32, #tpu.memory_space<vmem>>
        %dma_wait3A_101 = arith.constant 0 : i32
        %dma_wait3A_102 = arith.constant 0 : i32
        %dma_wait3A_103 = tpu.memref_slice %arg6[%dma_wait3A_101, %dma_wait3A_102] : memref<10240x128xf32, #tpu.memory_space<vmem_shared>> -> memref<10240x128xf32, #tpu.memory_space<vmem_shared>>
        tpu.wait_indirect_dma semaphore(%run_scoped3A_91 : memref<!tpu.dma_semaphore, #tpu.memory_space<semaphore_mem>>) src(%arg9 : memref<112x128xf32, #tpu.memory_space<vmem>>) dst(%dma_wait3A_103 : memref<10240x128xf32, #tpu.memory_space<vmem_shared>>)
        tpu.yield
      }) : () -> ()
      %dma_wait3A_75 = arith.constant 1 : i32
      %dma_wait3A_76 = arith.constant 0 : i32
      %dma_wait3A_77 = tpu.memref_slice %arg7[%select_n3A_48, %dma_wait3A_75, %dma_wait3A_76] : memref<2x3x112xi32, #tpu.memory_space<vmem>> -> memref<1x1x112xi32, #tpu.memory_space<vmem>>
      %dma_wait3A_78 = tpu.memref_squeeze %dma_wait3A_77 : memref<1x1x112xi32, #tpu.memory_space<vmem>> -> memref<112xi32, #tpu.memory_space<vmem>>
      %dma_wait3A_79 = arith.constant 0 : i32
      %dma_wait3A_80 = arith.constant 0 : i32
      %dma_wait3A_81 = tpu.memref_slice %arg4[%dma_wait3A_79, %dma_wait3A_80] : memref<10240x128xf32, #tpu.memory_space<hbm>> -> memref<10240x128xf32, #tpu.memory_space<hbm>>
      tpu.wait_indirect_dma semaphore(%arg13 : memref<!tpu.dma_semaphore, #tpu.memory_space<semaphore_mem>>) src(%dma_wait3A_81 : memref<10240x128xf32, #tpu.memory_space<hbm>>) dst(%arg10 : memref<112x128xf32, #tpu.memory_space<vmem>>)
      %run_scoped3A_82 = arith.constant 1 : i32
      "tpu.region"() ({
        %run_scoped3A_91 = tpu.sem_alloc : memref<!tpu.dma_semaphore, #tpu.memory_space<semaphore_mem>>
        %dma_start3A_92 = arith.constant 0 : i32
        %dma_start3A_93 = tpu.memref_slice %arg8[%select_n3A_48, %run_scoped3A_82, %dma_start3A_92] : memref<2x3x112xi32, #tpu.memory_space<vmem>> -> memref<1x1x112xi32, #tpu.memory_space<vmem>>
        %dma_start3A_94 = tpu.memref_squeeze %dma_start3A_93 : memref<1x1x112xi32, #tpu.memory_space<vmem>> -> memref<112xi32, #tpu.memory_space<vmem>>
        %dma_start3A_95 = arith.constant 0 : i32
        %dma_start3A_96 = arith.constant 0 : i32
        %dma_start3A_97 = tpu.memref_slice %arg6[%dma_start3A_95, %dma_start3A_96] : memref<10240x128xf32, #tpu.memory_space<vmem_shared>> -> memref<10240x128xf32, #tpu.memory_space<vmem_shared>>
        tpu.enqueue_indirect_dma source(%arg10 : memref<112x128xf32, #tpu.memory_space<vmem>>) target(%dma_start3A_97 : memref<10240x128xf32, #tpu.memory_space<vmem_shared>>) offsets(%dma_start3A_94 : memref<112xi32, #tpu.memory_space<vmem>>) semaphore(%run_scoped3A_91 : memref<!tpu.dma_semaphore, #tpu.memory_space<semaphore_mem>>) {add = true}
        %dma_wait3A_98 = arith.constant 0 : i32
        %dma_wait3A_99 = tpu.memref_slice %arg8[%select_n3A_48, %run_scoped3A_82, %dma_wait3A_98] : memref<2x3x112xi32, #tpu.memory_space<vmem>> -> memref<1x1x112xi32, #tpu.memory_space<vmem>>
        %dma_wait3A_100 = tpu.memref_squeeze %dma_wait3A_99 : memref<1x1x112xi32, #tpu.memory_space<vmem>> -> memref<112xi32, #tpu.memory_space<vmem>>
        %dma_wait3A_101 = arith.constant 0 : i32
        %dma_wait3A_102 = arith.constant 0 : i32
        %dma_wait3A_103 = tpu.memref_slice %arg6[%dma_wait3A_101, %dma_wait3A_102] : memref<10240x128xf32, #tpu.memory_space<vmem_shared>> -> memref<10240x128xf32, #tpu.memory_space<vmem_shared>>
        tpu.wait_indirect_dma semaphore(%run_scoped3A_91 : memref<!tpu.dma_semaphore, #tpu.memory_space<semaphore_mem>>) src(%arg10 : memref<112x128xf32, #tpu.memory_space<vmem>>) dst(%dma_wait3A_103 : memref<10240x128xf32, #tpu.memory_space<vmem_shared>>)
        tpu.yield
      }) : () -> ()
      %dma_wait3A_83 = arith.constant 2 : i32
      %dma_wait3A_84 = arith.constant 0 : i32
      %dma_wait3A_85 = tpu.memref_slice %arg7[%select_n3A_48, %dma_wait3A_83, %dma_wait3A_84] : memref<2x3x112xi32, #tpu.memory_space<vmem>> -> memref<1x1x112xi32, #tpu.memory_space<vmem>>
      %dma_wait3A_86 = tpu.memref_squeeze %dma_wait3A_85 : memref<1x1x112xi32, #tpu.memory_space<vmem>> -> memref<112xi32, #tpu.memory_space<vmem>>
      %dma_wait3A_87 = arith.constant 0 : i32
      %dma_wait3A_88 = arith.constant 0 : i32
      %dma_wait3A_89 = tpu.memref_slice %arg4[%dma_wait3A_87, %dma_wait3A_88] : memref<10240x128xf32, #tpu.memory_space<hbm>> -> memref<10240x128xf32, #tpu.memory_space<hbm>>
      tpu.wait_indirect_dma semaphore(%arg14 : memref<!tpu.dma_semaphore, #tpu.memory_space<semaphore_mem>>) src(%dma_wait3A_89 : memref<10240x128xf32, #tpu.memory_space<hbm>>) dst(%arg11 : memref<112x128xf32, #tpu.memory_space<vmem>>)
      %run_scoped3A_90 = arith.constant 2 : i32
      "tpu.region"() ({
        %run_scoped3A_91 = tpu.sem_alloc : memref<!tpu.dma_semaphore, #tpu.memory_space<semaphore_mem>>
        %dma_start3A_92 = arith.constant 0 : i32
        %dma_start3A_93 = tpu.memref_slice %arg8[%select_n3A_48, %run_scoped3A_90, %dma_start3A_92] : memref<2x3x112xi32, #tpu.memory_space<vmem>> -> memref<1x1x112xi32, #tpu.memory_space<vmem>>
        %dma_start3A_94 = tpu.memref_squeeze %dma_start3A_93 : memref<1x1x112xi32, #tpu.memory_space<vmem>> -> memref<112xi32, #tpu.memory_space<vmem>>
        %dma_start3A_95 = arith.constant 0 : i32
        %dma_start3A_96 = arith.constant 0 : i32
        %dma_start3A_97 = tpu.memref_slice %arg6[%dma_start3A_95, %dma_start3A_96] : memref<10240x128xf32, #tpu.memory_space<vmem_shared>> -> memref<10240x128xf32, #tpu.memory_space<vmem_shared>>
        tpu.enqueue_indirect_dma source(%arg11 : memref<112x128xf32, #tpu.memory_space<vmem>>) target(%dma_start3A_97 : memref<10240x128xf32, #tpu.memory_space<vmem_shared>>) offsets(%dma_start3A_94 : memref<112xi32, #tpu.memory_space<vmem>>) semaphore(%run_scoped3A_91 : memref<!tpu.dma_semaphore, #tpu.memory_space<semaphore_mem>>) {add = true}
        %dma_wait3A_98 = arith.constant 0 : i32
        %dma_wait3A_99 = tpu.memref_slice %arg8[%select_n3A_48, %run_scoped3A_90, %dma_wait3A_98] : memref<2x3x112xi32, #tpu.memory_space<vmem>> -> memref<1x1x112xi32, #tpu.memory_space<vmem>>
        %dma_wait3A_100 = tpu.memref_squeeze %dma_wait3A_99 : memref<1x1x112xi32, #tpu.memory_space<vmem>> -> memref<112xi32, #tpu.memory_space<vmem>>
        %dma_wait3A_101 = arith.constant 0 : i32
        %dma_wait3A_102 = arith.constant 0 : i32
        %dma_wait3A_103 = tpu.memref_slice %arg6[%dma_wait3A_101, %dma_wait3A_102] : memref<10240x128xf32, #tpu.memory_space<vmem_shared>> -> memref<10240x128xf32, #tpu.memory_space<vmem_shared>>
        tpu.wait_indirect_dma semaphore(%run_scoped3A_91 : memref<!tpu.dma_semaphore, #tpu.memory_space<semaphore_mem>>) src(%arg11 : memref<112x128xf32, #tpu.memory_space<vmem>>) dst(%dma_wait3A_103 : memref<10240x128xf32, #tpu.memory_space<vmem_shared>>)
        tpu.yield
      }) : () -> ()
    }
    %while3A_29 = arith.constant 1 : i32
    scf.for %while3A_35 = %while3A_27 to %while3A_23 step %while3A_29  : i32 {
      %add3A_36 = arith.addi %select_n3A_11, %while3A_35 : i32
      %jit3A_37 = arith.constant 2 : i32
      %eq3A_38 = arith.constant 0 : i32
      %eq3A_39 = arith.cmpi eq, %jit3A_37, %eq3A_38 : i32
      %jit3A_40 = arith.constant 1 : i32
      %select_n3A_41 = arith.select %eq3A_39, %jit3A_40, %jit3A_37 : i32
      %rem3A = arith.remsi %while3A_35, %select_n3A_41 : i32
      %ne3A = arith.constant 0 : i32
      %ne3A_42 = arith.cmpi ne, %rem3A, %ne3A : i32
      %lt3A = arith.constant 0 : i32
      %lt3A_43 = arith.cmpi slt, %rem3A, %lt3A : i32
      %lt3A_44 = arith.constant 0 : i32
      %lt3A_45 = arith.cmpi slt, %select_n3A_41, %lt3A_44 : i32
      %ne3A_46 = arith.xori %lt3A_43, %lt3A_45 : i1
      %and3A = arith.andi %ne3A_46, %ne3A_42 : i1
      %add3A_47 = arith.addi %rem3A, %select_n3A_41 : i32
      %select_n3A_48 = arith.select %and3A, %add3A_47, %rem3A : i32
      "tpu.region"() ({
        %run_scoped3A_91 = tpu.sem_alloc : memref<!tpu.dma_semaphore, #tpu.memory_space<semaphore_mem>>
        %dma_start3A_92 = arith.constant 0 : i32
        %dma_start3A_93 = arith.constant 0 : i32
        %dma_start3A_94 = tpu.memref_slice %arg7[%select_n3A_48, %dma_start3A_92, %dma_start3A_93] : memref<2x3x112xi32, #tpu.memory_space<vmem>> -> memref<1x3x112xi32, #tpu.memory_space<vmem>>
        %dma_start3A_95 = tpu.memref_squeeze %dma_start3A_94 : memref<1x3x112xi32, #tpu.memory_space<vmem>> -> memref<3x112xi32, #tpu.memory_space<vmem>>
        %dma_start3A_96 = arith.constant 0 : i32
        %dma_start3A_97 = arith.constant 0 : i32
        %dma_start3A_98 = tpu.memref_slice %arg2[%add3A_36, %dma_start3A_96, %dma_start3A_97] : memref<960x3x112xi32, #tpu.memory_space<hbm>> -> memref<1x3x112xi32, #tpu.memory_space<hbm>>
        %dma_start3A_99 = tpu.memref_squeeze %dma_start3A_98 : memref<1x3x112xi32, #tpu.memory_space<hbm>> -> memref<3x112xi32, #tpu.memory_space<hbm>>
        %dma_start3A_100 = arith.constant 0 : i32
        %dma_start3A_101 = arith.constant 0 : i32
        %dma_start3A_102 = tpu.memref_slice %arg7[%select_n3A_48, %dma_start3A_100, %dma_start3A_101] : memref<2x3x112xi32, #tpu.memory_space<vmem>> -> memref<1x3x112xi32, #tpu.memory_space<vmem>>
        %dma_start3A_103 = tpu.memref_squeeze %dma_start3A_102 : memref<1x3x112xi32, #tpu.memory_space<vmem>> -> memref<3x112xi32, #tpu.memory_space<vmem>>
        %dma_start3A_104 = arith.constant 0 : i32
        %dma_start3A_105 = arith.constant 0 : i32
        %dma_start3A_106 = tpu.memref_slice %arg2[%add3A_36, %dma_start3A_104, %dma_start3A_105] : memref<960x3x112xi32, #tpu.memory_space<hbm>> -> memref<1x3x112xi32, #tpu.memory_space<hbm>>
        %dma_start3A_107 = tpu.memref_squeeze %dma_start3A_106 : memref<1x3x112xi32, #tpu.memory_space<hbm>> -> memref<3x112xi32, #tpu.memory_space<hbm>>
        tpu.enqueue_dma source(%dma_start3A_107 : memref<3x112xi32, #tpu.memory_space<hbm>>) target(%dma_start3A_103 : memref<3x112xi32, #tpu.memory_space<vmem>>) target_semaphore(%run_scoped3A_91 : memref<!tpu.dma_semaphore, #tpu.memory_space<semaphore_mem>>)
        %dma_wait3A_108 = arith.constant 0 : i32
        %dma_wait3A_109 = arith.constant 0 : i32
        %dma_wait3A_110 = tpu.memref_slice %arg7[%select_n3A_48, %dma_wait3A_108, %dma_wait3A_109] : memref<2x3x112xi32, #tpu.memory_space<vmem>> -> memref<1x3x112xi32, #tpu.memory_space<vmem>>
        %dma_wait3A_111 = tpu.memref_squeeze %dma_wait3A_110 : memref<1x3x112xi32, #tpu.memory_space<vmem>> -> memref<3x112xi32, #tpu.memory_space<vmem>>
        %dma_wait3A_112 = arith.constant 0 : i32
        %dma_wait3A_113 = arith.constant 0 : i32
        %dma_wait3A_114 = tpu.memref_slice %arg2[%add3A_36, %dma_wait3A_112, %dma_wait3A_113] : memref<960x3x112xi32, #tpu.memory_space<hbm>> -> memref<1x3x112xi32, #tpu.memory_space<hbm>>
        %dma_wait3A_115 = tpu.memref_squeeze %dma_wait3A_114 : memref<1x3x112xi32, #tpu.memory_space<hbm>> -> memref<3x112xi32, #tpu.memory_space<hbm>>
        %dma_wait3A_116 = arith.constant 0 : i32
        %dma_wait3A_117 = arith.constant 0 : i32
        %dma_wait3A_118 = tpu.memref_slice %arg7[%select_n3A_48, %dma_wait3A_116, %dma_wait3A_117] : memref<2x3x112xi32, #tpu.memory_space<vmem>> -> memref<1x3x112xi32, #tpu.memory_space<vmem>>
        %dma_wait3A_119 = tpu.memref_squeeze %dma_wait3A_118 : memref<1x3x112xi32, #tpu.memory_space<vmem>> -> memref<3x112xi32, #tpu.memory_space<vmem>>
        %dma_wait3A_120 = arith.constant 0 : i32
        %dma_wait3A_121 = arith.constant 0 : i32
        %dma_wait3A_122 = tpu.memref_slice %arg2[%add3A_36, %dma_wait3A_120, %dma_wait3A_121] : memref<960x3x112xi32, #tpu.memory_space<hbm>> -> memref<1x3x112xi32, #tpu.memory_space<hbm>>
        %dma_wait3A_123 = tpu.memref_squeeze %dma_wait3A_122 : memref<1x3x112xi32, #tpu.memory_space<hbm>> -> memref<3x112xi32, #tpu.memory_space<hbm>>
        tpu.wait_dma2 semaphore(%run_scoped3A_91 : memref<!tpu.dma_semaphore, #tpu.memory_space<semaphore_mem>>) src(%dma_wait3A_123 : memref<3x112xi32, #tpu.memory_space<hbm>>) dst(%dma_wait3A_119 : memref<3x112xi32, #tpu.memory_space<vmem>>)
        tpu.yield
      }) : () -> ()
      "tpu.region"() ({
        %run_scoped3A_91 = tpu.sem_alloc : memref<!tpu.dma_semaphore, #tpu.memory_space<semaphore_mem>>
        %dma_start3A_92 = arith.constant 0 : i32
        %dma_start3A_93 = arith.constant 0 : i32
        %dma_start3A_94 = tpu.memref_slice %arg8[%select_n3A_48, %dma_start3A_92, %dma_start3A_93] : memref<2x3x112xi32, #tpu.memory_space<vmem>> -> memref<1x3x112xi32, #tpu.memory_space<vmem>>
        %dma_start3A_95 = tpu.memref_squeeze %dma_start3A_94 : memref<1x3x112xi32, #tpu.memory_space<vmem>> -> memref<3x112xi32, #tpu.memory_space<vmem>>
        %dma_start3A_96 = arith.constant 0 : i32
        %dma_start3A_97 = arith.constant 0 : i32
        %dma_start3A_98 = tpu.memref_slice %arg3[%add3A_36, %dma_start3A_96, %dma_start3A_97] : memref<960x3x112xi32, #tpu.memory_space<hbm>> -> memref<1x3x112xi32, #tpu.memory_space<hbm>>
        %dma_start3A_99 = tpu.memref_squeeze %dma_start3A_98 : memref<1x3x112xi32, #tpu.memory_space<hbm>> -> memref<3x112xi32, #tpu.memory_space<hbm>>
        %dma_start3A_100 = arith.constant 0 : i32
        %dma_start3A_101 = arith.constant 0 : i32
        %dma_start3A_102 = tpu.memref_slice %arg8[%select_n3A_48, %dma_start3A_100, %dma_start3A_101] : memref<2x3x112xi32, #tpu.memory_space<vmem>> -> memref<1x3x112xi32, #tpu.memory_space<vmem>>
        %dma_start3A_103 = tpu.memref_squeeze %dma_start3A_102 : memref<1x3x112xi32, #tpu.memory_space<vmem>> -> memref<3x112xi32, #tpu.memory_space<vmem>>
        %dma_start3A_104 = arith.constant 0 : i32
        %dma_start3A_105 = arith.constant 0 : i32
        %dma_start3A_106 = tpu.memref_slice %arg3[%add3A_36, %dma_start3A_104, %dma_start3A_105] : memref<960x3x112xi32, #tpu.memory_space<hbm>> -> memref<1x3x112xi32, #tpu.memory_space<hbm>>
        %dma_start3A_107 = tpu.memref_squeeze %dma_start3A_106 : memref<1x3x112xi32, #tpu.memory_space<hbm>> -> memref<3x112xi32, #tpu.memory_space<hbm>>
        tpu.enqueue_dma source(%dma_start3A_107 : memref<3x112xi32, #tpu.memory_space<hbm>>) target(%dma_start3A_103 : memref<3x112xi32, #tpu.memory_space<vmem>>) target_semaphore(%run_scoped3A_91 : memref<!tpu.dma_semaphore, #tpu.memory_space<semaphore_mem>>)
        %dma_wait3A_108 = arith.constant 0 : i32
        %dma_wait3A_109 = arith.constant 0 : i32
        %dma_wait3A_110 = tpu.memref_slice %arg8[%select_n3A_48, %dma_wait3A_108, %dma_wait3A_109] : memref<2x3x112xi32, #tpu.memory_space<vmem>> -> memref<1x3x112xi32, #tpu.memory_space<vmem>>
        %dma_wait3A_111 = tpu.memref_squeeze %dma_wait3A_110 : memref<1x3x112xi32, #tpu.memory_space<vmem>> -> memref<3x112xi32, #tpu.memory_space<vmem>>
        %dma_wait3A_112 = arith.constant 0 : i32
        %dma_wait3A_113 = arith.constant 0 : i32
        %dma_wait3A_114 = tpu.memref_slice %arg3[%add3A_36, %dma_wait3A_112, %dma_wait3A_113] : memref<960x3x112xi32, #tpu.memory_space<hbm>> -> memref<1x3x112xi32, #tpu.memory_space<hbm>>
        %dma_wait3A_115 = tpu.memref_squeeze %dma_wait3A_114 : memref<1x3x112xi32, #tpu.memory_space<hbm>> -> memref<3x112xi32, #tpu.memory_space<hbm>>
        %dma_wait3A_116 = arith.constant 0 : i32
        %dma_wait3A_117 = arith.constant 0 : i32
        %dma_wait3A_118 = tpu.memref_slice %arg8[%select_n3A_48, %dma_wait3A_116, %dma_wait3A_117] : memref<2x3x112xi32, #tpu.memory_space<vmem>> -> memref<1x3x112xi32, #tpu.memory_space<vmem>>
        %dma_wait3A_119 = tpu.memref_squeeze %dma_wait3A_118 : memref<1x3x112xi32, #tpu.memory_space<vmem>> -> memref<3x112xi32, #tpu.memory_space<vmem>>
        %dma_wait3A_120 = arith.constant 0 : i32
        %dma_wait3A_121 = arith.constant 0 : i32
        %dma_wait3A_122 = tpu.memref_slice %arg3[%add3A_36, %dma_wait3A_120, %dma_wait3A_121] : memref<960x3x112xi32, #tpu.memory_space<hbm>> -> memref<1x3x112xi32, #tpu.memory_space<hbm>>
        %dma_wait3A_123 = tpu.memref_squeeze %dma_wait3A_122 : memref<1x3x112xi32, #tpu.memory_space<hbm>> -> memref<3x112xi32, #tpu.memory_space<hbm>>
        tpu.wait_dma2 semaphore(%run_scoped3A_91 : memref<!tpu.dma_semaphore, #tpu.memory_space<semaphore_mem>>) src(%dma_wait3A_123 : memref<3x112xi32, #tpu.memory_space<hbm>>) dst(%dma_wait3A_119 : memref<3x112xi32, #tpu.memory_space<vmem>>)
        tpu.yield
      }) : () -> ()
      %dma_start3A = arith.constant 0 : i32
      %dma_start3A_49 = arith.constant 0 : i32
      %dma_start3A_50 = tpu.memref_slice %arg7[%select_n3A_48, %dma_start3A, %dma_start3A_49] : memref<2x3x112xi32, #tpu.memory_space<vmem>> -> memref<1x1x112xi32, #tpu.memory_space<vmem>>
      %dma_start3A_51 = tpu.memref_squeeze %dma_start3A_50 : memref<1x1x112xi32, #tpu.memory_space<vmem>> -> memref<112xi32, #tpu.memory_space<vmem>>
      %dma_start3A_52 = arith.constant 0 : i32
      %dma_start3A_53 = arith.constant 0 : i32
      %dma_start3A_54 = tpu.memref_slice %arg4[%dma_start3A_52, %dma_start3A_53] : memref<10240x128xf32, #tpu.memory_space<hbm>> -> memref<10240x128xf32, #tpu.memory_space<hbm>>
      tpu.enqueue_indirect_dma source(%dma_start3A_54 : memref<10240x128xf32, #tpu.memory_space<hbm>>) target(%arg9 : memref<112x128xf32, #tpu.memory_space<vmem>>) offsets(%dma_start3A_51 : memref<112xi32, #tpu.memory_space<vmem>>) semaphore(%arg12 : memref<!tpu.dma_semaphore, #tpu.memory_space<semaphore_mem>>)
      %dma_start3A_55 = arith.constant 1 : i32
      %dma_start3A_56 = arith.constant 0 : i32
      %dma_start3A_57 = tpu.memref_slice %arg7[%select_n3A_48, %dma_start3A_55, %dma_start3A_56] : memref<2x3x112xi32, #tpu.memory_space<vmem>> -> memref<1x1x112xi32, #tpu.memory_space<vmem>>
      %dma_start3A_58 = tpu.memref_squeeze %dma_start3A_57 : memref<1x1x112xi32, #tpu.memory_space<vmem>> -> memref<112xi32, #tpu.memory_space<vmem>>
      %dma_start3A_59 = arith.constant 0 : i32
      %dma_start3A_60 = arith.constant 0 : i32
      %dma_start3A_61 = tpu.memref_slice %arg4[%dma_start3A_59, %dma_start3A_60] : memref<10240x128xf32, #tpu.memory_space<hbm>> -> memref<10240x128xf32, #tpu.memory_space<hbm>>
      tpu.enqueue_indirect_dma source(%dma_start3A_61 : memref<10240x128xf32, #tpu.memory_space<hbm>>) target(%arg10 : memref<112x128xf32, #tpu.memory_space<vmem>>) offsets(%dma_start3A_58 : memref<112xi32, #tpu.memory_space<vmem>>) semaphore(%arg13 : memref<!tpu.dma_semaphore, #tpu.memory_space<semaphore_mem>>)
      %dma_start3A_62 = arith.constant 2 : i32
      %dma_start3A_63 = arith.constant 0 : i32
      %dma_start3A_64 = tpu.memref_slice %arg7[%select_n3A_48, %dma_start3A_62, %dma_start3A_63] : memref<2x3x112xi32, #tpu.memory_space<vmem>> -> memref<1x1x112xi32, #tpu.memory_space<vmem>>
      %dma_start3A_65 = tpu.memref_squeeze %dma_start3A_64 : memref<1x1x112xi32, #tpu.memory_space<vmem>> -> memref<112xi32, #tpu.memory_space<vmem>>
      %dma_start3A_66 = arith.constant 0 : i32
      %dma_start3A_67 = arith.constant 0 : i32
      %dma_start3A_68 = tpu.memref_slice %arg4[%dma_start3A_66, %dma_start3A_67] : memref<10240x128xf32, #tpu.memory_space<hbm>> -> memref<10240x128xf32, #tpu.memory_space<hbm>>
      tpu.enqueue_indirect_dma source(%dma_start3A_68 : memref<10240x128xf32, #tpu.memory_space<hbm>>) target(%arg11 : memref<112x128xf32, #tpu.memory_space<vmem>>) offsets(%dma_start3A_65 : memref<112xi32, #tpu.memory_space<vmem>>) semaphore(%arg14 : memref<!tpu.dma_semaphore, #tpu.memory_space<semaphore_mem>>)
      %dma_wait3A = arith.constant 0 : i32
      %dma_wait3A_69 = arith.constant 0 : i32
      %dma_wait3A_70 = tpu.memref_slice %arg7[%select_n3A_48, %dma_wait3A, %dma_wait3A_69] : memref<2x3x112xi32, #tpu.memory_space<vmem>> -> memref<1x1x112xi32, #tpu.memory_space<vmem>>
      %dma_wait3A_71 = tpu.memref_squeeze %dma_wait3A_70 : memref<1x1x112xi32, #tpu.memory_space<vmem>> -> memref<112xi32, #tpu.memory_space<vmem>>
      %dma_wait3A_72 = arith.constant 0 : i32
      %dma_wait3A_73 = arith.constant 0 : i32
      %dma_wait3A_74 = tpu.memref_slice %arg4[%dma_wait3A_72, %dma_wait3A_73] : memref<10240x128xf32, #tpu.memory_space<hbm>> -> memref<10240x128xf32, #tpu.memory_space<hbm>>
      tpu.wait_indirect_dma semaphore(%arg12 : memref<!tpu.dma_semaphore, #tpu.memory_space<semaphore_mem>>) src(%dma_wait3A_74 : memref<10240x128xf32, #tpu.memory_space<hbm>>) dst(%arg9 : memref<112x128xf32, #tpu.memory_space<vmem>>)
      %run_scoped3A = arith.constant 0 : i32
      "tpu.region"() ({
        %run_scoped3A_91 = tpu.sem_alloc : memref<!tpu.dma_semaphore, #tpu.memory_space<semaphore_mem>>
        %dma_start3A_92 = arith.constant 0 : i32
        %dma_start3A_93 = tpu.memref_slice %arg8[%select_n3A_48, %run_scoped3A, %dma_start3A_92] : memref<2x3x112xi32, #tpu.memory_space<vmem>> -> memref<1x1x112xi32, #tpu.memory_space<vmem>>
        %dma_start3A_94 = tpu.memref_squeeze %dma_start3A_93 : memref<1x1x112xi32, #tpu.memory_space<vmem>> -> memref<112xi32, #tpu.memory_space<vmem>>
        %dma_start3A_95 = arith.constant 0 : i32
        %dma_start3A_96 = arith.constant 0 : i32
        %dma_start3A_97 = tpu.memref_slice %arg6[%dma_start3A_95, %dma_start3A_96] : memref<10240x128xf32, #tpu.memory_space<vmem_shared>> -> memref<10240x128xf32, #tpu.memory_space<vmem_shared>>
        tpu.enqueue_indirect_dma source(%arg9 : memref<112x128xf32, #tpu.memory_space<vmem>>) target(%dma_start3A_97 : memref<10240x128xf32, #tpu.memory_space<vmem_shared>>) offsets(%dma_start3A_94 : memref<112xi32, #tpu.memory_space<vmem>>) semaphore(%run_scoped3A_91 : memref<!tpu.dma_semaphore, #tpu.memory_space<semaphore_mem>>) {add = true}
        %dma_wait3A_98 = arith.constant 0 : i32
        %dma_wait3A_99 = tpu.memref_slice %arg8[%select_n3A_48, %run_scoped3A, %dma_wait3A_98] : memref<2x3x112xi32, #tpu.memory_space<vmem>> -> memref<1x1x112xi32, #tpu.memory_space<vmem>>
        %dma_wait3A_100 = tpu.memref_squeeze %dma_wait3A_99 : memref<1x1x112xi32, #tpu.memory_space<vmem>> -> memref<112xi32, #tpu.memory_space<vmem>>
        %dma_wait3A_101 = arith.constant 0 : i32
        %dma_wait3A_102 = arith.constant 0 : i32
        %dma_wait3A_103 = tpu.memref_slice %arg6[%dma_wait3A_101, %dma_wait3A_102] : memref<10240x128xf32, #tpu.memory_space<vmem_shared>> -> memref<10240x128xf32, #tpu.memory_space<vmem_shared>>
        tpu.wait_indirect_dma semaphore(%run_scoped3A_91 : memref<!tpu.dma_semaphore, #tpu.memory_space<semaphore_mem>>) src(%arg9 : memref<112x128xf32, #tpu.memory_space<vmem>>) dst(%dma_wait3A_103 : memref<10240x128xf32, #tpu.memory_space<vmem_shared>>)
        tpu.yield
      }) : () -> ()
      %dma_wait3A_75 = arith.constant 1 : i32
      %dma_wait3A_76 = arith.constant 0 : i32
      %dma_wait3A_77 = tpu.memref_slice %arg7[%select_n3A_48, %dma_wait3A_75, %dma_wait3A_76] : memref<2x3x112xi32, #tpu.memory_space<vmem>> -> memref<1x1x112xi32, #tpu.memory_space<vmem>>
      %dma_wait3A_78 = tpu.memref_squeeze %dma_wait3A_77 : memref<1x1x112xi32, #tpu.memory_space<vmem>> -> memref<112xi32, #tpu.memory_space<vmem>>
      %dma_wait3A_79 = arith.constant 0 : i32
      %dma_wait3A_80 = arith.constant 0 : i32
      %dma_wait3A_81 = tpu.memref_slice %arg4[%dma_wait3A_79, %dma_wait3A_80] : memref<10240x128xf32, #tpu.memory_space<hbm>> -> memref<10240x128xf32, #tpu.memory_space<hbm>>
      tpu.wait_indirect_dma semaphore(%arg13 : memref<!tpu.dma_semaphore, #tpu.memory_space<semaphore_mem>>) src(%dma_wait3A_81 : memref<10240x128xf32, #tpu.memory_space<hbm>>) dst(%arg10 : memref<112x128xf32, #tpu.memory_space<vmem>>)
      %run_scoped3A_82 = arith.constant 1 : i32
      "tpu.region"() ({
        %run_scoped3A_91 = tpu.sem_alloc : memref<!tpu.dma_semaphore, #tpu.memory_space<semaphore_mem>>
        %dma_start3A_92 = arith.constant 0 : i32
        %dma_start3A_93 = tpu.memref_slice %arg8[%select_n3A_48, %run_scoped3A_82, %dma_start3A_92] : memref<2x3x112xi32, #tpu.memory_space<vmem>> -> memref<1x1x112xi32, #tpu.memory_space<vmem>>
        %dma_start3A_94 = tpu.memref_squeeze %dma_start3A_93 : memref<1x1x112xi32, #tpu.memory_space<vmem>> -> memref<112xi32, #tpu.memory_space<vmem>>
        %dma_start3A_95 = arith.constant 0 : i32
        %dma_start3A_96 = arith.constant 0 : i32
        %dma_start3A_97 = tpu.memref_slice %arg6[%dma_start3A_95, %dma_start3A_96] : memref<10240x128xf32, #tpu.memory_space<vmem_shared>> -> memref<10240x128xf32, #tpu.memory_space<vmem_shared>>
        tpu.enqueue_indirect_dma source(%arg10 : memref<112x128xf32, #tpu.memory_space<vmem>>) target(%dma_start3A_97 : memref<10240x128xf32, #tpu.memory_space<vmem_shared>>) offsets(%dma_start3A_94 : memref<112xi32, #tpu.memory_space<vmem>>) semaphore(%run_scoped3A_91 : memref<!tpu.dma_semaphore, #tpu.memory_space<semaphore_mem>>) {add = true}
        %dma_wait3A_98 = arith.constant 0 : i32
        %dma_wait3A_99 = tpu.memref_slice %arg8[%select_n3A_48, %run_scoped3A_82, %dma_wait3A_98] : memref<2x3x112xi32, #tpu.memory_space<vmem>> -> memref<1x1x112xi32, #tpu.memory_space<vmem>>
        %dma_wait3A_100 = tpu.memref_squeeze %dma_wait3A_99 : memref<1x1x112xi32, #tpu.memory_space<vmem>> -> memref<112xi32, #tpu.memory_space<vmem>>
        %dma_wait3A_101 = arith.constant 0 : i32
        %dma_wait3A_102 = arith.constant 0 : i32
        %dma_wait3A_103 = tpu.memref_slice %arg6[%dma_wait3A_101, %dma_wait3A_102] : memref<10240x128xf32, #tpu.memory_space<vmem_shared>> -> memref<10240x128xf32, #tpu.memory_space<vmem_shared>>
        tpu.wait_indirect_dma semaphore(%run_scoped3A_91 : memref<!tpu.dma_semaphore, #tpu.memory_space<semaphore_mem>>) src(%arg10 : memref<112x128xf32, #tpu.memory_space<vmem>>) dst(%dma_wait3A_103 : memref<10240x128xf32, #tpu.memory_space<vmem_shared>>)
        tpu.yield
      }) : () -> ()
      %dma_wait3A_83 = arith.constant 2 : i32
      %dma_wait3A_84 = arith.constant 0 : i32
      %dma_wait3A_85 = tpu.memref_slice %arg7[%select_n3A_48, %dma_wait3A_83, %dma_wait3A_84] : memref<2x3x112xi32, #tpu.memory_space<vmem>> -> memref<1x1x112xi32, #tpu.memory_space<vmem>>
      %dma_wait3A_86 = tpu.memref_squeeze %dma_wait3A_85 : memref<1x1x112xi32, #tpu.memory_space<vmem>> -> memref<112xi32, #tpu.memory_space<vmem>>
      %dma_wait3A_87 = arith.constant 0 : i32
      %dma_wait3A_88 = arith.constant 0 : i32
      %dma_wait3A_89 = tpu.memref_slice %arg4[%dma_wait3A_87, %dma_wait3A_88] : memref<10240x128xf32, #tpu.memory_space<hbm>> -> memref<10240x128xf32, #tpu.memory_space<hbm>>
      tpu.wait_indirect_dma semaphore(%arg14 : memref<!tpu.dma_semaphore, #tpu.memory_space<semaphore_mem>>) src(%dma_wait3A_89 : memref<10240x128xf32, #tpu.memory_space<hbm>>) dst(%arg11 : memref<112x128xf32, #tpu.memory_space<vmem>>)
      %run_scoped3A_90 = arith.constant 2 : i32
      "tpu.region"() ({
        %run_scoped3A_91 = tpu.sem_alloc : memref<!tpu.dma_semaphore, #tpu.memory_space<semaphore_mem>>
        %dma_start3A_92 = arith.constant 0 : i32
        %dma_start3A_93 = tpu.memref_slice %arg8[%select_n3A_48, %run_scoped3A_90, %dma_start3A_92] : memref<2x3x112xi32, #tpu.memory_space<vmem>> -> memref<1x1x112xi32, #tpu.memory_space<vmem>>
        %dma_start3A_94 = tpu.memref_squeeze %dma_start3A_93 : memref<1x1x112xi32, #tpu.memory_space<vmem>> -> memref<112xi32, #tpu.memory_space<vmem>>
        %dma_start3A_95 = arith.constant 0 : i32
        %dma_start3A_96 = arith.constant 0 : i32
        %dma_start3A_97 = tpu.memref_slice %arg6[%dma_start3A_95, %dma_start3A_96] : memref<10240x128xf32, #tpu.memory_space<vmem_shared>> -> memref<10240x128xf32, #tpu.memory_space<vmem_shared>>
        tpu.enqueue_indirect_dma source(%arg11 : memref<112x128xf32, #tpu.memory_space<vmem>>) target(%dma_start3A_97 : memref<10240x128xf32, #tpu.memory_space<vmem_shared>>) offsets(%dma_start3A_94 : memref<112xi32, #tpu.memory_space<vmem>>) semaphore(%run_scoped3A_91 : memref<!tpu.dma_semaphore, #tpu.memory_space<semaphore_mem>>) {add = true}
        %dma_wait3A_98 = arith.constant 0 : i32
        %dma_wait3A_99 = tpu.memref_slice %arg8[%select_n3A_48, %run_scoped3A_90, %dma_wait3A_98] : memref<2x3x112xi32, #tpu.memory_space<vmem>> -> memref<1x1x112xi32, #tpu.memory_space<vmem>>
        %dma_wait3A_100 = tpu.memref_squeeze %dma_wait3A_99 : memref<1x1x112xi32, #tpu.memory_space<vmem>> -> memref<112xi32, #tpu.memory_space<vmem>>
        %dma_wait3A_101 = arith.constant 0 : i32
        %dma_wait3A_102 = arith.constant 0 : i32
        %dma_wait3A_103 = tpu.memref_slice %arg6[%dma_wait3A_101, %dma_wait3A_102] : memref<10240x128xf32, #tpu.memory_space<vmem_shared>> -> memref<10240x128xf32, #tpu.memory_space<vmem_shared>>
        tpu.wait_indirect_dma semaphore(%run_scoped3A_91 : memref<!tpu.dma_semaphore, #tpu.memory_space<semaphore_mem>>) src(%arg11 : memref<112x128xf32, #tpu.memory_space<vmem>>) dst(%dma_wait3A_103 : memref<10240x128xf32, #tpu.memory_space<vmem_shared>>)
        tpu.yield
      }) : () -> ()
    }
    %barrier3A_30 = arith.constant 0 : index
    tpu.barrier barrier_id(%barrier3A_30)
    %mul3A_31 = arith.constant 640 : i32
    %mul3A_32 = arith.muli %arg1, %mul3A_31 : i32
    %mul3A_33 = arith.constant 640 : i32
    %mul3A_34 = arith.muli %arg1, %mul3A_33 : i32
    "tpu.region"() ({
      %run_scoped3A = tpu.sem_alloc : memref<!tpu.dma_semaphore, #tpu.memory_space<semaphore_mem>>
      %dma_start3A = arith.constant 0 : i32
      %dma_start3A_35 = tpu.memref_slice %arg5[%arg0, %mul3A_34, %dma_start3A] : memref<2x10240x128xf32, #tpu.memory_space<hbm>> -> memref<1x640x128xf32, #tpu.memory_space<hbm>>
      %dma_start3A_36 = tpu.memref_squeeze %dma_start3A_35 : memref<1x640x128xf32, #tpu.memory_space<hbm>> -> memref<640x128xf32, #tpu.memory_space<hbm>>
      %dma_start3A_37 = arith.constant 0 : i32
      %dma_start3A_38 = tpu.memref_slice %arg6[%mul3A_32, %dma_start3A_37] : memref<10240x128xf32, #tpu.memory_space<vmem_shared>> -> memref<640x128xf32, #tpu.memory_space<vmem_shared>>
      tpu.enqueue_dma source(%dma_start3A_38 : memref<640x128xf32, #tpu.memory_space<vmem_shared>>) target(%dma_start3A_36 : memref<640x128xf32, #tpu.memory_space<hbm>>) target_semaphore(%run_scoped3A : memref<!tpu.dma_semaphore, #tpu.memory_space<semaphore_mem>>)
      %dma_wait3A = arith.constant 0 : i32
      %dma_wait3A_39 = tpu.memref_slice %arg5[%arg0, %mul3A_34, %dma_wait3A] : memref<2x10240x128xf32, #tpu.memory_space<hbm>> -> memref<1x640x128xf32, #tpu.memory_space<hbm>>
      %dma_wait3A_40 = tpu.memref_squeeze %dma_wait3A_39 : memref<1x640x128xf32, #tpu.memory_space<hbm>> -> memref<640x128xf32, #tpu.memory_space<hbm>>
      %dma_wait3A_41 = arith.constant 0 : i32
      %dma_wait3A_42 = tpu.memref_slice %arg6[%mul3A_32, %dma_wait3A_41] : memref<10240x128xf32, #tpu.memory_space<vmem_shared>> -> memref<640x128xf32, #tpu.memory_space<vmem_shared>>
      tpu.wait_dma2 semaphore(%run_scoped3A : memref<!tpu.dma_semaphore, #tpu.memory_space<semaphore_mem>>) src(%dma_wait3A_42 : memref<640x128xf32, #tpu.memory_space<vmem_shared>>) dst(%dma_wait3A_40 : memref<640x128xf32, #tpu.memory_space<hbm>>)
      tpu.yield
    }) : () -> ()
    return
  }
}

module attributes {stable_mosaic.version = 14 : i64} {
  func.func @_tc_body(%arg0: i32, %arg1: memref<2x512x128xf32, #tpu.memory_space<vmem>>, %arg2: memref<512x1xf32, #tpu.memory_space<vmem>>, %arg3: memref<2x512x64xf32, #tpu.memory_space<vmem>>, %arg4: memref<2x64x1xf32, #tpu.memory_space<vmem>>, %arg5: memref<128x256xf32, #tpu.memory_space<vmem>>, %arg6: memref<1x256xf32, #tpu.memory_space<vmem>>, %arg7: memref<256x256xf32, #tpu.memory_space<vmem>>, %arg8: memref<1x256xf32, #tpu.memory_space<vmem>>, %arg9: memref<256x3xf32, #tpu.memory_space<vmem>>, %arg10: memref<1x3xf32, #tpu.memory_space<vmem>>, %arg11: memref<64x3xf32, #tpu.memory_space<vmem>>, %arg12: memref<64x256xf32, #tpu.memory_space<vmem>>) attributes {dimension_semantics = [#tpu.dimension_semantics<arbitrary>], iteration_bounds = array<i64: 20>, scalar_prefetch = 0 : i64, scratch_operands = 1 : i64, tpu.core_type = #tpu.core_type<tc>, window_params = [{transform_indices = @transform_0, window_bounds = array<i64: 2, 512, 128>}, {transform_indices = @transform_1, window_bounds = array<i64: 512, 1>}, {transform_indices = @transform_2, window_bounds = array<i64: 2, 512, 64>}, {pipeline_mode = #tpu.pipeline_mode<synchronous>, transform_indices = @transform_3, window_bounds = array<i64: 2, 64, 1>}, {pipeline_mode = #tpu.pipeline_mode<synchronous>, transform_indices = @transform_4, window_bounds = array<i64: 128, 256>}, {pipeline_mode = #tpu.pipeline_mode<synchronous>, transform_indices = @transform_5, window_bounds = array<i64: 1, 256>}, {pipeline_mode = #tpu.pipeline_mode<synchronous>, transform_indices = @transform_6, window_bounds = array<i64: 256, 256>}, {pipeline_mode = #tpu.pipeline_mode<synchronous>, transform_indices = @transform_7, window_bounds = array<i64: 1, 256>}, {pipeline_mode = #tpu.pipeline_mode<synchronous>, transform_indices = @transform_8, window_bounds = array<i64: 256, 3>}, {pipeline_mode = #tpu.pipeline_mode<synchronous>, transform_indices = @transform_9, window_bounds = array<i64: 1, 3>}, {pipeline_mode = #tpu.pipeline_mode<synchronous>, transform_indices = @transform_10, window_bounds = array<i64: 64, 3>}]} {
    %eq3A = arith.constant 0 : i32
    %eq3A_0 = arith.cmpi eq, %arg0, %eq3A : i32
    %convert_element_type3A = arith.extui %eq3A_0 : i1 to i32
    %cond3A = arith.constant 0 : i32
    %cond3A_1 = arith.cmpi ne, %convert_element_type3A, %cond3A : i32
    scf.if %cond3A_1 {
      %broadcast_in_dim3A = arith.constant 0.000000e+00 : f32
      %broadcast_in_dim3A_52 = vector.broadcast %broadcast_in_dim3A : f32 to vector<64x256xf32>
      %swap3A_53 = arith.constant 0 : index
      %swap3A_54 = arith.constant 0 : index
      %swap3A_55 = vector.load %arg12[%swap3A_53, %swap3A_54] : memref<64x256xf32, #tpu.memory_space<vmem>>, vector<64x256xf32>
      tpu.vector_store %arg12[%swap3A_53, %swap3A_54], %broadcast_in_dim3A_52 {strides = array<i32>} : memref<64x256xf32, #tpu.memory_space<vmem>>, vector<64x256xf32>,
    } else {
    }
    %get3A = arith.constant 0 : index
    %get3A_2 = arith.constant 0 : index
    %get3A_3 = vector.load %arg2[%get3A, %get3A_2] : memref<512x1xf32, #tpu.memory_space<vmem>>, vector<512x1xf32>
    %get3A_4 = arith.constant 0 : index
    %get3A_5 = arith.constant 0 : index
    %get3A_6 = arith.constant 0 : index
    %get3A_7 = vector.load %arg1[%get3A_4, %get3A_5, %get3A_6] : memref<2x512x128xf32, #tpu.memory_space<vmem>>, vector<1x512x128xf32>
    %get3A_8 = vector.shape_cast %get3A_7 : vector<1x512x128xf32> to vector<512x128xf32>
    %get3A_9 = arith.constant 1 : index
    %get3A_10 = arith.constant 0 : index
    %get3A_11 = arith.constant 0 : index
    %get3A_12 = vector.load %arg1[%get3A_9, %get3A_10, %get3A_11] : memref<2x512x128xf32, #tpu.memory_space<vmem>>, vector<1x512x128xf32>
    %get3A_13 = vector.shape_cast %get3A_12 : vector<1x512x128xf32> to vector<512x128xf32>
    %add3A = arith.addf %get3A_8, %get3A_13 : vector<512x128xf32>
    %mul3A = vector.broadcast %get3A_3 : vector<512x1xf32> to vector<512x128xf32>
    %mul3A_14 = arith.mulf %mul3A, %add3A : vector<512x128xf32>
    %get3A_15 = arith.constant 0 : index
    %get3A_16 = arith.constant 0 : index
    %get3A_17 = vector.load %arg5[%get3A_15, %get3A_16] : memref<128x256xf32, #tpu.memory_space<vmem>>, vector<128x256xf32>
    %dot_general3A = arith.constant dense<0.000000e+00> : vector<512x256xf32>
    %dot_general3A_18 = tpu.matmul %mul3A_14, %get3A_17, %dot_general3A {dimension_numbers = #tpu.dot_dimension_numbers<[1], [0], [0], [1], [0, 0, 1, 1], [], []>, transpose_lhs_hint = false} : vector<512x128xf32>, vector<128x256xf32>, vector<512x256xf32> -> vector<512x256xf32>
    %get3A_19 = arith.constant 0 : index
    %get3A_20 = arith.constant 0 : index
    %get3A_21 = vector.load %arg6[%get3A_19, %get3A_20] : memref<1x256xf32, #tpu.memory_space<vmem>>, vector<1x256xf32>
    %add3A_22 = vector.broadcast %get3A_21 : vector<1x256xf32> to vector<512x256xf32>
    %add3A_23 = arith.addf %dot_general3A_18, %add3A_22 : vector<512x256xf32>
    %max3A = arith.constant 0.000000e+00 : f32
    %max3A_24 = vector.broadcast %max3A : f32 to vector<512x256xf32>
    %max3A_25 = arith.maximumf %add3A_23, %max3A_24 : vector<512x256xf32>
    %get3A_26 = arith.constant 0 : index
    %get3A_27 = arith.constant 0 : index
    %get3A_28 = arith.constant 0 : index
    %get3A_29 = vector.load %arg3[%get3A_26, %get3A_27, %get3A_28] : memref<2x512x64xf32, #tpu.memory_space<vmem>>, vector<1x512x64xf32>
    %get3A_30 = vector.shape_cast %get3A_29 : vector<1x512x64xf32> to vector<512x64xf32>
    %get3A_31 = arith.constant 1 : index
    %get3A_32 = arith.constant 0 : index
    %get3A_33 = arith.constant 0 : index
    %get3A_34 = vector.load %arg3[%get3A_31, %get3A_32, %get3A_33] : memref<2x512x64xf32, #tpu.memory_space<vmem>>, vector<1x512x64xf32>
    %get3A_35 = vector.shape_cast %get3A_34 : vector<1x512x64xf32> to vector<512x64xf32>
    %add3A_36 = arith.addf %get3A_30, %get3A_35 : vector<512x64xf32>
    %mul3A_37 = vector.broadcast %get3A_3 : vector<512x1xf32> to vector<512x64xf32>
    %mul3A_38 = arith.mulf %mul3A_37, %add3A_36 : vector<512x64xf32>
    %get3A_39 = arith.constant 0 : index
    %get3A_40 = arith.constant 0 : index
    %get3A_41 = vector.load %arg12[%get3A_39, %get3A_40] : memref<64x256xf32, #tpu.memory_space<vmem>>, vector<64x256xf32>
    %dot_general3A_42 = arith.constant dense<0.000000e+00> : vector<64x256xf32>
    %dot_general3A_43 = tpu.matmul %mul3A_38, %max3A_25, %dot_general3A_42 {dimension_numbers = #tpu.dot_dimension_numbers<[0], [0], [1], [1], [0, 1, 1, 1], [], []>, transpose_lhs_hint = false} : vector<512x64xf32>, vector<512x256xf32>, vector<64x256xf32> -> vector<64x256xf32>
    %add3A_44 = arith.addf %get3A_41, %dot_general3A_43 : vector<64x256xf32>
    %swap3A = arith.constant 0 : index
    %swap3A_45 = arith.constant 0 : index
    %swap3A_46 = vector.load %arg12[%swap3A, %swap3A_45] : memref<64x256xf32, #tpu.memory_space<vmem>>, vector<64x256xf32>
    tpu.vector_store %arg12[%swap3A, %swap3A_45], %add3A_44 {strides = array<i32>} : memref<64x256xf32, #tpu.memory_space<vmem>>, vector<64x256xf32>,
    %eq3A_47 = arith.constant 19 : i32
    %eq3A_48 = arith.cmpi eq, %arg0, %eq3A_47 : i32
    %convert_element_type3A_49 = arith.extui %eq3A_48 : i1 to i32
    %cond3A_50 = arith.constant 0 : i32
    %cond3A_51 = arith.cmpi ne, %convert_element_type3A_49, %cond3A_50 : i32
    scf.if %cond3A_51 {
      %get3A_52 = arith.constant 0 : index
      %get3A_53 = arith.constant 0 : index
      %get3A_54 = arith.constant 0 : index
      %get3A_55 = vector.load %arg4[%get3A_52, %get3A_53, %get3A_54] : memref<2x64x1xf32, #tpu.memory_space<vmem>>, vector<1x64x1xf32>
      %get3A_56 = vector.shape_cast %get3A_55 : vector<1x64x1xf32> to vector<64x1xf32>
      %get3A_57 = arith.constant 1 : index
      %get3A_58 = arith.constant 0 : index
      %get3A_59 = arith.constant 0 : index
      %get3A_60 = vector.load %arg4[%get3A_57, %get3A_58, %get3A_59] : memref<2x64x1xf32, #tpu.memory_space<vmem>>, vector<1x64x1xf32>
      %get3A_61 = vector.shape_cast %get3A_60 : vector<1x64x1xf32> to vector<64x1xf32>
      %add3A_62 = arith.addf %get3A_56, %get3A_61 : vector<64x1xf32>
      %get3A_63 = arith.constant 0 : index
      %get3A_64 = arith.constant 0 : index
      %get3A_65 = vector.load %arg12[%get3A_63, %get3A_64] : memref<64x256xf32, #tpu.memory_space<vmem>>, vector<64x256xf32>
      %div3A = vector.broadcast %add3A_62 : vector<64x1xf32> to vector<64x256xf32>
      %div3A_66 = arith.divf %get3A_65, %div3A : vector<64x256xf32>
      %get3A_67 = arith.constant 0 : index
      %get3A_68 = arith.constant 0 : index
      %get3A_69 = vector.load %arg7[%get3A_67, %get3A_68] : memref<256x256xf32, #tpu.memory_space<vmem>>, vector<256x256xf32>
      %dot_general3A_70 = arith.constant dense<0.000000e+00> : vector<64x256xf32>
      %dot_general3A_71 = tpu.matmul %div3A_66, %get3A_69, %dot_general3A_70 {dimension_numbers = #tpu.dot_dimension_numbers<[1], [0], [0], [1], [0, 0, 1, 1], [], []>, transpose_lhs_hint = false} : vector<64x256xf32>, vector<256x256xf32>, vector<64x256xf32> -> vector<64x256xf32>
      %get3A_72 = arith.constant 0 : index
      %get3A_73 = arith.constant 0 : index
      %get3A_74 = vector.load %arg8[%get3A_72, %get3A_73] : memref<1x256xf32, #tpu.memory_space<vmem>>, vector<1x256xf32>
      %add3A_75 = vector.broadcast %get3A_74 : vector<1x256xf32> to vector<64x256xf32>
      %add3A_76 = arith.addf %dot_general3A_71, %add3A_75 : vector<64x256xf32>
      %get3A_77 = arith.constant 0 : index
      %get3A_78 = arith.constant 0 : index
      %get3A_79 = vector.load %arg9[%get3A_77, %get3A_78] : memref<256x3xf32, #tpu.memory_space<vmem>>, vector<256x3xf32>
      %dot_general3A_80 = arith.constant dense<0.000000e+00> : vector<64x3xf32>
      %dot_general3A_81 = tpu.matmul %add3A_76, %get3A_79, %dot_general3A_80 {dimension_numbers = #tpu.dot_dimension_numbers<[1], [0], [0], [1], [0, 0, 1, 1], [], []>, transpose_lhs_hint = false} : vector<64x256xf32>, vector<256x3xf32>, vector<64x3xf32> -> vector<64x3xf32>
      %get3A_82 = arith.constant 0 : index
      %get3A_83 = arith.constant 0 : index
      %get3A_84 = vector.load %arg10[%get3A_82, %get3A_83] : memref<1x3xf32, #tpu.memory_space<vmem>>, vector<1x3xf32>
      %add3A_85 = vector.broadcast %get3A_84 : vector<1x3xf32> to vector<64x3xf32>
      %add3A_86 = arith.addf %dot_general3A_81, %add3A_85 : vector<64x3xf32>
      %swap3A_87 = arith.constant 0 : index
      %swap3A_88 = arith.constant 0 : index
      %swap3A_89 = vector.load %arg11[%swap3A_87, %swap3A_88] : memref<64x3xf32, #tpu.memory_space<vmem>>, vector<64x3xf32>
      tpu.vector_store %arg11[%swap3A_87, %swap3A_88], %add3A_86 {strides = array<i32>} : memref<64x3xf32, #tpu.memory_space<vmem>>, vector<64x3xf32>,
    } else {
    }
    return
  }
  func.func @transform_0(%arg0: i32) -> (i32, i32, i32) {
    %c0_i32 = arith.constant 0 : i32
    %c0_i32_0 = arith.constant 0 : i32
    %c0_i32_1 = arith.constant 0 : i32
    return %c0_i32, %arg0, %c0_i32_0 : i32, i32, i32
  }
  func.func @transform_1(%arg0: i32) -> (i32, i32) {
    %c0_i32 = arith.constant 0 : i32
    %c0_i32_0 = arith.constant 0 : i32
    return %arg0, %c0_i32 : i32, i32
  }
  func.func @transform_2(%arg0: i32) -> (i32, i32, i32) {
    %c0_i32 = arith.constant 0 : i32
    %c0_i32_0 = arith.constant 0 : i32
    %c0_i32_1 = arith.constant 0 : i32
    return %c0_i32, %arg0, %c0_i32_0 : i32, i32, i32
  }
  func.func @transform_3(%arg0: i32) -> (i32, i32, i32) {
    %c0_i32 = arith.constant 0 : i32
    %c0_i32_0 = arith.constant 0 : i32
    %c0_i32_1 = arith.constant 0 : i32
    %c0_i32_2 = arith.constant 0 : i32
    return %c0_i32, %c0_i32_0, %c0_i32_1 : i32, i32, i32
  }
  func.func @transform_4(%arg0: i32) -> (i32, i32) {
    %c0_i32 = arith.constant 0 : i32
    %c0_i32_0 = arith.constant 0 : i32
    %c0_i32_1 = arith.constant 0 : i32
    return %c0_i32, %c0_i32_0 : i32, i32
  }
  func.func @transform_5(%arg0: i32) -> (i32, i32) {
    %c0_i32 = arith.constant 0 : i32
    %c0_i32_0 = arith.constant 0 : i32
    %c0_i32_1 = arith.constant 0 : i32
    return %c0_i32, %c0_i32_0 : i32, i32
  }
  func.func @transform_6(%arg0: i32) -> (i32, i32) {
    %c0_i32 = arith.constant 0 : i32
    %c0_i32_0 = arith.constant 0 : i32
    %c0_i32_1 = arith.constant 0 : i32
    return %c0_i32, %c0_i32_0 : i32, i32
  }
  func.func @transform_7(%arg0: i32) -> (i32, i32) {
    %c0_i32 = arith.constant 0 : i32
    %c0_i32_0 = arith.constant 0 : i32
    %c0_i32_1 = arith.constant 0 : i32
    return %c0_i32, %c0_i32_0 : i32, i32
  }
  func.func @transform_8(%arg0: i32) -> (i32, i32) {
    %c0_i32 = arith.constant 0 : i32
    %c0_i32_0 = arith.constant 0 : i32
    %c0_i32_1 = arith.constant 0 : i32
    return %c0_i32, %c0_i32_0 : i32, i32
  }
  func.func @transform_9(%arg0: i32) -> (i32, i32) {
    %c0_i32 = arith.constant 0 : i32
    %c0_i32_0 = arith.constant 0 : i32
    %c0_i32_1 = arith.constant 0 : i32
    return %c0_i32, %c0_i32_0 : i32, i32
  }
  func.func @transform_10(%arg0: i32) -> (i32, i32) {
    %c0_i32 = arith.constant 0 : i32
    %c0_i32_0 = arith.constant 0 : i32
    %c0_i32_1 = arith.constant 0 : i32
    return %c0_i32, %c0_i32_0 : i32, i32
  }
}

</mosaic_0001>

<sc_bundles>
// kernel: kernel.5.cloned.1.call-start
scs
__scs_entry_jumppad:
0x0: {  	(pc) =	sbr.rel $0x88, $3  }
0x1: {  	(tag) =	ssettag $0x0;
	lr =	simm.s32 $0x1  }
0x2: {  	[smem:$0x3F98] =	sst lr;
	_ =	strace $0xD0000000  }
0x3: {  	_ = 	snop  }
0x4: {  	_ = 	snop  }
0x5: {  	_ = 	snop  }
0x6: {  	_ = 	snop  }
0x7: {  	_ = 	snop  }
__scs_overlays_trampoline_lowered:
0x8: {  	[smem:$0x3FA7] =	sst s0  }
0x9: {  	[smem:$0x3FA8] =	sst s1  }
0xa: {  	[smem:$0x3FA9] =	sst s2  }
0xb: {  	[smem:$0x3FAA] =	sst s3  }
0xc: {  	[smem:$0x3FAB] =	sst s4  }
0xd: {  	[smem:$0x3FAC] =	sst s5  }
0xe: {  	[smem:$0x3FAD] =	sst s6  }
0xf: {  	[smem:$0x3FAE] =	sst s7  }
0x10: {  	[smem:$0x3FAF] =	sst s8  }
0x11: {  	[smem:$0x3FB0] =	sst s9;
	s0 =	simm.s32 @!p0 $0x0  }
0x12: {  	s1 =	sld [smem:$0x3F96];
	s0 =	simm.s32 @p0 $0x1  }
0x13: {  	[smem:$0x3FB1] =	sst s0;
	s0 =	simm.s32 @!p1 $0x0  }
0x14: {  	s2 =	sld [smem:$0x3F95];
	s0 =	simm.s32 @p1 $0x1  }
0x15: {  	[smem:$0x3FB2] =	sst s0;
	s0 =	simm.s32 @!p2 $0x0  }
0x16: {  	s3 =	sld [smem:$0x3FDB];
	s0 =	simm.s32 @p2 $0x1  }
0x17: {  	s4 =	simm.s32 $0x1BF5;
	[smem:$0x3FB4] =	sst s0  }
0x18: {  	s0 =	sld [smem:$0x3F97];
	_ =	swait.ge [sflag:s4], $0x0  }
0x19: {  	s7 =	sld [smem:$0x3F98]  }
0x1a: {  	s8 =	sadd.s32 $0xFFFFE003, lr  }
0x1b: {  	s9 =	sadd.s32 $0xFFFFFEF7, lr;
	s5 =	simm.s32 $0xFFFFFFFF;
	p2 =	slt.u32 s8, $0xFFFFF086  }
0x1c: {  	p1 =	slt.u32 s9, $0xF7A;
	s5 =	simm.s32 @!p2 $0x0  }
0x1d: {  	s5 =	simm.s32 @p1 $0x1;
	p0 =	seq.s32 s7, s2  }
0x1e: {  	s7 =	smul.u32 @!p0 $0xF7A, s2;
	p2 =	seq.s32 @!p0 s5, $0x0  }
0x1f: {  	s9 =	smul.u32 $0xF7A, s1;
	s8 =	simm.s32 @!p0 $0x1BF5;
	p2 =	por !p2, p0  }
0x20: {  	[sflag:s8] =	ssyncset.s32 @!p0 $0xFFFFF086;
	s6 =	sadd.s32 @!p0 s3, s7;
	s7 =	simm.s32 @!p0 $0x108  }
0x21: {  	s3 =	sadd.s32 s3, s9;
	s6 =	sadd.s32 @!p0 $0x88, s6;
	s7 =	simm.s32 @p2 $0x1082  }
0x22: {  	[simem:s7], [sflag:s8] =	dma.local @!p0 [hbm:s6], $0xF7A  }
0x23: {  	s9 =	sor.u32 $0xD0000000, s2;
	s6 =	simm.s32 $0x108;
	_ =	swait.ge @!p0 [sflag:s8], $0x0  }
0x24: {  	s3 =	sadd.s32 $0x88, s3;
	s6 =	simm.s32 @!p1 $0x1082;
	[sflag:s4] =	ssyncset.s32 $0xFFFFF086  }
0x25: {  	[simem:s6], [sflag:s4] =	dma.local [hbm:s3], $0xF7A  }
0x26: {  	[smem:$0x3F98] =	sst s1;
	(tag) =	ssettag s2;
	_ =	strace s9  }
0x27: {  	s1 =	sld [smem:$0x3FA8]  }
0x28: {  	s2 =	sld [smem:$0x3FA9]  }
0x29: {  	s4 =	sld [smem:$0x3FAB]  }
0x2a: {  	p0 =	seq.s32 s5, $0x0;
	s5 =	sld [smem:$0x3FAC]  }
0x2b: {  	s6 =	sld [smem:$0x3FAD]  }
0x2c: {  	s7 =	sld [smem:$0x3FAE]  }
0x2d: {  	s3 =	simm.s32 $0x108;
	s8 =	sld [smem:$0x3FAF]  }
0x2e: {  	s3 =	simm.s32 @!p0 $0x1082;
	s9 =	sld [smem:$0x3FB0]  }
0x2f: {  	lr =	sadd.s32 s0, s3;
	s0 =	sld [smem:$0x3FA7]  }
0x30: {  	s3 =	sld [smem:$0x3FAA]  }
0x31: {  	[smem:$0x3FB3] =	sst s10  }
0x32: {  	s10 =	sld [smem:$0x3FB1];
	_ =	sdelay $0x3  }
0x33: {  	p0 =	seq.s32 s10, $0x1;
	s10 =	sld [smem:$0x3FB3];
	_ =	sdelay $0x3  }
0x34: {  	[smem:$0x3FB3] =	sst s10  }
0x35: {  	s10 =	sld [smem:$0x3FB2];
	_ =	sdelay $0x3  }
0x36: {  	p1 =	seq.s32 s10, $0x1;
	s10 =	sld [smem:$0x3FB3];
	_ =	sdelay $0x3  }
0x37: {  	[smem:$0x3FB3] =	sst s10  }
0x38: {  	s10 =	sld [smem:$0x3FB4]  }
0x39: {  	_ = 	snop;
	(pc) =	sbr.ind lr, $3  }
0x3a: {  	_ = 	snop  }
0x3b: {  	_ = 	snop  }
0x3c: {  	p2 =	seq.s32 s10, $0x1;
	s10 =	sld [smem:$0x3FB3]  }
0x3d: {  	_ =	shalt  }
0x3e: {  	_ =	shalt  }
0x3f: {  	_ =	shalt  }
0x40: {  	_ =	shalt  }
0x41: {  	_ =	shalt  }
0x42: {  	_ =	shalt  }
0x43: {  	_ =	shalt  }
0x44: {  	_ =	shalt  }
0x45: {  	_ =	shalt  }
0x46: {  	_ =	shalt  }
0x47: {  	_ =	shalt  }
0x48: {  	_ =	shalt  }
0x49: {  	_ =	shalt  }
0x4a: {  	_ =	shalt  }
0x4b: {  	_ =	shalt  }
0x4c: {  	_ =	shalt  }
0x4d: {  	_ =	shalt  }
0x4e: {  	_ =	shalt  }
0x4f: {  	_ =	shalt  }
0x50: {  	_ =	shalt  }
0x51: {  	_ =	shalt  }
0x52: {  	_ =	shalt  }
0x53: {  	_ =	shalt  }
0x54: {  	_ =	shalt  }
0x55: {  	_ =	shalt  }
0x56: {  	_ =	shalt  }
0x57: {  	_ =	shalt  }
0x58: {  	_ =	shalt  }
0x59: {  	_ =	shalt  }
0x5a: {  	_ =	shalt  }
0x5b: {  	_ =	shalt  }
0x5c: {  	_ =	shalt  }
0x5d: {  	_ =	shalt  }
0x5e: {  	_ =	shalt  }
0x5f: {  	_ =	shalt  }
0x60: {  	_ =	shalt  }
0x61: {  	_ =	shalt  }
0x62: {  	_ =	shalt  }
0x63: {  	_ =	shalt  }
0x64: {  	_ =	shalt  }
0x65: {  	_ =	shalt  }
0x66: {  	_ =	shalt  }
0x67: {  	_ =	shalt  }
0x68: {  	_ =	shalt  }
0x69: {  	_ =	shalt  }
0x6a: {  	_ =	shalt  }
0x6b: {  	_ =	shalt  }
0x6c: {  	_ =	shalt  }
0x6d: {  	_ =	shalt  }
0x6e: {  	_ =	shalt  }
0x6f: {  	_ =	shalt  }
0x70: {  	_ =	shalt  }
0x71: {  	_ =	shalt  }
0x72: {  	_ =	shalt  }
0x73: {  	_ =	shalt  }
0x74: {  	_ =	shalt  }
0x75: {  	_ =	shalt  }
0x76: {  	_ =	shalt  }
0x77: {  	_ =	shalt  }
0x78: {  	_ =	shalt  }
0x79: {  	_ =	shalt  }
0x7a: {  	_ =	shalt  }
0x7b: {  	_ =	shalt  }
0x7c: {  	_ =	shalt  }
0x7d: {  	_ =	shalt  }
0x7e: {  	_ =	shalt  }
0x7f: {  	_ =	shalt  }
0x80: {  	_ =	shalt  }
0x81: {  	_ =	shalt  }
0x82: {  	_ =	shalt  }
0x83: {  	_ =	shalt  }
0x84: {  	_ =	shalt  }
0x85: {  	_ =	shalt  }
0x86: {  	_ =	shalt  }
0x87: {  	_ =	shalt  }
.Lfunc_end0:
.L_simem_size_0:
called_computation_lowered:
.L_overlay_start_0:
0x88: {  	s2 =	sld [smem:$0x3FD9]  }
0x89: {  	s3 =	sld [smem:$0x3FFE];
	_ =	sdelay $0x1  }
0x8a: {  	s1 =	srdreg.scid  }
0x8b: {  	s0 =	sand.u32 $0x1, s1  }
0x8c: {  	s17 =	sshll.u32 s0, $0xA;
	s2 =	sadd.s32 s3, s2  }
0x8d: {  	s2 =	sadd.s32 s2, s17  }
0x8e: {  	[smem:$0x3FBF] =	sst s2  }
0x8f: {  	_ = 	snop  }
0x90: {  	s2 =	sld [smem:$0x3FD0];
	(tm) =	ssettm $0x1  }
0x91: {  	s18 =	sld [smem:$0x3FFB];
	_ =	sdelay $0x3  }
0x92: {  	_ =	strace s18  }
0x93: {  	s3 =	sld [smem:$0x3FFC];
	_ =	sdelay $0x3  }
0x94: {  	_ =	strace s3  }
0x95: {  	s3 =	sld [smem:$0x3FFD];
	_ =	sdelay $0x3  }
0x96: {  	_ =	strace s3  }
0x97: {  	_ =	strace $0x8FFFFFFF  }
0x98: {  	s19 =	sld [smem:$0x3FDB];
	_ =	sdelay $0x1  }
0x99: {  	s4 =	simm.s32 $_scs_section_size  }
0x9a: {  	s5 =	simm.s32 $_size__tile_overlayer_lowered;
	s6 =	simm.s32 $_tile_overlayer_lowered  }
0x9b: {  	s22 =	simm.s32 $0x1BFF;
	s21 =	sshll.u32 s6, $0x1;
	s3 =	sadd.s32 s4, s19  }
0x9c: {  	s7 =	simm.s32 $0x0;
	s20 =	sshll.u32 s5, $0x1;
	s5 =	sadd.s32 s21, s3  }
0x9d: {  	[timem:s7], [sflag:s22] =	dma.local [hbm:s5], s20  }
0x9e: {  	_ =	swait.ge [sflag:s22], s20  }
0x9f: {  	s4 =	ssub.s32 $0x0, s20;
	[sflag:s22] =	ssyncset.done $0x0  }
0xa0: {  	[sflag:s22] =	ssyncadd.s32 s4;
	_ =	sdelay $0x1  }
0xa1: {  	s23 =	simm.s32 $0x1B8B  }
0xa2: {  	_ =	swait.ge [sflag:s23], $0x1  }
0xa3: {  	[sflag:s23] =	ssyncset.done $0x0  }
0xa4: {  	s25 =	simm.s32 $0x1B8E;
	s24 =	sld [smem:$0x3FFE];
	[sflag:s23] =	ssyncadd.s32 $0xFFFFFFFF  }
0xa5: {  	s26 =	simm.s32 $execute0_lowered;
	[smem:$0x3FD2] =	sst s25  }
0xa6: {  	s5 =	sshll.u32 s26, $0x1;
	_ =	strace $0x80000046;
	[dreg:$0x1] =	wrdreg $0xFFFFFFFF  }
0xa7: {  	s28 =	simm.s32 $_size_execute0_lowered;
	s3 =	sadd.s32 s3, s5;
	[dreg:$0x0] =	wrdreg $0x0  }
0xa8: {  	s5 =	sshll.u32 s28, $0x1;
	[dreg:$0x2] =	wrdreg s3  }
0xa9: {  	[dreg:$0x3] =	wrdreg s5  }
0xaa: {  	[dreg:$0x4] =	wrdreg $0xC0  }
0xab: {  	_ =	task [dreg:s7], $0x5FFFF  }
0xac: {  	[dreg:$0x1] =	wrdreg $0xFFFFFFFF  }
0xad: {  	[dreg:$0x0] =	wrdreg $0x60  }
0xae: {  	[dreg:$0x2] =	wrdreg s24  }
0xaf: {  	[dreg:$0x3] =	wrdreg s2  }
0xb0: {  	[dreg:$0x4] =	wrdreg $0x0  }
0xb1: {  	[dreg:$0x5] =	wrdreg $0x5000  }
0xb2: {  	[dreg:$0x6] =	wrdreg $0xA5000  }
0xb3: {  	[dreg:$0x7] =	wrdreg $0x2800  }
0xb4: {  	[dreg:$0x8] =	wrdreg $0x9  }
0xb5: {  	_ =	task.clear_ibuf [dreg:s7], $0x9FFFF;
	_ =	strace $0x90000046  }
0xb6: {  	s29 =	simm.s32 $0x9;
	_ =	strace $0x80000048  }
0xb7: {  	_ =	swait.ge [sflag:s29], $0x1  }
0xb8: {  	[sflag:s29] =	ssyncadd.s32 $0xFFFFFFFF  }
0xb9: {  	_ =	strace $0x90000048  }
0xba: {  	_ =	sfence  }
0xbb: {  	s30 =	sld [smem:$0x0];
	_ =	sdelay $0x2  }
0xbc: {  	s31 =	sshll.u32 s1, $0xD;
	s1 =	sshrl.u32 s1, $0x2  }
0xbd: {  	s3 =	sand.u32 $0x4000, s31;
	s1 =	sadd.s32 s1, s30  }
0xbe: {  	s0 =	sor.u32 s3, s0;
	s1 =	sshll.u32 s1, $0x11  }
0xbf: {  	s0 =	sor.u32 s1, s0  }
0xc0: {  	s0 =	sadd.s32 $0x8F2B, s0  }
0xc1: {  	[sflag:s0] =	ssyncadd.remote.s32 $0x1  }
0xc2: {  	_ =	sfence.sel $0xFFFF  }
0xc3: {  	[dreg:$0x0] =	wrdreg $0xFFFFFFFF;
	(pc) =	sbr.abs _section_cstart, $3  }
0xc4: {  	[dreg:$0x1] =	wrdreg $0xFFFFFFFF  }
0xc5: {  	_ =	task.clear_ibuf [dreg:s7], $0x2FFFF;
	_ =	strace $0x9FFFFFFF  }
0xc6: {  	(tm) =	ssettm $0x7FFFFFFF  }
0xc7: {  	_ =	shalt  }
tec
execute0_lowered:
.L_overlay_start_1:
0x0: {  	(tag) =	ssettag $0x1  }
0x1: {  	s2 =	rddreg [dreg:$0x0]  }
0x2: {  	s4 =	rddreg [dreg:$0x1]  }
0x3: {  	s0 =	rddreg [dreg:$0x2]  }
0x4: {  	s1 =	rddreg [dreg:$0x3]  }
0x5: {  	s3 =	srdreg.scid;
	s18 =	rddreg [dreg:$0x4]  }
0x6: {  	s19 =	stileid.u32;
	s20 =	rddreg [dreg:$0x5];
	s6 =	simm.s32 $0x0  }
0x7: {  	s21 =	simm.s32 $0xA508;
	s23 =	simm.s32 $0xB688;
	s7 =	smul.u32 $0x2800, s19  }
0x8: {  	s25 =	simm.s32 $0xBE88;
	s3 =	sand.u32 $0x1, s3;
	s8 =	smul.u32 $0x280, s19  }
0x9: {  	[smem:$0x7FF] =	sst s6;
	s14 =	smul.u32 $0x14000, s19;
	s15 =	sadd.s32 $0x3E400, s2  }
0xa: {  	s17 =	smul.u32 $0x28000, s19;
	_ =	strace $0x80000047;
	[dreg:$0x1a] =	wrdreg s15  }
0xb: {  	s12 =	sadd.s32 $0x2400, s2;
	s5 =	smul.u32 $0x28000, s3;
	[dreg:$0x9] =	wrdreg s21  }
0xc: {  	s26 =	sshll.u32 s3, $0x7;
	s28 =	ssub.s32 $0x2, s3;
	[dreg:$0xa] =	wrdreg s23  }
0xd: {  	[dreg:$0xb] =	wrdreg s25;
	s21 =	simm.s32 $0xB808;
	s23 =	simm.s32 $0xC008  }
0xe: {  	s25 =	simm.s32 $0xB888;
	s13 =	sshrl.u32 s8, $0x3;
	[dreg:$0x10] =	wrdreg s21  }
0xf: {  	s14 =	sor.u32 s26, s14;
	s16 =	sshrl.u32 s28, $0x1;
	[dreg:$0x11] =	wrdreg s23  }
0x10: {  	s26 =	sadd.s32 s8, s0;
	s8 =	sadd.s32 s8, s20;
	[dreg:$0x12] =	wrdreg s25  }
0x11: {  	s5 =	sadd.s32 s7, s5;
	s7 =	sshll.u32 s3, $0x4;
	s13 =	sadd.s32 s13, s2  }
0x12: {  	s14 =	sshrl.u32 s14, $0x3;
	s15 =	ssub.s32 s28, s16;
	[dreg:$0x1d] =	wrdreg s8  }
0x13: {  	s16 =	sshrl.u32 s17, $0x2;
	[dreg:$0x1b] =	wrdreg s26;
	s22 =	sadd.s32 $0x66A00, s13  }
0x14: {  	s5 =	sshrl.u32 s5, $0x3;
	s4 =	sadd.s32 s4, s7;
	[dreg:$0x1e] =	wrdreg s22  }
0x15: {  	s9 =	sor.u32 s19, s7;
	s13 =	simm.s32 $0xBF08;
	[smem:$0x7F3] =	sst s4  }
0x16: {  	s10 =	sadd.s32 s5, s2;
	s5 =	sadd.s32 s5, s12;
	[dreg:$0xd] =	wrdreg s13  }
0x17: {  	s14 =	sadd.s32 s14, s2;
	s13 =	simm.s32 $0xC108;
	[dreg:$0x7] =	wrdreg s5  }
0x18: {  	s11 =	smul.u32 $0x1400, s9;
	s17 =	sadd.s32 $0xC400, s10;
	[dreg:$0x15] =	wrdreg s13  }
0x19: {  	s10 =	simm.s32 $0xB708;
	s5 =	simm.s32 $0xC088;
	[dreg:$0x8] =	wrdreg s17  }
0x1a: {  	s11 =	sadd.s32 s11, s2;
	s2 =	smul.u32 $0x140, s9;
	[dreg:$0xc] =	wrdreg s10  }
0x1b: {  	s9 =	sadd.s32 s16, s1;
	s16 =	smax.u32 s15, $0x1;
	[dreg:$0x13] =	wrdreg s5  }
0x1c: {  	s29 =	simm.s32 $0x3;
	s17 =	simm.s32 $0xBF88;
	[smem:$0x7F4] =	sst s16  }
0x1d: {  	s30 =	simm.s32 $0xC508;
	s15 =	simm.s32 $0xB988;
	[dreg:$0xf] =	wrdreg s17  }
0x1e: {  	s31 =	simm.s32 $0xAD08;
	p0 =	sne.s32 s19, $0x0;
	[dreg:$0x16] =	wrdreg s15  }
0x1f: {  	p1 =	sne.s32 s3, $0x0;
	s24 =	sadd.s32 $0x16400, s11;
	[dreg:$0x1c] =	wrdreg s9  }
0x20: {  	s7 =	smul.u32 $0x1400, s3;
	s28 =	sadd.s32 $0x67000, s11;
	[dreg:$0x1f] =	wrdreg s24  }
0x21: {  	s3 =	simm.s32 $0x80;
	s11 =	sadd.s32 $0x3EA00, s14;
	[smem:$0x7F1] =	sst s28  }
0x22: {  	s22 =	smul.u32 $0xA00, s19;
	s14 =	simm.s32 $0xB788;
	[smem:$0x7F2] =	sst s11  }
0x23: {  	s4 =	simm.s32 $0x1;
	s20 =	sadd.s32 $0x1400, s9;
	[dreg:$0xe] =	wrdreg s14  }
0x24: {  	s13 =	simm.s32 $0xB588;
	s17 =	sadd.s32 $0x5000, s9;
	[smem:$0x7F5] =	sst s20  }
0x25: {  	s5 =	simm.s32 $0xBD08;
	s16 =	simm.s32 $0xC188;
	[smem:$0x7F8] =	sst s17  }
0x26: {  	s10 =	simm.s32 $0xED08;
	s23 =	sadd.s32 $0x6400, s9;
	[dreg:$0x17] =	wrdreg s16  }
0x27: {  	s25 =	sadd.s32 $0x8C00, s9;
	s15 =	simm.s32 $0xB608;
	[smem:$0x7F9] =	sst s23  }
0x28: {  	s24 =	sadd.s32 $0x2800, s9;
	s28 =	sadd.s32 s12, s22;
	[smem:$0x7FB] =	sst s25  }
0x29: {  	s11 =	simm.s32 $0xB908;
	s12 =	smul.u32 $0x140, s19;
	[smem:$0x7F6] =	sst s24  }
0x2a: {  	s14 =	sadd.s32 $0x3C00, s9;
	s20 =	simm.s32 $0xBA08;
	[dreg:$0x14] =	wrdreg s11  }
0x2b: {  	s22 =	simm.s32 $0xC208;
	s16 =	simm.s32 $0xBE08;
	[smem:$0x7F7] =	sst s14  }
0x2c: {  	s23 =	simm.s32 $0xBC08;
	s25 =	simm.s32 $0xBC88;
	[dreg:$0x18] =	wrdreg s20  }
0x2d: {  	s19 =	simm.s32 $0xC488;
	[dreg:$0x19] =	wrdreg s22;
	s24 =	sadd.s32 $0x7800, s9  }
0x2e: {  	[smem:$0x7FC] =	sst s28;
	s28 =	sadd.s32 $0x80, s28;
	s20 =	simm.s32 $0x1B508  }
0x2f: {  	s14 =	simm.s32 $0xBD88;
	s22 =	simm.s32 $0xC388;
	[smem:$0x7FA] =	sst s24  }
0x30: {  	v1 =	vlaneseq.u32;
	v3 =	vimm.f32 $1.000000000e+00;
	s11 =	simm.s32 $0x0;
	s21 =	sadd.s32 s12, s7;
	[smem:$0x7FD] =	sst s28  }
0x31: {  	v4 =	vimm.f32 $0.0e+00;
	v0 =	vmov s2;
	v2 =	vor.u32 s2, v1;
	s7 =	simm.s32 $0x2;
	s12 =	simm.s32 $0xB508;
	s24 =	simm.s32 $0xC408  }
.LBB2_1:
0x32: {  	[tilespmem:$0x1B508] =	vst v3  }
0x33: {  	[tilespmem:$0x1B518] =	vst v3  }
0x34: {  	[tilespmem:$0x1B528] =	vst v3  }
0x35: {  	[tilespmem:$0x1B538] =	vst v3  }
0x36: {  	[tilespmem:$0x1B548] =	vst v3  }
0x37: {  	[tilespmem:$0x1B558] =	vst v3  }
0x38: {  	[tilespmem:$0x1B568] =	vst v3  }
0x39: {  	[tilespmem:$0x1B578] =	vst v3  }
0x3a: {  	[tilespmem:$0x1B588] =	vst v3  }
0x3b: {  	[tilespmem:$0x1B598] =	vst v3  }
0x3c: {  	[tilespmem:$0x1B5A8] =	vst v3  }
0x3d: {  	[tilespmem:$0x1B5B8] =	vst v3  }
0x3e: {  	[tilespmem:$0x1B5C8] =	vst v3  }
0x3f: {  	[tilespmem:$0x1B5D8] =	vst v3  }
0x40: {  	[tilespmem:$0x1B5E8] =	vst v3  }
0x41: {  	[tilespmem:$0x1B5F8] =	vst v3  }
0x42: {  	[tilespmem:$0x1B608] =	vst v3  }
0x43: {  	[tilespmem:$0x1B618] =	vst v3  }
0x44: {  	[tilespmem:$0x1B628] =	vst v3  }
0x45: {  	[tilespmem:$0x1B638] =	vst v3  }
0x46: {  	[tilespmem:$0x1B648] =	vst v3  }
0x47: {  	[tilespmem:$0x1B658] =	vst v3  }
0x48: {  	[tilespmem:$0x1B668] =	vst v3  }
0x49: {  	[tilespmem:$0x1B678] =	vst v3  }
0x4a: {  	[tilespmem:$0x1B688] =	vst v3  }
0x4b: {  	[tilespmem:$0x1B698] =	vst v3  }
0x4c: {  	[tilespmem:$0x1B6A8] =	vst v3  }
0x4d: {  	[tilespmem:$0x1B6B8] =	vst v3  }
0x4e: {  	[tilespmem:$0x1B6C8] =	vst v3  }
0x4f: {  	[tilespmem:$0x1B6D8] =	vst v3  }
0x50: {  	[tilespmem:$0x1B6E8] =	vst v3  }
0x51: {  	[tilespmem:$0x1B6F8] =	vst v3  }
0x52: {  	[tilespmem:$0x1B708] =	vst v3  }
0x53: {  	[tilespmem:$0x1B718] =	vst v3  }
0x54: {  	[tilespmem:$0x1B728] =	vst v3  }
0x55: {  	[tilespmem:$0x1B738] =	vst v3  }
0x56: {  	[tilespmem:$0x1B748] =	vst v3  }
0x57: {  	[tilespmem:$0x1B758] =	vst v3  }
0x58: {  	[tilespmem:$0x1B768] =	vst v3  }
0x59: {  	[smem:$0x7F0] =	sst s11;
	[tilespmem:$0x1B778] =	vst v3;
	s2 =	simm.s32 $0x40;
	s8 =	simm.s32 $0x0  }
.LBB2_2:
0x5a: {  	p2 =	sne.s32 s2, $0x4FC0;
	[tilespmem:s8+$0xC508] =	vst v4;
	s8 =	smov.u32 s2;
	s2 =	sadd.s32 $0x40, s2  }
.Ltmp0:
0x5b: {  	(pc) =	sbr.rel @p2 .LBB2_2-.Ltmp0, $2  }
0x5c: {  	_ =	sdelay $0x2  }
0x5d: {  	s8 =	sshra.s32 s8, $0x2  }
0x5e: {  	[tilespmem:s8+$0xC508] =	vst v4  }
0x5f: {  	[spmem:s26] =	stream.linear.scatter [tilespmem:s20], [sflag:$0x3], $0x280, $0x38;
	[tilespmem:$0x1BA88] =	vst v63  }
0x60: {  	_ =	swait.ge [sflag:s29], $0x280  }
0x61: {  	[sflag:s29] =	ssyncset.done $0x0  }
0x62: {  	[sflag:s29] =	ssyncadd.s32 $0xFFFFFD80  }
0x63: {  	[spmem:s9] =	stream.linear.scatter [tilespmem:s30], [sflag:$0x3], $0x1400, $0x38;
	[tilespmem:$0x1BA88] =	vst v63  }
0x64: {  	_ =	swait.ge [sflag:s29], $0x1400  }
0x65: {  	s2 =	sld [smem:$0x7F5]  }
0x66: {  	[sflag:s29] =	ssyncset.done $0x0  }
0x67: {  	[sflag:s29] =	ssyncadd.s32 $0xFFFFEC00  }
0x68: {  	[spmem:s2] =	stream.linear.scatter [tilespmem:s30], [sflag:$0x3], $0x1400, $0x38;
	[tilespmem:$0x1BA88] =	vst v63  }
0x69: {  	_ =	swait.ge [sflag:s29], $0x1400  }
0x6a: {  	s8 =	sld [smem:$0x7F6]  }
0x6b: {  	[sflag:s29] =	ssyncset.done $0x0  }
0x6c: {  	[sflag:s29] =	ssyncadd.s32 $0xFFFFEC00  }
0x6d: {  	[spmem:s8] =	stream.linear.scatter [tilespmem:s30], [sflag:$0x3], $0x1400, $0x38;
	[tilespmem:$0x1BA88] =	vst v63  }
0x6e: {  	_ =	swait.ge [sflag:s29], $0x1400  }
0x6f: {  	s9 =	sld [smem:$0x7F7]  }
0x70: {  	[sflag:s29] =	ssyncset.done $0x0  }
0x71: {  	[sflag:s29] =	ssyncadd.s32 $0xFFFFEC00  }
0x72: {  	[spmem:s9] =	stream.linear.scatter [tilespmem:s30], [sflag:$0x3], $0x1400, $0x38;
	[tilespmem:$0x1BA88] =	vst v63  }
0x73: {  	_ =	swait.ge [sflag:s29], $0x1400  }
0x74: {  	s11 =	sld [smem:$0x7F8]  }
0x75: {  	[sflag:s29] =	ssyncset.done $0x0  }
0x76: {  	[sflag:s29] =	ssyncadd.s32 $0xFFFFEC00  }
0x77: {  	[spmem:s11] =	stream.linear.scatter [tilespmem:s30], [sflag:$0x3], $0x1400, $0x38;
	[tilespmem:$0x1BA88] =	vst v63  }
0x78: {  	_ =	swait.ge [sflag:s29], $0x1400  }
0x79: {  	s17 =	sld [smem:$0x7F9]  }
0x7a: {  	[sflag:s29] =	ssyncset.done $0x0  }
0x7b: {  	[sflag:s29] =	ssyncadd.s32 $0xFFFFEC00  }
0x7c: {  	[spmem:s17] =	stream.linear.scatter [tilespmem:s30], [sflag:$0x3], $0x1400, $0x38;
	[tilespmem:$0x1BA88] =	vst v63  }
0x7d: {  	_ =	swait.ge [sflag:s29], $0x1400  }
0x7e: {  	s28 =	sld [smem:$0x7FA]  }
0x7f: {  	[sflag:s29] =	ssyncset.done $0x0  }
0x80: {  	[sflag:s29] =	ssyncadd.s32 $0xFFFFEC00  }
0x81: {  	[spmem:s28] =	stream.linear.scatter [tilespmem:s30], [sflag:$0x3], $0x1400, $0x38;
	[tilespmem:$0x1BA88] =	vst v63  }
0x82: {  	_ =	swait.ge [sflag:s29], $0x1400  }
0x83: {  	s8 =	sld [smem:$0x7FB]  }
0x84: {  	[sflag:s29] =	ssyncset.done $0x0  }
0x85: {  	[sflag:s29] =	ssyncadd.s32 $0xFFFFEC00  }
0x86: {  	[spmem:s8] =	stream.linear.scatter [tilespmem:s30], [sflag:$0x3], $0x1400, $0x38;
	[tilespmem:$0x1BA88] =	vst v63  }
0x87: {  	_ =	swait.ge [sflag:s29], $0x1400  }
0x88: {  	[sflag:s29] =	ssyncset.done $0x0  }
0x89: {  	v5 =	vimm.f32 @!p0 $0.0e+00;
	[sflag:s29] =	ssyncadd.s32 $0xFFFFEC00  }
0x8a: {  	[tilespmem:$0x1BA08] =	vst @!p0 v5  }
0x8b: {  	[tilespmem:$0x1BA18] =	vst @!p0 v5  }
0x8c: {  	[tilespmem:$0x1BA28] =	vst @!p0 v5  }
0x8d: {  	s2 =	simm.s32 @!p0 $0x1BA08;
	[tilespmem:$0x1BA38] =	vst @!p0 v5  }
0x8e: {  	[spmem:s18] =	stream.linear.scatter @!p0 [tilespmem:s2], [sflag:$0x3], $0x80, $0x38;
	[tilespmem:$0x1BA88] =	vst v63  }
0x8f: {  	s2 =	simm.s32 @!p0 $0x3  }
0x90: {  	_ =	swait.ge @!p0 [sflag:s2], $0x80  }
0x91: {  	[sflag:s2] =	ssyncset.done @!p0 $0x0  }
0x92: {  	[sflag:s2] =	ssyncadd.s32 @!p0 $0xFFFFFF80  }
0x93: {  	[tilespmem:$0xBD08] =	vst v3  }
0x94: {  	[tilespmem:$0xBD18] =	vst v3  }
0x95: {  	[tilespmem:$0xBD28] =	vst v3  }
0x96: {  	[tilespmem:$0xBD38] =	vst v3  }
0x97: {  	[tilespmem:$0xBD48] =	vst v3  }
0x98: {  	[tilespmem:$0xBD58] =	vst v3  }
0x99: {  	[tilespmem:$0xBD68] =	vst v3  }
0x9a: {  	[tilespmem:$0xBD78] =	vst v3  }
0x9b: {  	[bflag:$0x0] =	sbarrier.arrive $0xFFFF  }
0x9c: {  	s9 =	sld [smem:$0x7FC];
	_ =	sdelay $0x2  }
0x9d: {  	[tilespmem:s31], [sflag:$0x3] =	stream.linear.gather [hbm4b:s9+s6], $0x400, $0x38;
	[tilespmem:$0x1BA88] =	vst v63  }
0x9e: {  	_ =	swait.ge [sflag:s29], $0x400  }
0x9f: {  	[sflag:s29] =	ssyncset.done $0x0  }
0xa0: {  	[sflag:s29] =	ssyncadd.s32 $0xFFFFFC00  }
0xa1: {  	[spmem:s0] =	stream.indirect.scatter.add.f32 [tilespmem:s5], [sflag:$0x1], $0x1, s31, s3, $0xb8;
	[tilespmem:$0x1BA88] =	vst v63  }
0xa2: {  	s11 =	simm.s32 $0xAD88  }
0xa3: {  	[spmem:s0] =	stream.indirect.scatter.add.f32 [tilespmem:s5], [sflag:$0x2], $0x1, s11, s3, $0xb8;
	[tilespmem:$0x1BA88] =	vst v63  }
0xa4: {  	_ =	swait.ge [sflag:s4], $0x80  }
0xa5: {  	[sflag:s4] =	ssyncset.done $0x0  }
0xa6: {  	s17 =	simm.s32 $0xAE08;
	[sflag:s4] =	ssyncadd.s32 $0xFFFFFF80  }
0xa7: {  	[spmem:s0] =	stream.indirect.scatter.add.f32 [tilespmem:s5], [sflag:$0x1], $0x1, s17, s3, $0xb8;
	[tilespmem:$0x1BA88] =	vst v63  }
0xa8: {  	_ =	swait.ge [sflag:s7], $0x80  }
0xa9: {  	[sflag:s7] =	ssyncset.done $0x0  }
0xaa: {  	s18 =	simm.s32 $0xAE88;
	[sflag:s7] =	ssyncadd.s32 $0xFFFFFF80  }
0xab: {  	[spmem:s0] =	stream.indirect.scatter.add.f32 [tilespmem:s5], [sflag:$0x2], $0x1, s18, s3, $0xb8;
	[tilespmem:$0x1BA88] =	vst v63  }
0xac: {  	_ =	swait.ge [sflag:s4], $0x80  }
0xad: {  	[sflag:s4] =	ssyncset.done $0x0  }
0xae: {  	s28 =	simm.s32 $0xAF08;
	[sflag:s4] =	ssyncadd.s32 $0xFFFFFF80  }
0xaf: {  	[spmem:s0] =	stream.indirect.scatter.add.f32 [tilespmem:s5], [sflag:$0x1], $0x1, s28, s3, $0xb8;
	[tilespmem:$0x1BA88] =	vst v63  }
0xb0: {  	_ =	swait.ge [sflag:s7], $0x80  }
0xb1: {  	[sflag:s7] =	ssyncset.done $0x0  }
0xb2: {  	s8 =	simm.s32 $0xAF88;
	[sflag:s7] =	ssyncadd.s32 $0xFFFFFF80  }
0xb3: {  	[spmem:s0] =	stream.indirect.scatter.add.f32 [tilespmem:s5], [sflag:$0x2], $0x1, s8, s3, $0xb8;
	[tilespmem:$0x1BA88] =	vst v63  }
0xb4: {  	_ =	swait.ge [sflag:s4], $0x80  }
0xb5: {  	[sflag:s4] =	ssyncset.done $0x0  }
0xb6: {  	s9 =	simm.s32 $0xB008;
	[sflag:s4] =	ssyncadd.s32 $0xFFFFFF80  }
0xb7: {  	[spmem:s0] =	stream.indirect.scatter.add.f32 [tilespmem:s5], [sflag:$0x1], $0x1, s9, s3, $0xb8;
	[tilespmem:$0x1BA88] =	vst v63  }
0xb8: {  	_ =	swait.ge [sflag:s7], $0x80  }
0xb9: {  	s11 =	simm.s32 $0xB088;
	s17 =	simm.s32 $0x400;
	[sflag:s7] =	ssyncset.done $0x0  }
0xba: {  	s8 =	sand.u32 $0x400, s17;
	s9 =	sld [smem:$0x7FD];
	[sflag:s7] =	ssyncadd.s32 $0xFFFFFF80  }
0xbb: {  	[spmem:s0] =	stream.indirect.scatter.add.f32 [tilespmem:s5], [sflag:$0x2], $0x1, s11, s3, $0xb8;
	[tilespmem:$0x1BA88] =	vst v63  }
0xbc: {  	s2 =	sadd.s32 $0xAD08, s8  }
0xbd: {  	[tilespmem:s2], [sflag:$0x3] =	stream.linear.gather [hbm4b:s9+s6], $0x400, $0x38;
	[tilespmem:$0x1BA88] =	vst v63  }
0xbe: {  	_ =	swait.ge [sflag:s29], $0x400  }
0xbf: {  	[sflag:s29] =	ssyncset.done $0x0  }
0xc0: {  	[sflag:s29] =	ssyncadd.s32 $0xFFFFFC00  }
0xc1: {  	_ =	swait.ge [sflag:s4], $0x80  }
0xc2: {  	[sflag:s4] =	ssyncset.done $0x0  }
0xc3: {  	[sflag:s4] =	ssyncadd.s32 $0xFFFFFF80  }
0xc4: {  	[spmem:s0] =	stream.indirect.scatter.add.f32 [tilespmem:s5], [sflag:$0x1], $0x1, s2, s3, $0xb8;
	[tilespmem:$0x1BA88] =	vst v63  }
0xc5: {  	_ =	swait.ge [sflag:s7], $0x80  }
0xc6: {  	[sflag:s7] =	ssyncset.done $0x0  }
0xc7: {  	s18 =	sadd.s32 $0xAD88, s8;
	[sflag:s7] =	ssyncadd.s32 $0xFFFFFF80  }
0xc8: {  	[spmem:s0] =	stream.indirect.scatter.add.f32 [tilespmem:s5], [sflag:$0x2], $0x1, s18, s3, $0xb8;
	[tilespmem:$0x1BA88] =	vst v63  }
0xc9: {  	_ =	swait.ge [sflag:s4], $0x80  }
0xca: {  	[sflag:s4] =	ssyncset.done $0x0  }
0xcb: {  	s28 =	sadd.s32 $0xAE08, s8;
	[sflag:s4] =	ssyncadd.s32 $0xFFFFFF80  }
0xcc: {  	[spmem:s0] =	stream.indirect.scatter.add.f32 [tilespmem:s5], [sflag:$0x1], $0x1, s28, s3, $0xb8;
	[tilespmem:$0x1BA88] =	vst v63  }
0xcd: {  	_ =	swait.ge [sflag:s7], $0x80  }
0xce: {  	[sflag:s7] =	ssyncset.done $0x0  }
0xcf: {  	s11 =	sadd.s32 $0xAE88, s8;
	[sflag:s7] =	ssyncadd.s32 $0xFFFFFF80  }
0xd0: {  	[spmem:s0] =	stream.indirect.scatter.add.f32 [tilespmem:s5], [sflag:$0x2], $0x1, s11, s3, $0xb8;
	[tilespmem:$0x1BA88] =	vst v63  }
0xd1: {  	_ =	swait.ge [sflag:s4], $0x80  }
0xd2: {  	[sflag:s4] =	ssyncset.done $0x0  }
0xd3: {  	s17 =	sadd.s32 $0xAF08, s8;
	[sflag:s4] =	ssyncadd.s32 $0xFFFFFF80  }
0xd4: {  	[spmem:s0] =	stream.indirect.scatter.add.f32 [tilespmem:s5], [sflag:$0x1], $0x1, s17, s3, $0xb8;
	[tilespmem:$0x1BA88] =	vst v63  }
0xd5: {  	_ =	swait.ge [sflag:s7], $0x80  }
0xd6: {  	[sflag:s7] =	ssyncset.done $0x0  }
0xd7: {  	s18 =	sadd.s32 $0xAF88, s8;
	[sflag:s7] =	ssyncadd.s32 $0xFFFFFF80  }
0xd8: {  	[spmem:s0] =	stream.indirect.scatter.add.f32 [tilespmem:s5], [sflag:$0x2], $0x1, s18, s3, $0xb8;
	[tilespmem:$0x1BA88] =	vst v63  }
0xd9: {  	_ =	swait.ge [sflag:s4], $0x80  }
0xda: {  	[sflag:s4] =	ssyncset.done $0x0  }
0xdb: {  	s28 =	sor.u32 $0xB008, s8;
	[sflag:s4] =	ssyncadd.s32 $0xFFFFFF80  }
0xdc: {  	[spmem:s0] =	stream.indirect.scatter.add.f32 [tilespmem:s5], [sflag:$0x1], $0x1, s28, s3, $0xb8;
	[tilespmem:$0x1BA88] =	vst v63  }
0xdd: {  	s2 =	sadd.s32 $0x80, s9;
	s11 =	simm.s32 $0x800;
	_ =	swait.ge [sflag:s7], $0x80  }
0xde: {  	s17 =	simm.s32 $0x3000;
	s18 =	sor.u32 $0xB088, s8;
	[sflag:s7] =	ssyncset.done $0x0  }
.LBB2_4:
0xdf: {  	s8 =	sand.u32 $0x400, s11  }
0xe0: {  	[sflag:s7] =	ssyncadd.s32 $0xFFFFFF80;
	s11 =	smov.u32 s17;
	s9 =	sadd.s32 $0x1000, s17  }
0xe1: {  	[spmem:s0] =	stream.indirect.scatter.add.f32 [tilespmem:s5], [sflag:$0x2], $0x1, s18, s3, $0xb8;
	[tilespmem:$0x1BA88] =	vst v63  }
0xe2: {  	p2 =	sne.s32 s17, $0x13000;
	s17 =	sadd.s32 $0xAD08, s8  }
0xe3: {  	[tilespmem:s17], [sflag:$0x3] =	stream.linear.gather [hbm4b:s2+s6], $0x400, $0x38;
	[tilespmem:$0x1BA88] =	vst v63  }
0xe4: {  	_ =	swait.ge [sflag:s29], $0x400  }
0xe5: {  	[sflag:s29] =	ssyncset.done $0x0  }
0xe6: {  	[sflag:s29] =	ssyncadd.s32 $0xFFFFFC00  }
0xe7: {  	_ =	swait.ge [sflag:s4], $0x80  }
0xe8: {  	[sflag:s4] =	ssyncset.done $0x0  }
0xe9: {  	[sflag:s4] =	ssyncadd.s32 $0xFFFFFF80  }
0xea: {  	[spmem:s0] =	stream.indirect.scatter.add.f32 [tilespmem:s5], [sflag:$0x1], $0x1, s17, s3, $0xb8;
	[tilespmem:$0x1BA88] =	vst v63  }
0xeb: {  	_ =	swait.ge [sflag:s7], $0x80  }
0xec: {  	[sflag:s7] =	ssyncset.done $0x0  }
0xed: {  	s17 =	sadd.s32 $0xAD88, s8;
	[sflag:s7] =	ssyncadd.s32 $0xFFFFFF80  }
0xee: {  	[spmem:s0] =	stream.indirect.scatter.add.f32 [tilespmem:s5], [sflag:$0x2], $0x1, s17, s3, $0xb8;
	[tilespmem:$0x1BA88] =	vst v63  }
0xef: {  	_ =	swait.ge [sflag:s4], $0x80  }
0xf0: {  	[sflag:s4] =	ssyncset.done $0x0  }
0xf1: {  	s17 =	sadd.s32 $0xAE08, s8;
	[sflag:s4] =	ssyncadd.s32 $0xFFFFFF80  }
0xf2: {  	[spmem:s0] =	stream.indirect.scatter.add.f32 [tilespmem:s5], [sflag:$0x1], $0x1, s17, s3, $0xb8;
	[tilespmem:$0x1BA88] =	vst v63  }
0xf3: {  	_ =	swait.ge [sflag:s7], $0x80  }
0xf4: {  	[sflag:s7] =	ssyncset.done $0x0  }
0xf5: {  	s17 =	sadd.s32 $0xAE88, s8;
	[sflag:s7] =	ssyncadd.s32 $0xFFFFFF80  }
0xf6: {  	[spmem:s0] =	stream.indirect.scatter.add.f32 [tilespmem:s5], [sflag:$0x2], $0x1, s17, s3, $0xb8;
	[tilespmem:$0x1BA88] =	vst v63  }
0xf7: {  	_ =	swait.ge [sflag:s4], $0x80  }
0xf8: {  	[sflag:s4] =	ssyncset.done $0x0  }
0xf9: {  	s17 =	sadd.s32 $0xAF08, s8;
	[sflag:s4] =	ssyncadd.s32 $0xFFFFFF80  }
0xfa: {  	[spmem:s0] =	stream.indirect.scatter.add.f32 [tilespmem:s5], [sflag:$0x1], $0x1, s17, s3, $0xb8;
	[tilespmem:$0x1BA88] =	vst v63  }
0xfb: {  	_ =	swait.ge [sflag:s7], $0x80  }
0xfc: {  	[sflag:s7] =	ssyncset.done $0x0  }
0xfd: {  	s17 =	sadd.s32 $0xAF88, s8;
	[sflag:s7] =	ssyncadd.s32 $0xFFFFFF80  }
0xfe: {  	[spmem:s0] =	stream.indirect.scatter.add.f32 [tilespmem:s5], [sflag:$0x2], $0x1, s17, s3, $0xb8;
	[tilespmem:$0x1BA88] =	vst v63  }
0xff: {  	_ =	swait.ge [sflag:s4], $0x80  }
.Ltmp1:
0x100: {  	[sflag:s4] =	ssyncset.done $0x0;
	(pc) =	sbr.rel @p2 .LBB2_4-.Ltmp1, $4  }
0x101: {  	s17 =	sor.u32 $0xB008, s8;
	[sflag:s4] =	ssyncadd.s32 $0xFFFFFF80  }
0x102: {  	[spmem:s0] =	stream.indirect.scatter.add.f32 [tilespmem:s5], [sflag:$0x1], $0x1, s17, s3, $0xb8;
	[tilespmem:$0x1BA88] =	vst v63  }
0x103: {  	s11 =	sshrl.u32 s11, $0x2;
	s2 =	sadd.s32 $0x80, s2;
	_ =	swait.ge [sflag:s7], $0x80  }
0x104: {  	s18 =	sor.u32 $0xB088, s8;
	s17 =	smov.u32 s9;
	[sflag:s7] =	ssyncset.done $0x0  }
0x105: {  	s8 =	sand.u32 $0x400, s11;
	[sflag:s7] =	ssyncadd.s32 $0xFFFFFF80  }
0x106: {  	[spmem:s0] =	stream.indirect.scatter.add.f32 [tilespmem:s5], [sflag:$0x2], $0x1, s18, s3, $0xb8;
	[tilespmem:$0x1BA88] =	vst v63  }
0x107: {  	s9 =	sadd.s32 $0xAD08, s8  }
0x108: {  	[tilespmem:s9], [sflag:$0x3] =	stream.linear.gather [hbm4b:s2+s6], $0x400, $0x38;
	[tilespmem:$0x1BA88] =	vst v63  }
0x109: {  	_ =	swait.ge [sflag:s29], $0x400  }
0x10a: {  	[sflag:s29] =	ssyncset.done $0x0  }
0x10b: {  	[sflag:s29] =	ssyncadd.s32 $0xFFFFFC00  }
0x10c: {  	_ =	swait.ge [sflag:s4], $0x80  }
0x10d: {  	[sflag:s4] =	ssyncset.done $0x0  }
0x10e: {  	[sflag:s4] =	ssyncadd.s32 $0xFFFFFF80  }
0x10f: {  	[spmem:s0] =	stream.indirect.scatter.add.f32 [tilespmem:s5], [sflag:$0x1], $0x1, s9, s3, $0xb8;
	[tilespmem:$0x1BA88] =	vst v63  }
0x110: {  	_ =	swait.ge [sflag:s7], $0x80  }
0x111: {  	[sflag:s7] =	ssyncset.done $0x0  }
0x112: {  	s11 =	sadd.s32 $0xAD88, s8;
	[sflag:s7] =	ssyncadd.s32 $0xFFFFFF80  }
0x113: {  	[spmem:s0] =	stream.indirect.scatter.add.f32 [tilespmem:s5], [sflag:$0x2], $0x1, s11, s3, $0xb8;
	[tilespmem:$0x1BA88] =	vst v63  }
0x114: {  	_ =	swait.ge [sflag:s4], $0x80  }
0x115: {  	[sflag:s4] =	ssyncset.done $0x0  }
0x116: {  	s17 =	sadd.s32 $0xAE08, s8;
	[sflag:s4] =	ssyncadd.s32 $0xFFFFFF80  }
0x117: {  	[spmem:s0] =	stream.indirect.scatter.add.f32 [tilespmem:s5], [sflag:$0x1], $0x1, s17, s3, $0xb8;
	[tilespmem:$0x1BA88] =	vst v63  }
0x118: {  	_ =	swait.ge [sflag:s7], $0x80  }
0x119: {  	[sflag:s7] =	ssyncset.done $0x0  }
0x11a: {  	s18 =	sadd.s32 $0xAE88, s8;
	[sflag:s7] =	ssyncadd.s32 $0xFFFFFF80  }
0x11b: {  	[spmem:s0] =	stream.indirect.scatter.add.f32 [tilespmem:s5], [sflag:$0x2], $0x1, s18, s3, $0xb8;
	[tilespmem:$0x1BA88] =	vst v63  }
0x11c: {  	_ =	swait.ge [sflag:s4], $0x80  }
0x11d: {  	[sflag:s4] =	ssyncset.done $0x0  }
0x11e: {  	s9 =	sadd.s32 $0xAF08, s8;
	[sflag:s4] =	ssyncadd.s32 $0xFFFFFF80  }
0x11f: {  	[spmem:s0] =	stream.indirect.scatter.add.f32 [tilespmem:s5], [sflag:$0x1], $0x1, s9, s3, $0xb8;
	[tilespmem:$0x1BA88] =	vst v63  }
0x120: {  	_ =	swait.ge [sflag:s7], $0x80  }
0x121: {  	[sflag:s7] =	ssyncset.done $0x0  }
0x122: {  	s11 =	sadd.s32 $0xAF88, s8;
	[sflag:s7] =	ssyncadd.s32 $0xFFFFFF80  }
0x123: {  	[spmem:s0] =	stream.indirect.scatter.add.f32 [tilespmem:s5], [sflag:$0x2], $0x1, s11, s3, $0xb8;
	[tilespmem:$0x1BA88] =	vst v63  }
0x124: {  	_ =	swait.ge [sflag:s4], $0x80  }
0x125: {  	[sflag:s4] =	ssyncset.done $0x0  }
0x126: {  	s17 =	sor.u32 $0xB008, s8;
	[sflag:s4] =	ssyncadd.s32 $0xFFFFFF80  }
0x127: {  	[spmem:s0] =	stream.indirect.scatter.add.f32 [tilespmem:s5], [sflag:$0x1], $0x1, s17, s3, $0xb8;
	[tilespmem:$0x1BA88] =	vst v63  }
0x128: {  	_ =	swait.ge [sflag:s7], $0x80  }
0x129: {  	[sflag:s7] =	ssyncset.done $0x0  }
0x12a: {  	s18 =	sor.u32 $0xB088, s8;
	[sflag:s7] =	ssyncadd.s32 $0xFFFFFF80  }
0x12b: {  	[spmem:s0] =	stream.indirect.scatter.add.f32 [tilespmem:s5], [sflag:$0x2], $0x1, s18, s3, $0xb8;
	[tilespmem:$0x1BA88] =	vst v63  }
0x12c: {  	_ =	swait.ge [sflag:s4], $0x80  }
0x12d: {  	[sflag:s4] =	ssyncset.done $0x0  }
0x12e: {  	[sflag:s4] =	ssyncadd.s32 $0xFFFFFF80  }
0x12f: {  	_ =	swait.ge [sflag:s7], $0x80  }
0x130: {  	[sflag:s7] =	ssyncset.done $0x0  }
0x131: {  	[sflag:s7] =	ssyncadd.s32 $0xFFFFFF80  }
0x132: {  	[bflag:$0x0] =	sbarrier.arrive $0xFFFF  }
0x133: {  	[tilespmem:s20], [sflag:$0x3] =	stream.linear.gather [spmem:s26], $0x280, $0x38;
	[tilespmem:$0x1BA88] =	vst v63  }
0x134: {  	_ =	swait.ge [sflag:s29], $0x280  }
0x135: {  	[sflag:s29] =	ssyncset.done $0x0  }
0x136: {  	s9 =	simm.s32 $0x0;
	[sflag:s29] =	ssyncadd.s32 $0xFFFFFD80  }
0x137: {  	v10 =	vld [tilespmem:s9+$0x1B508];
	_ =	sdelay $0x3  }
0x138: {  	s26 =	simm.s32 $0x10  }
0x139: {  	v7 =	vld [tilespmem:s26+$0x1B508];
	vm0 =	vgt.f32 v10, $1.000000000e+00  }
0x13a: {  	v5 =	vsel vm0, $0x3F000000, v3  }
0x13b: {  	v6 =	vmul.f32 v5, v10;
	_ =	sdelay $0x1  }
0x13c: {  	v6 =	vmul.f32 v6, v5  }
0x13d: {  	vm11 =	vgt.f32 v7, $1.000000000e+00;
	v8 =	vmul.f32 $5.000000000e-01, v5  }
0x13e: {  	vm1 =	vgt.f32 v6, $1.000000000e+00;
	v6 =	vsel vm11, $0x3F000000, v3  }
0x13f: {  	v5 =	vsel vm1, v8, v5;
	v8 =	vmul.f32 v6, v7  }
0x140: {  	v9 =	vmul.f32 v5, v10  }
0x141: {  	s2 =	simm.s32 $0x20;
	v8 =	vmul.f32 v8, v6  }
0x142: {  	v12 =	vmul.f32 $5.000000000e-01, v6;
	v11 =	vmul.f32 v9, v5;
	v9 =	vld [tilespmem:s2+$0x1B508]  }
0x143: {  	v13 =	vmul.f32 $5.000000000e-01, v5;
	vm12 =	vgt.f32 v8, $1.000000000e+00  }
0x144: {  	vm13 =	vgt.f32 v11, $1.000000000e+00;
	v6 =	vsel vm12, v12, v6  }
0x145: {  	v5 =	vsel vm13, v13, v5;
	v8 =	vmul.f32 v6, v7  }
0x146: {  	v11 =	vmul.f32 v5, v10  }
0x147: {  	v8 =	vmul.f32 v8, v6;
	vm14 =	vgt.f32 v9, $1.000000000e+00  }
0x148: {  	v12 =	vmul.f32 $5.000000000e-01, v6;
	v11 =	vmul.f32 v11, v5;
	v13 =	vsel vm14, $0x3F000000, v3  }
0x149: {  	v14 =	vmul.f32 $5.000000000e-01, v5;
	vm15 =	vgt.f32 v8, $1.000000000e+00;
	v8 =	vmul.f32 v13, v9  }
0x14a: {  	vm4 =	vgt.f32 v11, $1.000000000e+00;
	v6 =	vsel vm15, v12, v6  }
0x14b: {  	v5 =	vsel vm4, v14, v5;
	v11 =	vmul.f32 v6, v7;
	v8 =	vmul.f32 v8, v13  }
0x14c: {  	v14 =	vmul.f32 $5.000000000e-01, v13;
	v12 =	vmul.f32 v5, v10  }
0x14d: {  	v11 =	vmul.f32 v11, v6;
	vm5 =	vgt.f32 v8, $1.000000000e+00  }
0x14e: {  	v8 =	vmul.f32 v12, v5;
	v12 =	vmul.f32 $5.000000000e-01, v6;
	v13 =	vsel vm5, v14, v13  }
0x14f: {  	v14 =	vmul.f32 $5.000000000e-01, v5;
	vm6 =	vgt.f32 v11, $1.000000000e+00;
	v11 =	vmul.f32 v13, v9  }
0x150: {  	s8 =	simm.s32 $0x30;
	vm7 =	vgt.f32 v8, $1.000000000e+00;
	v6 =	vsel vm6, v12, v6  }
0x151: {  	v8 =	vsel vm7, v14, v5;
	v12 =	vmul.f32 v6, v7;
	v11 =	vmul.f32 v11, v13;
	v5 =	vld [tilespmem:s8+$0x1B508]  }
0x152: {  	v15 =	vmul.f32 $5.000000000e-01, v13;
	v14 =	vmul.f32 v8, v10  }
0x153: {  	v23 =	vmul.f32 $5.000000000e-01, v10;
	v12 =	vmul.f32 v12, v6;
	vm8 =	vgt.f32 v11, $1.000000000e+00  }
0x154: {  	v11 =	vmul.f32 v14, v8;
	v14 =	vmul.f32 $5.000000000e-01, v6;
	v13 =	vsel vm8, v15, v13  }
0x155: {  	v15 =	vmul.f32 $5.000000000e-01, v8;
	vm9 =	vgt.f32 v12, $1.000000000e+00;
	v12 =	vmul.f32 v13, v9  }
0x156: {  	vm10 =	vgt.f32 v11, $1.000000000e+00;
	v6 =	vsel vm9, v14, v6;
	vm11 =	vgt.f32 v5, $1.000000000e+00  }
0x157: {  	v11 =	vmul.f32 v6, v7;
	v12 =	vmul.f32 v12, v13;
	v14 =	vsel vm11, $0x3F000000, v3  }
0x158: {  	v8 =	vsel vm10, v15, v8;
	v15 =	vmul.f32 $5.000000000e-01, v13;
	v16 =	vmul.f32 v14, v5  }
0x159: {  	v17 =	vmul.f32 v8, v10;
	v11 =	vmul.f32 v11, v6;
	vm12 =	vgt.f32 v12, $1.000000000e+00  }
0x15a: {  	v12 =	vmul.f32 $5.000000000e-01, v6;
	v13 =	vsel vm12, v15, v13;
	v15 =	vmul.f32 v16, v14  }
0x15b: {  	v16 =	vmul.f32 $5.000000000e-01, v14;
	vm13 =	vgt.f32 v11, $1.000000000e+00;
	v11 =	vmul.f32 v13, v9  }
0x15c: {  	v17 =	vmul.f32 v17, v8;
	v12 =	vsel vm13, v12, v6;
	vm14 =	vgt.f32 v15, $1.000000000e+00  }
0x15d: {  	v15 =	vmul.f32 $5.000000000e-01, v13;
	v11 =	vmul.f32 v11, v13;
	v14 =	vsel vm14, v16, v14  }
0x15e: {  	v6 =	vmul.f32 v12, v7;
	v16 =	vmul.f32 v14, v5  }
0x15f: {  	v18 =	vmul.f32 $5.000000000e-01, v8;
	vm15 =	vgt.f32 v17, $1.000000000e+00;
	vm4 =	vgt.f32 v11, $1.000000000e+00  }
0x160: {  	v6 =	vmul.f32 v6, v12;
	v11 =	vsel vm4, v15, v13;
	v13 =	vmul.f32 v16, v14  }
0x161: {  	s28 =	simm.s32 $0x40;
	v8 =	vsel vm15, v18, v8;
	v16 =	vmul.f32 $5.000000000e-01, v14;
	v15 =	vmul.f32 v11, v9  }
0x162: {  	v17 =	vmul.f32 $5.000000000e-01, v12;
	vm5 =	vgt.f32 v6, $1.000000000e+00;
	v6 =	vld [tilespmem:s28+$0x1B508];
	vm6 =	vgt.f32 v13, $1.000000000e+00  }
0x163: {  	v13 =	vmul.f32 v8, v10;
	v15 =	vmul.f32 v15, v11;
	v14 =	vsel vm6, v16, v14  }
0x164: {  	v12 =	vsel vm5, v17, v12;
	v16 =	vmul.f32 $5.000000000e-01, v11;
	v17 =	vmul.f32 v14, v5  }
0x165: {  	v18 =	vmul.f32 $5.000000000e-01, v8;
	v19 =	vmul.f32 $5.000000000e-01, v12;
	vm7 =	vgt.f32 v15, $1.000000000e+00  }
0x166: {  	v13 =	vmul.f32 v13, v8;
	v11 =	vsel vm7, v16, v11;
	v15 =	vmul.f32 v17, v14  }
0x167: {  	v17 =	vmul.f32 $5.000000000e-01, v14;
	vm8 =	vgt.f32 v6, $1.000000000e+00;
	v16 =	vmul.f32 v11, v9  }
0x168: {  	vm9 =	vgt.f32 v13, $1.000000000e+00;
	v13 =	vsel vm8, $0x3F000000, v3;
	vm10 =	vgt.f32 v15, $1.000000000e+00  }
0x169: {  	v15 =	vmul.f32 v16, v11;
	v14 =	vsel vm10, v17, v14;
	v16 =	vmul.f32 v13, v6  }
0x16a: {  	v8 =	vsel vm9, v18, v8;
	v17 =	vmul.f32 $5.000000000e-01, v11;
	v18 =	vmul.f32 v14, v5  }
0x16b: {  	v20 =	vmul.f32 v8, v10;
	vm11 =	vgt.f32 v15, $1.000000000e+00;
	v15 =	vmul.f32 v16, v13  }
0x16c: {  	v21 =	vmul.f32 $5.000000000e-01, v14;
	v11 =	vsel vm11, v17, v11;
	v16 =	vmul.f32 v18, v14  }
0x16d: {  	v17 =	vmul.f32 $5.000000000e-01, v13;
	v18 =	vmul.f32 $5.000000000e-01, v11;
	vm12 =	vgt.f32 v15, $1.000000000e+00  }
0x16e: {  	v15 =	vmul.f32 v20, v8;
	v20 =	vmul.f32 $5.000000000e-01, v8;
	vm13 =	vgt.f32 v16, $1.000000000e+00  }
0x16f: {  	v13 =	vsel vm12, v17, v13;
	v16 =	vmul.f32 v12, v7;
	v14 =	vsel vm13, v21, v14  }
0x170: {  	v17 =	vmul.f32 v13, v6;
	v21 =	vmul.f32 v14, v5  }
0x171: {  	vm14 =	vgt.f32 v15, $1.000000000e+00;
	v15 =	vmul.f32 v16, v12;
	v22 =	vmul.f32 $5.000000000e-01, v14  }
0x172: {  	v16 =	vmul.f32 v17, v13;
	v17 =	vsel vm14, v20, v8;
	v20 =	vmul.f32 $5.000000000e-01, v13  }
0x173: {  	v8 =	vmul.f32 v21, v14;
	v21 =	vmul.f32 $5.000000000e-01, v17  }
0x174: {  	vm5 =	vgt.f32 v15, $1.000000000e+00;
	vm15 =	vgt.f32 v16, $1.000000000e+00;
	v16 =	vmul.f32 v17, v10  }
0x175: {  	v12 =	vsel vm5, v19, v12;
	vm4 =	vgt.f32 v8, $1.000000000e+00;
	v13 =	vsel vm15, v20, v13  }
0x176: {  	v19 =	vmul.f32 v12, v7;
	v14 =	vsel vm4, v22, v14;
	v8 =	vmul.f32 v13, v6  }
0x177: {  	s17 =	simm.s32 $0x50;
	v15 =	vmul.f32 v16, v17;
	v16 =	vmul.f32 v14, v5  }
0x178: {  	v19 =	vmul.f32 v19, v12;
	v20 =	vmul.f32 v8, v13;
	v8 =	vld [tilespmem:s17+$0x1B508]  }
0x179: {  	vm6 =	vgt.f32 v15, $1.000000000e+00;
	v15 =	vmul.f32 v16, v14;
	v16 =	vmul.f32 $5.000000000e-01, v13  }
0x17a: {  	v22 =	vmul.f32 $5.000000000e-01, v14;
	v10 =	vsel vm6, v21, v17;
	vm7 =	vgt.f32 v20, $1.000000000e+00  }
0x17b: {  	vm11 =	vgt.f32 v19, $1.000000000e+00;
	v20 =	vmul.f32 $5.000000000e-01, v12;
	v13 =	vsel vm7, v16, v13  }
0x17c: {  	vm8 =	vgt.f32 v15, $1.000000000e+00;
	v15 =	vmul.f32 v10, v23;
	v16 =	vmul.f32 v13, v6  }
0x17d: {  	v14 =	vsel vm8, v22, v14;
	v22 =	vmul.f32 $5.000000000e-01, v13;
	vm9 =	vgt.f32 v8, $1.000000000e+00  }
0x17e: {  	v17 =	vmul.f32 $5.000000000e-01, v14;
	v16 =	vmul.f32 v16, v13;
	v21 =	vsel vm9, $0x3F000000, v3  }
0x17f: {  	v12 =	vsel vm11, v20, v12;
	v15 =	vmul.f32 v15, v10;
	v24 =	vmul.f32 v21, v8  }
0x180: {  	v20 =	vmul.f32 v12, v7;
	v25 =	vmul.f32 $5.000000000e-01, v12;
	vm10 =	vgt.f32 v16, $1.000000000e+00  }
0x181: {  	v16 =	vmul.f32 v11, v9;
	v13 =	vsel vm10, v22, v13;
	v22 =	vmul.f32 v24, v21  }
0x182: {  	v7 =	vmul.f32 $5.000000000e-01, v7;
	v15 =	vsub.f32 $1.500000000e+00, v15;
	v24 =	vmul.f32 $5.000000000e-01, v21  }
0x183: {  	v19 =	vmul.f32 v13, v6;
	v16 =	vmul.f32 v16, v11;
	vm12 =	vgt.f32 v22, $1.000000000e+00  }
0x184: {  	v15 =	vmul.f32 v15, v10;
	v10 =	vmul.f32 v20, v12;
	v21 =	vsel vm12, v24, v21  }
0x185: {  	v19 =	vmul.f32 v19, v13;
	vm14 =	vgt.f32 v16, $1.000000000e+00;
	v24 =	vmul.f32 v21, v8  }
0x186: {  	v22 =	vmul.f32 $5.000000000e-01, v13;
	v18 =	vsel vm14, v18, v11;
	v11 =	vmul.f32 v15, v23  }
0x187: {  	vm4 =	vgt.f32 v10, $1.000000000e+00;
	vm13 =	vgt.f32 v19, $1.000000000e+00;
	v19 =	vmul.f32 v24, v21  }
0x188: {  	v16 =	vmul.f32 $5.000000000e-01, v21;
	v13 =	vsel vm13, v22, v13;
	v11 =	vmul.f32 v11, v15  }
0x189: {  	v22 =	vsel vm4, v25, v12;
	v20 =	vmul.f32 v13, v6;
	vm15 =	vgt.f32 v19, $1.000000000e+00  }
0x18a: {  	v24 =	vmul.f32 v22, v7;
	v19 =	vmul.f32 v18, v9;
	v16 =	vsel vm15, v16, v21  }
0x18b: {  	v20 =	vmul.f32 v20, v13;
	v10 =	vmul.f32 v16, v8  }
0x18c: {  	v21 =	vmul.f32 $5.000000000e-01, v13;
	v19 =	vmul.f32 v19, v18  }
0x18d: {  	s18 =	simm.s32 $0x60;
	v25 =	vmul.f32 $5.000000000e-01, v16;
	vm5 =	vgt.f32 v20, $1.000000000e+00;
	v20 =	vmul.f32 v10, v16  }
0x18e: {  	v12 =	vsel vm5, v21, v13;
	v13 =	vsub.f32 $1.500000000e+00, v11;
	v10 =	vld [tilespmem:s18+$0x1B508];
	vm7 =	vgt.f32 v19, $1.000000000e+00  }
0x18f: {  	v11 =	vmul.f32 $5.000000000e-01, v12;
	vm6 =	vgt.f32 v20, $1.000000000e+00;
	v20 =	vmul.f32 v24, v22  }
0x190: {  	v15 =	vmul.f32 v13, v15;
	v13 =	vmul.f32 $5.000000000e-01, v18;
	v16 =	vsel vm6, v25, v16  }
0x191: {  	v24 =	vmul.f32 v14, v5;
	v21 =	vmul.f32 v16, v8;
	v20 =	vsub.f32 $1.500000000e+00, v20  }
0x192: {  	v19 =	vmul.f32 v15, v23;
	v25 =	vsel vm7, v13, v18;
	v13 =	vmul.f32 $5.000000000e-01, v16  }
0x193: {  	vm8 =	vgt.f32 v10, $1.000000000e+00;
	v26 =	vmul.f32 $5.000000000e-01, v25;
	v21 =	vmul.f32 v21, v16  }
0x194: {  	v28 =	vmul.f32 v25, v9;
	v18 =	vmul.f32 v19, v15;
	v19 =	vsel vm8, $0x3F000000, v3  }
0x195: {  	vm9 =	vgt.f32 v21, $1.000000000e+00;
	v21 =	vmul.f32 v24, v14;
	v24 =	vmul.f32 v19, v10  }
0x196: {  	v18 =	vsub.f32 $1.500000000e+00, v18;
	v16 =	vsel vm9, v13, v16;
	v13 =	vmul.f32 v20, v22  }
0x197: {  	v20 =	vmul.f32 $5.000000000e-01, v19;
	v24 =	vmul.f32 v24, v19  }
0x198: {  	v27 =	vmul.f32 v16, v8;
	vm10 =	vgt.f32 v21, $1.000000000e+00;
	v21 =	vmul.f32 v18, v15  }
0x199: {  	v9 =	vmul.f32 $5.000000000e-01, v9;
	v22 =	vmul.f32 v28, v25;
	vm11 =	vgt.f32 v24, $1.000000000e+00  }
0x19a: {  	v24 =	vmul.f32 v21, v23;
	v20 =	vsel vm11, v20, v19;
	v19 =	vmul.f32 v27, v16  }
0x19b: {  	v18 =	vmul.f32 $5.000000000e-01, v16;
	v15 =	vsel vm10, v17, v14;
	v27 =	vmul.f32 v20, v10  }
0x19c: {  	v14 =	vmul.f32 v13, v7;
	vm12 =	vgt.f32 v19, $1.000000000e+00;
	v19 =	vmul.f32 v24, v21  }
0x19d: {  	vm13 =	vgt.f32 v22, $1.000000000e+00;
	v24 =	vmul.f32 v27, v20;
	v27 =	vsel vm12, v18, v16  }
0x19e: {  	v17 =	vmul.f32 $5.000000000e-01, v20;
	v16 =	vmul.f32 v27, v8;
	v22 =	vsub.f32 $1.500000000e+00, v19  }
0x19f: {  	v18 =	vmul.f32 v15, v5;
	v19 =	vmul.f32 v14, v13;
	vm14 =	vgt.f32 v24, $1.000000000e+00  }
0x1a0: {  	v20 =	vsel vm14, v17, v20;
	v14 =	vmul.f32 v16, v27;
	v17 =	vmul.f32 v22, v21  }
0x1a1: {  	v63 =	vmul.f32 $5.000000000e-01, v27;
	v16 =	vsel vm13, v26, v25;
	v21 =	vmul.f32 v20, v10  }
0x1a2: {  	v22 =	vmul.f32 $5.000000000e-01, v20;
	vm15 =	vgt.f32 v14, $1.000000000e+00;
	v23 =	vmul.f32 v17, v23  }
0x1a3: {  	s11 =	simm.s32 $0x1C0;
	v24 =	vmul.f32 v21, v20;
	v14 =	vsel vm15, v63, v27;
	v21 =	vmul.f32 v16, v9  }
.LBB2_6:
0x1a4: {  	s20 =	sshra.s32 s11, $0x2;
	p2 =	sne.s32 s11, $0x9C0;
	s11 =	sadd.s32 $0x40, s11;
	v25 =	vmul.f32 $5.000000000e-01, v14;
	v19 =	vsub.f32 $1.500000000e+00, v19;
	v23 =	vmul.f32 v23, v17;
	v26 =	vmovc v9  }
0x1a5: {  	v9 =	vmul.f32 $5.000000000e-01, v15;
	v27 =	vld [tilespmem:s20+$0x1B508];
	vm0 =	vgt.f32 v24, $1.000000000e+00;
	v21 =	vmul.f32 v21, v16  }
0x1a6: {  	v18 =	vmul.f32 v18, v15;
	v20 =	vsel vm0, v22, v20;
	v19 =	vmul.f32 v19, v13  }
0x1a7: {  	v22 =	vsub.f32 $1.500000000e+00, v23;
	v13 =	vmul.f32 v20, v10;
	v21 =	vsub.f32 $1.500000000e+00, v21  }
0x1a8: {  	v23 =	vmul.f32 v12, v6;
	vm0 =	vgt.f32 v18, $1.000000000e+00;
	v18 =	vmul.f32 v19, v7  }
0x1a9: {  	v9 =	vsel vm0, v9, v15;
	v15 =	vmul.f32 v22, v17;
	v13 =	vmul.f32 v13, v20  }
0x1aa: {  	v17 =	vmul.f32 $5.000000000e-01, v20;
	vm0 =	vgt.f32 v27, $1.000000000e+00;
	v18 =	vmul.f32 v18, v19  }
0x1ab: {  	v23 =	vmul.f32 v23, v12;
	v22 =	vsel vm0, $0x3F000000, v3;
	vm0 =	vgt.f32 v13, $1.000000000e+00;
	[tilespmem:s9+$0x1B788] =	vst v15;
	s9 =	smov.u32 s26;
	s26 =	smov.u32 s2;
	s2 =	smov.u32 s8  }
0x1ac: {  	v24 =	vmul.f32 $5.000000000e-01, v9;
	s8 =	smov.u32 s28;
	s28 =	smov.u32 s17;
	s17 =	smov.u32 s18;
	v13 =	vmul.f32 v22, v27;
	v17 =	vsel vm0, v17, v20  }
0x1ad: {  	s18 =	smov.u32 s20;
	v20 =	vmul.f32 v9, v5;
	v18 =	vsub.f32 $1.500000000e+00, v18;
	v15 =	vmul.f32 v17, v10  }
0x1ae: {  	v28 =	vmul.f32 v13, v22;
	v13 =	vmul.f32 v21, v16  }
0x1af: {  	vm0 =	vgt.f32 v23, $1.000000000e+00;
	v16 =	vmul.f32 $5.000000000e-01, v22;
	v21 =	vmul.f32 v18, v19  }
0x1b0: {  	v18 =	vmul.f32 $5.000000000e-01, v17;
	v19 =	vmul.f32 v20, v9;
	vm1 =	vgt.f32 v28, $1.000000000e+00  }
0x1b1: {  	v20 =	vmul.f32 v15, v17;
	v16 =	vsel vm1, v16, v22;
	v22 =	vmul.f32 v21, v7  }
0x1b2: {  	v15 =	vsel vm0, v11, v12;
	v11 =	vmovc v25;
	v28 =	vmul.f32 v13, v26;
	v23 =	vmul.f32 v16, v27  }
0x1b3: {  	v12 =	vmovc v14;
	vm0 =	vgt.f32 v20, $1.000000000e+00;
	v25 =	vmul.f32 $5.000000000e-01, v16;
	v20 =	vmul.f32 v22, v21  }
0x1b4: {  	v29 =	vsel vm0, v18, v17;
	v18 =	vmul.f32 v15, v6;
	v14 =	vmul.f32 v23, v16  }
0x1b5: {  	vm0 =	vgt.f32 v19, $1.000000000e+00;
	v17 =	vmul.f32 v29, v10;
	v22 =	vsub.f32 $1.500000000e+00, v20  }
.Ltmp2:
0x1b6: {  	v19 =	vmul.f32 v28, v13;
	vm1 =	vgt.f32 v14, $1.000000000e+00;
	v14 =	vmul.f32 $5.000000000e-01, v29;
	(pc) =	sbr.rel @p2 .LBB2_6-.Ltmp2, $4  }
0x1b7: {  	v23 =	vmul.f32 v17, v29;
	v20 =	vsel vm1, v25, v16;
	v17 =	vmul.f32 v22, v21  }
0x1b8: {  	v16 =	vsel vm0, v24, v9;
	v9 =	vmul.f32 $5.000000000e-01, v5;
	v5 =	vmovc v6;
	v6 =	vmovc v8;
	v21 =	vmul.f32 v20, v27  }
0x1b9: {  	vm0 =	vgt.f32 v23, $1.000000000e+00;
	v8 =	vmovc v10;
	v10 =	vmovc v27;
	v22 =	vmul.f32 $5.000000000e-01, v20;
	v23 =	vmul.f32 v17, v7  }
0x1ba: {  	v14 =	vsel vm0, v14, v29;
	v7 =	vmovc v26;
	v24 =	vmul.f32 v21, v20;
	v21 =	vmul.f32 v16, v9  }
0x1bb: {  	_ = 	snop  }
0x1bc: {  	vm0 =	vgt.f32 v24, $1.000000000e+00  }
0x1bd: {  	v20 =	vsel vm0, v22, v20  }
0x1be: {  	v22 =	vmul.f32 v20, v10;
	_ =	sdelay $0x1  }
0x1bf: {  	v22 =	vmul.f32 v22, v20  }
0x1c0: {  	v43 =	vmul.f32 $5.000000000e-01, v20  }
0x1c1: {  	v45 =	vmul.f32 $5.000000000e-01, v14;
	v23 =	vmul.f32 v23, v17;
	vm14 =	vgt.f32 v22, $1.000000000e+00  }
0x1c2: {  	v25 =	vmul.f32 $5.000000000e-01, v15;
	v18 =	vmul.f32 v18, v15;
	v20 =	vsel vm14, v43, v20  }
0x1c3: {  	v19 =	vsub.f32 $1.500000000e+00, v19;
	v26 =	vmul.f32 v12, v6;
	v44 =	vmul.f32 v20, v10  }
0x1c4: {  	v54 =	vmul.f32 v14, v8;
	v21 =	vmul.f32 v21, v16  }
0x1c5: {  	v19 =	vmul.f32 v19, v13;
	v22 =	vmul.f32 v44, v20  }
0x1c6: {  	vm4 =	vgt.f32 v18, $1.000000000e+00;
	v49 =	vmul.f32 v26, v12;
	v13 =	vmul.f32 $5.000000000e-01, v20  }
0x1c7: {  	v15 =	vsel vm4, v25, v15;
	v21 =	vsub.f32 $1.500000000e+00, v21;
	vm15 =	vgt.f32 v22, $1.000000000e+00  }
0x1c8: {  	v46 =	vmul.f32 v19, v7;
	v50 =	vmul.f32 $5.000000000e-01, v15;
	v20 =	vsel vm15, v13, v20  }
0x1c9: {  	v25 =	vmul.f32 v15, v5;
	v48 =	vmul.f32 v20, v10  }
0x1ca: {  	vm5 =	vgt.f32 v49, $1.000000000e+00;
	v5 =	vmul.f32 $5.000000000e-01, v5;
	v51 =	vmul.f32 v21, v16  }
0x1cb: {  	v11 =	vsel vm5, v11, v12;
	v47 =	vmul.f32 v46, v19;
	v18 =	vmul.f32 v48, v20  }
0x1cc: {  	v23 =	vsub.f32 $1.500000000e+00, v23;
	v55 =	vmul.f32 v11, v6;
	v52 =	vmul.f32 $5.000000000e-01, v20  }
0x1cd: {  	v53 =	vmul.f32 v25, v15;
	v12 =	vmul.f32 v51, v9;
	vm6 =	vgt.f32 v18, $1.000000000e+00  }
0x1ce: {  	v59 =	vmul.f32 $5.000000000e-01, v11;
	v21 =	vmul.f32 v55, v11;
	v18 =	vsel vm6, v52, v20  }
0x1cf: {  	vm7 =	vgt.f32 v53, $1.000000000e+00;
	v12 =	vmul.f32 v12, v51;
	v56 =	vmul.f32 v18, v10  }
0x1d0: {  	v15 =	vsel vm7, v50, v15;
	vm10 =	vgt.f32 v21, $1.000000000e+00;
	v20 =	vmul.f32 v54, v14  }
0x1d1: {  	v61 =	vmul.f32 v15, v5;
	v11 =	vsel vm10, v59, v11;
	v57 =	vmul.f32 v56, v18  }
0x1d2: {  	v63 =	vmul.f32 v11, v6;
	v58 =	vmul.f32 $5.000000000e-01, v18;
	vm8 =	vgt.f32 v20, $1.000000000e+00  }
0x1d3: {  	v28 =	vmul.f32 $5.000000000e-01, v11;
	v14 =	vsel vm8, v45, v14;
	vm9 =	vgt.f32 v57, $1.000000000e+00  }
0x1d4: {  	v6 =	vmul.f32 $5.000000000e-01, v6;
	v60 =	vmul.f32 v14, v8;
	v18 =	vsel vm9, v58, v18  }
0x1d5: {  	v22 =	vmul.f32 v61, v15;
	v62 =	vmul.f32 v18, v10  }
0x1d6: {  	v13 =	vmul.f32 v23, v17;
	v21 =	vmul.f32 v60, v14  }
0x1d7: {  	v12 =	vsub.f32 $1.500000000e+00, v12;
	v24 =	vmul.f32 $5.000000000e-01, v14;
	v20 =	vmul.f32 v62, v18  }
0x1d8: {  	v23 =	vmul.f32 v63, v11;
	v27 =	vmul.f32 $5.000000000e-01, v18;
	vm11 =	vgt.f32 v21, $1.000000000e+00  }
0x1d9: {  	v12 =	vmul.f32 v12, v51;
	v14 =	vsel vm11, v24, v14;
	vm12 =	vgt.f32 v20, $1.000000000e+00  }
0x1da: {  	vm13 =	vgt.f32 v23, $1.000000000e+00;
	v29 =	vmul.f32 v14, v8;
	v18 =	vsel vm12, v27, v18  }
0x1db: {  	v30 =	vmul.f32 v12, v9;
	v11 =	vsel vm13, v28, v11;
	v31 =	vmul.f32 v18, v10  }
0x1dc: {  	v32 =	vmul.f32 v11, v6;
	v20 =	vmul.f32 v29, v14  }
0x1dd: {  	v24 =	vmul.f32 $5.000000000e-01, v14;
	v16 =	vmul.f32 v31, v18  }
0x1de: {  	v8 =	vmul.f32 $5.000000000e-01, v8;
	v33 =	vmul.f32 $5.000000000e-01, v18;
	vm14 =	vgt.f32 v20, $1.000000000e+00  }
0x1df: {  	v10 =	vmul.f32 $5.000000000e-01, v10;
	v14 =	vsel vm14, v24, v14;
	vm15 =	vgt.f32 v16, $1.000000000e+00  }
0x1e0: {  	v36 =	vmul.f32 v32, v11;
	v35 =	vmul.f32 v14, v8;
	v18 =	vsel vm15, v33, v18  }
0x1e1: {  	v17 =	vsub.f32 $1.500000000e+00, v47;
	v22 =	vsub.f32 $1.500000000e+00, v22;
	v37 =	vmul.f32 v18, v10  }
0x1e2: {  	v34 =	vmul.f32 v30, v12;
	v20 =	vsub.f32 $1.500000000e+00, v36;
	v21 =	vmul.f32 v35, v14  }
0x1e3: {  	v15 =	vmul.f32 v22, v15;
	v23 =	vmul.f32 v37, v18  }
0x1e4: {  	v17 =	vmul.f32 v17, v19;
	v11 =	vmul.f32 v20, v11;
	v38 =	vsub.f32 $1.500000000e+00, v21  }
0x1e5: {  	v40 =	vmul.f32 v15, v5;
	v16 =	vsub.f32 $1.500000000e+00, v34;
	v39 =	vsub.f32 $1.500000000e+00, v23  }
0x1e6: {  	v41 =	vmul.f32 v11, v6;
	v14 =	vmul.f32 v38, v14  }
0x1e7: {  	v12 =	vmul.f32 v16, v12;
	v16 =	vmul.f32 v39, v18  }
0x1e8: {  	v42 =	vmul.f32 v40, v15;
	v43 =	vmul.f32 v14, v8  }
0x1e9: {  	v19 =	vmul.f32 v41, v11;
	v44 =	vmul.f32 v16, v10  }
0x1ea: {  	v45 =	vmul.f32 v17, v7;
	v18 =	vsub.f32 $1.500000000e+00, v42;
	v20 =	vmul.f32 v43, v14  }
0x1eb: {  	v46 =	vmul.f32 v12, v9;
	v19 =	vsub.f32 $1.500000000e+00, v19;
	v21 =	vmul.f32 v44, v16  }
0x1ec: {  	v22 =	vmul.f32 v45, v17;
	v15 =	vmul.f32 v18, v15;
	v47 =	vsub.f32 $1.500000000e+00, v20  }
0x1ed: {  	v48 =	vmul.f32 v46, v12;
	v11 =	vmul.f32 v19, v11;
	v49 =	vsub.f32 $1.500000000e+00, v21  }
0x1ee: {  	v50 =	vmul.f32 v15, v5;
	v14 =	vmul.f32 v47, v14  }
0x1ef: {  	v51 =	vmul.f32 v11, v6;
	v16 =	vmul.f32 v49, v16  }
0x1f0: {  	v52 =	vmul.f32 v50, v15;
	v53 =	vmul.f32 v14, v8  }
0x1f1: {  	v18 =	vmul.f32 v51, v11;
	v54 =	vmul.f32 v16, v10  }
0x1f2: {  	v22 =	vsub.f32 $1.500000000e+00, v22;
	v19 =	vsub.f32 $1.500000000e+00, v52;
	v21 =	vmul.f32 v53, v14  }
0x1f3: {  	v20 =	vsub.f32 $1.500000000e+00, v48;
	v18 =	vsub.f32 $1.500000000e+00, v18;
	v23 =	vmul.f32 v54, v16  }
0x1f4: {  	v17 =	vmul.f32 v22, v17;
	v15 =	vmul.f32 v19, v15;
	v55 =	vsub.f32 $1.500000000e+00, v21  }
0x1f5: {  	v12 =	vmul.f32 v20, v12;
	v11 =	vmul.f32 v18, v11;
	v56 =	vsub.f32 $1.500000000e+00, v23  }
0x1f6: {  	v57 =	vmul.f32 v15, v5;
	v14 =	vmul.f32 v55, v14  }
0x1f7: {  	v58 =	vmul.f32 v11, v6;
	v16 =	vmul.f32 v56, v16  }
0x1f8: {  	v59 =	vmul.f32 v57, v15;
	v60 =	vmul.f32 v14, v8  }
0x1f9: {  	v19 =	vmul.f32 v58, v11;
	v61 =	vmul.f32 v16, v10  }
0x1fa: {  	v7 =	vmul.f32 v17, v7;
	v18 =	vsub.f32 $1.500000000e+00, v59;
	v20 =	vmul.f32 v60, v14  }
0x1fb: {  	v9 =	vmul.f32 v12, v9;
	v19 =	vsub.f32 $1.500000000e+00, v19;
	v21 =	vmul.f32 v61, v16  }
0x1fc: {  	v7 =	vmul.f32 v7, v17;
	v15 =	vmul.f32 v18, v15;
	v62 =	vsub.f32 $1.500000000e+00, v20  }
0x1fd: {  	v9 =	vmul.f32 v9, v12;
	v11 =	vmul.f32 v19, v11;
	v63 =	vsub.f32 $1.500000000e+00, v21  }
0x1fe: {  	v5 =	vmul.f32 v15, v5;
	v14 =	vmul.f32 v62, v14  }
0x1ff: {  	v6 =	vmul.f32 v11, v6;
	v16 =	vmul.f32 v63, v16  }
0x200: {  	v7 =	vsub.f32 $1.500000000e+00, v7;
	v5 =	vmul.f32 v5, v15;
	v8 =	vmul.f32 v14, v8  }
0x201: {  	v9 =	vsub.f32 $1.500000000e+00, v9;
	v6 =	vmul.f32 v6, v11;
	v10 =	vmul.f32 v16, v10  }
0x202: {  	v7 =	vmul.f32 v7, v17;
	v5 =	vsub.f32 $1.500000000e+00, v5;
	v8 =	vmul.f32 v8, v14  }
0x203: {  	[tilespmem:s9+$0x1B788] =	vst v13;
	v9 =	vmul.f32 v9, v12;
	v6 =	vsub.f32 $1.500000000e+00, v6;
	v10 =	vmul.f32 v10, v16  }
0x204: {  	[tilespmem:s26+$0x1B788] =	vst v7;
	v5 =	vmul.f32 v5, v15;
	v7 =	vsub.f32 $1.500000000e+00, v8  }
0x205: {  	[tilespmem:s2+$0x1B788] =	vst v9;
	v6 =	vmul.f32 v6, v11;
	v8 =	vsub.f32 $1.500000000e+00, v10  }
0x206: {  	[tilespmem:s8+$0x1B788] =	vst v5;
	v5 =	vmul.f32 v7, v14  }
0x207: {  	[tilespmem:s28+$0x1B788] =	vst v6;
	v6 =	vmul.f32 v8, v16  }
0x208: {  	[tilespmem:s17+$0x1B788] =	vst v5  }
0x209: {  	s11 =	simm.s32 $0x1B788;
	s9 =	rddreg [dreg:$0x1d];
	[tilespmem:s18+$0x1B788] =	vst v6  }
0x20a: {  	[spmem:s9] =	stream.linear.scatter [tilespmem:s11], [sflag:$0x3], $0x280, $0x38;
	[tilespmem:$0x1BA88] =	vst v63  }
0x20b: {  	_ =	swait.ge [sflag:s29], $0x280  }
0x20c: {  	s2 =	simm.s32 @!p1 $0x0;
	[sflag:s29] =	ssyncset.done $0x0  }
0x20d: {  	s8 =	simm.s32 @!p1 $0x1B788;
	s9 =	rddreg [dreg:$0x1e];
	[sflag:s29] =	ssyncadd.s32 $0xFFFFFD80  }
0x20e: {  	[hbm4b:s9+s2] =	stream.linear.scatter @!p1 [tilespmem:s8], [sflag:$0x3], $0x280, $0x38;
	[tilespmem:$0x1BA88] =	vst v63  }
0x20f: {  	s2 =	simm.s32 @!p1 $0x3  }
0x210: {  	_ =	swait.ge @!p1 [sflag:s2], $0x280  }
0x211: {  	[sflag:s2] =	ssyncset.done @!p1 $0x0  }
0x212: {  	[sflag:s2] =	ssyncadd.s32 @!p1 $0xFFFFFD80  }
0x213: {  	[bflag:$0x0] =	sbarrier.arrive $0xFFFF  }
0x214: {  	s17 =	rddreg [dreg:$0x5]  }
0x215: {  	[tilespmem:s30], [sflag:$0x3] =	stream.linear.gather [spmem:s17], $0x2800, $0x38;
	[tilespmem:$0x1BA88] =	vst v63  }
0x216: {  	_ =	swait.ge [sflag:s29], $0x2800  }
0x217: {  	[sflag:s29] =	ssyncset.done $0x0  }
0x218: {  	s18 =	simm.s32 $0x0;
	s20 =	rddreg [dreg:$0x1a];
	[sflag:s29] =	ssyncadd.s32 $0xFFFFD800  }
0x219: {  	[tilespmem:s10], [sflag:$0x3] =	stream.linear.gather [hbm4b:s20+s18], $0x2800, $0x38;
	[tilespmem:$0x1BA88] =	vst v63  }
0x21a: {  	_ =	swait.ge [sflag:s29], $0x2800  }
0x21b: {  	[sflag:s29] =	ssyncset.done $0x0  }
0x21c: {  	[sflag:s29] =	ssyncadd.s32 $0xFFFFD800  }
0x21d: {  	[tilespmem:$0xEC18] =	vst v4  }
0x21e: {  	[tilespmem:$0xEC28] =	vst v4  }
0x21f: {  	[tilespmem:$0xEC38] =	vst v4  }
0x220: {  	[tilespmem:$0xEC48] =	vst v4  }
0x221: {  	[tilespmem:$0xEC58] =	vst v4  }
0x222: {  	[tilespmem:$0xEC68] =	vst v4  }
0x223: {  	[tilespmem:$0xEC78] =	vst v4  }
0x224: {  	[tilespmem:$0xEC88] =	vst v4  }
0x225: {  	[tilespmem:$0xEC98] =	vst v4  }
0x226: {  	[tilespmem:$0xECA8] =	vst v4  }
0x227: {  	[tilespmem:$0xECB8] =	vst v4  }
0x228: {  	[tilespmem:$0xECC8] =	vst v4  }
0x229: {  	[tilespmem:$0xECD8] =	vst v4  }
0x22a: {  	[tilespmem:$0xECE8] =	vst v4  }
0x22b: {  	s17 =	simm.s32 $0x11508;
	s26 =	rddreg [dreg:$0x1f];
	[tilespmem:$0xECF8] =	vst v4  }
0x22c: {  	[tilespmem:s17], [sflag:$0x3] =	stream.linear.gather [hbm4b:s26+s18], $0xA000, $0x38;
	[tilespmem:$0x1BA88] =	vst v63  }
0x22d: {  	s28 =	sadd.s32 $0x0, s21;
	_ =	swait.ge [sflag:s29], $0xA000  }
0x22e: {  	v5 =	vmov s28;
	[sflag:s29] =	ssyncset.done $0x0  }
0x22f: {  	s2 =	simm.s32 $0x11548;
	[sflag:s29] =	ssyncadd.s32 $0xFFFF6000  }
0x230: {  	v9 =	vld [tilespmem:s2+$0x30]  }
0x231: {  	v12 =	vld [tilespmem:s2+$0x10]  }
0x232: {  	v10 =	vld [tilespmem:s2+$0xFFFFFFC0]  }
0x233: {  	v6 =	vld.idx.msk [tilespmem:v5+s30+$0x0], $0xffff  }
0x234: {  	v14 =	vld [tilespmem:s2+$0xFFFFFFE0]  }
0x235: {  	v5 =	vld [tilespmem:s2+$0xFFFFFFF0]  }
0x236: {  	v7 =	vld [tilespmem:s2+$0x20]  }
0x237: {  	v8 =	vld [tilespmem:s2+$0xFFFFFFD0]  }
0x238: {  	v13 =	vmul.f32 v9, v6;
	v9 =	vld [tilespmem:s2+$0x0]  }
0x239: {  	v11 =	vmul.f32 v10, v6  }
0x23a: {  	s8 =	simm.s32 $0x1;
	s9 =	simm.s32 $0x11548;
	v10 =	vmul.f32 v14, v6;
	v12 =	vmul.f32 v12, v6  }
.LBB2_8:
0x23b: {  	p2 =	sne.s32 s8, $0x13F  }
0x23c: {  	v8 =	vmul.f32 v8, v6;
	v7 =	vmul.f32 v7, v6;
	[tilespmem:s2+$0x30] =	vst v13;
	s9 =	sadd.s32 $0x80, s9;
	s11 =	smov.u32 s8;
	s8 =	sadd.s32 $0x1, s8  }
0x23d: {  	[tilespmem:s2+$0xFFFFFFC0] =	vst v11;
	v11 =	vmul.f32 v5, v6;
	v6 =	vmul.f32 v9, v6  }
0x23e: {  	s11 =	sadd.s32 s11, s21;
	[tilespmem:s2+$0x10] =	vst v12  }
0x23f: {  	v9 =	vmov s11;
	[tilespmem:s2+$0xFFFFFFE0] =	vst v10  }
0x240: {  	v5 =	vld [tilespmem:s9+$0xFFFFFFF0];
	[tilespmem:s2+$0xFFFFFFF0] =	vst v11  }
0x241: {  	v10 =	vld [tilespmem:s9+$0x30];
	[tilespmem:s2+$0x0] =	vst v6  }
0x242: {  	v12 =	vld [tilespmem:s9+$0x10];
	[tilespmem:s2+$0x20] =	vst v7  }
0x243: {  	v11 =	vld [tilespmem:s9+$0xFFFFFFC0];
	[tilespmem:s2+$0xFFFFFFD0] =	vst v8;
	s2 =	smov.u32 s9  }
0x244: {  	v6 =	vld.idx.msk [tilespmem:v9+s30+$0x0], $0xffff  }
0x245: {  	v14 =	vld [tilespmem:s9+$0xFFFFFFE0]  }
0x246: {  	v7 =	vld [tilespmem:s9+$0x20]  }
.Ltmp3:
0x247: {  	v8 =	vld [tilespmem:s9+$0xFFFFFFD0];
	(pc) =	sbr.rel @p2 .LBB2_8-.Ltmp3, $3  }
0x248: {  	v9 =	vld [tilespmem:s9+$0x0];
	_ =	sdelay $0x1  }
0x249: {  	v11 =	vmul.f32 v11, v6;
	v13 =	vmul.f32 v10, v6  }
0x24a: {  	v12 =	vmul.f32 v12, v6;
	v10 =	vmul.f32 v14, v6  }
0x24b: {  	[tilespmem:s2+$0x30] =	vst v13  }
0x24c: {  	[tilespmem:s2+$0xFFFFFFC0] =	vst v11  }
0x24d: {  	v5 =	vmul.f32 v5, v6;
	[tilespmem:s2+$0x10] =	vst v12  }
0x24e: {  	v7 =	vmul.f32 v7, v6;
	[tilespmem:s2+$0xFFFFFFE0] =	vst v10  }
0x24f: {  	v9 =	vmul.f32 v9, v6;
	[tilespmem:s2+$0xFFFFFFF0] =	vst v5  }
0x250: {  	s20 =	sld [smem:$0x7F1];
	v5 =	vmul.f32 v8, v6;
	[tilespmem:s2+$0x20] =	vst v7  }
0x251: {  	[tilespmem:s2+$0x0] =	vst v9  }
0x252: {  	s26 =	simm.s32 $0x0;
	[tilespmem:s2+$0xFFFFFFD0] =	vst v5  }
0x253: {  	[hbm4b:s20+s26] =	stream.linear.scatter [tilespmem:s17], [sflag:$0x3], $0xA000, $0x38;
	[tilespmem:$0x1BA88] =	vst v63  }
0x254: {  	_ =	swait.ge [sflag:s29], $0xA000  }
0x255: {  	s9 =	simm.s32 $0xBA88;
	[sflag:s29] =	ssyncset.done $0x0  }
0x256: {  	s11 =	simm.s32 $0xC288;
	s28 =	simm.s32 $0xBB88;
	[sflag:s29] =	ssyncadd.s32 $0xFFFF6000  }
0x257: {  	s17 =	simm.s32 $0xBB08;
	s20 =	simm.s32 $0xC308;
	s18 =	rddreg [dreg:$0x4]  }
.LBB2_10:
0x258: {  	s2 =	rddreg [dreg:$0x8]  }
0x259: {  	s8 =	rddreg [dreg:$0x9];
	s2 =	sadd.s32 s26, s2  }
0x25a: {  	[tilespmem:s8], [sflag:$0x3] =	stream.linear.gather [hbm4b:s2+s6], $0x800, $0x38;
	[tilespmem:$0x1BA88] =	vst v63  }
0x25b: {  	_ =	swait.ge [sflag:s29], $0x800  }
0x25c: {  	s8 =	rddreg [dreg:$0x7];
	[sflag:s29] =	ssyncset.done $0x0  }
0x25d: {  	[sflag:s29] =	ssyncadd.s32 $0xFFFFF800;
	s2 =	sadd.s32 s26, s8  }
0x25e: {  	[tilespmem:s31], [sflag:$0x3] =	stream.linear.gather [hbm4b:s2+s6], $0x800, $0x38;
	[tilespmem:$0x1BA88] =	vst v63  }
0x25f: {  	_ =	swait.ge [sflag:s29], $0x800  }
0x260: {  	[sflag:s29] =	ssyncset.done $0x0  }
0x261: {  	[sflag:s29] =	ssyncadd.s32 $0xFFFFF800  }
0x262: {  	v5 =	vld [tilespmem:$0xAD08];
	_ =	sdelay $0x5  }
0x263: {  	v6 =	vld [tilespmem:$0xA508]  }
0x264: {  	v8 =	vld [tilespmem:$0xAD18]  }
0x265: {  	v7 =	vld.idx.msk [tilespmem:v5+s10+$0x0], $0xffff  }
0x266: {  	v5 =	vld.idx.msk [tilespmem:v5+s30+$0x0], $0xffff;
	_ =	sdelay $0x3  }
0x267: {  	v6 =	vshll.u32 v6, $0x6  }
0x268: {  	v6 =	vadd.s32 v6, v7;
	[tilespmem:$0xBD08] =	vst v5;
	v5 =	vld [tilespmem:$0xA518]  }
0x269: {  	v7 =	vld [tilespmem:$0xAD28];
	[tilespmem:$0xB508] =	vst v6  }
0x26a: {  	v6 =	vld.idx.msk [tilespmem:v8+s10+$0x0], $0xffff  }
0x26b: {  	v8 =	vld.idx.msk [tilespmem:v8+s30+$0x0], $0xffff;
	_ =	sdelay $0x3  }
0x26c: {  	v5 =	vshll.u32 v5, $0x6  }
0x26d: {  	v53 =	vld [tilespmem:$0xAD38];
	v5 =	vadd.s32 v5, v6;
	[tilespmem:$0xBD18] =	vst v8  }
0x26e: {  	[tilespmem:$0xB518] =	vst v5;
	v5 =	vld [tilespmem:$0xA528]  }
0x26f: {  	v6 =	vld.idx.msk [tilespmem:v7+s10+$0x0], $0xffff  }
0x270: {  	v7 =	vld.idx.msk [tilespmem:v7+s30+$0x0], $0xffff;
	_ =	sdelay $0x3  }
0x271: {  	v5 =	vshll.u32 v5, $0x6  }
0x272: {  	v5 =	vadd.s32 v5, v6;
	[tilespmem:$0xBD28] =	vst v7;
	v7 =	vld [tilespmem:$0xAD48]  }
0x273: {  	[tilespmem:$0xB528] =	vst v5;
	v5 =	vld [tilespmem:$0xA538]  }
0x274: {  	v6 =	vld.idx.msk [tilespmem:v53+s10+$0x0], $0xffff  }
0x275: {  	v8 =	vld.idx.msk [tilespmem:v53+s30+$0x0], $0xffff;
	_ =	sdelay $0x3  }
0x276: {  	v5 =	vshll.u32 v5, $0x6  }
0x277: {  	v54 =	vld [tilespmem:$0xAD58];
	v5 =	vadd.s32 v5, v6;
	[tilespmem:$0xBD38] =	vst v8  }
0x278: {  	[tilespmem:$0xB538] =	vst v5;
	v5 =	vld [tilespmem:$0xA548]  }
0x279: {  	v6 =	vld.idx.msk [tilespmem:v7+s10+$0x0], $0xffff  }
0x27a: {  	v7 =	vld.idx.msk [tilespmem:v7+s30+$0x0], $0xffff;
	_ =	sdelay $0x3  }
0x27b: {  	v5 =	vshll.u32 v5, $0x6  }
0x27c: {  	v5 =	vadd.s32 v5, v6;
	[tilespmem:$0xBD48] =	vst v7;
	v7 =	vld [tilespmem:$0xAD68]  }
0x27d: {  	[tilespmem:$0xB548] =	vst v5;
	v5 =	vld [tilespmem:$0xA558]  }
0x27e: {  	v6 =	vld.idx.msk [tilespmem:v54+s10+$0x0], $0xffff  }
0x27f: {  	v8 =	vld.idx.msk [tilespmem:v54+s30+$0x0], $0xffff;
	_ =	sdelay $0x3  }
0x280: {  	v5 =	vshll.u32 v5, $0x6  }
0x281: {  	v55 =	vld [tilespmem:$0xAD78];
	v5 =	vadd.s32 v5, v6;
	[tilespmem:$0xBD58] =	vst v8  }
0x282: {  	[tilespmem:$0xB558] =	vst v5;
	v5 =	vld [tilespmem:$0xA568]  }
0x283: {  	v6 =	vld.idx.msk [tilespmem:v7+s10+$0x0], $0xffff  }
0x284: {  	v7 =	vld.idx.msk [tilespmem:v7+s30+$0x0], $0xffff;
	_ =	sdelay $0x3  }
0x285: {  	v5 =	vshll.u32 v5, $0x6  }
0x286: {  	v5 =	vadd.s32 v5, v6;
	[tilespmem:$0xBD68] =	vst v7  }
0x287: {  	[tilespmem:$0xB568] =	vst v5;
	v5 =	vld [tilespmem:$0xA578]  }
0x288: {  	v6 =	vld.idx.msk [tilespmem:v55+s10+$0x0], $0xffff  }
0x289: {  	v7 =	vld.idx.msk [tilespmem:v55+s30+$0x0], $0xffff;
	_ =	sdelay $0x3  }
0x28a: {  	v5 =	vshll.u32 v5, $0x6  }
0x28b: {  	p2 =	seq.s32 s26, $0x0;
	v5 =	vadd.s32 v5, v6;
	[tilespmem:$0xBD78] =	vst v7  }
0x28c: {  	s2 =	simm.s32 @!p2 $0x1;
	[tilespmem:$0xB578] =	vst v5  }
0x28d: {  	_ =	swait.ge @!p2 [sflag:s2], $0x80  }
0x28e: {  	[sflag:s2] =	ssyncset.done @!p2 $0x0  }
0x28f: {  	[sflag:s2] =	ssyncadd.s32 @!p2 $0xFFFFFF80  }
0x290: {  	[spmem:s1] =	stream.indirect.scatter.add.f32 [tilespmem:s5], [sflag:$0x1], $0x1, s12, s3, $0xb8;
	[tilespmem:$0x1BA88] =	vst v63  }
0x291: {  	v5 =	vld [tilespmem:$0xAD88];
	_ =	sdelay $0x5  }
0x292: {  	v6 =	vld [tilespmem:$0xA588]  }
0x293: {  	v56 =	vld [tilespmem:$0xAD98]  }
0x294: {  	v7 =	vld.idx.msk [tilespmem:v5+s10+$0x0], $0xffff  }
0x295: {  	v5 =	vld.idx.msk [tilespmem:v5+s30+$0x0], $0xffff;
	_ =	sdelay $0x3  }
0x296: {  	v6 =	vshll.u32 v6, $0x6  }
0x297: {  	v6 =	vadd.s32 v6, v7;
	[tilespmem:$0xBD88] =	vst v5;
	v5 =	vld [tilespmem:$0xA598]  }
0x298: {  	v7 =	vld [tilespmem:$0xADA8];
	[tilespmem:$0xB588] =	vst v6  }
0x299: {  	v6 =	vld.idx.msk [tilespmem:v56+s10+$0x0], $0xffff  }
0x29a: {  	v8 =	vld.idx.msk [tilespmem:v56+s30+$0x0], $0xffff;
	_ =	sdelay $0x3  }
0x29b: {  	v5 =	vshll.u32 v5, $0x6  }
0x29c: {  	v57 =	vld [tilespmem:$0xADB8];
	v5 =	vadd.s32 v5, v6;
	[tilespmem:$0xBD98] =	vst v8  }
0x29d: {  	[tilespmem:$0xB598] =	vst v5;
	v5 =	vld [tilespmem:$0xA5A8]  }
0x29e: {  	v6 =	vld.idx.msk [tilespmem:v7+s10+$0x0], $0xffff  }
0x29f: {  	v7 =	vld.idx.msk [tilespmem:v7+s30+$0x0], $0xffff;
	_ =	sdelay $0x3  }
0x2a0: {  	v5 =	vshll.u32 v5, $0x6  }
0x2a1: {  	v5 =	vadd.s32 v5, v6;
	[tilespmem:$0xBDA8] =	vst v7;
	v7 =	vld [tilespmem:$0xADC8]  }
0x2a2: {  	[tilespmem:$0xB5A8] =	vst v5;
	v5 =	vld [tilespmem:$0xA5B8]  }
0x2a3: {  	v6 =	vld.idx.msk [tilespmem:v57+s10+$0x0], $0xffff  }
0x2a4: {  	v8 =	vld.idx.msk [tilespmem:v57+s30+$0x0], $0xffff;
	_ =	sdelay $0x3  }
0x2a5: {  	v5 =	vshll.u32 v5, $0x6  }
0x2a6: {  	v58 =	vld [tilespmem:$0xADD8];
	v5 =	vadd.s32 v5, v6;
	[tilespmem:$0xBDB8] =	vst v8  }
0x2a7: {  	[tilespmem:$0xB5B8] =	vst v5;
	v5 =	vld [tilespmem:$0xA5C8]  }
0x2a8: {  	v6 =	vld.idx.msk [tilespmem:v7+s10+$0x0], $0xffff  }
0x2a9: {  	v7 =	vld.idx.msk [tilespmem:v7+s30+$0x0], $0xffff;
	_ =	sdelay $0x3  }
0x2aa: {  	v5 =	vshll.u32 v5, $0x6  }
0x2ab: {  	v5 =	vadd.s32 v5, v6;
	[tilespmem:$0xBDC8] =	vst v7;
	v7 =	vld [tilespmem:$0xADE8]  }
0x2ac: {  	[tilespmem:$0xB5C8] =	vst v5;
	v5 =	vld [tilespmem:$0xA5D8]  }
0x2ad: {  	v6 =	vld.idx.msk [tilespmem:v58+s10+$0x0], $0xffff  }
0x2ae: {  	v8 =	vld.idx.msk [tilespmem:v58+s30+$0x0], $0xffff;
	_ =	sdelay $0x3  }
0x2af: {  	v5 =	vshll.u32 v5, $0x6  }
0x2b0: {  	v59 =	vld [tilespmem:$0xADF8];
	v5 =	vadd.s32 v5, v6;
	[tilespmem:$0xBDD8] =	vst v8  }
0x2b1: {  	[tilespmem:$0xB5D8] =	vst v5;
	v5 =	vld [tilespmem:$0xA5E8]  }
0x2b2: {  	v6 =	vld.idx.msk [tilespmem:v7+s10+$0x0], $0xffff  }
0x2b3: {  	v7 =	vld.idx.msk [tilespmem:v7+s30+$0x0], $0xffff;
	_ =	sdelay $0x3  }
0x2b4: {  	v5 =	vshll.u32 v5, $0x6  }
0x2b5: {  	v5 =	vadd.s32 v5, v6;
	[tilespmem:$0xBDE8] =	vst v7  }
0x2b6: {  	[tilespmem:$0xB5E8] =	vst v5;
	v5 =	vld [tilespmem:$0xA5F8]  }
0x2b7: {  	v6 =	vld.idx.msk [tilespmem:v59+s10+$0x0], $0xffff  }
0x2b8: {  	v7 =	vld.idx.msk [tilespmem:v59+s30+$0x0], $0xffff;
	_ =	sdelay $0x3  }
0x2b9: {  	v5 =	vshll.u32 v5, $0x6  }
0x2ba: {  	v5 =	vadd.s32 v5, v6;
	[tilespmem:$0xBDF8] =	vst v7  }
0x2bb: {  	s2 =	simm.s32 @!p2 $0x2;
	[tilespmem:$0xB5F8] =	vst v5  }
0x2bc: {  	_ =	swait.ge @!p2 [sflag:s2], $0x80  }
0x2bd: {  	[sflag:s2] =	ssyncset.done @!p2 $0x0  }
0x2be: {  	[sflag:s2] =	ssyncadd.s32 @!p2 $0xFFFFFF80  }
0x2bf: {  	[spmem:s1] =	stream.indirect.scatter.add.f32 [tilespmem:s14], [sflag:$0x2], $0x1, s13, s3, $0xb8;
	[tilespmem:$0x1BA88] =	vst v63  }
0x2c0: {  	v5 =	vld [tilespmem:$0xAE08];
	_ =	sdelay $0x5  }
0x2c1: {  	v6 =	vld [tilespmem:$0xA608]  }
0x2c2: {  	v60 =	vld [tilespmem:$0xAE18]  }
0x2c3: {  	v7 =	vld.idx.msk [tilespmem:v5+s10+$0x0], $0xffff  }
0x2c4: {  	v5 =	vld.idx.msk [tilespmem:v5+s30+$0x0], $0xffff;
	_ =	sdelay $0x3  }
0x2c5: {  	v6 =	vshll.u32 v6, $0x6  }
0x2c6: {  	v6 =	vadd.s32 v6, v7;
	[tilespmem:$0xBE08] =	vst v5;
	v5 =	vld [tilespmem:$0xA618]  }
0x2c7: {  	v7 =	vld [tilespmem:$0xAE28];
	[tilespmem:$0xB608] =	vst v6  }
0x2c8: {  	v6 =	vld.idx.msk [tilespmem:v60+s10+$0x0], $0xffff  }
0x2c9: {  	v8 =	vld.idx.msk [tilespmem:v60+s30+$0x0], $0xffff;
	_ =	sdelay $0x3  }
0x2ca: {  	v5 =	vshll.u32 v5, $0x6  }
0x2cb: {  	v61 =	vld [tilespmem:$0xAE38];
	v5 =	vadd.s32 v5, v6;
	[tilespmem:$0xBE18] =	vst v8  }
0x2cc: {  	[tilespmem:$0xB618] =	vst v5;
	v5 =	vld [tilespmem:$0xA628]  }
0x2cd: {  	v6 =	vld.idx.msk [tilespmem:v7+s10+$0x0], $0xffff  }
0x2ce: {  	v7 =	vld.idx.msk [tilespmem:v7+s30+$0x0], $0xffff;
	_ =	sdelay $0x3  }
0x2cf: {  	v5 =	vshll.u32 v5, $0x6  }
0x2d0: {  	v5 =	vadd.s32 v5, v6;
	[tilespmem:$0xBE28] =	vst v7;
	v7 =	vld [tilespmem:$0xAE48]  }
0x2d1: {  	[tilespmem:$0xB628] =	vst v5;
	v5 =	vld [tilespmem:$0xA638]  }
0x2d2: {  	v6 =	vld.idx.msk [tilespmem:v61+s10+$0x0], $0xffff  }
0x2d3: {  	v8 =	vld.idx.msk [tilespmem:v61+s30+$0x0], $0xffff;
	_ =	sdelay $0x3  }
0x2d4: {  	v5 =	vshll.u32 v5, $0x6  }
0x2d5: {  	v62 =	vld [tilespmem:$0xAE58];
	v5 =	vadd.s32 v5, v6;
	[tilespmem:$0xBE38] =	vst v8  }
0x2d6: {  	[tilespmem:$0xB638] =	vst v5;
	v5 =	vld [tilespmem:$0xA648]  }
0x2d7: {  	v6 =	vld.idx.msk [tilespmem:v7+s10+$0x0], $0xffff  }
0x2d8: {  	v7 =	vld.idx.msk [tilespmem:v7+s30+$0x0], $0xffff;
	_ =	sdelay $0x3  }
0x2d9: {  	v5 =	vshll.u32 v5, $0x6  }
0x2da: {  	v5 =	vadd.s32 v5, v6;
	[tilespmem:$0xBE48] =	vst v7;
	v7 =	vld [tilespmem:$0xAE68]  }
0x2db: {  	[tilespmem:$0xB648] =	vst v5;
	v5 =	vld [tilespmem:$0xA658]  }
0x2dc: {  	v6 =	vld.idx.msk [tilespmem:v62+s10+$0x0], $0xffff  }
0x2dd: {  	v8 =	vld.idx.msk [tilespmem:v62+s30+$0x0], $0xffff;
	_ =	sdelay $0x3  }
0x2de: {  	v5 =	vshll.u32 v5, $0x6  }
0x2df: {  	v63 =	vld [tilespmem:$0xAE78];
	v5 =	vadd.s32 v5, v6;
	[tilespmem:$0xBE58] =	vst v8  }
0x2e0: {  	[tilespmem:$0xB658] =	vst v5;
	v5 =	vld [tilespmem:$0xA668]  }
0x2e1: {  	v6 =	vld.idx.msk [tilespmem:v7+s10+$0x0], $0xffff  }
0x2e2: {  	v7 =	vld.idx.msk [tilespmem:v7+s30+$0x0], $0xffff;
	_ =	sdelay $0x3  }
0x2e3: {  	v5 =	vshll.u32 v5, $0x6  }
0x2e4: {  	v5 =	vadd.s32 v5, v6;
	[tilespmem:$0xBE68] =	vst v7  }
0x2e5: {  	[tilespmem:$0xB668] =	vst v5;
	v5 =	vld [tilespmem:$0xA678]  }
0x2e6: {  	v6 =	vld.idx.msk [tilespmem:v63+s10+$0x0], $0xffff  }
0x2e7: {  	v7 =	vld.idx.msk [tilespmem:v63+s30+$0x0], $0xffff;
	_ =	sdelay $0x3  }
0x2e8: {  	v5 =	vshll.u32 v5, $0x6  }
0x2e9: {  	v5 =	vadd.s32 v5, v6;
	[tilespmem:$0xBE78] =	vst v7  }
0x2ea: {  	[tilespmem:$0xB678] =	vst v5  }
0x2eb: {  	_ =	swait.ge [sflag:s4], $0x80  }
0x2ec: {  	[sflag:s4] =	ssyncset.done $0x0  }
0x2ed: {  	[sflag:s4] =	ssyncadd.s32 $0xFFFFFF80  }
0x2ee: {  	[spmem:s1] =	stream.indirect.scatter.add.f32 [tilespmem:s16], [sflag:$0x1], $0x1, s15, s3, $0xb8;
	[tilespmem:$0x1BA88] =	vst v63  }
0x2ef: {  	v5 =	vld [tilespmem:$0xAE88];
	_ =	sdelay $0x5  }
0x2f0: {  	v6 =	vld [tilespmem:$0xA688]  }
0x2f1: {  	v12 =	vld [tilespmem:$0xAE98]  }
0x2f2: {  	v7 =	vld.idx.msk [tilespmem:v5+s10+$0x0], $0xffff  }
0x2f3: {  	v5 =	vld.idx.msk [tilespmem:v5+s30+$0x0], $0xffff;
	_ =	sdelay $0x3  }
0x2f4: {  	v6 =	vshll.u32 v6, $0x6  }
0x2f5: {  	v6 =	vadd.s32 v6, v7;
	[tilespmem:$0xBE88] =	vst v5;
	v5 =	vld [tilespmem:$0xA698]  }
0x2f6: {  	v7 =	vld [tilespmem:$0xAEA8];
	[tilespmem:$0xB688] =	vst v6  }
0x2f7: {  	v6 =	vld.idx.msk [tilespmem:v12+s10+$0x0], $0xffff  }
0x2f8: {  	v8 =	vld.idx.msk [tilespmem:v12+s30+$0x0], $0xffff;
	_ =	sdelay $0x3  }
0x2f9: {  	v5 =	vshll.u32 v5, $0x6  }
0x2fa: {  	v13 =	vld [tilespmem:$0xAEB8];
	v5 =	vadd.s32 v5, v6;
	[tilespmem:$0xBE98] =	vst v8  }
0x2fb: {  	[tilespmem:$0xB698] =	vst v5;
	v5 =	vld [tilespmem:$0xA6A8]  }
0x2fc: {  	v6 =	vld.idx.msk [tilespmem:v7+s10+$0x0], $0xffff  }
0x2fd: {  	v7 =	vld.idx.msk [tilespmem:v7+s30+$0x0], $0xffff;
	_ =	sdelay $0x3  }
0x2fe: {  	v5 =	vshll.u32 v5, $0x6  }
0x2ff: {  	v5 =	vadd.s32 v5, v6;
	[tilespmem:$0xBEA8] =	vst v7;
	v7 =	vld [tilespmem:$0xAEC8]  }
0x300: {  	[tilespmem:$0xB6A8] =	vst v5;
	v5 =	vld [tilespmem:$0xA6B8]  }
0x301: {  	v6 =	vld.idx.msk [tilespmem:v13+s10+$0x0], $0xffff  }
0x302: {  	v8 =	vld.idx.msk [tilespmem:v13+s30+$0x0], $0xffff;
	_ =	sdelay $0x3  }
0x303: {  	v5 =	vshll.u32 v5, $0x6  }
0x304: {  	v14 =	vld [tilespmem:$0xAED8];
	v5 =	vadd.s32 v5, v6;
	[tilespmem:$0xBEB8] =	vst v8  }
0x305: {  	[tilespmem:$0xB6B8] =	vst v5;
	v5 =	vld [tilespmem:$0xA6C8]  }
0x306: {  	v6 =	vld.idx.msk [tilespmem:v7+s10+$0x0], $0xffff  }
0x307: {  	v7 =	vld.idx.msk [tilespmem:v7+s30+$0x0], $0xffff;
	_ =	sdelay $0x3  }
0x308: {  	v5 =	vshll.u32 v5, $0x6  }
0x309: {  	v5 =	vadd.s32 v5, v6;
	[tilespmem:$0xBEC8] =	vst v7;
	v7 =	vld [tilespmem:$0xAEE8]  }
0x30a: {  	[tilespmem:$0xB6C8] =	vst v5;
	v5 =	vld [tilespmem:$0xA6D8]  }
0x30b: {  	v6 =	vld.idx.msk [tilespmem:v14+s10+$0x0], $0xffff  }
0x30c: {  	v8 =	vld.idx.msk [tilespmem:v14+s30+$0x0], $0xffff;
	_ =	sdelay $0x3  }
0x30d: {  	v5 =	vshll.u32 v5, $0x6  }
0x30e: {  	v15 =	vld [tilespmem:$0xAEF8];
	v5 =	vadd.s32 v5, v6;
	[tilespmem:$0xBED8] =	vst v8  }
0x30f: {  	[tilespmem:$0xB6D8] =	vst v5;
	v5 =	vld [tilespmem:$0xA6E8]  }
0x310: {  	v6 =	vld.idx.msk [tilespmem:v7+s10+$0x0], $0xffff  }
0x311: {  	v7 =	vld.idx.msk [tilespmem:v7+s30+$0x0], $0xffff;
	_ =	sdelay $0x3  }
0x312: {  	v5 =	vshll.u32 v5, $0x6  }
0x313: {  	v5 =	vadd.s32 v5, v6;
	[tilespmem:$0xBEE8] =	vst v7  }
0x314: {  	[tilespmem:$0xB6E8] =	vst v5;
	v5 =	vld [tilespmem:$0xA6F8]  }
0x315: {  	v6 =	vld.idx.msk [tilespmem:v15+s10+$0x0], $0xffff  }
0x316: {  	v7 =	vld.idx.msk [tilespmem:v15+s30+$0x0], $0xffff;
	_ =	sdelay $0x3  }
0x317: {  	v5 =	vshll.u32 v5, $0x6  }
0x318: {  	v5 =	vadd.s32 v5, v6;
	[tilespmem:$0xBEF8] =	vst v7  }
0x319: {  	[tilespmem:$0xB6F8] =	vst v5  }
0x31a: {  	_ =	swait.ge [sflag:s7], $0x80  }
0x31b: {  	s2 =	rddreg [dreg:$0xa];
	[sflag:s7] =	ssyncset.done $0x0  }
0x31c: {  	s8 =	rddreg [dreg:$0xb];
	[sflag:s7] =	ssyncadd.s32 $0xFFFFFF80  }
0x31d: {  	[spmem:s1] =	stream.indirect.scatter.add.f32 [tilespmem:s8], [sflag:$0x2], $0x1, s2, s3, $0xb8;
	[tilespmem:$0x1BA88] =	vst v63  }
0x31e: {  	v5 =	vld [tilespmem:$0xAF08];
	_ =	sdelay $0x5  }
0x31f: {  	v6 =	vld [tilespmem:$0xA708]  }
0x320: {  	v16 =	vld [tilespmem:$0xAF18]  }
0x321: {  	v7 =	vld.idx.msk [tilespmem:v5+s10+$0x0], $0xffff  }
0x322: {  	v5 =	vld.idx.msk [tilespmem:v5+s30+$0x0], $0xffff;
	_ =	sdelay $0x3  }
0x323: {  	v6 =	vshll.u32 v6, $0x6  }
0x324: {  	v6 =	vadd.s32 v6, v7;
	[tilespmem:$0xBF08] =	vst v5;
	v5 =	vld [tilespmem:$0xA718]  }
0x325: {  	v7 =	vld [tilespmem:$0xAF28];
	[tilespmem:$0xB708] =	vst v6  }
0x326: {  	v6 =	vld.idx.msk [tilespmem:v16+s10+$0x0], $0xffff  }
0x327: {  	v8 =	vld.idx.msk [tilespmem:v16+s30+$0x0], $0xffff;
	_ =	sdelay $0x3  }
0x328: {  	v5 =	vshll.u32 v5, $0x6  }
0x329: {  	v17 =	vld [tilespmem:$0xAF38];
	v5 =	vadd.s32 v5, v6;
	[tilespmem:$0xBF18] =	vst v8  }
0x32a: {  	[tilespmem:$0xB718] =	vst v5;
	v5 =	vld [tilespmem:$0xA728]  }
0x32b: {  	v6 =	vld.idx.msk [tilespmem:v7+s10+$0x0], $0xffff  }
0x32c: {  	v7 =	vld.idx.msk [tilespmem:v7+s30+$0x0], $0xffff;
	_ =	sdelay $0x3  }
0x32d: {  	v5 =	vshll.u32 v5, $0x6  }
0x32e: {  	v5 =	vadd.s32 v5, v6;
	[tilespmem:$0xBF28] =	vst v7;
	v7 =	vld [tilespmem:$0xAF48]  }
0x32f: {  	[tilespmem:$0xB728] =	vst v5;
	v5 =	vld [tilespmem:$0xA738]  }
0x330: {  	v6 =	vld.idx.msk [tilespmem:v17+s10+$0x0], $0xffff  }
0x331: {  	v8 =	vld.idx.msk [tilespmem:v17+s30+$0x0], $0xffff;
	_ =	sdelay $0x3  }
0x332: {  	v5 =	vshll.u32 v5, $0x6  }
0x333: {  	v18 =	vld [tilespmem:$0xAF58];
	v5 =	vadd.s32 v5, v6;
	[tilespmem:$0xBF38] =	vst v8  }
0x334: {  	[tilespmem:$0xB738] =	vst v5;
	v5 =	vld [tilespmem:$0xA748]  }
0x335: {  	v6 =	vld.idx.msk [tilespmem:v7+s10+$0x0], $0xffff  }
0x336: {  	v7 =	vld.idx.msk [tilespmem:v7+s30+$0x0], $0xffff;
	_ =	sdelay $0x3  }
0x337: {  	v5 =	vshll.u32 v5, $0x6  }
0x338: {  	v5 =	vadd.s32 v5, v6;
	[tilespmem:$0xBF48] =	vst v7;
	v7 =	vld [tilespmem:$0xAF68]  }
0x339: {  	[tilespmem:$0xB748] =	vst v5;
	v5 =	vld [tilespmem:$0xA758]  }
0x33a: {  	v6 =	vld.idx.msk [tilespmem:v18+s10+$0x0], $0xffff  }
0x33b: {  	v8 =	vld.idx.msk [tilespmem:v18+s30+$0x0], $0xffff;
	_ =	sdelay $0x3  }
0x33c: {  	v5 =	vshll.u32 v5, $0x6  }
0x33d: {  	v19 =	vld [tilespmem:$0xAF78];
	v5 =	vadd.s32 v5, v6;
	[tilespmem:$0xBF58] =	vst v8  }
0x33e: {  	[tilespmem:$0xB758] =	vst v5;
	v5 =	vld [tilespmem:$0xA768]  }
0x33f: {  	v6 =	vld.idx.msk [tilespmem:v7+s10+$0x0], $0xffff  }
0x340: {  	v7 =	vld.idx.msk [tilespmem:v7+s30+$0x0], $0xffff;
	_ =	sdelay $0x3  }
0x341: {  	v5 =	vshll.u32 v5, $0x6  }
0x342: {  	v5 =	vadd.s32 v5, v6;
	[tilespmem:$0xBF68] =	vst v7  }
0x343: {  	[tilespmem:$0xB768] =	vst v5;
	v5 =	vld [tilespmem:$0xA778]  }
0x344: {  	v6 =	vld.idx.msk [tilespmem:v19+s10+$0x0], $0xffff  }
0x345: {  	v7 =	vld.idx.msk [tilespmem:v19+s30+$0x0], $0xffff;
	_ =	sdelay $0x3  }
0x346: {  	v5 =	vshll.u32 v5, $0x6  }
0x347: {  	v5 =	vadd.s32 v5, v6;
	[tilespmem:$0xBF78] =	vst v7  }
0x348: {  	[tilespmem:$0xB778] =	vst v5  }
0x349: {  	_ =	swait.ge [sflag:s4], $0x80  }
0x34a: {  	s2 =	rddreg [dreg:$0xc];
	[sflag:s4] =	ssyncset.done $0x0  }
0x34b: {  	s8 =	rddreg [dreg:$0xd];
	[sflag:s4] =	ssyncadd.s32 $0xFFFFFF80  }
0x34c: {  	[spmem:s1] =	stream.indirect.scatter.add.f32 [tilespmem:s8], [sflag:$0x1], $0x1, s2, s3, $0xb8;
	[tilespmem:$0x1BA88] =	vst v63  }
0x34d: {  	v5 =	vld [tilespmem:$0xAF88];
	_ =	sdelay $0x5  }
0x34e: {  	v6 =	vld [tilespmem:$0xA788]  }
0x34f: {  	v20 =	vld [tilespmem:$0xAF98]  }
0x350: {  	v7 =	vld.idx.msk [tilespmem:v5+s10+$0x0], $0xffff  }
0x351: {  	v5 =	vld.idx.msk [tilespmem:v5+s30+$0x0], $0xffff;
	_ =	sdelay $0x3  }
0x352: {  	v6 =	vshll.u32 v6, $0x6  }
0x353: {  	v6 =	vadd.s32 v6, v7;
	[tilespmem:$0xBF88] =	vst v5;
	v5 =	vld [tilespmem:$0xA798]  }
0x354: {  	v7 =	vld [tilespmem:$0xAFA8];
	[tilespmem:$0xB788] =	vst v6  }
0x355: {  	v6 =	vld.idx.msk [tilespmem:v20+s10+$0x0], $0xffff  }
0x356: {  	v8 =	vld.idx.msk [tilespmem:v20+s30+$0x0], $0xffff;
	_ =	sdelay $0x3  }
0x357: {  	v5 =	vshll.u32 v5, $0x6  }
0x358: {  	v21 =	vld [tilespmem:$0xAFB8];
	v5 =	vadd.s32 v5, v6;
	[tilespmem:$0xBF98] =	vst v8  }
0x359: {  	[tilespmem:$0xB798] =	vst v5;
	v5 =	vld [tilespmem:$0xA7A8]  }
0x35a: {  	v6 =	vld.idx.msk [tilespmem:v7+s10+$0x0], $0xffff  }
0x35b: {  	v7 =	vld.idx.msk [tilespmem:v7+s30+$0x0], $0xffff;
	_ =	sdelay $0x3  }
0x35c: {  	v5 =	vshll.u32 v5, $0x6  }
0x35d: {  	v5 =	vadd.s32 v5, v6;
	[tilespmem:$0xBFA8] =	vst v7;
	v7 =	vld [tilespmem:$0xAFC8]  }
0x35e: {  	[tilespmem:$0xB7A8] =	vst v5;
	v5 =	vld [tilespmem:$0xA7B8]  }
0x35f: {  	v6 =	vld.idx.msk [tilespmem:v21+s10+$0x0], $0xffff  }
0x360: {  	v8 =	vld.idx.msk [tilespmem:v21+s30+$0x0], $0xffff;
	_ =	sdelay $0x3  }
0x361: {  	v5 =	vshll.u32 v5, $0x6  }
0x362: {  	v22 =	vld [tilespmem:$0xAFD8];
	v5 =	vadd.s32 v5, v6;
	[tilespmem:$0xBFB8] =	vst v8  }
0x363: {  	[tilespmem:$0xB7B8] =	vst v5;
	v5 =	vld [tilespmem:$0xA7C8]  }
0x364: {  	v6 =	vld.idx.msk [tilespmem:v7+s10+$0x0], $0xffff  }
0x365: {  	v7 =	vld.idx.msk [tilespmem:v7+s30+$0x0], $0xffff;
	_ =	sdelay $0x3  }
0x366: {  	v5 =	vshll.u32 v5, $0x6  }
0x367: {  	v5 =	vadd.s32 v5, v6;
	[tilespmem:$0xBFC8] =	vst v7;
	v7 =	vld [tilespmem:$0xAFE8]  }
0x368: {  	[tilespmem:$0xB7C8] =	vst v5;
	v5 =	vld [tilespmem:$0xA7D8]  }
0x369: {  	v6 =	vld.idx.msk [tilespmem:v22+s10+$0x0], $0xffff  }
0x36a: {  	v8 =	vld.idx.msk [tilespmem:v22+s30+$0x0], $0xffff;
	_ =	sdelay $0x3  }
0x36b: {  	v5 =	vshll.u32 v5, $0x6  }
0x36c: {  	v23 =	vld [tilespmem:$0xAFF8];
	v5 =	vadd.s32 v5, v6;
	[tilespmem:$0xBFD8] =	vst v8  }
0x36d: {  	[tilespmem:$0xB7D8] =	vst v5;
	v5 =	vld [tilespmem:$0xA7E8]  }
0x36e: {  	v6 =	vld.idx.msk [tilespmem:v7+s10+$0x0], $0xffff  }
0x36f: {  	v7 =	vld.idx.msk [tilespmem:v7+s30+$0x0], $0xffff;
	_ =	sdelay $0x3  }
0x370: {  	v5 =	vshll.u32 v5, $0x6  }
0x371: {  	v5 =	vadd.s32 v5, v6;
	[tilespmem:$0xBFE8] =	vst v7  }
0x372: {  	[tilespmem:$0xB7E8] =	vst v5;
	v5 =	vld [tilespmem:$0xA7F8]  }
0x373: {  	v6 =	vld.idx.msk [tilespmem:v23+s10+$0x0], $0xffff  }
0x374: {  	v7 =	vld.idx.msk [tilespmem:v23+s30+$0x0], $0xffff;
	_ =	sdelay $0x3  }
0x375: {  	v5 =	vshll.u32 v5, $0x6  }
0x376: {  	v5 =	vadd.s32 v5, v6;
	[tilespmem:$0xBFF8] =	vst v7  }
0x377: {  	[tilespmem:$0xB7F8] =	vst v5  }
0x378: {  	_ =	swait.ge [sflag:s7], $0x80  }
0x379: {  	s2 =	rddreg [dreg:$0xe];
	[sflag:s7] =	ssyncset.done $0x0  }
0x37a: {  	s8 =	rddreg [dreg:$0xf];
	[sflag:s7] =	ssyncadd.s32 $0xFFFFFF80  }
0x37b: {  	[spmem:s1] =	stream.indirect.scatter.add.f32 [tilespmem:s8], [sflag:$0x2], $0x1, s2, s3, $0xb8;
	[tilespmem:$0x1BA88] =	vst v63  }
0x37c: {  	v5 =	vld [tilespmem:$0xB008];
	_ =	sdelay $0x5  }
0x37d: {  	v6 =	vld [tilespmem:$0xA808]  }
0x37e: {  	v24 =	vld [tilespmem:$0xB018]  }
0x37f: {  	v7 =	vld.idx.msk [tilespmem:v5+s10+$0x0], $0xffff  }
0x380: {  	v5 =	vld.idx.msk [tilespmem:v5+s30+$0x0], $0xffff;
	_ =	sdelay $0x3  }
0x381: {  	v6 =	vshll.u32 v6, $0x6  }
0x382: {  	v6 =	vadd.s32 v6, v7;
	[tilespmem:$0xC008] =	vst v5;
	v5 =	vld [tilespmem:$0xA818]  }
0x383: {  	v7 =	vld [tilespmem:$0xB028];
	[tilespmem:$0xB808] =	vst v6  }
0x384: {  	v6 =	vld.idx.msk [tilespmem:v24+s10+$0x0], $0xffff  }
0x385: {  	v8 =	vld.idx.msk [tilespmem:v24+s30+$0x0], $0xffff;
	_ =	sdelay $0x3  }
0x386: {  	v5 =	vshll.u32 v5, $0x6  }
0x387: {  	v25 =	vld [tilespmem:$0xB038];
	v5 =	vadd.s32 v5, v6;
	[tilespmem:$0xC018] =	vst v8  }
0x388: {  	[tilespmem:$0xB818] =	vst v5;
	v5 =	vld [tilespmem:$0xA828]  }
0x389: {  	v6 =	vld.idx.msk [tilespmem:v7+s10+$0x0], $0xffff  }
0x38a: {  	v7 =	vld.idx.msk [tilespmem:v7+s30+$0x0], $0xffff;
	_ =	sdelay $0x3  }
0x38b: {  	v5 =	vshll.u32 v5, $0x6  }
0x38c: {  	v5 =	vadd.s32 v5, v6;
	[tilespmem:$0xC028] =	vst v7  }
0x38d: {  	[tilespmem:$0xB828] =	vst v5;
	v5 =	vld [tilespmem:$0xA838]  }
0x38e: {  	v6 =	vld.idx.msk [tilespmem:v25+s30+$0x0], $0xffff  }
0x38f: {  	v26 =	vld [tilespmem:$0xB048]  }
0x390: {  	v7 =	vld.idx.msk [tilespmem:v25+s10+$0x0], $0xffff;
	_ =	sdelay $0x3  }
0x391: {  	v5 =	vshll.u32 v5, $0x6  }
0x392: {  	v5 =	vadd.s32 v5, v7;
	[tilespmem:$0xC038] =	vst v6;
	v7 =	vld [tilespmem:$0xB058]  }
0x393: {  	[tilespmem:$0xB838] =	vst v5;
	v5 =	vld [tilespmem:$0xA848]  }
0x394: {  	v6 =	vld.idx.msk [tilespmem:v26+s10+$0x0], $0xffff  }
0x395: {  	v8 =	vld.idx.msk [tilespmem:v26+s30+$0x0], $0xffff;
	_ =	sdelay $0x3  }
0x396: {  	v5 =	vshll.u32 v5, $0x6  }
0x397: {  	v27 =	vld [tilespmem:$0xB068];
	v5 =	vadd.s32 v5, v6;
	[tilespmem:$0xC048] =	vst v8  }
0x398: {  	[tilespmem:$0xB848] =	vst v5;
	v5 =	vld [tilespmem:$0xA858]  }
0x399: {  	v6 =	vld.idx.msk [tilespmem:v7+s10+$0x0], $0xffff  }
0x39a: {  	v7 =	vld.idx.msk [tilespmem:v7+s30+$0x0], $0xffff;
	_ =	sdelay $0x3  }
0x39b: {  	v5 =	vshll.u32 v5, $0x6  }
0x39c: {  	v5 =	vadd.s32 v5, v6;
	[tilespmem:$0xC058] =	vst v7;
	v7 =	vld [tilespmem:$0xB078]  }
0x39d: {  	[tilespmem:$0xB858] =	vst v5;
	v5 =	vld [tilespmem:$0xA868]  }
0x39e: {  	v6 =	vld.idx.msk [tilespmem:v27+s10+$0x0], $0xffff  }
0x39f: {  	v8 =	vld.idx.msk [tilespmem:v27+s30+$0x0], $0xffff;
	_ =	sdelay $0x3  }
0x3a0: {  	v5 =	vshll.u32 v5, $0x6  }
0x3a1: {  	v5 =	vadd.s32 v5, v6;
	[tilespmem:$0xC068] =	vst v8  }
0x3a2: {  	[tilespmem:$0xB868] =	vst v5;
	v5 =	vld [tilespmem:$0xA878]  }
0x3a3: {  	v6 =	vld.idx.msk [tilespmem:v7+s10+$0x0], $0xffff  }
0x3a4: {  	v7 =	vld.idx.msk [tilespmem:v7+s30+$0x0], $0xffff;
	_ =	sdelay $0x3  }
0x3a5: {  	v5 =	vshll.u32 v5, $0x6  }
0x3a6: {  	v5 =	vadd.s32 v5, v6;
	[tilespmem:$0xC078] =	vst v7  }
0x3a7: {  	[tilespmem:$0xB878] =	vst v5  }
0x3a8: {  	_ =	swait.ge [sflag:s4], $0x80  }
0x3a9: {  	s2 =	rddreg [dreg:$0x10];
	[sflag:s4] =	ssyncset.done $0x0  }
0x3aa: {  	s8 =	rddreg [dreg:$0x11];
	[sflag:s4] =	ssyncadd.s32 $0xFFFFFF80  }
0x3ab: {  	[spmem:s1] =	stream.indirect.scatter.add.f32 [tilespmem:s8], [sflag:$0x1], $0x1, s2, s3, $0xb8;
	[tilespmem:$0x1BA88] =	vst v63  }
0x3ac: {  	v5 =	vld [tilespmem:$0xB088];
	_ =	sdelay $0x5  }
0x3ad: {  	v6 =	vld [tilespmem:$0xA888]  }
0x3ae: {  	v28 =	vld [tilespmem:$0xB098]  }
0x3af: {  	v7 =	vld.idx.msk [tilespmem:v5+s10+$0x0], $0xffff  }
0x3b0: {  	v5 =	vld.idx.msk [tilespmem:v5+s30+$0x0], $0xffff;
	_ =	sdelay $0x3  }
0x3b1: {  	v6 =	vshll.u32 v6, $0x6  }
0x3b2: {  	v6 =	vadd.s32 v6, v7;
	[tilespmem:$0xC088] =	vst v5;
	v5 =	vld [tilespmem:$0xA898]  }
0x3b3: {  	v7 =	vld [tilespmem:$0xB0A8];
	[tilespmem:$0xB888] =	vst v6  }
0x3b4: {  	v6 =	vld.idx.msk [tilespmem:v28+s10+$0x0], $0xffff  }
0x3b5: {  	v8 =	vld.idx.msk [tilespmem:v28+s30+$0x0], $0xffff;
	_ =	sdelay $0x3  }
0x3b6: {  	v5 =	vshll.u32 v5, $0x6  }
0x3b7: {  	v29 =	vld [tilespmem:$0xB0B8];
	v5 =	vadd.s32 v5, v6;
	[tilespmem:$0xC098] =	vst v8  }
0x3b8: {  	[tilespmem:$0xB898] =	vst v5;
	v5 =	vld [tilespmem:$0xA8A8]  }
0x3b9: {  	v6 =	vld.idx.msk [tilespmem:v7+s10+$0x0], $0xffff  }
0x3ba: {  	v7 =	vld.idx.msk [tilespmem:v7+s30+$0x0], $0xffff;
	_ =	sdelay $0x3  }
0x3bb: {  	v5 =	vshll.u32 v5, $0x6  }
0x3bc: {  	v5 =	vadd.s32 v5, v6;
	[tilespmem:$0xC0A8] =	vst v7;
	v7 =	vld [tilespmem:$0xB0C8]  }
0x3bd: {  	[tilespmem:$0xB8A8] =	vst v5;
	v5 =	vld [tilespmem:$0xA8B8]  }
0x3be: {  	v6 =	vld.idx.msk [tilespmem:v29+s10+$0x0], $0xffff  }
0x3bf: {  	v8 =	vld.idx.msk [tilespmem:v29+s30+$0x0], $0xffff;
	_ =	sdelay $0x3  }
0x3c0: {  	v5 =	vshll.u32 v5, $0x6  }
0x3c1: {  	v30 =	vld [tilespmem:$0xB0D8];
	v5 =	vadd.s32 v5, v6;
	[tilespmem:$0xC0B8] =	vst v8  }
0x3c2: {  	[tilespmem:$0xB8B8] =	vst v5;
	v5 =	vld [tilespmem:$0xA8C8]  }
0x3c3: {  	v6 =	vld.idx.msk [tilespmem:v7+s10+$0x0], $0xffff  }
0x3c4: {  	v7 =	vld.idx.msk [tilespmem:v7+s30+$0x0], $0xffff;
	_ =	sdelay $0x3  }
0x3c5: {  	v5 =	vshll.u32 v5, $0x6  }
0x3c6: {  	v5 =	vadd.s32 v5, v6;
	[tilespmem:$0xC0C8] =	vst v7;
	v7 =	vld [tilespmem:$0xB0E8]  }
0x3c7: {  	[tilespmem:$0xB8C8] =	vst v5;
	v5 =	vld [tilespmem:$0xA8D8]  }
0x3c8: {  	v6 =	vld.idx.msk [tilespmem:v30+s10+$0x0], $0xffff  }
0x3c9: {  	v8 =	vld.idx.msk [tilespmem:v30+s30+$0x0], $0xffff;
	_ =	sdelay $0x3  }
0x3ca: {  	v5 =	vshll.u32 v5, $0x6  }
0x3cb: {  	v31 =	vld [tilespmem:$0xB0F8];
	v5 =	vadd.s32 v5, v6;
	[tilespmem:$0xC0D8] =	vst v8  }
0x3cc: {  	[tilespmem:$0xB8D8] =	vst v5;
	v5 =	vld [tilespmem:$0xA8E8]  }
0x3cd: {  	v6 =	vld.idx.msk [tilespmem:v7+s10+$0x0], $0xffff  }
0x3ce: {  	v7 =	vld.idx.msk [tilespmem:v7+s30+$0x0], $0xffff;
	_ =	sdelay $0x3  }
0x3cf: {  	v5 =	vshll.u32 v5, $0x6  }
0x3d0: {  	v5 =	vadd.s32 v5, v6;
	[tilespmem:$0xC0E8] =	vst v7  }
0x3d1: {  	[tilespmem:$0xB8E8] =	vst v5;
	v5 =	vld [tilespmem:$0xA8F8]  }
0x3d2: {  	v6 =	vld.idx.msk [tilespmem:v31+s10+$0x0], $0xffff  }
0x3d3: {  	v7 =	vld.idx.msk [tilespmem:v31+s30+$0x0], $0xffff;
	_ =	sdelay $0x3  }
0x3d4: {  	v5 =	vshll.u32 v5, $0x6  }
0x3d5: {  	v5 =	vadd.s32 v5, v6;
	[tilespmem:$0xC0F8] =	vst v7  }
0x3d6: {  	[tilespmem:$0xB8F8] =	vst v5  }
0x3d7: {  	_ =	swait.ge [sflag:s7], $0x80  }
0x3d8: {  	s2 =	rddreg [dreg:$0x12];
	[sflag:s7] =	ssyncset.done $0x0  }
0x3d9: {  	s8 =	rddreg [dreg:$0x13];
	[sflag:s7] =	ssyncadd.s32 $0xFFFFFF80  }
0x3da: {  	[spmem:s1] =	stream.indirect.scatter.add.f32 [tilespmem:s8], [sflag:$0x2], $0x1, s2, s3, $0xb8;
	[tilespmem:$0x1BA88] =	vst v63  }
0x3db: {  	v5 =	vld [tilespmem:$0xB108];
	_ =	sdelay $0x5  }
0x3dc: {  	v6 =	vld [tilespmem:$0xA908]  }
0x3dd: {  	v32 =	vld [tilespmem:$0xB118]  }
0x3de: {  	v7 =	vld.idx.msk [tilespmem:v5+s10+$0x0], $0xffff  }
0x3df: {  	v5 =	vld.idx.msk [tilespmem:v5+s30+$0x0], $0xffff;
	_ =	sdelay $0x3  }
0x3e0: {  	v6 =	vshll.u32 v6, $0x6  }
0x3e1: {  	v6 =	vadd.s32 v6, v7;
	[tilespmem:$0xC108] =	vst v5;
	v5 =	vld [tilespmem:$0xA918]  }
0x3e2: {  	v7 =	vld [tilespmem:$0xB128];
	[tilespmem:$0xB908] =	vst v6  }
0x3e3: {  	v6 =	vld.idx.msk [tilespmem:v32+s10+$0x0], $0xffff  }
0x3e4: {  	v8 =	vld.idx.msk [tilespmem:v32+s30+$0x0], $0xffff;
	_ =	sdelay $0x3  }
0x3e5: {  	v5 =	vshll.u32 v5, $0x6  }
0x3e6: {  	v33 =	vld [tilespmem:$0xB138];
	v5 =	vadd.s32 v5, v6;
	[tilespmem:$0xC118] =	vst v8  }
0x3e7: {  	[tilespmem:$0xB918] =	vst v5;
	v5 =	vld [tilespmem:$0xA928]  }
0x3e8: {  	v6 =	vld.idx.msk [tilespmem:v7+s10+$0x0], $0xffff  }
0x3e9: {  	v7 =	vld.idx.msk [tilespmem:v7+s30+$0x0], $0xffff;
	_ =	sdelay $0x3  }
0x3ea: {  	v5 =	vshll.u32 v5, $0x6  }
0x3eb: {  	v5 =	vadd.s32 v5, v6;
	[tilespmem:$0xC128] =	vst v7;
	v7 =	vld [tilespmem:$0xB148]  }
0x3ec: {  	[tilespmem:$0xB928] =	vst v5;
	v5 =	vld [tilespmem:$0xA938]  }
0x3ed: {  	v6 =	vld.idx.msk [tilespmem:v33+s10+$0x0], $0xffff  }
0x3ee: {  	v8 =	vld.idx.msk [tilespmem:v33+s30+$0x0], $0xffff;
	_ =	sdelay $0x3  }
0x3ef: {  	v5 =	vshll.u32 v5, $0x6  }
0x3f0: {  	v34 =	vld [tilespmem:$0xB158];
	v5 =	vadd.s32 v5, v6;
	[tilespmem:$0xC138] =	vst v8  }
0x3f1: {  	[tilespmem:$0xB938] =	vst v5;
	v5 =	vld [tilespmem:$0xA948]  }
0x3f2: {  	v6 =	vld.idx.msk [tilespmem:v7+s10+$0x0], $0xffff  }
0x3f3: {  	v7 =	vld.idx.msk [tilespmem:v7+s30+$0x0], $0xffff;
	_ =	sdelay $0x3  }
0x3f4: {  	v5 =	vshll.u32 v5, $0x6  }
0x3f5: {  	v5 =	vadd.s32 v5, v6;
	[tilespmem:$0xC148] =	vst v7;
	v7 =	vld [tilespmem:$0xB168]  }
0x3f6: {  	[tilespmem:$0xB948] =	vst v5;
	v5 =	vld [tilespmem:$0xA958]  }
0x3f7: {  	v6 =	vld.idx.msk [tilespmem:v34+s10+$0x0], $0xffff  }
0x3f8: {  	v8 =	vld.idx.msk [tilespmem:v34+s30+$0x0], $0xffff;
	_ =	sdelay $0x3  }
0x3f9: {  	v5 =	vshll.u32 v5, $0x6  }
0x3fa: {  	v35 =	vld [tilespmem:$0xB178];
	v5 =	vadd.s32 v5, v6;
	[tilespmem:$0xC158] =	vst v8  }
0x3fb: {  	[tilespmem:$0xB958] =	vst v5;
	v5 =	vld [tilespmem:$0xA968]  }
0x3fc: {  	v6 =	vld.idx.msk [tilespmem:v7+s10+$0x0], $0xffff  }
0x3fd: {  	v7 =	vld.idx.msk [tilespmem:v7+s30+$0x0], $0xffff;
	_ =	sdelay $0x3  }
0x3fe: {  	v5 =	vshll.u32 v5, $0x6  }
0x3ff: {  	v5 =	vadd.s32 v5, v6;
	[tilespmem:$0xC168] =	vst v7  }
0x400: {  	[tilespmem:$0xB968] =	vst v5;
	v5 =	vld [tilespmem:$0xA978]  }
0x401: {  	v6 =	vld.idx.msk [tilespmem:v35+s10+$0x0], $0xffff  }
0x402: {  	v7 =	vld.idx.msk [tilespmem:v35+s30+$0x0], $0xffff;
	_ =	sdelay $0x3  }
0x403: {  	v5 =	vshll.u32 v5, $0x6  }
0x404: {  	v5 =	vadd.s32 v5, v6;
	[tilespmem:$0xC178] =	vst v7  }
0x405: {  	[tilespmem:$0xB978] =	vst v5  }
0x406: {  	_ =	swait.ge [sflag:s4], $0x80  }
0x407: {  	s2 =	rddreg [dreg:$0x14];
	[sflag:s4] =	ssyncset.done $0x0  }
0x408: {  	s8 =	rddreg [dreg:$0x15];
	[sflag:s4] =	ssyncadd.s32 $0xFFFFFF80  }
0x409: {  	[spmem:s1] =	stream.indirect.scatter.add.f32 [tilespmem:s8], [sflag:$0x1], $0x1, s2, s3, $0xb8;
	[tilespmem:$0x1BA88] =	vst v63  }
0x40a: {  	v5 =	vld [tilespmem:$0xB188];
	_ =	sdelay $0x5  }
0x40b: {  	v6 =	vld [tilespmem:$0xA988]  }
0x40c: {  	v36 =	vld [tilespmem:$0xB198]  }
0x40d: {  	v7 =	vld.idx.msk [tilespmem:v5+s10+$0x0], $0xffff  }
0x40e: {  	v5 =	vld.idx.msk [tilespmem:v5+s30+$0x0], $0xffff;
	_ =	sdelay $0x3  }
0x40f: {  	v6 =	vshll.u32 v6, $0x6  }
0x410: {  	v6 =	vadd.s32 v6, v7;
	[tilespmem:$0xC188] =	vst v5;
	v5 =	vld [tilespmem:$0xA998]  }
0x411: {  	v7 =	vld [tilespmem:$0xB1A8];
	[tilespmem:$0xB988] =	vst v6  }
0x412: {  	v6 =	vld.idx.msk [tilespmem:v36+s10+$0x0], $0xffff  }
0x413: {  	v8 =	vld.idx.msk [tilespmem:v36+s30+$0x0], $0xffff;
	_ =	sdelay $0x3  }
0x414: {  	v5 =	vshll.u32 v5, $0x6  }
0x415: {  	v37 =	vld [tilespmem:$0xB1B8];
	v5 =	vadd.s32 v5, v6;
	[tilespmem:$0xC198] =	vst v8  }
0x416: {  	[tilespmem:$0xB998] =	vst v5;
	v5 =	vld [tilespmem:$0xA9A8]  }
0x417: {  	v6 =	vld.idx.msk [tilespmem:v7+s10+$0x0], $0xffff  }
0x418: {  	v7 =	vld.idx.msk [tilespmem:v7+s30+$0x0], $0xffff;
	_ =	sdelay $0x3  }
0x419: {  	v5 =	vshll.u32 v5, $0x6  }
0x41a: {  	v5 =	vadd.s32 v5, v6;
	[tilespmem:$0xC1A8] =	vst v7;
	v7 =	vld [tilespmem:$0xB1C8]  }
0x41b: {  	[tilespmem:$0xB9A8] =	vst v5;
	v5 =	vld [tilespmem:$0xA9B8]  }
0x41c: {  	v6 =	vld.idx.msk [tilespmem:v37+s10+$0x0], $0xffff  }
0x41d: {  	v8 =	vld.idx.msk [tilespmem:v37+s30+$0x0], $0xffff;
	_ =	sdelay $0x3  }
0x41e: {  	v5 =	vshll.u32 v5, $0x6  }
0x41f: {  	v38 =	vld [tilespmem:$0xB1D8];
	v5 =	vadd.s32 v5, v6;
	[tilespmem:$0xC1B8] =	vst v8  }
0x420: {  	[tilespmem:$0xB9B8] =	vst v5;
	v5 =	vld [tilespmem:$0xA9C8]  }
0x421: {  	v6 =	vld.idx.msk [tilespmem:v7+s10+$0x0], $0xffff  }
0x422: {  	v7 =	vld.idx.msk [tilespmem:v7+s30+$0x0], $0xffff;
	_ =	sdelay $0x3  }
0x423: {  	v5 =	vshll.u32 v5, $0x6  }
0x424: {  	v5 =	vadd.s32 v5, v6;
	[tilespmem:$0xC1C8] =	vst v7;
	v7 =	vld [tilespmem:$0xB1E8]  }
0x425: {  	[tilespmem:$0xB9C8] =	vst v5;
	v5 =	vld [tilespmem:$0xA9D8]  }
0x426: {  	v6 =	vld.idx.msk [tilespmem:v38+s10+$0x0], $0xffff  }
0x427: {  	v8 =	vld.idx.msk [tilespmem:v38+s30+$0x0], $0xffff;
	_ =	sdelay $0x3  }
0x428: {  	v5 =	vshll.u32 v5, $0x6  }
0x429: {  	v39 =	vld [tilespmem:$0xB1F8];
	v5 =	vadd.s32 v5, v6;
	[tilespmem:$0xC1D8] =	vst v8  }
0x42a: {  	[tilespmem:$0xB9D8] =	vst v5;
	v5 =	vld [tilespmem:$0xA9E8]  }
0x42b: {  	v6 =	vld.idx.msk [tilespmem:v7+s10+$0x0], $0xffff  }
0x42c: {  	v7 =	vld.idx.msk [tilespmem:v7+s30+$0x0], $0xffff;
	_ =	sdelay $0x3  }
0x42d: {  	v5 =	vshll.u32 v5, $0x6  }
0x42e: {  	v5 =	vadd.s32 v5, v6;
	[tilespmem:$0xC1E8] =	vst v7  }
0x42f: {  	[tilespmem:$0xB9E8] =	vst v5;
	v5 =	vld [tilespmem:$0xA9F8]  }
0x430: {  	v6 =	vld.idx.msk [tilespmem:v39+s10+$0x0], $0xffff  }
0x431: {  	v7 =	vld.idx.msk [tilespmem:v39+s30+$0x0], $0xffff;
	_ =	sdelay $0x3  }
0x432: {  	v5 =	vshll.u32 v5, $0x6  }
0x433: {  	v5 =	vadd.s32 v5, v6;
	[tilespmem:$0xC1F8] =	vst v7  }
0x434: {  	[tilespmem:$0xB9F8] =	vst v5  }
0x435: {  	_ =	swait.ge [sflag:s7], $0x80  }
0x436: {  	s2 =	rddreg [dreg:$0x16];
	[sflag:s7] =	ssyncset.done $0x0  }
0x437: {  	s8 =	rddreg [dreg:$0x17];
	[sflag:s7] =	ssyncadd.s32 $0xFFFFFF80  }
0x438: {  	[spmem:s1] =	stream.indirect.scatter.add.f32 [tilespmem:s8], [sflag:$0x2], $0x1, s2, s3, $0xb8;
	[tilespmem:$0x1BA88] =	vst v63  }
0x439: {  	v5 =	vld [tilespmem:$0xB208];
	_ =	sdelay $0x5  }
0x43a: {  	v6 =	vld [tilespmem:$0xAA08]  }
0x43b: {  	v40 =	vld [tilespmem:$0xB218]  }
0x43c: {  	v7 =	vld.idx.msk [tilespmem:v5+s10+$0x0], $0xffff  }
0x43d: {  	v5 =	vld.idx.msk [tilespmem:v5+s30+$0x0], $0xffff;
	_ =	sdelay $0x3  }
0x43e: {  	v6 =	vshll.u32 v6, $0x6  }
0x43f: {  	v6 =	vadd.s32 v6, v7;
	[tilespmem:$0xC208] =	vst v5;
	v5 =	vld [tilespmem:$0xAA18]  }
0x440: {  	v7 =	vld [tilespmem:$0xB228];
	[tilespmem:$0xBA08] =	vst v6  }
0x441: {  	v6 =	vld.idx.msk [tilespmem:v40+s10+$0x0], $0xffff  }
0x442: {  	v8 =	vld.idx.msk [tilespmem:v40+s30+$0x0], $0xffff;
	_ =	sdelay $0x3  }
0x443: {  	v5 =	vshll.u32 v5, $0x6  }
0x444: {  	v41 =	vld [tilespmem:$0xB238];
	v5 =	vadd.s32 v5, v6;
	[tilespmem:$0xC218] =	vst v8  }
0x445: {  	[tilespmem:$0xBA18] =	vst v5;
	v5 =	vld [tilespmem:$0xAA28]  }
0x446: {  	v6 =	vld.idx.msk [tilespmem:v7+s10+$0x0], $0xffff  }
0x447: {  	v7 =	vld.idx.msk [tilespmem:v7+s30+$0x0], $0xffff;
	_ =	sdelay $0x3  }
0x448: {  	v5 =	vshll.u32 v5, $0x6  }
0x449: {  	v5 =	vadd.s32 v5, v6;
	[tilespmem:$0xC228] =	vst v7;
	v7 =	vld [tilespmem:$0xB248]  }
0x44a: {  	[tilespmem:$0xBA28] =	vst v5;
	v5 =	vld [tilespmem:$0xAA38]  }
0x44b: {  	v6 =	vld.idx.msk [tilespmem:v41+s10+$0x0], $0xffff  }
0x44c: {  	v8 =	vld.idx.msk [tilespmem:v41+s30+$0x0], $0xffff;
	_ =	sdelay $0x3  }
0x44d: {  	v5 =	vshll.u32 v5, $0x6  }
0x44e: {  	v42 =	vld [tilespmem:$0xB258];
	v5 =	vadd.s32 v5, v6;
	[tilespmem:$0xC238] =	vst v8  }
0x44f: {  	[tilespmem:$0xBA38] =	vst v5;
	v5 =	vld [tilespmem:$0xAA48]  }
0x450: {  	v6 =	vld.idx.msk [tilespmem:v7+s10+$0x0], $0xffff  }
0x451: {  	v7 =	vld.idx.msk [tilespmem:v7+s30+$0x0], $0xffff;
	_ =	sdelay $0x3  }
0x452: {  	v5 =	vshll.u32 v5, $0x6  }
0x453: {  	v5 =	vadd.s32 v5, v6;
	[tilespmem:$0xC248] =	vst v7;
	v7 =	vld [tilespmem:$0xB268]  }
0x454: {  	[tilespmem:$0xBA48] =	vst v5;
	v5 =	vld [tilespmem:$0xAA58]  }
0x455: {  	v6 =	vld.idx.msk [tilespmem:v42+s10+$0x0], $0xffff  }
0x456: {  	v8 =	vld.idx.msk [tilespmem:v42+s30+$0x0], $0xffff;
	_ =	sdelay $0x3  }
0x457: {  	v5 =	vshll.u32 v5, $0x6  }
0x458: {  	v43 =	vld [tilespmem:$0xB278];
	v5 =	vadd.s32 v5, v6;
	[tilespmem:$0xC258] =	vst v8  }
0x459: {  	[tilespmem:$0xBA58] =	vst v5;
	v5 =	vld [tilespmem:$0xAA68]  }
0x45a: {  	v6 =	vld.idx.msk [tilespmem:v7+s10+$0x0], $0xffff  }
0x45b: {  	v7 =	vld.idx.msk [tilespmem:v7+s30+$0x0], $0xffff;
	_ =	sdelay $0x3  }
0x45c: {  	v5 =	vshll.u32 v5, $0x6  }
0x45d: {  	v5 =	vadd.s32 v5, v6;
	[tilespmem:$0xC268] =	vst v7  }
0x45e: {  	[tilespmem:$0xBA68] =	vst v5;
	v5 =	vld [tilespmem:$0xAA78]  }
0x45f: {  	v6 =	vld.idx.msk [tilespmem:v43+s10+$0x0], $0xffff  }
0x460: {  	v7 =	vld.idx.msk [tilespmem:v43+s30+$0x0], $0xffff;
	_ =	sdelay $0x3  }
0x461: {  	v5 =	vshll.u32 v5, $0x6  }
0x462: {  	v5 =	vadd.s32 v5, v6;
	[tilespmem:$0xC278] =	vst v7  }
0x463: {  	[tilespmem:$0xBA78] =	vst v5  }
0x464: {  	_ =	swait.ge [sflag:s4], $0x80  }
0x465: {  	s2 =	rddreg [dreg:$0x18];
	[sflag:s4] =	ssyncset.done $0x0  }
0x466: {  	s8 =	rddreg [dreg:$0x19];
	[sflag:s4] =	ssyncadd.s32 $0xFFFFFF80  }
0x467: {  	[spmem:s1] =	stream.indirect.scatter.add.f32 [tilespmem:s8], [sflag:$0x1], $0x1, s2, s3, $0xb8;
	[tilespmem:$0x1BA88] =	vst v63  }
0x468: {  	v5 =	vld [tilespmem:$0xB288];
	_ =	sdelay $0x5  }
0x469: {  	v6 =	vld [tilespmem:$0xAA88]  }
0x46a: {  	v44 =	vld [tilespmem:$0xB298]  }
0x46b: {  	v7 =	vld.idx.msk [tilespmem:v5+s10+$0x0], $0xffff  }
0x46c: {  	v5 =	vld.idx.msk [tilespmem:v5+s30+$0x0], $0xffff;
	_ =	sdelay $0x3  }
0x46d: {  	v6 =	vshll.u32 v6, $0x6  }
0x46e: {  	v6 =	vadd.s32 v6, v7;
	[tilespmem:$0xC288] =	vst v5;
	v5 =	vld [tilespmem:$0xAA98]  }
0x46f: {  	v7 =	vld [tilespmem:$0xB2A8];
	[tilespmem:$0xBA88] =	vst v6  }
0x470: {  	v6 =	vld.idx.msk [tilespmem:v44+s10+$0x0], $0xffff  }
0x471: {  	v8 =	vld.idx.msk [tilespmem:v44+s30+$0x0], $0xffff;
	_ =	sdelay $0x3  }
0x472: {  	v5 =	vshll.u32 v5, $0x6  }
0x473: {  	v45 =	vld [tilespmem:$0xB2B8];
	v5 =	vadd.s32 v5, v6;
	[tilespmem:$0xC298] =	vst v8  }
0x474: {  	[tilespmem:$0xBA98] =	vst v5;
	v5 =	vld [tilespmem:$0xAAA8]  }
0x475: {  	v6 =	vld.idx.msk [tilespmem:v7+s10+$0x0], $0xffff  }
0x476: {  	v7 =	vld.idx.msk [tilespmem:v7+s30+$0x0], $0xffff;
	_ =	sdelay $0x3  }
0x477: {  	v5 =	vshll.u32 v5, $0x6  }
0x478: {  	v5 =	vadd.s32 v5, v6;
	[tilespmem:$0xC2A8] =	vst v7;
	v7 =	vld [tilespmem:$0xB2C8]  }
0x479: {  	[tilespmem:$0xBAA8] =	vst v5;
	v5 =	vld [tilespmem:$0xAAB8]  }
0x47a: {  	v6 =	vld.idx.msk [tilespmem:v45+s10+$0x0], $0xffff  }
0x47b: {  	v8 =	vld.idx.msk [tilespmem:v45+s30+$0x0], $0xffff;
	_ =	sdelay $0x3  }
0x47c: {  	v5 =	vshll.u32 v5, $0x6  }
0x47d: {  	v46 =	vld [tilespmem:$0xB2D8];
	v5 =	vadd.s32 v5, v6;
	[tilespmem:$0xC2B8] =	vst v8  }
0x47e: {  	[tilespmem:$0xBAB8] =	vst v5;
	v5 =	vld [tilespmem:$0xAAC8]  }
0x47f: {  	v6 =	vld.idx.msk [tilespmem:v7+s10+$0x0], $0xffff  }
0x480: {  	v7 =	vld.idx.msk [tilespmem:v7+s30+$0x0], $0xffff;
	_ =	sdelay $0x3  }
0x481: {  	v5 =	vshll.u32 v5, $0x6  }
0x482: {  	v5 =	vadd.s32 v5, v6;
	[tilespmem:$0xC2C8] =	vst v7;
	v7 =	vld [tilespmem:$0xB2E8]  }
0x483: {  	[tilespmem:$0xBAC8] =	vst v5;
	v5 =	vld [tilespmem:$0xAAD8]  }
0x484: {  	v6 =	vld.idx.msk [tilespmem:v46+s10+$0x0], $0xffff  }
0x485: {  	v8 =	vld.idx.msk [tilespmem:v46+s30+$0x0], $0xffff;
	_ =	sdelay $0x3  }
0x486: {  	v5 =	vshll.u32 v5, $0x6  }
0x487: {  	v47 =	vld [tilespmem:$0xB2F8];
	v5 =	vadd.s32 v5, v6;
	[tilespmem:$0xC2D8] =	vst v8  }
0x488: {  	[tilespmem:$0xBAD8] =	vst v5;
	v5 =	vld [tilespmem:$0xAAE8]  }
0x489: {  	v6 =	vld.idx.msk [tilespmem:v7+s10+$0x0], $0xffff  }
0x48a: {  	v7 =	vld.idx.msk [tilespmem:v7+s30+$0x0], $0xffff;
	_ =	sdelay $0x3  }
0x48b: {  	v5 =	vshll.u32 v5, $0x6  }
0x48c: {  	v5 =	vadd.s32 v5, v6;
	[tilespmem:$0xC2E8] =	vst v7  }
0x48d: {  	[tilespmem:$0xBAE8] =	vst v5;
	v5 =	vld [tilespmem:$0xAAF8]  }
0x48e: {  	v6 =	vld.idx.msk [tilespmem:v47+s10+$0x0], $0xffff  }
0x48f: {  	v7 =	vld.idx.msk [tilespmem:v47+s30+$0x0], $0xffff;
	_ =	sdelay $0x3  }
0x490: {  	v5 =	vshll.u32 v5, $0x6  }
0x491: {  	v5 =	vadd.s32 v5, v6;
	[tilespmem:$0xC2F8] =	vst v7  }
0x492: {  	[tilespmem:$0xBAF8] =	vst v5  }
0x493: {  	_ =	swait.ge [sflag:s7], $0x80  }
0x494: {  	[sflag:s7] =	ssyncset.done $0x0  }
0x495: {  	[sflag:s7] =	ssyncadd.s32 $0xFFFFFF80  }
0x496: {  	[spmem:s1] =	stream.indirect.scatter.add.f32 [tilespmem:s11], [sflag:$0x2], $0x1, s9, s3, $0xb8;
	[tilespmem:$0x1BA88] =	vst v63  }
0x497: {  	v5 =	vld [tilespmem:$0xB308];
	_ =	sdelay $0x5  }
0x498: {  	v6 =	vld [tilespmem:$0xAB08]  }
0x499: {  	v48 =	vld [tilespmem:$0xB318]  }
0x49a: {  	v7 =	vld.idx.msk [tilespmem:v5+s10+$0x0], $0xffff  }
0x49b: {  	v5 =	vld.idx.msk [tilespmem:v5+s30+$0x0], $0xffff;
	_ =	sdelay $0x3  }
0x49c: {  	v6 =	vshll.u32 v6, $0x6  }
0x49d: {  	v6 =	vadd.s32 v6, v7;
	[tilespmem:$0xC308] =	vst v5;
	v5 =	vld [tilespmem:$0xAB18]  }
0x49e: {  	v7 =	vld [tilespmem:$0xB328];
	[tilespmem:$0xBB08] =	vst v6  }
0x49f: {  	v6 =	vld.idx.msk [tilespmem:v48+s10+$0x0], $0xffff  }
0x4a0: {  	v8 =	vld.idx.msk [tilespmem:v48+s30+$0x0], $0xffff;
	_ =	sdelay $0x3  }
0x4a1: {  	v5 =	vshll.u32 v5, $0x6  }
0x4a2: {  	v49 =	vld [tilespmem:$0xB338];
	v5 =	vadd.s32 v5, v6;
	[tilespmem:$0xC318] =	vst v8  }
0x4a3: {  	[tilespmem:$0xBB18] =	vst v5;
	v5 =	vld [tilespmem:$0xAB28]  }
0x4a4: {  	v6 =	vld.idx.msk [tilespmem:v7+s10+$0x0], $0xffff  }
0x4a5: {  	v7 =	vld.idx.msk [tilespmem:v7+s30+$0x0], $0xffff;
	_ =	sdelay $0x3  }
0x4a6: {  	v5 =	vshll.u32 v5, $0x6  }
0x4a7: {  	v5 =	vadd.s32 v5, v6;
	[tilespmem:$0xC328] =	vst v7;
	v7 =	vld [tilespmem:$0xB348]  }
0x4a8: {  	[tilespmem:$0xBB28] =	vst v5;
	v5 =	vld [tilespmem:$0xAB38]  }
0x4a9: {  	v6 =	vld.idx.msk [tilespmem:v49+s10+$0x0], $0xffff  }
0x4aa: {  	v8 =	vld.idx.msk [tilespmem:v49+s30+$0x0], $0xffff;
	_ =	sdelay $0x3  }
0x4ab: {  	v5 =	vshll.u32 v5, $0x6  }
0x4ac: {  	v50 =	vld [tilespmem:$0xB358];
	v5 =	vadd.s32 v5, v6;
	[tilespmem:$0xC338] =	vst v8  }
0x4ad: {  	[tilespmem:$0xBB38] =	vst v5;
	v5 =	vld [tilespmem:$0xAB48]  }
0x4ae: {  	v6 =	vld.idx.msk [tilespmem:v7+s10+$0x0], $0xffff  }
0x4af: {  	v7 =	vld.idx.msk [tilespmem:v7+s30+$0x0], $0xffff;
	_ =	sdelay $0x3  }
0x4b0: {  	v5 =	vshll.u32 v5, $0x6  }
0x4b1: {  	v5 =	vadd.s32 v5, v6;
	[tilespmem:$0xC348] =	vst v7;
	v7 =	vld [tilespmem:$0xB368]  }
0x4b2: {  	[tilespmem:$0xBB48] =	vst v5;
	v5 =	vld [tilespmem:$0xAB58]  }
0x4b3: {  	v6 =	vld.idx.msk [tilespmem:v50+s10+$0x0], $0xffff  }
0x4b4: {  	v8 =	vld.idx.msk [tilespmem:v50+s30+$0x0], $0xffff;
	_ =	sdelay $0x3  }
0x4b5: {  	v5 =	vshll.u32 v5, $0x6  }
0x4b6: {  	v51 =	vld [tilespmem:$0xB378];
	v5 =	vadd.s32 v5, v6;
	[tilespmem:$0xC358] =	vst v8  }
0x4b7: {  	[tilespmem:$0xBB58] =	vst v5;
	v5 =	vld [tilespmem:$0xAB68]  }
0x4b8: {  	v6 =	vld.idx.msk [tilespmem:v7+s10+$0x0], $0xffff  }
0x4b9: {  	v7 =	vld.idx.msk [tilespmem:v7+s30+$0x0], $0xffff;
	_ =	sdelay $0x3  }
0x4ba: {  	v5 =	vshll.u32 v5, $0x6  }
0x4bb: {  	v5 =	vadd.s32 v5, v6;
	[tilespmem:$0xC368] =	vst v7  }
0x4bc: {  	[tilespmem:$0xBB68] =	vst v5;
	v5 =	vld [tilespmem:$0xAB78]  }
0x4bd: {  	v6 =	vld.idx.msk [tilespmem:v51+s10+$0x0], $0xffff  }
0x4be: {  	v7 =	vld.idx.msk [tilespmem:v51+s30+$0x0], $0xffff;
	_ =	sdelay $0x3  }
0x4bf: {  	v5 =	vshll.u32 v5, $0x6  }
0x4c0: {  	v5 =	vadd.s32 v5, v6;
	[tilespmem:$0xC378] =	vst v7  }
0x4c1: {  	[tilespmem:$0xBB78] =	vst v5  }
0x4c2: {  	_ =	swait.ge [sflag:s4], $0x80  }
0x4c3: {  	[sflag:s4] =	ssyncset.done $0x0  }
0x4c4: {  	[sflag:s4] =	ssyncadd.s32 $0xFFFFFF80  }
0x4c5: {  	[spmem:s1] =	stream.indirect.scatter.add.f32 [tilespmem:s20], [sflag:$0x1], $0x1, s17, s3, $0xb8;
	[tilespmem:$0x1BA88] =	vst v63  }
0x4c6: {  	v5 =	vld [tilespmem:$0xB388];
	_ =	sdelay $0x5  }
0x4c7: {  	v6 =	vld [tilespmem:$0xAB88]  }
0x4c8: {  	v52 =	vld [tilespmem:$0xB398]  }
0x4c9: {  	v7 =	vld.idx.msk [tilespmem:v5+s10+$0x0], $0xffff  }
0x4ca: {  	v5 =	vld.idx.msk [tilespmem:v5+s30+$0x0], $0xffff;
	_ =	sdelay $0x3  }
0x4cb: {  	v6 =	vshll.u32 v6, $0x6  }
0x4cc: {  	v6 =	vadd.s32 v6, v7;
	[tilespmem:$0xC388] =	vst v5;
	v5 =	vld [tilespmem:$0xAB98]  }
0x4cd: {  	v7 =	vld [tilespmem:$0xB3A8];
	[tilespmem:$0xBB88] =	vst v6  }
0x4ce: {  	v6 =	vld.idx.msk [tilespmem:v52+s10+$0x0], $0xffff  }
0x4cf: {  	v8 =	vld.idx.msk [tilespmem:v52+s30+$0x0], $0xffff;
	_ =	sdelay $0x3  }
0x4d0: {  	v5 =	vshll.u32 v5, $0x6  }
0x4d1: {  	v53 =	vld [tilespmem:$0xB3B8];
	v5 =	vadd.s32 v5, v6;
	[tilespmem:$0xC398] =	vst v8  }
0x4d2: {  	[tilespmem:$0xBB98] =	vst v5;
	v5 =	vld [tilespmem:$0xABA8]  }
0x4d3: {  	v6 =	vld.idx.msk [tilespmem:v7+s10+$0x0], $0xffff  }
0x4d4: {  	v7 =	vld.idx.msk [tilespmem:v7+s30+$0x0], $0xffff;
	_ =	sdelay $0x3  }
0x4d5: {  	v5 =	vshll.u32 v5, $0x6  }
0x4d6: {  	v5 =	vadd.s32 v5, v6;
	[tilespmem:$0xC3A8] =	vst v7;
	v7 =	vld [tilespmem:$0xB3C8]  }
0x4d7: {  	[tilespmem:$0xBBA8] =	vst v5;
	v5 =	vld [tilespmem:$0xABB8]  }
0x4d8: {  	v6 =	vld.idx.msk [tilespmem:v53+s10+$0x0], $0xffff  }
0x4d9: {  	v8 =	vld.idx.msk [tilespmem:v53+s30+$0x0], $0xffff;
	_ =	sdelay $0x3  }
0x4da: {  	v5 =	vshll.u32 v5, $0x6  }
0x4db: {  	v54 =	vld [tilespmem:$0xB3D8];
	v5 =	vadd.s32 v5, v6;
	[tilespmem:$0xC3B8] =	vst v8  }
0x4dc: {  	[tilespmem:$0xBBB8] =	vst v5;
	v5 =	vld [tilespmem:$0xABC8]  }
0x4dd: {  	v6 =	vld.idx.msk [tilespmem:v7+s10+$0x0], $0xffff  }
0x4de: {  	v7 =	vld.idx.msk [tilespmem:v7+s30+$0x0], $0xffff;
	_ =	sdelay $0x3  }
0x4df: {  	v5 =	vshll.u32 v5, $0x6  }
0x4e0: {  	v5 =	vadd.s32 v5, v6;
	[tilespmem:$0xC3C8] =	vst v7;
	v7 =	vld [tilespmem:$0xB3E8]  }
0x4e1: {  	[tilespmem:$0xBBC8] =	vst v5;
	v5 =	vld [tilespmem:$0xABD8]  }
0x4e2: {  	v6 =	vld.idx.msk [tilespmem:v54+s10+$0x0], $0xffff  }
0x4e3: {  	v8 =	vld.idx.msk [tilespmem:v54+s30+$0x0], $0xffff;
	_ =	sdelay $0x3  }
0x4e4: {  	v5 =	vshll.u32 v5, $0x6  }
0x4e5: {  	v55 =	vld [tilespmem:$0xB3F8];
	v5 =	vadd.s32 v5, v6;
	[tilespmem:$0xC3D8] =	vst v8  }
0x4e6: {  	[tilespmem:$0xBBD8] =	vst v5;
	v5 =	vld [tilespmem:$0xABE8]  }
0x4e7: {  	v6 =	vld.idx.msk [tilespmem:v7+s10+$0x0], $0xffff  }
0x4e8: {  	v7 =	vld.idx.msk [tilespmem:v7+s30+$0x0], $0xffff;
	_ =	sdelay $0x3  }
0x4e9: {  	v5 =	vshll.u32 v5, $0x6  }
0x4ea: {  	v5 =	vadd.s32 v5, v6;
	[tilespmem:$0xC3E8] =	vst v7  }
0x4eb: {  	[tilespmem:$0xBBE8] =	vst v5;
	v5 =	vld [tilespmem:$0xABF8]  }
0x4ec: {  	v6 =	vld.idx.msk [tilespmem:v55+s10+$0x0], $0xffff  }
0x4ed: {  	v7 =	vld.idx.msk [tilespmem:v55+s30+$0x0], $0xffff;
	_ =	sdelay $0x3  }
0x4ee: {  	v5 =	vshll.u32 v5, $0x6  }
0x4ef: {  	v5 =	vadd.s32 v5, v6;
	[tilespmem:$0xC3F8] =	vst v7  }
0x4f0: {  	[tilespmem:$0xBBF8] =	vst v5  }
0x4f1: {  	_ =	swait.ge [sflag:s7], $0x80  }
0x4f2: {  	[sflag:s7] =	ssyncset.done $0x0  }
0x4f3: {  	[sflag:s7] =	ssyncadd.s32 $0xFFFFFF80  }
0x4f4: {  	[spmem:s1] =	stream.indirect.scatter.add.f32 [tilespmem:s22], [sflag:$0x2], $0x1, s28, s3, $0xb8;
	[tilespmem:$0x1BA88] =	vst v63  }
0x4f5: {  	v5 =	vld [tilespmem:$0xB408];
	_ =	sdelay $0x5  }
0x4f6: {  	v6 =	vld [tilespmem:$0xAC08]  }
0x4f7: {  	v56 =	vld [tilespmem:$0xB418]  }
0x4f8: {  	v7 =	vld.idx.msk [tilespmem:v5+s10+$0x0], $0xffff  }
0x4f9: {  	v5 =	vld.idx.msk [tilespmem:v5+s30+$0x0], $0xffff;
	_ =	sdelay $0x3  }
0x4fa: {  	v6 =	vshll.u32 v6, $0x6  }
0x4fb: {  	v6 =	vadd.s32 v6, v7;
	[tilespmem:$0xC408] =	vst v5;
	v5 =	vld [tilespmem:$0xAC18]  }
0x4fc: {  	v7 =	vld [tilespmem:$0xB428];
	[tilespmem:$0xBC08] =	vst v6  }
0x4fd: {  	v6 =	vld.idx.msk [tilespmem:v56+s10+$0x0], $0xffff  }
0x4fe: {  	v8 =	vld.idx.msk [tilespmem:v56+s30+$0x0], $0xffff;
	_ =	sdelay $0x3  }
0x4ff: {  	v5 =	vshll.u32 v5, $0x6  }
0x500: {  	v57 =	vld [tilespmem:$0xB438];
	v5 =	vadd.s32 v5, v6;
	[tilespmem:$0xC418] =	vst v8  }
0x501: {  	[tilespmem:$0xBC18] =	vst v5;
	v5 =	vld [tilespmem:$0xAC28]  }
0x502: {  	v6 =	vld.idx.msk [tilespmem:v7+s10+$0x0], $0xffff  }
0x503: {  	v7 =	vld.idx.msk [tilespmem:v7+s30+$0x0], $0xffff;
	_ =	sdelay $0x3  }
0x504: {  	v5 =	vshll.u32 v5, $0x6  }
0x505: {  	v5 =	vadd.s32 v5, v6;
	[tilespmem:$0xC428] =	vst v7;
	v7 =	vld [tilespmem:$0xB448]  }
0x506: {  	[tilespmem:$0xBC28] =	vst v5;
	v5 =	vld [tilespmem:$0xAC38]  }
0x507: {  	v6 =	vld.idx.msk [tilespmem:v57+s10+$0x0], $0xffff  }
0x508: {  	v8 =	vld.idx.msk [tilespmem:v57+s30+$0x0], $0xffff;
	_ =	sdelay $0x3  }
0x509: {  	v5 =	vshll.u32 v5, $0x6  }
0x50a: {  	v58 =	vld [tilespmem:$0xB458];
	v5 =	vadd.s32 v5, v6;
	[tilespmem:$0xC438] =	vst v8  }
0x50b: {  	[tilespmem:$0xBC38] =	vst v5;
	v5 =	vld [tilespmem:$0xAC48]  }
0x50c: {  	v6 =	vld.idx.msk [tilespmem:v7+s10+$0x0], $0xffff  }
0x50d: {  	v7 =	vld.idx.msk [tilespmem:v7+s30+$0x0], $0xffff;
	_ =	sdelay $0x3  }
0x50e: {  	v5 =	vshll.u32 v5, $0x6  }
0x50f: {  	v5 =	vadd.s32 v5, v6;
	[tilespmem:$0xC448] =	vst v7;
	v7 =	vld [tilespmem:$0xB468]  }
0x510: {  	[tilespmem:$0xBC48] =	vst v5;
	v5 =	vld [tilespmem:$0xAC58]  }
0x511: {  	v6 =	vld.idx.msk [tilespmem:v58+s10+$0x0], $0xffff  }
0x512: {  	v8 =	vld.idx.msk [tilespmem:v58+s30+$0x0], $0xffff;
	_ =	sdelay $0x3  }
0x513: {  	v5 =	vshll.u32 v5, $0x6  }
0x514: {  	v59 =	vld [tilespmem:$0xB478];
	v5 =	vadd.s32 v5, v6;
	[tilespmem:$0xC458] =	vst v8  }
0x515: {  	[tilespmem:$0xBC58] =	vst v5;
	v5 =	vld [tilespmem:$0xAC68]  }
0x516: {  	v6 =	vld.idx.msk [tilespmem:v7+s10+$0x0], $0xffff  }
0x517: {  	v7 =	vld.idx.msk [tilespmem:v7+s30+$0x0], $0xffff;
	_ =	sdelay $0x3  }
0x518: {  	v5 =	vshll.u32 v5, $0x6  }
0x519: {  	v5 =	vadd.s32 v5, v6;
	[tilespmem:$0xC468] =	vst v7  }
0x51a: {  	[tilespmem:$0xBC68] =	vst v5;
	v5 =	vld [tilespmem:$0xAC78]  }
0x51b: {  	v6 =	vld.idx.msk [tilespmem:v59+s10+$0x0], $0xffff  }
0x51c: {  	v7 =	vld.idx.msk [tilespmem:v59+s30+$0x0], $0xffff;
	_ =	sdelay $0x3  }
0x51d: {  	v5 =	vshll.u32 v5, $0x6  }
0x51e: {  	v5 =	vadd.s32 v5, v6;
	[tilespmem:$0xC478] =	vst v7  }
0x51f: {  	[tilespmem:$0xBC78] =	vst v5  }
0x520: {  	_ =	swait.ge [sflag:s4], $0x80  }
0x521: {  	[sflag:s4] =	ssyncset.done $0x0  }
0x522: {  	[sflag:s4] =	ssyncadd.s32 $0xFFFFFF80  }
0x523: {  	[spmem:s1] =	stream.indirect.scatter.add.f32 [tilespmem:s24], [sflag:$0x1], $0x1, s23, s3, $0xb8;
	[tilespmem:$0x1BA88] =	vst v63  }
0x524: {  	v5 =	vld [tilespmem:$0xB488];
	_ =	sdelay $0x5  }
0x525: {  	v6 =	vld [tilespmem:$0xAC88]  }
0x526: {  	v60 =	vld [tilespmem:$0xB498]  }
0x527: {  	v7 =	vld.idx.msk [tilespmem:v5+s10+$0x0], $0xffff  }
0x528: {  	v5 =	vld.idx.msk [tilespmem:v5+s30+$0x0], $0xffff;
	_ =	sdelay $0x3  }
0x529: {  	v6 =	vshll.u32 v6, $0x6  }
0x52a: {  	v6 =	vadd.s32 v6, v7;
	[tilespmem:$0xC488] =	vst v5;
	v5 =	vld [tilespmem:$0xAC98]  }
0x52b: {  	v7 =	vld [tilespmem:$0xB4A8];
	[tilespmem:$0xBC88] =	vst v6  }
0x52c: {  	v6 =	vld.idx.msk [tilespmem:v60+s10+$0x0], $0xffff  }
0x52d: {  	v8 =	vld.idx.msk [tilespmem:v60+s30+$0x0], $0xffff;
	_ =	sdelay $0x3  }
0x52e: {  	v5 =	vshll.u32 v5, $0x6  }
0x52f: {  	v61 =	vld [tilespmem:$0xB4B8];
	v5 =	vadd.s32 v5, v6;
	[tilespmem:$0xC498] =	vst v8  }
0x530: {  	[tilespmem:$0xBC98] =	vst v5;
	v5 =	vld [tilespmem:$0xACA8]  }
0x531: {  	v6 =	vld.idx.msk [tilespmem:v7+s10+$0x0], $0xffff  }
0x532: {  	v7 =	vld.idx.msk [tilespmem:v7+s30+$0x0], $0xffff;
	_ =	sdelay $0x3  }
0x533: {  	v5 =	vshll.u32 v5, $0x6  }
0x534: {  	v5 =	vadd.s32 v5, v6;
	[tilespmem:$0xC4A8] =	vst v7;
	v7 =	vld [tilespmem:$0xB4C8]  }
0x535: {  	[tilespmem:$0xBCA8] =	vst v5;
	v5 =	vld [tilespmem:$0xACB8]  }
0x536: {  	v6 =	vld.idx.msk [tilespmem:v61+s10+$0x0], $0xffff  }
0x537: {  	v8 =	vld.idx.msk [tilespmem:v61+s30+$0x0], $0xffff;
	_ =	sdelay $0x3  }
0x538: {  	v5 =	vshll.u32 v5, $0x6  }
0x539: {  	v62 =	vld [tilespmem:$0xB4D8];
	v5 =	vadd.s32 v5, v6;
	[tilespmem:$0xC4B8] =	vst v8  }
0x53a: {  	[tilespmem:$0xBCB8] =	vst v5;
	v5 =	vld [tilespmem:$0xACC8]  }
0x53b: {  	v6 =	vld.idx.msk [tilespmem:v7+s10+$0x0], $0xffff  }
0x53c: {  	v7 =	vld.idx.msk [tilespmem:v7+s30+$0x0], $0xffff;
	_ =	sdelay $0x3  }
0x53d: {  	v5 =	vshll.u32 v5, $0x6  }
0x53e: {  	v5 =	vadd.s32 v5, v6;
	[tilespmem:$0xC4C8] =	vst v7;
	v7 =	vld [tilespmem:$0xB4E8]  }
0x53f: {  	[tilespmem:$0xBCC8] =	vst v5;
	v5 =	vld [tilespmem:$0xACD8]  }
0x540: {  	v6 =	vld.idx.msk [tilespmem:v62+s10+$0x0], $0xffff  }
0x541: {  	v8 =	vld.idx.msk [tilespmem:v62+s30+$0x0], $0xffff;
	_ =	sdelay $0x3  }
0x542: {  	v5 =	vshll.u32 v5, $0x6  }
0x543: {  	v63 =	vld [tilespmem:$0xB4F8];
	v5 =	vadd.s32 v5, v6;
	[tilespmem:$0xC4D8] =	vst v8  }
0x544: {  	[tilespmem:$0xBCD8] =	vst v5;
	v5 =	vld [tilespmem:$0xACE8]  }
0x545: {  	v6 =	vld.idx.msk [tilespmem:v7+s10+$0x0], $0xffff  }
0x546: {  	v7 =	vld.idx.msk [tilespmem:v7+s30+$0x0], $0xffff;
	_ =	sdelay $0x3  }
0x547: {  	v5 =	vshll.u32 v5, $0x6  }
0x548: {  	v5 =	vadd.s32 v5, v6;
	[tilespmem:$0xC4E8] =	vst v7  }
0x549: {  	[tilespmem:$0xBCE8] =	vst v5;
	v5 =	vld [tilespmem:$0xACF8]  }
0x54a: {  	v6 =	vld.idx.msk [tilespmem:v63+s10+$0x0], $0xffff  }
0x54b: {  	v7 =	vld.idx.msk [tilespmem:v63+s30+$0x0], $0xffff;
	_ =	sdelay $0x3  }
0x54c: {  	s26 =	sadd.s32 $0x100, s26;
	v5 =	vshll.u32 v5, $0x6  }
0x54d: {  	p2 =	sne.s32 s26, $0x500;
	v5 =	vadd.s32 v5, v6;
	[tilespmem:$0xC4F8] =	vst v7  }
.Ltmp4:
0x54e: {  	[tilespmem:$0xBCF8] =	vst v5;
	(pc) =	sbr.rel @p2 .LBB2_10-.Ltmp4, $4  }
0x54f: {  	_ =	swait.ge [sflag:s7], $0x80  }
0x550: {  	[sflag:s7] =	ssyncset.done $0x0  }
0x551: {  	[sflag:s7] =	ssyncadd.s32 $0xFFFFFF80  }
0x552: {  	[spmem:s1] =	stream.indirect.scatter.add.f32 [tilespmem:s19], [sflag:$0x2], $0x1, s25, s3, $0xb8;
	[tilespmem:$0x1BA88] =	vst v63  }
0x553: {  	s8 =	simm.s32 $0x0  }
0x554: {  	v5 =	vadd.s32 s8, v2  }
0x555: {  	_ =	swait.ge [sflag:s4], $0x80;
	vm0 =	vlt.s32 v5, $0x27FF  }
0x556: {  	[sflag:s4] =	ssyncset.done $0x0;
	v6 =	vnsel vm0, $0x27FF, v5  }
0x557: {  	[sflag:s4] =	ssyncadd.s32 $0xFFFFFF80  }
0x558: {  	_ =	swait.ge [sflag:s7], $0x80  }
0x559: {  	[sflag:s7] =	ssyncset.done $0x0  }
0x55a: {  	[sflag:s7] =	ssyncadd.s32 $0xFFFFFF80  }
0x55b: {  	s2 =	simm.s32 $0x10;
	v7 =	vld.idx.msk [tilespmem:v6+s10+$0x0], $0xffff  }
0x55c: {  	v5 =	vadd.s32 s2, v2;
	v8 =	vld.idx.msk [tilespmem:v6+s30+$0x0], $0xffff  }
0x55d: {  	vm0 =	vlt.s32 v5, $0x27FF  }
0x55e: {  	v5 =	vnsel vm0, $0x27FF, v5  }
0x55f: {  	v9 =	vmov s8;
	v6 =	vshll.u32 v6, $0x6  }
0x560: {  	s9 =	simm.s32 $0xB508;
	vm0 =	vlt.u32 v9, $0x140;
	v6 =	vadd.s32 v6, v7  }
0x561: {  	s11 =	simm.s32 $0xBD08;
	[tilespmem:s9+$0x0] =	vst v6;
	v6 =	vnsel vm0, $0x0, v8  }
0x562: {  	[tilespmem:s11+$0x0] =	vst v6  }
0x563: {  	s8 =	simm.s32 $0x20;
	v7 =	vld.idx.msk [tilespmem:v5+s10+$0x0], $0xffff  }
0x564: {  	v8 =	vadd.s32 s8, v2;
	v6 =	vld.idx.msk [tilespmem:v5+s30+$0x0], $0xffff  }
0x565: {  	s17 =	simm.s32 $0x30;
	vm0 =	vlt.s32 v8, $0x27FF  }
.LBB2_12:
0x566: {  	p2 =	sne.s32 s17, $0x170;
	v8 =	vnsel vm0, $0x27FF, v8  }
0x567: {  	v9 =	vmov s2;
	v10 =	vshll.u32 v5, $0x6;
	s2 =	smov.u32 s8;
	s8 =	smov.u32 s17;
	v5 =	vmov v8  }
0x568: {  	s9 =	sadd.s32 $0x10, s9;
	vm0 =	vlt.u32 v9, $0x140;
	v7 =	vadd.s32 v10, v7  }
0x569: {  	s11 =	sadd.s32 $0x10, s11;
	v6 =	vnsel vm0, $0x0, v6;
	[tilespmem:s9+$0x0] =	vst v7  }
.Ltmp5:
0x56a: {  	[tilespmem:s11+$0x0] =	vst v6;
	(pc) =	sbr.rel @p2 .LBB2_12-.Ltmp5, $4  }
0x56b: {  	v7 =	vld.idx.msk [tilespmem:v8+s10+$0x0], $0xffff  }
0x56c: {  	v6 =	vld.idx.msk [tilespmem:v8+s30+$0x0], $0xffff  }
0x56d: {  	v8 =	vadd.s32 s17, v2  }
0x56e: {  	s17 =	sadd.s32 $0x10, s17;
	vm0 =	vlt.s32 v8, $0x27FF  }
0x56f: {  	v8 =	vnsel vm0, $0x27FF, v8  }
0x570: {  	v9 =	vmov s2;
	v5 =	vshll.u32 v5, $0x6  }
0x571: {  	s17 =	sadd.s32 $0x10, s9;
	vm11 =	vlt.u32 v9, $0x140;
	v5 =	vadd.s32 v5, v7  }
0x572: {  	s20 =	sadd.s32 $0x10, s11;
	[tilespmem:s17+$0x0] =	vst v5;
	v5 =	vnsel vm11, $0x0, v6  }
0x573: {  	[tilespmem:s20+$0x0] =	vst v5  }
0x574: {  	v5 =	vld.idx.msk [tilespmem:v8+s10+$0x0], $0xffff  }
0x575: {  	v6 =	vld.idx.msk [tilespmem:v8+s30+$0x0], $0xffff;
	_ =	sdelay $0x2  }
0x576: {  	v7 =	vmov s8;
	v8 =	vshll.u32 v8, $0x6  }
0x577: {  	s2 =	sadd.s32 $0x10, s17;
	vm12 =	vlt.u32 v7, $0x140;
	v5 =	vadd.s32 v8, v5  }
0x578: {  	s26 =	sadd.s32 $0x10, s20;
	[tilespmem:s2+$0x0] =	vst v5;
	v5 =	vnsel vm12, $0x0, v6  }
0x579: {  	s8 =	simm.s32 $0xBD08;
	s2 =	simm.s32 $0xB508;
	[tilespmem:s26+$0x0] =	vst v5  }
0x57a: {  	[spmem:s1] =	stream.indirect.scatter.add.f32 [tilespmem:s8], [sflag:$0x3], $0x1, s2, s3, $0xb8;
	[tilespmem:$0x1BA88] =	vst v63  }
0x57b: {  	_ =	swait.ge [sflag:s29], $0x80  }
0x57c: {  	[sflag:s29] =	ssyncset.done $0x0  }
0x57d: {  	s28 =	simm.s32 $0x0;
	[sflag:s29] =	ssyncadd.s32 $0xFFFFFF80  }
0x57e: {  	v5 =	vadd.s32 s28, v0;
	[spmem:s1] =	stream.indirect.scatter.add.f32 [tilespmem:s14], [sflag:$0x3], $0x1, s13, s3, $0xb8;
	[tilespmem:$0x1BA88] =	vst v63  }
0x57f: {  	v5 =	vadd.s32 v1, v5;
	_ =	swait.ge [sflag:s29], $0x80  }
0x580: {  	vm13 =	vlt.s32 v5, $0x27FF;
	[sflag:s29] =	ssyncset.done $0x0  }
0x581: {  	v6 =	vnsel vm13, $0x27FF, v5;
	[sflag:s29] =	ssyncadd.s32 $0xFFFFFF80  }
0x582: {  	[spmem:s1] =	stream.indirect.scatter.add.f32 [tilespmem:s16], [sflag:$0x3], $0x1, s15, s3, $0xb8;
	[tilespmem:$0x1BA88] =	vst v63  }
0x583: {  	_ =	swait.ge [sflag:s29], $0x80  }
0x584: {  	[sflag:s29] =	ssyncset.done $0x0  }
0x585: {  	[sflag:s29] =	ssyncadd.s32 $0xFFFFFF80  }
0x586: {  	s11 =	simm.s32 $0x10;
	v8 =	vld.idx.msk [tilespmem:v6+s10+$0x0], $0xffff;
	v6 =	vmov s28  }
0x587: {  	vm1 =	vlt.u32 v5, $0x2710;
	v5 =	vadd.s32 s11, v0;
	vm14 =	vlt.u32 v6, $0x140  }
0x588: {  	v5 =	vadd.s32 v1, v5;
	vm0 =	vmand vm14, vm1  }
0x589: {  	vm15 =	vlt.s32 v5, $0x27FF;
	v6 =	vsel vm0, $0x3F800000, v4  }
0x58a: {  	[tilespmem:s8+$0x0] =	vst v6;
	v6 =	vnsel vm15, $0x27FF, v5;
	_ =	sdelay $0x2  }
0x58b: {  	s9 =	simm.s32 $0x20  }
0x58c: {  	v7 =	vadd.s32 s9, v0;
	s17 =	simm.s32 $0x30;
	s20 =	simm.s32 $0x1B508;
	s26 =	rddreg [dreg:$0x1b];
	[tilespmem:s2+$0x0] =	vst v8  }
.LBB2_14:
0x58d: {  	p2 =	sne.s32 s17, $0x170;
	v7 =	vadd.s32 v1, v7;
	v8 =	vld.idx.msk [tilespmem:v6+s10+$0x0], $0xffff  }
0x58e: {  	v9 =	vmov s11;
	s11 =	smov.u32 s9;
	s9 =	smov.u32 s17;
	vm0 =	vlt.s32 v7, $0x27FF  }
.Ltmp6:
0x58f: {  	vm1 =	vlt.u32 v5, $0x2710;
	v5 =	vmovc v7;
	v6 =	vnsel vm0, $0x27FF, v7;
	vm0 =	vlt.u32 v9, $0x140;
	(pc) =	sbr.rel @p2 .LBB2_14-.Ltmp6, $4  }
0x590: {  	vm0 =	vmand vm0, vm1  }
0x591: {  	s8 =	sadd.s32 $0x10, s8;
	v7 =	vsel vm0, $0x3F800000, v4  }
0x592: {  	s2 =	sadd.s32 $0x10, s2;
	[tilespmem:s8+$0x0] =	vst v7  }
0x593: {  	s17 =	sadd.s32 $0x10, s17;
	v7 =	vadd.s32 s9, v0;
	[tilespmem:s2+$0x0] =	vst v8  }
0x594: {  	_ =	sdelay $0x2  }
0x595: {  	v7 =	vadd.s32 v1, v7  }
0x596: {  	v6 =	vld.idx.msk [tilespmem:v6+s10+$0x0], $0xffff;
	v8 =	vmov s11;
	vm0 =	vlt.s32 v7, $0x27FF  }
0x597: {  	vm1 =	vlt.u32 v5, $0x2710;
	vm13 =	vlt.u32 v8, $0x140;
	v9 =	vnsel vm0, $0x27FF, v7  }
0x598: {  	vm0 =	vmand vm13, vm1  }
0x599: {  	s8 =	sadd.s32 $0x10, s8;
	v5 =	vsel vm0, $0x3F800000, v4  }
0x59a: {  	s2 =	sadd.s32 $0x10, s2;
	[tilespmem:s8+$0x0] =	vst v5  }
0x59b: {  	[tilespmem:s2+$0x0] =	vst v6  }
0x59c: {  	v6 =	vmov s9;
	v5 =	vld.idx.msk [tilespmem:v9+s10+$0x0], $0xffff  }
0x59d: {  	vm15 =	vlt.u32 v7, $0x2710;
	vm14 =	vlt.u32 v6, $0x140  }
0x59e: {  	vm0 =	vmand vm14, vm15  }
0x59f: {  	s8 =	sadd.s32 $0x10, s8;
	v6 =	vsel vm0, $0x3F800000, v4  }
0x5a0: {  	s2 =	sadd.s32 $0x10, s2;
	[tilespmem:s8+$0x0] =	vst v6  }
0x5a1: {  	[tilespmem:s2+$0x0] =	vst v5  }
0x5a2: {  	[spmem:s18] =	stream.indirect.scatter.add.f32 [tilespmem:s5], [sflag:$0x3], $0x1, s12, s3, $0xb8;
	[tilespmem:$0x1BA88] =	vst v63  }
0x5a3: {  	_ =	swait.ge [sflag:s29], $0x80  }
0x5a4: {  	[sflag:s29] =	ssyncset.done $0x0  }
0x5a5: {  	[sflag:s29] =	ssyncadd.s32 $0xFFFFFF80  }
0x5a6: {  	[spmem:s18] =	stream.indirect.scatter.add.f32 [tilespmem:s14], [sflag:$0x3], $0x1, s13, s3, $0xb8;
	[tilespmem:$0x1BA88] =	vst v63  }
0x5a7: {  	_ =	swait.ge [sflag:s29], $0x80  }
0x5a8: {  	[sflag:s29] =	ssyncset.done $0x0  }
0x5a9: {  	[sflag:s29] =	ssyncadd.s32 $0xFFFFFF80  }
0x5aa: {  	[spmem:s18] =	stream.indirect.scatter.add.f32 [tilespmem:s16], [sflag:$0x3], $0x1, s15, s3, $0xb8;
	[tilespmem:$0x1BA88] =	vst v63  }
0x5ab: {  	_ =	swait.ge [sflag:s29], $0x80  }
0x5ac: {  	[sflag:s29] =	ssyncset.done $0x0  }
0x5ad: {  	[sflag:s29] =	ssyncadd.s32 $0xFFFFFF80  }
0x5ae: {  	s11 =	stileid.u32;
	[bflag:$0x0] =	sbarrier.arrive $0xFFFF  }
0x5af: {  	s2 =	sshll.u32 s11, $0x6;
	s11 =	sld [smem:$0x7F2]  }
0x5b0: {  	s17 =	simm.s32 $0x20;
	s9 =	rddreg [dreg:$0x1c]  }
0x5b1: {  	s28 =	simm.s32 $0x10;
	s2 =	sor.u32 $0x1C03, s2;
	s8 =	sshrl.u32 s9, $0x3  }
0x5b2: {  	[hbm:s11@s17], [sflag:s2] =	dma.strided [spmem:s8@s28], $0x1400, s4, $0x10   }
0x5b3: {  	_ =	swait.ge [sflag:s29], $0x1400  }
0x5b4: {  	s11 =	sld [smem:$0x7F3]  }
0x5b5: {  	[sflag:s29] =	ssyncset.done $0x0  }
0x5b6: {  	s8 =	sshrl.u32 @!p0 s18, $0x3;
	[sflag:s29] =	ssyncadd.s32 $0xFFFFEC00  }
0x5b7: {  	[hbm:s11], [sflag:s2] =	dma.local @!p0 [spmem:s8], $0x10  }
0x5b8: {  	s2 =	simm.s32 @!p0 $0x3  }
0x5b9: {  	_ =	swait.ge @!p0 [sflag:s2], $0x10  }
0x5ba: {  	s17 =	sld [smem:$0x7F0]  }
0x5bb: {  	s28 =	sld [smem:$0x7F4];
	_ =	sdelay $0x1  }
0x5bc: {  	s11 =	sadd.s32 $0x1, s17  }
0x5bd: {  	p2 =	sne.s32 s11, s28  }
.Ltmp7:
0x5be: {  	_ = 	snop;
	(pc) =	sbr.rel @p2 .LBB2_1-.Ltmp7, $3  }
0x5bf: {  	_ =	sdelay $0x1  }
0x5c0: {  	[sflag:s2] =	ssyncset.done @!p0 $0x0  }
0x5c1: {  	[sflag:s2] =	ssyncadd.s32 @!p0 $0xFFFFFFF0  }
0x5c2: {  	_ =	sfence.sel $0x180000  }
0x5c3: {  	[bflag:$0x0] =	sbarrier.arrive $0xFFFF  }
0x5c4: {  	_ =	strace $0x90000047  }
0x5c5: {  	[bflag:$0x2] =	sbarrier.arrive $0xFFFF  }
0x5c6: {  	s0 =	rddreg [dreg:$0x6]  }
0x5c7: {  	s0 =	sadd.s32 @!p0 $0x100000, s0  }
0x5c8: {  	[sflag:s0] =	ssyncadd.tile.s32 @!p0 $0x1;
	_ =	shalt  }
.Lfunc_end2:
_tile_overlayer_lowered:
.L_overlay_start_2:
0x5c9: {  	(tag) =	ssettag $0x2  }
0x5ca: {  	s0 =	rddreg [dreg:$0x0];
	s2 =	stileid.u32  }
0x5cb: {  	s1 =	rddreg [dreg:$0x1];
	p0 =	sne.s32 s2, $0x0  }
0x5cc: {  	s3 =	rddreg [dreg:$0x2];
	[bflag:$0x3] =	sbarrier.arrive $0xFFFF;
	s2 =	simm.s32 @!p0 $0x1C03  }
0x5cd: {  	[timem:s3], [sflag:s2] =	dma.local @!p0 [hbm:s0], s1  }
0x5ce: {  	s0 =	simm.s32 @!p0 $0x3  }
0x5cf: {  	_ =	swait.ge @!p0 [sflag:s0], s1  }
0x5d0: {  	s1 =	ssub.s32 @!p0 $0x0, s1;
	[sflag:s0] =	ssyncset.done @!p0 $0x0  }
0x5d1: {  	[sflag:s0] =	ssyncadd.s32 @!p0 s1  }
0x5d2: {  	[bflag:$0x3] =	sbarrier.arrive $0xFFFF  }
0x5d3: {  	_ =	shalt  }

// kernel: kernel.8.cloned.1.call-start
scs
__scs_entry_jumppad:
0x0: {  	(pc) =	sbr.rel $0x88, $3  }
0x1: {  	(tag) =	ssettag $0x0;
	lr =	simm.s32 $0x1  }
0x2: {  	[smem:$0x3F98] =	sst lr;
	_ =	strace $0xD0000000  }
0x3: {  	_ = 	snop  }
0x4: {  	_ = 	snop  }
0x5: {  	_ = 	snop  }
0x6: {  	_ = 	snop  }
0x7: {  	_ = 	snop  }
__scs_overlays_trampoline_lowered:
0x8: {  	[smem:$0x3FA7] =	sst s0  }
0x9: {  	[smem:$0x3FA8] =	sst s1  }
0xa: {  	[smem:$0x3FA9] =	sst s2  }
0xb: {  	[smem:$0x3FAA] =	sst s3  }
0xc: {  	[smem:$0x3FAB] =	sst s4  }
0xd: {  	[smem:$0x3FAC] =	sst s5  }
0xe: {  	[smem:$0x3FAD] =	sst s6  }
0xf: {  	[smem:$0x3FAE] =	sst s7  }
0x10: {  	[smem:$0x3FAF] =	sst s8  }
0x11: {  	[smem:$0x3FB0] =	sst s9;
	s0 =	simm.s32 @!p0 $0x0  }
0x12: {  	s1 =	sld [smem:$0x3F96];
	s0 =	simm.s32 @p0 $0x1  }
0x13: {  	[smem:$0x3FB1] =	sst s0;
	s0 =	simm.s32 @!p1 $0x0  }
0x14: {  	s2 =	sld [smem:$0x3F95];
	s0 =	simm.s32 @p1 $0x1  }
0x15: {  	[smem:$0x3FB2] =	sst s0;
	s0 =	simm.s32 @!p2 $0x0  }
0x16: {  	s3 =	sld [smem:$0x3FDB];
	s0 =	simm.s32 @p2 $0x1  }
0x17: {  	s4 =	simm.s32 $0x1BF5;
	[smem:$0x3FB4] =	sst s0  }
0x18: {  	s0 =	sld [smem:$0x3F97];
	_ =	swait.ge [sflag:s4], $0x0  }
0x19: {  	s7 =	sld [smem:$0x3F98]  }
0x1a: {  	s8 =	sadd.s32 $0xFFFFE003, lr  }
0x1b: {  	s9 =	sadd.s32 $0xFFFFFEF7, lr;
	s5 =	simm.s32 $0xFFFFFFFF;
	p2 =	slt.u32 s8, $0xFFFFF086  }
0x1c: {  	p1 =	slt.u32 s9, $0xF7A;
	s5 =	simm.s32 @!p2 $0x0  }
0x1d: {  	s5 =	simm.s32 @p1 $0x1;
	p0 =	seq.s32 s7, s2  }
0x1e: {  	s7 =	smul.u32 @!p0 $0xF7A, s2;
	p2 =	seq.s32 @!p0 s5, $0x0  }
0x1f: {  	s9 =	smul.u32 $0xF7A, s1;
	s8 =	simm.s32 @!p0 $0x1BF5;
	p2 =	por !p2, p0  }
0x20: {  	[sflag:s8] =	ssyncset.s32 @!p0 $0xFFFFF086;
	s6 =	sadd.s32 @!p0 s3, s7;
	s7 =	simm.s32 @!p0 $0x108  }
0x21: {  	s3 =	sadd.s32 s3, s9;
	s6 =	sadd.s32 @!p0 $0x88, s6;
	s7 =	simm.s32 @p2 $0x1082  }
0x22: {  	[simem:s7], [sflag:s8] =	dma.local @!p0 [hbm:s6], $0xF7A  }
0x23: {  	s9 =	sor.u32 $0xD0000000, s2;
	s6 =	simm.s32 $0x108;
	_ =	swait.ge @!p0 [sflag:s8], $0x0  }
0x24: {  	s3 =	sadd.s32 $0x88, s3;
	s6 =	simm.s32 @!p1 $0x1082;
	[sflag:s4] =	ssyncset.s32 $0xFFFFF086  }
0x25: {  	[simem:s6], [sflag:s4] =	dma.local [hbm:s3], $0xF7A  }
0x26: {  	[smem:$0x3F98] =	sst s1;
	(tag) =	ssettag s2;
	_ =	strace s9  }
0x27: {  	s1 =	sld [smem:$0x3FA8]  }
0x28: {  	s2 =	sld [smem:$0x3FA9]  }
0x29: {  	s4 =	sld [smem:$0x3FAB]  }
0x2a: {  	p0 =	seq.s32 s5, $0x0;
	s5 =	sld [smem:$0x3FAC]  }
0x2b: {  	s6 =	sld [smem:$0x3FAD]  }
0x2c: {  	s7 =	sld [smem:$0x3FAE]  }
0x2d: {  	s3 =	simm.s32 $0x108;
	s8 =	sld [smem:$0x3FAF]  }
0x2e: {  	s3 =	simm.s32 @!p0 $0x1082;
	s9 =	sld [smem:$0x3FB0]  }
0x2f: {  	lr =	sadd.s32 s0, s3;
	s0 =	sld [smem:$0x3FA7]  }
0x30: {  	s3 =	sld [smem:$0x3FAA]  }
0x31: {  	[smem:$0x3FB3] =	sst s10  }
0x32: {  	s10 =	sld [smem:$0x3FB1];
	_ =	sdelay $0x3  }
0x33: {  	p0 =	seq.s32 s10, $0x1;
	s10 =	sld [smem:$0x3FB3];
	_ =	sdelay $0x3  }
0x34: {  	[smem:$0x3FB3] =	sst s10  }
0x35: {  	s10 =	sld [smem:$0x3FB2];
	_ =	sdelay $0x3  }
0x36: {  	p1 =	seq.s32 s10, $0x1;
	s10 =	sld [smem:$0x3FB3];
	_ =	sdelay $0x3  }
0x37: {  	[smem:$0x3FB3] =	sst s10  }
0x38: {  	s10 =	sld [smem:$0x3FB4]  }
0x39: {  	_ = 	snop;
	(pc) =	sbr.ind lr, $3  }
0x3a: {  	_ = 	snop  }
0x3b: {  	_ = 	snop  }
0x3c: {  	p2 =	seq.s32 s10, $0x1;
	s10 =	sld [smem:$0x3FB3]  }
0x3d: {  	_ =	shalt  }
0x3e: {  	_ =	shalt  }
0x3f: {  	_ =	shalt  }
0x40: {  	_ =	shalt  }
0x41: {  	_ =	shalt  }
0x42: {  	_ =	shalt  }
0x43: {  	_ =	shalt  }
0x44: {  	_ =	shalt  }
0x45: {  	_ =	shalt  }
0x46: {  	_ =	shalt  }
0x47: {  	_ =	shalt  }
0x48: {  	_ =	shalt  }
0x49: {  	_ =	shalt  }
0x4a: {  	_ =	shalt  }
0x4b: {  	_ =	shalt  }
0x4c: {  	_ =	shalt  }
0x4d: {  	_ =	shalt  }
0x4e: {  	_ =	shalt  }
0x4f: {  	_ =	shalt  }
0x50: {  	_ =	shalt  }
0x51: {  	_ =	shalt  }
0x52: {  	_ =	shalt  }
0x53: {  	_ =	shalt  }
0x54: {  	_ =	shalt  }
0x55: {  	_ =	shalt  }
0x56: {  	_ =	shalt  }
0x57: {  	_ =	shalt  }
0x58: {  	_ =	shalt  }
0x59: {  	_ =	shalt  }
0x5a: {  	_ =	shalt  }
0x5b: {  	_ =	shalt  }
0x5c: {  	_ =	shalt  }
0x5d: {  	_ =	shalt  }
0x5e: {  	_ =	shalt  }
0x5f: {  	_ =	shalt  }
0x60: {  	_ =	shalt  }
0x61: {  	_ =	shalt  }
0x62: {  	_ =	shalt  }
0x63: {  	_ =	shalt  }
0x64: {  	_ =	shalt  }
0x65: {  	_ =	shalt  }
0x66: {  	_ =	shalt  }
0x67: {  	_ =	shalt  }
0x68: {  	_ =	shalt  }
0x69: {  	_ =	shalt  }
0x6a: {  	_ =	shalt  }
0x6b: {  	_ =	shalt  }
0x6c: {  	_ =	shalt  }
0x6d: {  	_ =	shalt  }
0x6e: {  	_ =	shalt  }
0x6f: {  	_ =	shalt  }
0x70: {  	_ =	shalt  }
0x71: {  	_ =	shalt  }
0x72: {  	_ =	shalt  }
0x73: {  	_ =	shalt  }
0x74: {  	_ =	shalt  }
0x75: {  	_ =	shalt  }
0x76: {  	_ =	shalt  }
0x77: {  	_ =	shalt  }
0x78: {  	_ =	shalt  }
0x79: {  	_ =	shalt  }
0x7a: {  	_ =	shalt  }
0x7b: {  	_ =	shalt  }
0x7c: {  	_ =	shalt  }
0x7d: {  	_ =	shalt  }
0x7e: {  	_ =	shalt  }
0x7f: {  	_ =	shalt  }
0x80: {  	_ =	shalt  }
0x81: {  	_ =	shalt  }
0x82: {  	_ =	shalt  }
0x83: {  	_ =	shalt  }
0x84: {  	_ =	shalt  }
0x85: {  	_ =	shalt  }
0x86: {  	_ =	shalt  }
0x87: {  	_ =	shalt  }
.Lfunc_end0:
.L_simem_size_0:
called_computation.1_lowered:
.L_overlay_start_0:
0x88: {  	s2 =	sld [smem:$0x3FD9]  }
0x89: {  	s3 =	sld [smem:$0x3FFE];
	_ =	sdelay $0x1  }
0x8a: {  	s1 =	srdreg.scid  }
0x8b: {  	s0 =	sand.u32 $0x1, s1  }
0x8c: {  	s16 =	sshll.u32 s0, $0xA;
	s2 =	sadd.s32 s3, s2  }
0x8d: {  	s2 =	sadd.s32 s2, s16  }
0x8e: {  	[smem:$0x3FBF] =	sst s2  }
0x8f: {  	_ = 	snop  }
0x90: {  	(tm) =	ssettm $0x1  }
0x91: {  	s17 =	sld [smem:$0x3FFB];
	_ =	sdelay $0x3  }
0x92: {  	_ =	strace s17  }
0x93: {  	s2 =	sld [smem:$0x3FFC];
	_ =	sdelay $0x3  }
0x94: {  	_ =	strace s2  }
0x95: {  	s2 =	sld [smem:$0x3FFD];
	_ =	sdelay $0x3  }
0x96: {  	_ =	strace s2  }
0x97: {  	_ =	strace $0x8FFFFFFF  }
0x98: {  	s18 =	sld [smem:$0x3FDB];
	_ =	sdelay $0x1  }
0x99: {  	s19 =	simm.s32 $_scs_section_size  }
0x9a: {  	s4 =	simm.s32 $_size__tile_overlayer_lowered;
	s5 =	simm.s32 $_tile_overlayer_lowered  }
0x9b: {  	s22 =	simm.s32 $0x1BFF;
	s21 =	sshll.u32 s5, $0x1;
	s2 =	sadd.s32 s19, s18  }
0x9c: {  	s6 =	simm.s32 $0x0;
	s20 =	sshll.u32 s4, $0x1;
	s4 =	sadd.s32 s21, s2  }
0x9d: {  	[timem:s6], [sflag:s22] =	dma.local [hbm:s4], s20  }
0x9e: {  	_ =	swait.ge [sflag:s22], s20  }
0x9f: {  	s3 =	ssub.s32 $0x0, s20;
	[sflag:s22] =	ssyncset.done $0x0  }
0xa0: {  	[sflag:s22] =	ssyncadd.s32 s3;
	_ =	sdelay $0x1  }
0xa1: {  	s23 =	simm.s32 $0x1B8B  }
0xa2: {  	_ =	swait.ge [sflag:s23], $0x1  }
0xa3: {  	[sflag:s23] =	ssyncset.done $0x0  }
0xa4: {  	s25 =	simm.s32 $0x1B8E;
	s24 =	sld [smem:$0x3FFE];
	[sflag:s23] =	ssyncadd.s32 $0xFFFFFFFF  }
0xa5: {  	s26 =	simm.s32 $execute0_lowered;
	[smem:$0x3FD2] =	sst s25  }
0xa6: {  	s4 =	sshll.u32 s26, $0x1;
	_ =	strace $0x80000049;
	[dreg:$0x1] =	wrdreg $0xFFFFFFFF  }
0xa7: {  	s28 =	simm.s32 $_size_execute0_lowered;
	s2 =	sadd.s32 s2, s4;
	[dreg:$0x0] =	wrdreg $0x0  }
0xa8: {  	s4 =	sshll.u32 s28, $0x1;
	[dreg:$0x2] =	wrdreg s2  }
0xa9: {  	[dreg:$0x3] =	wrdreg s4  }
0xaa: {  	[dreg:$0x4] =	wrdreg $0xC0  }
0xab: {  	_ =	task [dreg:s6], $0x5FFFF  }
0xac: {  	[dreg:$0x1] =	wrdreg $0xFFFFFFFF  }
0xad: {  	[dreg:$0x0] =	wrdreg $0x60  }
0xae: {  	[dreg:$0x2] =	wrdreg s24  }
0xaf: {  	[dreg:$0x3] =	wrdreg $0x0  }
0xb0: {  	[dreg:$0x4] =	wrdreg $0x9  }
0xb1: {  	_ =	task.clear_ibuf [dreg:s6], $0x5FFFF;
	_ =	strace $0x90000049  }
0xb2: {  	s29 =	simm.s32 $0x9;
	_ =	strace $0x8000004B  }
0xb3: {  	_ =	swait.ge [sflag:s29], $0x1  }
0xb4: {  	[sflag:s29] =	ssyncadd.s32 $0xFFFFFFFF  }
0xb5: {  	_ =	strace $0x9000004B  }
0xb6: {  	_ =	sfence  }
0xb7: {  	s30 =	sld [smem:$0x0];
	_ =	sdelay $0x2  }
0xb8: {  	s31 =	sshll.u32 s1, $0xD;
	s1 =	sshrl.u32 s1, $0x2  }
0xb9: {  	s3 =	sand.u32 $0x4000, s31;
	s1 =	sadd.s32 s1, s30  }
0xba: {  	s0 =	sor.u32 s3, s0;
	s1 =	sshll.u32 s1, $0x11  }
0xbb: {  	s0 =	sor.u32 s1, s0  }
0xbc: {  	s0 =	sadd.s32 $0x8F2B, s0  }
0xbd: {  	[sflag:s0] =	ssyncadd.remote.s32 $0x1  }
0xbe: {  	_ =	sfence.sel $0xFFFF  }
0xbf: {  	[dreg:$0x0] =	wrdreg $0xFFFFFFFF;
	(pc) =	sbr.abs _section_cstart, $3  }
0xc0: {  	[dreg:$0x1] =	wrdreg $0xFFFFFFFF  }
0xc1: {  	_ =	task.clear_ibuf [dreg:s6], $0x2FFFF;
	_ =	strace $0x9FFFFFFF  }
0xc2: {  	(tm) =	ssettm $0x7FFFFFFF  }
0xc3: {  	_ =	shalt  }
tec
execute0_lowered:
.L_overlay_start_1:
0x0: {  	(tag) =	ssettag $0x1  }
0x1: {  	s0 =	rddreg [dreg:$0x0];
	s17 =	stileid.u32  }
0x2: {  	s1 =	srdreg.scid;
	s4 =	smul.u32 $0x25, s17  }
0x3: {  	s2 =	rddreg [dreg:$0x1];
	s3 =	simm.s32 $0x0;
	s5 =	smul.u32 $0x17, s17  }
0x4: {  	s19 =	simm.s32 $0x4;
	s20 =	simm.s32 $0x70;
	s7 =	smul.u32 $0x14000, s17  }
0x5: {  	s21 =	simm.s32 $0x14800;
	s22 =	simm.s32 $0x18000;
	s24 =	smul.u32 $0x50000, s17  }
0x6: {  	s28 =	simm.s32 $0x0;
	s1 =	sand.u32 $0x1, s1;
	s8 =	smul.u32 $0x2800, s17  }
0x7: {  	[smem:$0x7FF] =	sst s3;
	s31 =	sshll.u32 s17, $0x6;
	s6 =	smul.u32 $0x140000, s1  }
0x8: {  	p0 =	seq.s32 s1, $0x0;
	_ =	strace $0x8000004A;
	s25 =	ssub.s32 $0x2, s1  }
0x9: {  	s17 =	sor.u32 $0x1C04, s31;
	s5 =	sadd.s32 $0x250, s5;
	s26 =	sshrl.u32 s25, $0x1  }
0xa: {  	s5 =	smov.u32 @p0 s4;
	s23 =	sadd.s32 s7, s6;
	s6 =	sshrl.u32 s24, $0x2  }
0xb: {  	s10 =	ssub.s32 s25, s26;
	s24 =	simm.s32 $0x1;
	s25 =	simm.s32 $0x2  }
0xc: {  	s26 =	simm.s32 $0x3;
	s4 =	sshll.u32 s5, $0x6;
	s5 =	sshrl.u32 s23, $0x3  }
0xd: {  	s6 =	sadd.s32 s6, s2;
	s10 =	smax.u32 s10, $0x1;
	s23 =	simm.s32 $0x1B800  }
0xe: {  	s16 =	sadd.s32 s4, s0;
	s4 =	sadd.s32 $0x67000, s0;
	s0 =	sadd.s32 s5, s0  }
0xf: {  	s5 =	simm.s32 $0x4A00;
	s29 =	sadd.s32 $0x11800, s6;
	s11 =	sadd.s32 $0x3800, s6  }
0x10: {  	s12 =	sadd.s32 $0x7000, s6;
	s13 =	sadd.s32 $0xA800, s6;
	s14 =	sadd.s32 $0xE000, s6  }
0x11: {  	s18 =	sshrl.u32 s6, $0x3;
	s5 =	simm.s32 @!p0 $0x2E00;
	[dreg:$0x3] =	wrdreg s29  }
0x12: {  	s30 =	sadd.s32 s4, s8;
	s9 =	sadd.s32 $0xAD000, s0;
	s15 =	sadd.s32 $0x8F000, s16  }
0x13: {  	v0 =	vimm.f32 $0.0e+00;
	s16 =	sadd.s32 $0x9E000, s16;
	p0 =	sne.s32 s1, $0x0;
	[dreg:$0x4] =	wrdreg s30  }
.LBB2_1:
.Ltmp0:
0x14: {  	(pc) =	sbr.rel @p0 .LBB2_3-.Ltmp0, $2  }
0x15: {  	_ =	sdelay $0x2  }
0x16: {  	s1 =	simm.s32 $0x1C0  }
.Ltmp1:
0x17: {  	(pc) =	sbr.rel .LBB2_6-.Ltmp1, $3  }
0x18: {  	_ =	sdelay $0x1  }
0x19: {  	s0 =	rddreg [dreg:$0x4]  }
0x1a: {  	[spmem:s18], [sflag:s17] =	dma.local [hbm:s0], $0x2800  }
.LBB2_3:
0x1b: {  	s0 =	sshra.s32 s1, $0x2;
	s1 =	sadd.s32 $0x200, s1  }
.LBB2_4:
0x1c: {  	p1 =	seq.s32 s1, $0xDFC0;
	[tilespmem:s0+$0x14800] =	vst v0  }
0x1d: {  	[tilespmem:s0+$0x14790] =	vst v0  }
0x1e: {  	[tilespmem:s0+$0x147A0] =	vst v0  }
.Ltmp2:
0x1f: {  	[tilespmem:s0+$0x147B0] =	vst v0;
	(pc) =	sbr.rel @!p1 .LBB2_4-.Ltmp2, $4  }
0x20: {  	[tilespmem:s0+$0x147C0] =	vst v0  }
0x21: {  	[tilespmem:s0+$0x147D0] =	vst v0  }
0x22: {  	[tilespmem:s0+$0x147E0] =	vst v0  }
0x23: {  	[tilespmem:s0+$0x147F0] =	vst v0;
	s0 =	sshra.s32 s1, $0x2;
	s1 =	sadd.s32 $0x200, s1  }
0x24: {  	[tilespmem:s0+$0x14800] =	vst v0  }
0x25: {  	[tilespmem:s0+$0x14790] =	vst v0  }
0x26: {  	[tilespmem:s0+$0x147A0] =	vst v0  }
0x27: {  	[tilespmem:s0+$0x147B0] =	vst v0  }
0x28: {  	[tilespmem:s0+$0x147C0] =	vst v0  }
0x29: {  	[tilespmem:s0+$0x147D0] =	vst v0  }
0x2a: {  	[tilespmem:s0+$0x147E0] =	vst v0  }
0x2b: {  	[tilespmem:s0+$0x147F0] =	vst v0  }
0x2c: {  	[spmem:s6] =	stream.linear.scatter [tilespmem:s21], [sflag:$0x4], $0x3800, $0x38;
	[tilespmem:$0x1F000] =	vst v63  }
0x2d: {  	_ =	swait.ge [sflag:s19], $0x3800  }
0x2e: {  	[sflag:s19] =	ssyncset.done $0x0  }
0x2f: {  	[sflag:s19] =	ssyncadd.s32 $0xFFFFC800  }
0x30: {  	[spmem:s11] =	stream.linear.scatter [tilespmem:s21], [sflag:$0x4], $0x3800, $0x38;
	[tilespmem:$0x1F000] =	vst v63  }
0x31: {  	_ =	swait.ge [sflag:s19], $0x3800  }
0x32: {  	[sflag:s19] =	ssyncset.done $0x0  }
0x33: {  	[sflag:s19] =	ssyncadd.s32 $0xFFFFC800  }
0x34: {  	[spmem:s12] =	stream.linear.scatter [tilespmem:s21], [sflag:$0x4], $0x3800, $0x38;
	[tilespmem:$0x1F000] =	vst v63  }
0x35: {  	_ =	swait.ge [sflag:s19], $0x3800  }
0x36: {  	[sflag:s19] =	ssyncset.done $0x0  }
0x37: {  	[sflag:s19] =	ssyncadd.s32 $0xFFFFC800  }
0x38: {  	[spmem:s13] =	stream.linear.scatter [tilespmem:s21], [sflag:$0x4], $0x3800, $0x38;
	[tilespmem:$0x1F000] =	vst v63  }
0x39: {  	_ =	swait.ge [sflag:s19], $0x3800  }
0x3a: {  	[sflag:s19] =	ssyncset.done $0x0  }
0x3b: {  	[sflag:s19] =	ssyncadd.s32 $0xFFFFC800  }
0x3c: {  	[spmem:s14] =	stream.linear.scatter [tilespmem:s21], [sflag:$0x4], $0x3800, $0x38;
	[tilespmem:$0x1F000] =	vst v63  }
0x3d: {  	_ =	swait.ge [sflag:s19], $0x3800  }
0x3e: {  	[sflag:s19] =	ssyncset.done $0x0  }
0x3f: {  	s31 =	rddreg [dreg:$0x3];
	[sflag:s19] =	ssyncadd.s32 $0xFFFFC800  }
0x40: {  	[spmem:s31] =	stream.linear.scatter [tilespmem:s21], [sflag:$0x4], $0x2800, $0x38;
	[tilespmem:$0x1F000] =	vst v63  }
.LBB2_6:
0x41: {  	p2 =	sne.s32 s5, $0x200  }
.Ltmp3:
0x42: {  	_ =	swait.ge [sflag:s19], $0x2800;
	(pc) =	sbr.rel @!p2 .LBB2_7-.Ltmp3, $4  }
0x43: {  	[sflag:s19] =	ssyncset.done $0x0  }
0x44: {  	[sflag:s19] =	ssyncadd.s32 $0xFFFFD800  }
0x45: {  	s1 =	simm.s32 $0x0;
	[bflag:$0x0] =	sbarrier.arrive $0xFFFF  }
0x46: {  	s0 =	simm.s32 $0x200;
	p1 =	por $0x0, $0x0;
	s29 =	sand.u32 $0x200, s1  }
0x47: {  	s1 =	sor.u32 $0x14000, s29  }
0x48: {  	[tilespmem:s1], [sflag:$0x4] =	stream.linear.gather [hbm4b:s16+s3], $0x180, $0x38;
	[tilespmem:$0x1F000] =	vst v63  }
0x49: {  	_ =	swait.ge [sflag:s19], $0x180  }
0x4a: {  	[sflag:s19] =	ssyncset.done $0x0  }
0x4b: {  	s30 =	sor.u32 $0x14400, s29;
	[sflag:s19] =	ssyncadd.s32 $0xFFFFFE80  }
0x4c: {  	[tilespmem:s30], [sflag:$0x4] =	stream.linear.gather [hbm4b:s15+s3], $0x180, $0x38;
	[tilespmem:$0x1F000] =	vst v63  }
0x4d: {  	_ =	swait.ge [sflag:s19], $0x180  }
0x4e: {  	[sflag:s19] =	ssyncset.done $0x0  }
0x4f: {  	[sflag:s19] =	ssyncadd.s32 $0xFFFFFE80  }
0x50: {  	[tilespmem:s21], [sflag:$0x1] =	stream.indirect.gather [hbm4b:s4+s20], $0x80, s1, s20, $0xb8;
	[tilespmem:$0x1F000] =	vst v63  }
0x51: {  	s8 =	sor.u32 $0x14080, s29  }
0x52: {  	[tilespmem:s22], [sflag:$0x2] =	stream.indirect.gather [hbm4b:s4+s20], $0x80, s8, s20, $0xb8;
	[tilespmem:$0x1F000] =	vst v63  }
0x53: {  	s7 =	sor.u32 $0x14100, s29  }
0x54: {  	[tilespmem:s23], [sflag:$0x3] =	stream.indirect.gather [hbm4b:s4+s20], $0x80, s7, s20, $0xb8;
	[tilespmem:$0x1F000] =	vst v63  }
0x55: {  	_ =	swait.ge [sflag:s24], $0x3800  }
0x56: {  	[sflag:s24] =	ssyncset.done $0x0  }
0x57: {  	[sflag:s24] =	ssyncadd.s32 $0xFFFFC800  }
0x58: {  	[spmem:s2] =	stream.indirect.scatter.add.f32 [tilespmem:s21], [sflag:$0x4], $0x80, s30, s20, $0xb8;
	[tilespmem:$0x1F000] =	vst v63  }
0x59: {  	_ =	swait.ge [sflag:s19], $0x3800  }
0x5a: {  	[sflag:s19] =	ssyncset.done $0x0  }
0x5b: {  	[sflag:s19] =	ssyncadd.s32 $0xFFFFC800  }
0x5c: {  	_ =	swait.ge [sflag:s25], $0x3800  }
0x5d: {  	[sflag:s25] =	ssyncset.done $0x0  }
0x5e: {  	s8 =	sor.u32 $0x14480, s29;
	[sflag:s25] =	ssyncadd.s32 $0xFFFFC800  }
0x5f: {  	[spmem:s2] =	stream.indirect.scatter.add.f32 [tilespmem:s22], [sflag:$0x4], $0x80, s8, s20, $0xb8;
	[tilespmem:$0x1F000] =	vst v63  }
0x60: {  	_ =	swait.ge [sflag:s19], $0x3800  }
0x61: {  	[sflag:s19] =	ssyncset.done $0x0  }
0x62: {  	[sflag:s19] =	ssyncadd.s32 $0xFFFFC800  }
0x63: {  	p2 =	sne.s32 s5, $0x400;
	_ =	swait.ge [sflag:s26], $0x3800  }
.Ltmp4:
0x64: {  	[sflag:s26] =	ssyncset.done $0x0;
	(pc) =	sbr.rel @!p2 .LBB2_10-.Ltmp4, $4  }
0x65: {  	s31 =	sadd.s32 $0x40, s16;
	s29 =	sor.u32 $0x14500, s29;
	[sflag:s26] =	ssyncadd.s32 $0xFFFFC800  }
0x66: {  	[spmem:s2] =	stream.indirect.scatter.add.f32 [tilespmem:s23], [sflag:$0x4], $0x80, s29, s20, $0xb8;
	[tilespmem:$0x1F000] =	vst v63  }
0x67: {  	p1 =	por $0x1, $0x1;
	s1 =	simm.s32 $0x400;
	_ =	swait.ge [sflag:s19], $0x3800  }
0x68: {  	s30 =	sadd.s32 $0x40, s15;
	s29 =	sand.u32 $0x200, s0;
	[sflag:s19] =	ssyncset.done $0x0  }
.LBB2_9:
0x69: {  	s7 =	sor.u32 $0x14000, s29  }
0x6a: {  	[sflag:s19] =	ssyncadd.s32 $0xFFFFC800;
	s0 =	smov.u32 s1;
	s1 =	sadd.s32 $0x200, s1  }
0x6b: {  	[tilespmem:s7], [sflag:$0x4] =	stream.linear.gather [hbm4b:s31+s3], $0x180, $0x38;
	[tilespmem:$0x1F000] =	vst v63  }
0x6c: {  	p2 =	sne.s32 s5, s1;
	_ =	swait.ge [sflag:s19], $0x180  }
0x6d: {  	[sflag:s19] =	ssyncset.done $0x0  }
0x6e: {  	s8 =	sor.u32 $0x14400, s29;
	[sflag:s19] =	ssyncadd.s32 $0xFFFFFE80  }
0x6f: {  	[tilespmem:s8], [sflag:$0x4] =	stream.linear.gather [hbm4b:s30+s3], $0x180, $0x38;
	[tilespmem:$0x1F000] =	vst v63  }
0x70: {  	_ =	swait.ge [sflag:s19], $0x180  }
0x71: {  	[sflag:s19] =	ssyncset.done $0x0  }
0x72: {  	[sflag:s19] =	ssyncadd.s32 $0xFFFFFE80  }
0x73: {  	[tilespmem:s21], [sflag:$0x1] =	stream.indirect.gather [hbm4b:s4+s20], $0x80, s7, s20, $0xb8;
	[tilespmem:$0x1F000] =	vst v63  }
0x74: {  	s7 =	sor.u32 $0x14080, s29  }
0x75: {  	[tilespmem:s22], [sflag:$0x2] =	stream.indirect.gather [hbm4b:s4+s20], $0x80, s7, s20, $0xb8;
	[tilespmem:$0x1F000] =	vst v63  }
0x76: {  	s7 =	sor.u32 $0x14100, s29  }
0x77: {  	[tilespmem:s23], [sflag:$0x3] =	stream.indirect.gather [hbm4b:s4+s20], $0x80, s7, s20, $0xb8;
	[tilespmem:$0x1F000] =	vst v63  }
0x78: {  	_ =	swait.ge [sflag:s24], $0x3800  }
0x79: {  	[sflag:s24] =	ssyncset.done $0x0  }
0x7a: {  	[sflag:s24] =	ssyncadd.s32 $0xFFFFC800  }
0x7b: {  	[spmem:s2] =	stream.indirect.scatter.add.f32 [tilespmem:s21], [sflag:$0x4], $0x80, s8, s20, $0xb8;
	[tilespmem:$0x1F000] =	vst v63  }
0x7c: {  	_ =	swait.ge [sflag:s19], $0x3800  }
0x7d: {  	[sflag:s19] =	ssyncset.done $0x0  }
0x7e: {  	[sflag:s19] =	ssyncadd.s32 $0xFFFFC800  }
0x7f: {  	_ =	swait.ge [sflag:s25], $0x3800  }
0x80: {  	[sflag:s25] =	ssyncset.done $0x0  }
0x81: {  	s7 =	sor.u32 $0x14480, s29;
	[sflag:s25] =	ssyncadd.s32 $0xFFFFC800  }
0x82: {  	[spmem:s2] =	stream.indirect.scatter.add.f32 [tilespmem:s22], [sflag:$0x4], $0x80, s7, s20, $0xb8;
	[tilespmem:$0x1F000] =	vst v63  }
0x83: {  	_ =	swait.ge [sflag:s19], $0x3800  }
0x84: {  	[sflag:s19] =	ssyncset.done $0x0  }
0x85: {  	[sflag:s19] =	ssyncadd.s32 $0xFFFFC800  }
0x86: {  	_ =	swait.ge [sflag:s26], $0x3800  }
.Ltmp5:
0x87: {  	[sflag:s26] =	ssyncset.done $0x0;
	(pc) =	sbr.rel @p2 .LBB2_9-.Ltmp5, $4  }
0x88: {  	s7 =	sor.u32 $0x14500, s29;
	[sflag:s26] =	ssyncadd.s32 $0xFFFFC800  }
0x89: {  	[spmem:s2] =	stream.indirect.scatter.add.f32 [tilespmem:s23], [sflag:$0x4], $0x80, s7, s20, $0xb8;
	[tilespmem:$0x1F000] =	vst v63  }
0x8a: {  	s31 =	sadd.s32 $0x40, s31;
	_ =	swait.ge [sflag:s19], $0x3800  }
0x8b: {  	s30 =	sadd.s32 $0x40, s30;
	s29 =	sand.u32 $0x200, s0;
	[sflag:s19] =	ssyncset.done $0x0  }
.LBB2_10:
0x8c: {  	s0 =	sor.u32 $0x14000, s29;
	[sflag:s19] =	ssyncadd.s32 @p1 $0xFFFFC800  }
0x8d: {  	[tilespmem:s0], [sflag:$0x4] =	stream.linear.gather [hbm4b:s31+s3], $0x180, $0x38;
	[tilespmem:$0x1F000] =	vst v63  }
0x8e: {  	_ =	swait.ge [sflag:s19], $0x180  }
0x8f: {  	[sflag:s19] =	ssyncset.done $0x0  }
0x90: {  	s1 =	sor.u32 $0x14400, s29;
	[sflag:s19] =	ssyncadd.s32 $0xFFFFFE80  }
0x91: {  	[tilespmem:s1], [sflag:$0x4] =	stream.linear.gather [hbm4b:s30+s3], $0x180, $0x38;
	[tilespmem:$0x1F000] =	vst v63  }
0x92: {  	_ =	swait.ge [sflag:s19], $0x180  }
0x93: {  	[sflag:s19] =	ssyncset.done $0x0  }
0x94: {  	[sflag:s19] =	ssyncadd.s32 $0xFFFFFE80  }
0x95: {  	[tilespmem:s21], [sflag:$0x1] =	stream.indirect.gather [hbm4b:s4+s20], $0x80, s0, s20, $0xb8;
	[tilespmem:$0x1F000] =	vst v63  }
0x96: {  	s7 =	sor.u32 $0x14080, s29  }
0x97: {  	[tilespmem:s22], [sflag:$0x2] =	stream.indirect.gather [hbm4b:s4+s20], $0x80, s7, s20, $0xb8;
	[tilespmem:$0x1F000] =	vst v63  }
0x98: {  	s8 =	sor.u32 $0x14100, s29  }
0x99: {  	[tilespmem:s23], [sflag:$0x3] =	stream.indirect.gather [hbm4b:s4+s20], $0x80, s8, s20, $0xb8;
	[tilespmem:$0x1F000] =	vst v63  }
0x9a: {  	_ =	swait.ge [sflag:s24], $0x3800  }
0x9b: {  	[sflag:s24] =	ssyncset.done $0x0  }
0x9c: {  	[sflag:s24] =	ssyncadd.s32 $0xFFFFC800  }
0x9d: {  	[spmem:s2] =	stream.indirect.scatter.add.f32 [tilespmem:s21], [sflag:$0x4], $0x80, s1, s20, $0xb8;
	[tilespmem:$0x1F000] =	vst v63  }
0x9e: {  	_ =	swait.ge [sflag:s19], $0x3800  }
0x9f: {  	[sflag:s19] =	ssyncset.done $0x0  }
0xa0: {  	[sflag:s19] =	ssyncadd.s32 $0xFFFFC800  }
0xa1: {  	_ =	swait.ge [sflag:s25], $0x3800  }
0xa2: {  	[sflag:s25] =	ssyncset.done $0x0  }
0xa3: {  	s30 =	sor.u32 $0x14480, s29;
	[sflag:s25] =	ssyncadd.s32 $0xFFFFC800  }
0xa4: {  	[spmem:s2] =	stream.indirect.scatter.add.f32 [tilespmem:s22], [sflag:$0x4], $0x80, s30, s20, $0xb8;
	[tilespmem:$0x1F000] =	vst v63  }
0xa5: {  	_ =	swait.ge [sflag:s19], $0x3800  }
0xa6: {  	[sflag:s19] =	ssyncset.done $0x0  }
0xa7: {  	[sflag:s19] =	ssyncadd.s32 $0xFFFFC800  }
0xa8: {  	_ =	swait.ge [sflag:s26], $0x3800  }
0xa9: {  	[sflag:s26] =	ssyncset.done $0x0  }
0xaa: {  	s31 =	sor.u32 $0x14500, s29;
	[sflag:s26] =	ssyncadd.s32 $0xFFFFC800  }
0xab: {  	[spmem:s2] =	stream.indirect.scatter.add.f32 [tilespmem:s23], [sflag:$0x4], $0x80, s31, s20, $0xb8;
	[tilespmem:$0x1F000] =	vst v63  }
0xac: {  	_ =	swait.ge [sflag:s19], $0x3800  }
0xad: {  	[sflag:s19] =	ssyncset.done $0x0  }
0xae: {  	s28 =	sadd.s32 $0x1, s28;
	[sflag:s19] =	ssyncadd.s32 $0xFFFFC800  }
0xaf: {  	p1 =	sne.s32 s28, s10;
	[bflag:$0x0] =	sbarrier.arrive $0xFFFF  }
0xb0: {  	[hbm:s9], [sflag:s17] =	dma.local [spmem:s18], $0x2800  }
.Ltmp6:
0xb1: {  	_ = 	snop;
	(pc) =	sbr.rel @p1 .LBB2_1-.Ltmp6, $4  }
.Ltmp7:
0xb2: {  	_ = 	snop;
	(pc) =	sbr.rel @!p1 .LBB2_11-.Ltmp7, $4  }
0xb3: {  	_ =	swait.ge [sflag:s19], $0x2800  }
0xb4: {  	[sflag:s19] =	ssyncset.done $0x0  }
0xb5: {  	[sflag:s19] =	ssyncadd.s32 $0xFFFFD800  }
0xb6: {  	_ = 	snop  }
.LBB2_7:
.Ltmp8:
0xb7: {  	(pc) =	sbr.rel .LBB2_10-.Ltmp8, $2  }
0xb8: {  	_ =	sdelay $0x2  }
0xb9: {  	s31 =	smov.u32 s16;
	s30 =	smov.u32 s15  }
.LBB2_11:
0xba: {  	_ =	sfence.sel $0x180000  }
0xbb: {  	[bflag:$0x0] =	sbarrier.arrive $0xFFFF  }
0xbc: {  	_ =	strace $0x9000004A  }
0xbd: {  	s0 =	stileid.u32;
	[bflag:$0x2] =	sbarrier.arrive $0xFFFF  }
0xbe: {  	p0 =	sne.s32 s0, $0x0;
	s0 =	rddreg [dreg:$0x2]  }
0xbf: {  	s0 =	sadd.s32 @!p0 $0x100000, s0  }
0xc0: {  	[sflag:s0] =	ssyncadd.tile.s32 @!p0 $0x1;
	_ =	shalt  }
.Lfunc_end2:
_tile_overlayer_lowered:
.L_overlay_start_2:
0xc1: {  	(tag) =	ssettag $0x2  }
0xc2: {  	s0 =	rddreg [dreg:$0x0];
	s2 =	stileid.u32  }
0xc3: {  	s1 =	rddreg [dreg:$0x1];
	p0 =	sne.s32 s2, $0x0  }
0xc4: {  	s3 =	rddreg [dreg:$0x2];
	[bflag:$0x3] =	sbarrier.arrive $0xFFFF;
	s2 =	simm.s32 @!p0 $0x1C04  }
0xc5: {  	[timem:s3], [sflag:s2] =	dma.local @!p0 [hbm:s0], s1  }
0xc6: {  	s0 =	simm.s32 @!p0 $0x4  }
0xc7: {  	_ =	swait.ge @!p0 [sflag:s0], s1  }
0xc8: {  	s1 =	ssub.s32 @!p0 $0x0, s1;
	[sflag:s0] =	ssyncset.done @!p0 $0x0  }
0xc9: {  	[sflag:s0] =	ssyncadd.s32 @!p0 s1  }
0xca: {  	[bflag:$0x3] =	sbarrier.arrive $0xFFFF  }
0xcb: {  	_ =	shalt  }

</sc_bundles>
